<compile_context>
chip_gen: v7x
topology: tpu7x:2x2x1
jax: 0.10.2.dev20260603
libtpu: 0.0.44.dev20260713+nightly
codegen_flags: <defaults>
</compile_context>

<pallas_src>
import functools

import jax
import jax.numpy as jnp
from jax import lax
from jax.experimental import pallas as pl
from jax.experimental.pallas import tpu as pltpu
from jax.experimental.pallas import tpu_sc as plsc

N_NODES = 10000
N_EDGES = 320000
D_FEAT = 128

NC = 2
NS = 16
NW = NC * NS
CHUNK = 64
GSPLIT = 1
GS = CHUNK // GSPLIT
N_PAD = 10240
E_PAD = 327680
CH_PER_W = E_PAD // (NW * CHUNK)
ROWS_PER_TILE = N_PAD // NS
NBUF = 3
SKEW_A = 160
SKEW_B = 160
STAGE_A = 80
STAGE_B = 80
SMAX = max(STAGE_A, STAGE_B)

_mesh = plsc.VectorSubcoreMesh(core_axis_name="c", subcore_axis_name="s")


@functools.partial(
    pl.kernel,
    out_type=jax.ShapeDtypeStruct((NC, N_PAD), jnp.float32),
    mesh=_mesh,
    scratch_types=[
        pltpu.VMEM_SHARED((N_PAD,), jnp.float32),
        pltpu.VMEM((CH_PER_W, CHUNK), jnp.int32),
        pltpu.VMEM((CHUNK,), jnp.float32),
        pltpu.VMEM((ROWS_PER_TILE,), jnp.float32),
    ],
)
def _deg_kernel(col_hbm, out_hbm, deg_sh, cols_i, ones_v, zeros_v):
    c = lax.axis_index("c")
    s = lax.axis_index("s")
    wid = s * NC + c

    def fill_ones(i, carry):
        ones_v[pl.ds(i * 16, 16)] = jnp.ones((16,), jnp.float32)
        return carry

    lax.fori_loop(0, CHUNK // 16, fill_ones, 0)

    def fill_zeros(i, carry):
        zeros_v[pl.ds(i * 16, 16)] = jnp.zeros((16,), jnp.float32)
        return carry

    lax.fori_loop(0, ROWS_PER_TILE // 16, fill_zeros, 0)
    pltpu.sync_copy(zeros_v, deg_sh.at[pl.ds(s * ROWS_PER_TILE, ROWS_PER_TILE)])
    plsc.subcore_barrier()

    pltpu.sync_copy(col_hbm.at[pl.ds(wid * CH_PER_W, CH_PER_W)], cols_i)

    def step(j, carry):
        pltpu.sync_copy(ones_v, deg_sh.at[cols_i.at[j]], add=True)
        return carry

    lax.fori_loop(0, CH_PER_W, step, 0)
    plsc.subcore_barrier()
    pltpu.sync_copy(
        deg_sh.at[pl.ds(s * ROWS_PER_TILE, ROWS_PER_TILE)],
        out_hbm.at[c, pl.ds(s * ROWS_PER_TILE, ROWS_PER_TILE)],
    )


@functools.partial(
    pl.kernel,
    out_type=jax.ShapeDtypeStruct((NC, N_PAD, D_FEAT), jnp.float32),
    mesh=_mesh,
    scratch_types=[
        pltpu.VMEM_SHARED((N_PAD, D_FEAT), jnp.float32),
        pltpu.VMEM((SMAX, CHUNK), jnp.int32),
        pltpu.VMEM((SMAX * GSPLIT, GS), jnp.int32),
        pltpu.VMEM((NBUF, CHUNK, D_FEAT), jnp.float32),
    ] + [pltpu.SemaphoreType.DMA] * (2 * NBUF),
)
def _scatter_kernel(xs_hbm, row_hbm, col_hbm, out_hbm, acc_sh, rows_i, cols_i,
                    gbuf, *all_sems):
    c = lax.axis_index("c")
    s = lax.axis_index("s")
    sems = list(all_sems[:NBUF])
    ssems = list(all_sems[NBUF:])

    def fill_zeros(i, carry):
        r = i // (D_FEAT // 16)
        q = lax.rem(i, D_FEAT // 16)
        gbuf[0, r, pl.ds(q * 16, 16)] = jnp.zeros((16,), jnp.float32)
        return carry

    lax.fori_loop(0, CHUNK * (D_FEAT // 16), fill_zeros, 0)
    for k in range(ROWS_PER_TILE // CHUNK):
        pltpu.sync_copy(
            gbuf.at[0],
            acc_sh.at[pl.ds(s * ROWS_PER_TILE + k * CHUNK, CHUNK)],
        )
    plsc.subcore_barrier()

    def g_ref(j, g):
        if GSPLIT == 1:
            return xs_hbm.at[rows_i.at[j]]
        return xs_hbm.at[rows_i.at[j, pl.ds(g * GS, GS)]]

    def start_gathers(j, b):
        for g in range(GSPLIT):
            pltpu.async_copy(
                g_ref(j, g),
                gbuf.at[b, pl.ds(g * GS, GS)],
                sems[b],
            )

    def run_stage(base, cnt):
        pltpu.sync_copy(row_hbm.at[pl.ds(base, cnt)],
                        rows_i.at[pl.ds(0, cnt)])
        pltpu.sync_copy(col_hbm.at[pl.ds(base * GSPLIT, cnt * GSPLIT)],
                        cols_i.at[pl.ds(0, cnt * GSPLIT)])

        for b in range(NBUF):
            start_gathers(b, b)

        def chunk_step(j, b, refill):
            for g in range(GSPLIT):
                pltpu.make_async_copy(
                    g_ref(j, g),
                    gbuf.at[b, pl.ds(g * GS, GS)],
                    sems[b],
                ).wait()
            for g in range(GSPLIT):
                pltpu.async_copy(
                    gbuf.at[b, pl.ds(g * GS, GS)],
                    acc_sh.at[cols_i.at[j * GSPLIT + g]],
                    ssems[b],
                    add=True,
                )
            for g in range(GSPLIT):
                pltpu.make_async_copy(
                    gbuf.at[b, pl.ds(g * GS, GS)],
                    acc_sh.at[cols_i.at[j * GSPLIT + g]],
                    ssems[b],
                ).wait()
            if refill:
                start_gathers(j + NBUF, b)

        n_groups = cnt // NBUF

        def outer(jj, carry):
            j0 = jj * NBUF
            for b in range(NBUF):
                chunk_step(j0 + b, b, True)
            return carry

        lax.fori_loop(0, max(0, n_groups - 1), outer, 0)
        for r in range(max(0, (n_groups - 1) * NBUF), cnt):
            chunk_step(r, r % NBUF, r + NBUF < cnt)

    pair_chunks = SKEW_A + SKEW_B

    @pl.when(c == 0)
    def _():
        for st in range(SKEW_A // STAGE_A):
            run_stage(s * pair_chunks + st * STAGE_A, STAGE_A)

    @pl.when(c == 1)
    def _():
        for st in range(SKEW_B // STAGE_B):
            run_stage(s * pair_chunks + SKEW_A + st * STAGE_B, STAGE_B)

    plsc.subcore_barrier()
    pltpu.sync_copy(
        acc_sh.at[pl.ds(s * ROWS_PER_TILE, ROWS_PER_TILE)],
        out_hbm.at[c, pl.ds(s * ROWS_PER_TILE, ROWS_PER_TILE)],
    )


_BLK = 1024


def _scale_body(degp_ref, x_ref, dinv_ref, xs_ref):
    deg = degp_ref[0] + degp_ref[1]
    dinv = jnp.where(deg > 0.0, lax.rsqrt(deg), 0.0)
    dinv_ref[...] = dinv
    xs_ref[...] = x_ref[...] * dinv


_scale = pl.pallas_call(
    _scale_body,
    grid=(N_PAD // _BLK,),
    in_specs=[
        pl.BlockSpec((NC, _BLK, 1), lambda i: (0, i, 0)),
        pl.BlockSpec((_BLK, D_FEAT), lambda i: (i, 0)),
    ],
    out_specs=[
        pl.BlockSpec((_BLK, 1), lambda i: (i, 0)),
        pl.BlockSpec((_BLK, D_FEAT), lambda i: (i, 0)),
    ],
    out_shape=[
        jax.ShapeDtypeStruct((N_PAD, 1), jnp.float32),
        jax.ShapeDtypeStruct((N_PAD, D_FEAT), jnp.float32),
    ],
)


def _final_body(x_ref, accp_ref, dinv_ref, out_ref):
    agg = accp_ref[0] + accp_ref[1]
    out_ref[...] = x_ref[...] - dinv_ref[...] * agg


_final = pl.pallas_call(
    _final_body,
    grid=(N_PAD // _BLK,),
    in_specs=[
        pl.BlockSpec((_BLK, D_FEAT), lambda i: (i, 0)),
        pl.BlockSpec((NC, _BLK, D_FEAT), lambda i: (0, i, 0)),
        pl.BlockSpec((_BLK, 1), lambda i: (i, 0)),
    ],
    out_specs=pl.BlockSpec((_BLK, D_FEAT), lambda i: (i, 0)),
    out_shape=jax.ShapeDtypeStruct((N_PAD, D_FEAT), jnp.float32),
)


@jax.jit
def kernel(x, edge_index):
    row = edge_index[0].astype(jnp.int32)
    col = edge_index[1].astype(jnp.int32)
    row_p = jnp.pad(row, (0, E_PAD - N_EDGES), constant_values=N_NODES)
    col_p = jnp.pad(col, (0, E_PAD - N_EDGES), constant_values=N_NODES)
    row2d = row_p.reshape(E_PAD // CHUNK, CHUNK)
    col2d = col_p.reshape(E_PAD // CHUNK, CHUNK)
    col2d_g = col_p.reshape(E_PAD // GS, GS)
    x_pad = jnp.pad(x, ((0, N_PAD - N_NODES), (0, 0)))

    degp = _deg_kernel(col2d)
    dinv, xs = _scale(degp.reshape(NC, N_PAD, 1), x_pad)
    accp = _scatter_kernel(xs, row2d, col2d_g)
    out_pad = _final(x_pad, accp, dinv)
    return out_pad[:N_NODES]

# --- scband reference (transcript-rebuilt; emitter-appended) ---
"""Pipeline reference for scband-laplacian-ops-14645838480167 (READ-ONLY COPY).

The authoritative reference and input builder live on the scoring server;
editing this copy changes nothing except your own understanding.
"""

import jax, jax.numpy as jnp
import numpy as np

N_NODES = 10000
N_EDGES = 320000
D_FEAT = 128


def setup_inputs(seed: int = 0) -> dict:
    key = jax.random.key(seed)
    k1, k2 = jax.random.split(key)
    x = jax.random.normal(k1, (N_NODES, D_FEAT), dtype=jnp.float32)
    edge_index = jax.random.randint(k2, (2, N_EDGES), 0, N_NODES, dtype=jnp.int64)
    return {"x": x, "edge_index": edge_index}


def reference(x, edge_index):
    # LaplacianOps.laplacian(x, edge_index) = x - A_sym @ x
    # SymmetricAdjacency: gcn_norm with add_self_loops=False, edge_weight=None,
    # flow='source_to_target' -> deg computed over destination (col) nodes.
    row = edge_index[0]
    col = edge_index[1]
    num_nodes = x.shape[0]
    edge_weight = jnp.ones((edge_index.shape[1],), dtype=x.dtype)
    # degree = scatter_add of edge weights at col (dst)
    deg = jax.ops.segment_sum(edge_weight, col, num_segments=num_nodes)
    deg_inv_sqrt = jnp.where(deg > 0, deg ** -0.5, 0.0).astype(x.dtype)
    norm = deg_inv_sqrt[row] * deg_inv_sqrt[col]
    # message: norm * x_j where x_j = x[row] (source), aggregate 'add' at col (dst)
    messages = norm[:, None] * jnp.take(x, row, axis=0)
    agg = jnp.zeros_like(x).at[col].add(messages)
    # laplacian: x - adjoint(x)
    return x - agg

if __name__ == "__main__":
    import jax
    _d = setup_inputs()
    print(jax.jit(kernel)(*tuple(_d.values())))

</pallas_src>

<mosaic_0001>
#map = affine_map<(d0, d1) -> (0, 0)>
module attributes {stable_mosaic.version = 14 : i64} {
  func.func @_deg_kernel(%arg0: i32, %arg1: i32, %arg2: memref<5120x64xi32, #tpu.memory_space<hbm>>, %arg3: memref<2x10240xf32, #tpu.memory_space<hbm>>, %arg4: memref<10240xf32, #tpu.memory_space<vmem_shared>>, %arg5: memref<160x64xi32, #tpu.memory_space<vmem>>, %arg6: memref<64xf32, #tpu.memory_space<vmem>>, %arg7: memref<640xf32, #tpu.memory_space<vmem>>) attributes {dimension_semantics = [#tpu.dimension_semantics<core_parallel>, #tpu.dimension_semantics<subcore_parallel>], iteration_bounds = array<i64: 2, 16>, scalar_prefetch = 0 : i64, scratch_operands = 4 : i64, tpu.core_type = #tpu.core_type<sc_vector_subcore>, window_params = [{transform_indices = #map}, {transform_indices = #map}]} {
    %mul3A = arith.constant 2 : i32
    %mul3A_0 = arith.muli %arg1, %mul3A : i32
    %add3A = arith.addi %mul3A_0, %arg0 : i32
    %scan3A = arith.constant 0 : i32
    %scan3A_1 = arith.constant 0 : i32
    %scan3A_2 = arith.constant 4 : i32
    %scan3A_3 = arith.addi %scan3A_1, %scan3A_2 : i32
    %scan3A_4 = arith.constant 1 : i32
    scf.for %scan3A_27 = %scan3A_1 to %scan3A_3 step %scan3A_4  : i32 {
      %broadcast_in_dim3A = arith.constant 1.000000e+00 : f32
      %broadcast_in_dim3A_28 = vector.broadcast %broadcast_in_dim3A : f32 to vector<16xf32>
      %mul3A_29 = arith.constant 16 : i32
      %mul3A_30 = arith.muli %scan3A_27, %mul3A_29 : i32
      %swap3A = arith.index_cast %mul3A_30 : i32 to index
      %swap3A_31 = tpu.vector_load %arg6[%swap3A] {strides = array<i32>} : memref<64xf32, #tpu.memory_space<vmem>>, vector<16xf32>,
      %swap3A_32 = vector.shape_cast %swap3A_31 : vector<16xf32> to vector<16xf32>
      %swap3A_33 = vector.shape_cast %broadcast_in_dim3A_28 : vector<16xf32> to vector<16xf32>
      tpu.vector_store %arg6[%swap3A], %swap3A_33 {strides = array<i32>} : memref<64xf32, #tpu.memory_space<vmem>>, vector<16xf32>,
    }
    %scan3A_5 = arith.constant 4 : i32
    %scan3A_6 = arith.constant 0 : i32
    %scan3A_7 = arith.constant 0 : i32
    %scan3A_8 = arith.constant 40 : i32
    %scan3A_9 = arith.addi %scan3A_7, %scan3A_8 : i32
    %scan3A_10 = arith.constant 1 : i32
    scf.for %scan3A_27 = %scan3A_7 to %scan3A_9 step %scan3A_10  : i32 {
      %broadcast_in_dim3A = arith.constant 0.000000e+00 : f32
      %broadcast_in_dim3A_28 = vector.broadcast %broadcast_in_dim3A : f32 to vector<16xf32>
      %mul3A_29 = arith.constant 16 : i32
      %mul3A_30 = arith.muli %scan3A_27, %mul3A_29 : i32
      %swap3A = arith.index_cast %mul3A_30 : i32 to index
      %swap3A_31 = tpu.vector_load %arg7[%swap3A] {strides = array<i32>} : memref<640xf32, #tpu.memory_space<vmem>>, vector<16xf32>,
      %swap3A_32 = vector.shape_cast %swap3A_31 : vector<16xf32> to vector<16xf32>
      %swap3A_33 = vector.shape_cast %broadcast_in_dim3A_28 : vector<16xf32> to vector<16xf32>
      tpu.vector_store %arg7[%swap3A], %swap3A_33 {strides = array<i32>} : memref<640xf32, #tpu.memory_space<vmem>>, vector<16xf32>,
    }
    %scan3A_11 = arith.constant 40 : i32
    %mul3A_12 = arith.constant 640 : i32
    %mul3A_13 = arith.muli %arg1, %mul3A_12 : i32
    "tpu.region"() ({
      %run_scoped3A = tpu.sem_alloc : memref<!tpu.dma_semaphore, #tpu.memory_space<semaphore_mem>>
      %dma_start3A = tpu.memref_slice %arg4[%mul3A_13] : memref<10240xf32, #tpu.memory_space<vmem_shared>> -> memref<640xf32, #tpu.memory_space<vmem_shared>>
      %dma_start3A_27 = tpu.memref_slice %arg4[%mul3A_13] : memref<10240xf32, #tpu.memory_space<vmem_shared>> -> memref<640xf32, #tpu.memory_space<vmem_shared>>
      tpu.enqueue_dma source(%arg7 : memref<640xf32, #tpu.memory_space<vmem>>) target(%dma_start3A_27 : memref<640xf32, #tpu.memory_space<vmem_shared>>) target_semaphore(%run_scoped3A : memref<!tpu.dma_semaphore, #tpu.memory_space<semaphore_mem>>)
      %dma_wait3A = tpu.memref_slice %arg4[%mul3A_13] : memref<10240xf32, #tpu.memory_space<vmem_shared>> -> memref<640xf32, #tpu.memory_space<vmem_shared>>
      %dma_wait3A_28 = tpu.memref_slice %arg4[%mul3A_13] : memref<10240xf32, #tpu.memory_space<vmem_shared>> -> memref<640xf32, #tpu.memory_space<vmem_shared>>
      tpu.wait_dma2 semaphore(%run_scoped3A : memref<!tpu.dma_semaphore, #tpu.memory_space<semaphore_mem>>) src(%arg7 : memref<640xf32, #tpu.memory_space<vmem>>) dst(%dma_wait3A_28 : memref<640xf32, #tpu.memory_space<vmem_shared>>)
      tpu.yield
    }) : () -> ()
    %barrier3A = arith.constant 0 : index
    tpu.barrier barrier_id(%barrier3A)
    %mul3A_14 = arith.constant 160 : i32
    %mul3A_15 = arith.muli %add3A, %mul3A_14 : i32
    "tpu.region"() ({
      %run_scoped3A = tpu.sem_alloc : memref<!tpu.dma_semaphore, #tpu.memory_space<semaphore_mem>>
      %dma_start3A = arith.constant 0 : i32
      %dma_start3A_27 = tpu.memref_slice %arg2[%mul3A_15, %dma_start3A] : memref<5120x64xi32, #tpu.memory_space<hbm>> -> memref<160x64xi32, #tpu.memory_space<hbm>>
      %dma_start3A_28 = arith.constant 0 : i32
      %dma_start3A_29 = tpu.memref_slice %arg2[%mul3A_15, %dma_start3A_28] : memref<5120x64xi32, #tpu.memory_space<hbm>> -> memref<160x64xi32, #tpu.memory_space<hbm>>
      tpu.enqueue_dma source(%dma_start3A_29 : memref<160x64xi32, #tpu.memory_space<hbm>>) target(%arg5 : memref<160x64xi32, #tpu.memory_space<vmem>>) target_semaphore(%run_scoped3A : memref<!tpu.dma_semaphore, #tpu.memory_space<semaphore_mem>>)
      %dma_wait3A = arith.constant 0 : i32
      %dma_wait3A_30 = tpu.memref_slice %arg2[%mul3A_15, %dma_wait3A] : memref<5120x64xi32, #tpu.memory_space<hbm>> -> memref<160x64xi32, #tpu.memory_space<hbm>>
      %dma_wait3A_31 = arith.constant 0 : i32
      %dma_wait3A_32 = tpu.memref_slice %arg2[%mul3A_15, %dma_wait3A_31] : memref<5120x64xi32, #tpu.memory_space<hbm>> -> memref<160x64xi32, #tpu.memory_space<hbm>>
      tpu.wait_dma2 semaphore(%run_scoped3A : memref<!tpu.dma_semaphore, #tpu.memory_space<semaphore_mem>>) src(%dma_wait3A_32 : memref<160x64xi32, #tpu.memory_space<hbm>>) dst(%arg5 : memref<160x64xi32, #tpu.memory_space<vmem>>)
      tpu.yield
    }) : () -> ()
    %scan3A_16 = arith.constant 0 : i32
    %scan3A_17 = arith.constant 0 : i32
    %scan3A_18 = arith.constant 160 : i32
    %scan3A_19 = arith.addi %scan3A_17, %scan3A_18 : i32
    %scan3A_20 = arith.constant 1 : i32
    scf.for %scan3A_27 = %scan3A_17 to %scan3A_19 step %scan3A_20  : i32 {
      "tpu.region"() ({
        %run_scoped3A = tpu.sem_alloc : memref<!tpu.dma_semaphore, #tpu.memory_space<semaphore_mem>>
        %dma_start3A = arith.constant 0 : i32
        %dma_start3A_28 = tpu.memref_slice %arg5[%scan3A_27, %dma_start3A] : memref<160x64xi32, #tpu.memory_space<vmem>> -> memref<1x64xi32, #tpu.memory_space<vmem>>
        %dma_start3A_29 = tpu.memref_squeeze %dma_start3A_28 : memref<1x64xi32, #tpu.memory_space<vmem>> -> memref<64xi32, #tpu.memory_space<vmem>>
        %dma_start3A_30 = arith.constant 0 : i32
        %dma_start3A_31 = tpu.memref_slice %arg4[%dma_start3A_30] : memref<10240xf32, #tpu.memory_space<vmem_shared>> -> memref<10240xf32, #tpu.memory_space<vmem_shared>>
        tpu.enqueue_indirect_dma source(%arg6 : memref<64xf32, #tpu.memory_space<vmem>>) target(%dma_start3A_31 : memref<10240xf32, #tpu.memory_space<vmem_shared>>) offsets(%dma_start3A_29 : memref<64xi32, #tpu.memory_space<vmem>>) semaphore(%run_scoped3A : memref<!tpu.dma_semaphore, #tpu.memory_space<semaphore_mem>>) {add = true}
        %dma_wait3A = arith.constant 0 : i32
        %dma_wait3A_32 = tpu.memref_slice %arg5[%scan3A_27, %dma_wait3A] : memref<160x64xi32, #tpu.memory_space<vmem>> -> memref<1x64xi32, #tpu.memory_space<vmem>>
        %dma_wait3A_33 = tpu.memref_squeeze %dma_wait3A_32 : memref<1x64xi32, #tpu.memory_space<vmem>> -> memref<64xi32, #tpu.memory_space<vmem>>
        %dma_wait3A_34 = arith.constant 0 : i32
        %dma_wait3A_35 = tpu.memref_slice %arg4[%dma_wait3A_34] : memref<10240xf32, #tpu.memory_space<vmem_shared>> -> memref<10240xf32, #tpu.memory_space<vmem_shared>>
        tpu.wait_indirect_dma semaphore(%run_scoped3A : memref<!tpu.dma_semaphore, #tpu.memory_space<semaphore_mem>>) src(%arg6 : memref<64xf32, #tpu.memory_space<vmem>>) dst(%dma_wait3A_35 : memref<10240xf32, #tpu.memory_space<vmem_shared>>)
        tpu.yield
      }) : () -> ()
    }
    %scan3A_21 = arith.constant 160 : i32
    %barrier3A_22 = arith.constant 0 : index
    tpu.barrier barrier_id(%barrier3A_22)
    %mul3A_23 = arith.constant 640 : i32
    %mul3A_24 = arith.muli %arg1, %mul3A_23 : i32
    %mul3A_25 = arith.constant 640 : i32
    %mul3A_26 = arith.muli %arg1, %mul3A_25 : i32
    "tpu.region"() ({
      %run_scoped3A = tpu.sem_alloc : memref<!tpu.dma_semaphore, #tpu.memory_space<semaphore_mem>>
      %dma_start3A = tpu.memref_slice %arg3[%arg0, %mul3A_26] : memref<2x10240xf32, #tpu.memory_space<hbm>> -> memref<1x640xf32, #tpu.memory_space<hbm>>
      %dma_start3A_27 = tpu.memref_squeeze %dma_start3A : memref<1x640xf32, #tpu.memory_space<hbm>> -> memref<640xf32, #tpu.memory_space<hbm>>
      %dma_start3A_28 = tpu.memref_slice %arg4[%mul3A_24] : memref<10240xf32, #tpu.memory_space<vmem_shared>> -> memref<640xf32, #tpu.memory_space<vmem_shared>>
      tpu.enqueue_dma source(%dma_start3A_28 : memref<640xf32, #tpu.memory_space<vmem_shared>>) target(%dma_start3A_27 : memref<640xf32, #tpu.memory_space<hbm>>) target_semaphore(%run_scoped3A : memref<!tpu.dma_semaphore, #tpu.memory_space<semaphore_mem>>)
      %dma_wait3A = tpu.memref_slice %arg3[%arg0, %mul3A_26] : memref<2x10240xf32, #tpu.memory_space<hbm>> -> memref<1x640xf32, #tpu.memory_space<hbm>>
      %dma_wait3A_29 = tpu.memref_squeeze %dma_wait3A : memref<1x640xf32, #tpu.memory_space<hbm>> -> memref<640xf32, #tpu.memory_space<hbm>>
      %dma_wait3A_30 = tpu.memref_slice %arg4[%mul3A_24] : memref<10240xf32, #tpu.memory_space<vmem_shared>> -> memref<640xf32, #tpu.memory_space<vmem_shared>>
      tpu.wait_dma2 semaphore(%run_scoped3A : memref<!tpu.dma_semaphore, #tpu.memory_space<semaphore_mem>>) src(%dma_wait3A_30 : memref<640xf32, #tpu.memory_space<vmem_shared>>) dst(%dma_wait3A_29 : memref<640xf32, #tpu.memory_space<hbm>>)
      tpu.yield
    }) : () -> ()
    return
  }
}

#map = affine_map<(d0, d1) -> (0, 0)>
#map1 = affine_map<(d0, d1) -> (0, 0, 0)>
module attributes {stable_mosaic.version = 14 : i64} {
  func.func @_scatter_kernel(%arg0: i32, %arg1: i32, %arg2: memref<10240x128xf32, #tpu.memory_space<hbm>>, %arg3: memref<5120x64xi32, #tpu.memory_space<hbm>>, %arg4: memref<5120x64xi32, #tpu.memory_space<hbm>>, %arg5: memref<2x10240x128xf32, #tpu.memory_space<hbm>>, %arg6: memref<10240x128xf32, #tpu.memory_space<vmem_shared>>, %arg7: memref<80x64xi32, #tpu.memory_space<vmem>>, %arg8: memref<80x64xi32, #tpu.memory_space<vmem>>, %arg9: memref<3x64x128xf32, #tpu.memory_space<vmem>>, %arg10: memref<!tpu.dma_semaphore, #tpu.memory_space<semaphore_mem>>, %arg11: memref<!tpu.dma_semaphore, #tpu.memory_space<semaphore_mem>>, %arg12: memref<!tpu.dma_semaphore, #tpu.memory_space<semaphore_mem>>, %arg13: memref<!tpu.dma_semaphore, #tpu.memory_space<semaphore_mem>>, %arg14: memref<!tpu.dma_semaphore, #tpu.memory_space<semaphore_mem>>, %arg15: memref<!tpu.dma_semaphore, #tpu.memory_space<semaphore_mem>>) attributes {dimension_semantics = [#tpu.dimension_semantics<core_parallel>, #tpu.dimension_semantics<subcore_parallel>], iteration_bounds = array<i64: 2, 16>, scalar_prefetch = 0 : i64, scratch_operands = 10 : i64, tpu.core_type = #tpu.core_type<sc_vector_subcore>, window_params = [{transform_indices = #map}, {transform_indices = #map}, {transform_indices = #map}, {transform_indices = #map1}]} {
    %scan3A = arith.constant 0 : i32
    %scan3A_0 = arith.constant 0 : i32
    %scan3A_1 = arith.constant 512 : i32
    %scan3A_2 = arith.addi %scan3A_0, %scan3A_1 : i32
    %scan3A_3 = arith.constant 1 : i32
    scf.for %scan3A_64 = %scan3A_0 to %scan3A_2 step %scan3A_3  : i32 {
      %jit3A = arith.constant 8 : i32
      %div3A = arith.divsi %scan3A_64, %jit3A : i32
      %sign3A = arith.constant 0 : i32
      %sign3A_65 = arith.cmpi sgt, %scan3A_64, %sign3A : i32
      %sign3A_66 = arith.extui %sign3A_65 : i1 to i32
      %sign3A_67 = arith.constant 0 : i32
      %sign3A_68 = arith.cmpi slt, %scan3A_64, %sign3A_67 : i32
      %sign3A_69 = arith.extui %sign3A_68 : i1 to i32
      %sign3A_70 = arith.subi %sign3A_66, %sign3A_69 : i32
      %sign3A_71 = arith.constant 0 : i32
      %sign3A_72 = arith.cmpi sgt, %jit3A, %sign3A_71 : i32
      %sign3A_73 = arith.extui %sign3A_72 : i1 to i32
      %sign3A_74 = arith.constant 0 : i32
      %sign3A_75 = arith.cmpi slt, %jit3A, %sign3A_74 : i32
      %sign3A_76 = arith.extui %sign3A_75 : i1 to i32
      %sign3A_77 = arith.subi %sign3A_73, %sign3A_76 : i32
      %ne3A = arith.cmpi ne, %sign3A_70, %sign3A_77 : i32
      %rem3A = arith.remsi %scan3A_64, %jit3A : i32
      %ne3A_78 = arith.constant 0 : i32
      %ne3A_79 = arith.cmpi ne, %rem3A, %ne3A_78 : i32
      %and3A = arith.andi %ne3A, %ne3A_79 : i1
      %sub3A = arith.constant 1 : i32
      %sub3A_80 = arith.subi %div3A, %sub3A : i32
      %select_n3A = arith.select %and3A, %sub3A_80, %div3A : i32
      %rem3A_81 = arith.constant 8 : i32
      %rem3A_82 = arith.remsi %scan3A_64, %rem3A_81 : i32
      %broadcast_in_dim3A = arith.constant 0.000000e+00 : f32
      %broadcast_in_dim3A_83 = vector.broadcast %broadcast_in_dim3A : f32 to vector<16xf32>
      %mul3A_84 = arith.constant 16 : i32
      %mul3A_85 = arith.muli %rem3A_82, %mul3A_84 : i32
      %swap3A = arith.constant 0 : i32
      %swap3A_86 = arith.index_cast %swap3A : i32 to index
      %swap3A_87 = arith.index_cast %select_n3A : i32 to index
      %swap3A_88 = arith.index_cast %mul3A_85 : i32 to index
      %swap3A_89 = tpu.vector_load %arg9[%swap3A_86, %swap3A_87, %swap3A_88] {strides = array<i32>} : memref<3x64x128xf32, #tpu.memory_space<vmem>>, vector<1x1x16xf32>,
      %swap3A_90 = vector.shape_cast %swap3A_89 : vector<1x1x16xf32> to vector<16xf32>
      %swap3A_91 = vector.shape_cast %broadcast_in_dim3A_83 : vector<16xf32> to vector<1x1x16xf32>
      tpu.vector_store %arg9[%swap3A_86, %swap3A_87, %swap3A_88], %swap3A_91 {strides = array<i32>} : memref<3x64x128xf32, #tpu.memory_space<vmem>>, vector<1x1x16xf32>,
    }
    %scan3A_4 = arith.constant 512 : i32
    %mul3A = arith.constant 640 : i32
    %mul3A_5 = arith.muli %arg1, %mul3A : i32
    %add3A = arith.constant 0 : i32
    %add3A_6 = arith.addi %mul3A_5, %add3A : i32
    %run_scoped3A = arith.constant 0 : i32
    "tpu.region"() ({
      %run_scoped3A_64 = tpu.sem_alloc : memref<!tpu.dma_semaphore, #tpu.memory_space<semaphore_mem>>
      %dma_start3A = arith.constant 0 : i32
      %dma_start3A_65 = arith.constant 0 : i32
      %dma_start3A_66 = tpu.memref_slice %arg9[%run_scoped3A, %dma_start3A, %dma_start3A_65] : memref<3x64x128xf32, #tpu.memory_space<vmem>> -> memref<1x64x128xf32, #tpu.memory_space<vmem>>
      %dma_start3A_67 = tpu.memref_squeeze %dma_start3A_66 : memref<1x64x128xf32, #tpu.memory_space<vmem>> -> memref<64x128xf32, #tpu.memory_space<vmem>>
      %dma_start3A_68 = arith.constant 0 : i32
      %dma_start3A_69 = tpu.memref_slice %arg6[%add3A_6, %dma_start3A_68] : memref<10240x128xf32, #tpu.memory_space<vmem_shared>> -> memref<64x128xf32, #tpu.memory_space<vmem_shared>>
      %dma_start3A_70 = arith.constant 0 : i32
      %dma_start3A_71 = tpu.memref_slice %arg6[%add3A_6, %dma_start3A_70] : memref<10240x128xf32, #tpu.memory_space<vmem_shared>> -> memref<64x128xf32, #tpu.memory_space<vmem_shared>>
      %dma_start3A_72 = arith.constant 0 : i32
      %dma_start3A_73 = arith.constant 0 : i32
      %dma_start3A_74 = tpu.memref_slice %arg9[%run_scoped3A, %dma_start3A_72, %dma_start3A_73] : memref<3x64x128xf32, #tpu.memory_space<vmem>> -> memref<1x64x128xf32, #tpu.memory_space<vmem>>
      %dma_start3A_75 = tpu.memref_squeeze %dma_start3A_74 : memref<1x64x128xf32, #tpu.memory_space<vmem>> -> memref<64x128xf32, #tpu.memory_space<vmem>>
      tpu.enqueue_dma source(%dma_start3A_75 : memref<64x128xf32, #tpu.memory_space<vmem>>) target(%dma_start3A_71 : memref<64x128xf32, #tpu.memory_space<vmem_shared>>) target_semaphore(%run_scoped3A_64 : memref<!tpu.dma_semaphore, #tpu.memory_space<semaphore_mem>>)
      %dma_wait3A = arith.constant 0 : i32
      %dma_wait3A_76 = arith.constant 0 : i32
      %dma_wait3A_77 = tpu.memref_slice %arg9[%run_scoped3A, %dma_wait3A, %dma_wait3A_76] : memref<3x64x128xf32, #tpu.memory_space<vmem>> -> memref<1x64x128xf32, #tpu.memory_space<vmem>>
      %dma_wait3A_78 = tpu.memref_squeeze %dma_wait3A_77 : memref<1x64x128xf32, #tpu.memory_space<vmem>> -> memref<64x128xf32, #tpu.memory_space<vmem>>
      %dma_wait3A_79 = arith.constant 0 : i32
      %dma_wait3A_80 = tpu.memref_slice %arg6[%add3A_6, %dma_wait3A_79] : memref<10240x128xf32, #tpu.memory_space<vmem_shared>> -> memref<64x128xf32, #tpu.memory_space<vmem_shared>>
      %dma_wait3A_81 = arith.constant 0 : i32
      %dma_wait3A_82 = tpu.memref_slice %arg6[%add3A_6, %dma_wait3A_81] : memref<10240x128xf32, #tpu.memory_space<vmem_shared>> -> memref<64x128xf32, #tpu.memory_space<vmem_shared>>
      %dma_wait3A_83 = arith.constant 0 : i32
      %dma_wait3A_84 = arith.constant 0 : i32
      %dma_wait3A_85 = tpu.memref_slice %arg9[%run_scoped3A, %dma_wait3A_83, %dma_wait3A_84] : memref<3x64x128xf32, #tpu.memory_space<vmem>> -> memref<1x64x128xf32, #tpu.memory_space<vmem>>
      %dma_wait3A_86 = tpu.memref_squeeze %dma_wait3A_85 : memref<1x64x128xf32, #tpu.memory_space<vmem>> -> memref<64x128xf32, #tpu.memory_space<vmem>>
      tpu.wait_dma2 semaphore(%run_scoped3A_64 : memref<!tpu.dma_semaphore, #tpu.memory_space<semaphore_mem>>) src(%dma_wait3A_86 : memref<64x128xf32, #tpu.memory_space<vmem>>) dst(%dma_wait3A_82 : memref<64x128xf32, #tpu.memory_space<vmem_shared>>)
      tpu.yield
    }) : () -> ()
    %mul3A_7 = arith.constant 640 : i32
    %mul3A_8 = arith.muli %arg1, %mul3A_7 : i32
    %add3A_9 = arith.constant 64 : i32
    %add3A_10 = arith.addi %mul3A_8, %add3A_9 : i32
    %run_scoped3A_11 = arith.constant 0 : i32
    "tpu.region"() ({
      %run_scoped3A_64 = tpu.sem_alloc : memref<!tpu.dma_semaphore, #tpu.memory_space<semaphore_mem>>
      %dma_start3A = arith.constant 0 : i32
      %dma_start3A_65 = arith.constant 0 : i32
      %dma_start3A_66 = tpu.memref_slice %arg9[%run_scoped3A_11, %dma_start3A, %dma_start3A_65] : memref<3x64x128xf32, #tpu.memory_space<vmem>> -> memref<1x64x128xf32, #tpu.memory_space<vmem>>
      %dma_start3A_67 = tpu.memref_squeeze %dma_start3A_66 : memref<1x64x128xf32, #tpu.memory_space<vmem>> -> memref<64x128xf32, #tpu.memory_space<vmem>>
      %dma_start3A_68 = arith.constant 0 : i32
      %dma_start3A_69 = tpu.memref_slice %arg6[%add3A_10, %dma_start3A_68] : memref<10240x128xf32, #tpu.memory_space<vmem_shared>> -> memref<64x128xf32, #tpu.memory_space<vmem_shared>>
      %dma_start3A_70 = arith.constant 0 : i32
      %dma_start3A_71 = tpu.memref_slice %arg6[%add3A_10, %dma_start3A_70] : memref<10240x128xf32, #tpu.memory_space<vmem_shared>> -> memref<64x128xf32, #tpu.memory_space<vmem_shared>>
      %dma_start3A_72 = arith.constant 0 : i32
      %dma_start3A_73 = arith.constant 0 : i32
      %dma_start3A_74 = tpu.memref_slice %arg9[%run_scoped3A_11, %dma_start3A_72, %dma_start3A_73] : memref<3x64x128xf32, #tpu.memory_space<vmem>> -> memref<1x64x128xf32, #tpu.memory_space<vmem>>
      %dma_start3A_75 = tpu.memref_squeeze %dma_start3A_74 : memref<1x64x128xf32, #tpu.memory_space<vmem>> -> memref<64x128xf32, #tpu.memory_space<vmem>>
      tpu.enqueue_dma source(%dma_start3A_75 : memref<64x128xf32, #tpu.memory_space<vmem>>) target(%dma_start3A_71 : memref<64x128xf32, #tpu.memory_space<vmem_shared>>) target_semaphore(%run_scoped3A_64 : memref<!tpu.dma_semaphore, #tpu.memory_space<semaphore_mem>>)
      %dma_wait3A = arith.constant 0 : i32
      %dma_wait3A_76 = arith.constant 0 : i32
      %dma_wait3A_77 = tpu.memref_slice %arg9[%run_scoped3A_11, %dma_wait3A, %dma_wait3A_76] : memref<3x64x128xf32, #tpu.memory_space<vmem>> -> memref<1x64x128xf32, #tpu.memory_space<vmem>>
      %dma_wait3A_78 = tpu.memref_squeeze %dma_wait3A_77 : memref<1x64x128xf32, #tpu.memory_space<vmem>> -> memref<64x128xf32, #tpu.memory_space<vmem>>
      %dma_wait3A_79 = arith.constant 0 : i32
      %dma_wait3A_80 = tpu.memref_slice %arg6[%add3A_10, %dma_wait3A_79] : memref<10240x128xf32, #tpu.memory_space<vmem_shared>> -> memref<64x128xf32, #tpu.memory_space<vmem_shared>>
      %dma_wait3A_81 = arith.constant 0 : i32
      %dma_wait3A_82 = tpu.memref_slice %arg6[%add3A_10, %dma_wait3A_81] : memref<10240x128xf32, #tpu.memory_space<vmem_shared>> -> memref<64x128xf32, #tpu.memory_space<vmem_shared>>
      %dma_wait3A_83 = arith.constant 0 : i32
      %dma_wait3A_84 = arith.constant 0 : i32
      %dma_wait3A_85 = tpu.memref_slice %arg9[%run_scoped3A_11, %dma_wait3A_83, %dma_wait3A_84] : memref<3x64x128xf32, #tpu.memory_space<vmem>> -> memref<1x64x128xf32, #tpu.memory_space<vmem>>
      %dma_wait3A_86 = tpu.memref_squeeze %dma_wait3A_85 : memref<1x64x128xf32, #tpu.memory_space<vmem>> -> memref<64x128xf32, #tpu.memory_space<vmem>>
      tpu.wait_dma2 semaphore(%run_scoped3A_64 : memref<!tpu.dma_semaphore, #tpu.memory_space<semaphore_mem>>) src(%dma_wait3A_86 : memref<64x128xf32, #tpu.memory_space<vmem>>) dst(%dma_wait3A_82 : memref<64x128xf32, #tpu.memory_space<vmem_shared>>)
      tpu.yield
    }) : () -> ()
    %mul3A_12 = arith.constant 640 : i32
    %mul3A_13 = arith.muli %arg1, %mul3A_12 : i32
    %add3A_14 = arith.constant 128 : i32
    %add3A_15 = arith.addi %mul3A_13, %add3A_14 : i32
    %run_scoped3A_16 = arith.constant 0 : i32
    "tpu.region"() ({
      %run_scoped3A_64 = tpu.sem_alloc : memref<!tpu.dma_semaphore, #tpu.memory_space<semaphore_mem>>
      %dma_start3A = arith.constant 0 : i32
      %dma_start3A_65 = arith.constant 0 : i32
      %dma_start3A_66 = tpu.memref_slice %arg9[%run_scoped3A_16, %dma_start3A, %dma_start3A_65] : memref<3x64x128xf32, #tpu.memory_space<vmem>> -> memref<1x64x128xf32, #tpu.memory_space<vmem>>
      %dma_start3A_67 = tpu.memref_squeeze %dma_start3A_66 : memref<1x64x128xf32, #tpu.memory_space<vmem>> -> memref<64x128xf32, #tpu.memory_space<vmem>>
      %dma_start3A_68 = arith.constant 0 : i32
      %dma_start3A_69 = tpu.memref_slice %arg6[%add3A_15, %dma_start3A_68] : memref<10240x128xf32, #tpu.memory_space<vmem_shared>> -> memref<64x128xf32, #tpu.memory_space<vmem_shared>>
      %dma_start3A_70 = arith.constant 0 : i32
      %dma_start3A_71 = tpu.memref_slice %arg6[%add3A_15, %dma_start3A_70] : memref<10240x128xf32, #tpu.memory_space<vmem_shared>> -> memref<64x128xf32, #tpu.memory_space<vmem_shared>>
      %dma_start3A_72 = arith.constant 0 : i32
      %dma_start3A_73 = arith.constant 0 : i32
      %dma_start3A_74 = tpu.memref_slice %arg9[%run_scoped3A_16, %dma_start3A_72, %dma_start3A_73] : memref<3x64x128xf32, #tpu.memory_space<vmem>> -> memref<1x64x128xf32, #tpu.memory_space<vmem>>
      %dma_start3A_75 = tpu.memref_squeeze %dma_start3A_74 : memref<1x64x128xf32, #tpu.memory_space<vmem>> -> memref<64x128xf32, #tpu.memory_space<vmem>>
      tpu.enqueue_dma source(%dma_start3A_75 : memref<64x128xf32, #tpu.memory_space<vmem>>) target(%dma_start3A_71 : memref<64x128xf32, #tpu.memory_space<vmem_shared>>) target_semaphore(%run_scoped3A_64 : memref<!tpu.dma_semaphore, #tpu.memory_space<semaphore_mem>>)
      %dma_wait3A = arith.constant 0 : i32
      %dma_wait3A_76 = arith.constant 0 : i32
      %dma_wait3A_77 = tpu.memref_slice %arg9[%run_scoped3A_16, %dma_wait3A, %dma_wait3A_76] : memref<3x64x128xf32, #tpu.memory_space<vmem>> -> memref<1x64x128xf32, #tpu.memory_space<vmem>>
      %dma_wait3A_78 = tpu.memref_squeeze %dma_wait3A_77 : memref<1x64x128xf32, #tpu.memory_space<vmem>> -> memref<64x128xf32, #tpu.memory_space<vmem>>
      %dma_wait3A_79 = arith.constant 0 : i32
      %dma_wait3A_80 = tpu.memref_slice %arg6[%add3A_15, %dma_wait3A_79] : memref<10240x128xf32, #tpu.memory_space<vmem_shared>> -> memref<64x128xf32, #tpu.memory_space<vmem_shared>>
      %dma_wait3A_81 = arith.constant 0 : i32
      %dma_wait3A_82 = tpu.memref_slice %arg6[%add3A_15, %dma_wait3A_81] : memref<10240x128xf32, #tpu.memory_space<vmem_shared>> -> memref<64x128xf32, #tpu.memory_space<vmem_shared>>
      %dma_wait3A_83 = arith.constant 0 : i32
      %dma_wait3A_84 = arith.constant 0 : i32
      %dma_wait3A_85 = tpu.memref_slice %arg9[%run_scoped3A_16, %dma_wait3A_83, %dma_wait3A_84] : memref<3x64x128xf32, #tpu.memory_space<vmem>> -> memref<1x64x128xf32, #tpu.memory_space<vmem>>
      %dma_wait3A_86 = tpu.memref_squeeze %dma_wait3A_85 : memref<1x64x128xf32, #tpu.memory_space<vmem>> -> memref<64x128xf32, #tpu.memory_space<vmem>>
      tpu.wait_dma2 semaphore(%run_scoped3A_64 : memref<!tpu.dma_semaphore, #tpu.memory_space<semaphore_mem>>) src(%dma_wait3A_86 : memref<64x128xf32, #tpu.memory_space<vmem>>) dst(%dma_wait3A_82 : memref<64x128xf32, #tpu.memory_space<vmem_shared>>)
      tpu.yield
    }) : () -> ()
    %mul3A_17 = arith.constant 640 : i32
    %mul3A_18 = arith.muli %arg1, %mul3A_17 : i32
    %add3A_19 = arith.constant 192 : i32
    %add3A_20 = arith.addi %mul3A_18, %add3A_19 : i32
    %run_scoped3A_21 = arith.constant 0 : i32
    "tpu.region"() ({
      %run_scoped3A_64 = tpu.sem_alloc : memref<!tpu.dma_semaphore, #tpu.memory_space<semaphore_mem>>
      %dma_start3A = arith.constant 0 : i32
      %dma_start3A_65 = arith.constant 0 : i32
      %dma_start3A_66 = tpu.memref_slice %arg9[%run_scoped3A_21, %dma_start3A, %dma_start3A_65] : memref<3x64x128xf32, #tpu.memory_space<vmem>> -> memref<1x64x128xf32, #tpu.memory_space<vmem>>
      %dma_start3A_67 = tpu.memref_squeeze %dma_start3A_66 : memref<1x64x128xf32, #tpu.memory_space<vmem>> -> memref<64x128xf32, #tpu.memory_space<vmem>>
      %dma_start3A_68 = arith.constant 0 : i32
      %dma_start3A_69 = tpu.memref_slice %arg6[%add3A_20, %dma_start3A_68] : memref<10240x128xf32, #tpu.memory_space<vmem_shared>> -> memref<64x128xf32, #tpu.memory_space<vmem_shared>>
      %dma_start3A_70 = arith.constant 0 : i32
      %dma_start3A_71 = tpu.memref_slice %arg6[%add3A_20, %dma_start3A_70] : memref<10240x128xf32, #tpu.memory_space<vmem_shared>> -> memref<64x128xf32, #tpu.memory_space<vmem_shared>>
      %dma_start3A_72 = arith.constant 0 : i32
      %dma_start3A_73 = arith.constant 0 : i32
      %dma_start3A_74 = tpu.memref_slice %arg9[%run_scoped3A_21, %dma_start3A_72, %dma_start3A_73] : memref<3x64x128xf32, #tpu.memory_space<vmem>> -> memref<1x64x128xf32, #tpu.memory_space<vmem>>
      %dma_start3A_75 = tpu.memref_squeeze %dma_start3A_74 : memref<1x64x128xf32, #tpu.memory_space<vmem>> -> memref<64x128xf32, #tpu.memory_space<vmem>>
      tpu.enqueue_dma source(%dma_start3A_75 : memref<64x128xf32, #tpu.memory_space<vmem>>) target(%dma_start3A_71 : memref<64x128xf32, #tpu.memory_space<vmem_shared>>) target_semaphore(%run_scoped3A_64 : memref<!tpu.dma_semaphore, #tpu.memory_space<semaphore_mem>>)
      %dma_wait3A = arith.constant 0 : i32
      %dma_wait3A_76 = arith.constant 0 : i32
      %dma_wait3A_77 = tpu.memref_slice %arg9[%run_scoped3A_21, %dma_wait3A, %dma_wait3A_76] : memref<3x64x128xf32, #tpu.memory_space<vmem>> -> memref<1x64x128xf32, #tpu.memory_space<vmem>>
      %dma_wait3A_78 = tpu.memref_squeeze %dma_wait3A_77 : memref<1x64x128xf32, #tpu.memory_space<vmem>> -> memref<64x128xf32, #tpu.memory_space<vmem>>
      %dma_wait3A_79 = arith.constant 0 : i32
      %dma_wait3A_80 = tpu.memref_slice %arg6[%add3A_20, %dma_wait3A_79] : memref<10240x128xf32, #tpu.memory_space<vmem_shared>> -> memref<64x128xf32, #tpu.memory_space<vmem_shared>>
      %dma_wait3A_81 = arith.constant 0 : i32
      %dma_wait3A_82 = tpu.memref_slice %arg6[%add3A_20, %dma_wait3A_81] : memref<10240x128xf32, #tpu.memory_space<vmem_shared>> -> memref<64x128xf32, #tpu.memory_space<vmem_shared>>
      %dma_wait3A_83 = arith.constant 0 : i32
      %dma_wait3A_84 = arith.constant 0 : i32
      %dma_wait3A_85 = tpu.memref_slice %arg9[%run_scoped3A_21, %dma_wait3A_83, %dma_wait3A_84] : memref<3x64x128xf32, #tpu.memory_space<vmem>> -> memref<1x64x128xf32, #tpu.memory_space<vmem>>
      %dma_wait3A_86 = tpu.memref_squeeze %dma_wait3A_85 : memref<1x64x128xf32, #tpu.memory_space<vmem>> -> memref<64x128xf32, #tpu.memory_space<vmem>>
      tpu.wait_dma2 semaphore(%run_scoped3A_64 : memref<!tpu.dma_semaphore, #tpu.memory_space<semaphore_mem>>) src(%dma_wait3A_86 : memref<64x128xf32, #tpu.memory_space<vmem>>) dst(%dma_wait3A_82 : memref<64x128xf32, #tpu.memory_space<vmem_shared>>)
      tpu.yield
    }) : () -> ()
    %mul3A_22 = arith.constant 640 : i32
    %mul3A_23 = arith.muli %arg1, %mul3A_22 : i32
    %add3A_24 = arith.constant 256 : i32
    %add3A_25 = arith.addi %mul3A_23, %add3A_24 : i32
    %run_scoped3A_26 = arith.constant 0 : i32
    "tpu.region"() ({
      %run_scoped3A_64 = tpu.sem_alloc : memref<!tpu.dma_semaphore, #tpu.memory_space<semaphore_mem>>
      %dma_start3A = arith.constant 0 : i32
      %dma_start3A_65 = arith.constant 0 : i32
      %dma_start3A_66 = tpu.memref_slice %arg9[%run_scoped3A_26, %dma_start3A, %dma_start3A_65] : memref<3x64x128xf32, #tpu.memory_space<vmem>> -> memref<1x64x128xf32, #tpu.memory_space<vmem>>
      %dma_start3A_67 = tpu.memref_squeeze %dma_start3A_66 : memref<1x64x128xf32, #tpu.memory_space<vmem>> -> memref<64x128xf32, #tpu.memory_space<vmem>>
      %dma_start3A_68 = arith.constant 0 : i32
      %dma_start3A_69 = tpu.memref_slice %arg6[%add3A_25, %dma_start3A_68] : memref<10240x128xf32, #tpu.memory_space<vmem_shared>> -> memref<64x128xf32, #tpu.memory_space<vmem_shared>>
      %dma_start3A_70 = arith.constant 0 : i32
      %dma_start3A_71 = tpu.memref_slice %arg6[%add3A_25, %dma_start3A_70] : memref<10240x128xf32, #tpu.memory_space<vmem_shared>> -> memref<64x128xf32, #tpu.memory_space<vmem_shared>>
      %dma_start3A_72 = arith.constant 0 : i32
      %dma_start3A_73 = arith.constant 0 : i32
      %dma_start3A_74 = tpu.memref_slice %arg9[%run_scoped3A_26, %dma_start3A_72, %dma_start3A_73] : memref<3x64x128xf32, #tpu.memory_space<vmem>> -> memref<1x64x128xf32, #tpu.memory_space<vmem>>
      %dma_start3A_75 = tpu.memref_squeeze %dma_start3A_74 : memref<1x64x128xf32, #tpu.memory_space<vmem>> -> memref<64x128xf32, #tpu.memory_space<vmem>>
      tpu.enqueue_dma source(%dma_start3A_75 : memref<64x128xf32, #tpu.memory_space<vmem>>) target(%dma_start3A_71 : memref<64x128xf32, #tpu.memory_space<vmem_shared>>) target_semaphore(%run_scoped3A_64 : memref<!tpu.dma_semaphore, #tpu.memory_space<semaphore_mem>>)
      %dma_wait3A = arith.constant 0 : i32
      %dma_wait3A_76 = arith.constant 0 : i32
      %dma_wait3A_77 = tpu.memref_slice %arg9[%run_scoped3A_26, %dma_wait3A, %dma_wait3A_76] : memref<3x64x128xf32, #tpu.memory_space<vmem>> -> memref<1x64x128xf32, #tpu.memory_space<vmem>>
      %dma_wait3A_78 = tpu.memref_squeeze %dma_wait3A_77 : memref<1x64x128xf32, #tpu.memory_space<vmem>> -> memref<64x128xf32, #tpu.memory_space<vmem>>
      %dma_wait3A_79 = arith.constant 0 : i32
      %dma_wait3A_80 = tpu.memref_slice %arg6[%add3A_25, %dma_wait3A_79] : memref<10240x128xf32, #tpu.memory_space<vmem_shared>> -> memref<64x128xf32, #tpu.memory_space<vmem_shared>>
      %dma_wait3A_81 = arith.constant 0 : i32
      %dma_wait3A_82 = tpu.memref_slice %arg6[%add3A_25, %dma_wait3A_81] : memref<10240x128xf32, #tpu.memory_space<vmem_shared>> -> memref<64x128xf32, #tpu.memory_space<vmem_shared>>
      %dma_wait3A_83 = arith.constant 0 : i32
      %dma_wait3A_84 = arith.constant 0 : i32
      %dma_wait3A_85 = tpu.memref_slice %arg9[%run_scoped3A_26, %dma_wait3A_83, %dma_wait3A_84] : memref<3x64x128xf32, #tpu.memory_space<vmem>> -> memref<1x64x128xf32, #tpu.memory_space<vmem>>
      %dma_wait3A_86 = tpu.memref_squeeze %dma_wait3A_85 : memref<1x64x128xf32, #tpu.memory_space<vmem>> -> memref<64x128xf32, #tpu.memory_space<vmem>>
      tpu.wait_dma2 semaphore(%run_scoped3A_64 : memref<!tpu.dma_semaphore, #tpu.memory_space<semaphore_mem>>) src(%dma_wait3A_86 : memref<64x128xf32, #tpu.memory_space<vmem>>) dst(%dma_wait3A_82 : memref<64x128xf32, #tpu.memory_space<vmem_shared>>)
      tpu.yield
    }) : () -> ()
    %mul3A_27 = arith.constant 640 : i32
    %mul3A_28 = arith.muli %arg1, %mul3A_27 : i32
    %add3A_29 = arith.constant 320 : i32
    %add3A_30 = arith.addi %mul3A_28, %add3A_29 : i32
    %run_scoped3A_31 = arith.constant 0 : i32
    "tpu.region"() ({
      %run_scoped3A_64 = tpu.sem_alloc : memref<!tpu.dma_semaphore, #tpu.memory_space<semaphore_mem>>
      %dma_start3A = arith.constant 0 : i32
      %dma_start3A_65 = arith.constant 0 : i32
      %dma_start3A_66 = tpu.memref_slice %arg9[%run_scoped3A_31, %dma_start3A, %dma_start3A_65] : memref<3x64x128xf32, #tpu.memory_space<vmem>> -> memref<1x64x128xf32, #tpu.memory_space<vmem>>
      %dma_start3A_67 = tpu.memref_squeeze %dma_start3A_66 : memref<1x64x128xf32, #tpu.memory_space<vmem>> -> memref<64x128xf32, #tpu.memory_space<vmem>>
      %dma_start3A_68 = arith.constant 0 : i32
      %dma_start3A_69 = tpu.memref_slice %arg6[%add3A_30, %dma_start3A_68] : memref<10240x128xf32, #tpu.memory_space<vmem_shared>> -> memref<64x128xf32, #tpu.memory_space<vmem_shared>>
      %dma_start3A_70 = arith.constant 0 : i32
      %dma_start3A_71 = tpu.memref_slice %arg6[%add3A_30, %dma_start3A_70] : memref<10240x128xf32, #tpu.memory_space<vmem_shared>> -> memref<64x128xf32, #tpu.memory_space<vmem_shared>>
      %dma_start3A_72 = arith.constant 0 : i32
      %dma_start3A_73 = arith.constant 0 : i32
      %dma_start3A_74 = tpu.memref_slice %arg9[%run_scoped3A_31, %dma_start3A_72, %dma_start3A_73] : memref<3x64x128xf32, #tpu.memory_space<vmem>> -> memref<1x64x128xf32, #tpu.memory_space<vmem>>
      %dma_start3A_75 = tpu.memref_squeeze %dma_start3A_74 : memref<1x64x128xf32, #tpu.memory_space<vmem>> -> memref<64x128xf32, #tpu.memory_space<vmem>>
      tpu.enqueue_dma source(%dma_start3A_75 : memref<64x128xf32, #tpu.memory_space<vmem>>) target(%dma_start3A_71 : memref<64x128xf32, #tpu.memory_space<vmem_shared>>) target_semaphore(%run_scoped3A_64 : memref<!tpu.dma_semaphore, #tpu.memory_space<semaphore_mem>>)
      %dma_wait3A = arith.constant 0 : i32
      %dma_wait3A_76 = arith.constant 0 : i32
      %dma_wait3A_77 = tpu.memref_slice %arg9[%run_scoped3A_31, %dma_wait3A, %dma_wait3A_76] : memref<3x64x128xf32, #tpu.memory_space<vmem>> -> memref<1x64x128xf32, #tpu.memory_space<vmem>>
      %dma_wait3A_78 = tpu.memref_squeeze %dma_wait3A_77 : memref<1x64x128xf32, #tpu.memory_space<vmem>> -> memref<64x128xf32, #tpu.memory_space<vmem>>
      %dma_wait3A_79 = arith.constant 0 : i32
      %dma_wait3A_80 = tpu.memref_slice %arg6[%add3A_30, %dma_wait3A_79] : memref<10240x128xf32, #tpu.memory_space<vmem_shared>> -> memref<64x128xf32, #tpu.memory_space<vmem_shared>>
      %dma_wait3A_81 = arith.constant 0 : i32
      %dma_wait3A_82 = tpu.memref_slice %arg6[%add3A_30, %dma_wait3A_81] : memref<10240x128xf32, #tpu.memory_space<vmem_shared>> -> memref<64x128xf32, #tpu.memory_space<vmem_shared>>
      %dma_wait3A_83 = arith.constant 0 : i32
      %dma_wait3A_84 = arith.constant 0 : i32
      %dma_wait3A_85 = tpu.memref_slice %arg9[%run_scoped3A_31, %dma_wait3A_83, %dma_wait3A_84] : memref<3x64x128xf32, #tpu.memory_space<vmem>> -> memref<1x64x128xf32, #tpu.memory_space<vmem>>
      %dma_wait3A_86 = tpu.memref_squeeze %dma_wait3A_85 : memref<1x64x128xf32, #tpu.memory_space<vmem>> -> memref<64x128xf32, #tpu.memory_space<vmem>>
      tpu.wait_dma2 semaphore(%run_scoped3A_64 : memref<!tpu.dma_semaphore, #tpu.memory_space<semaphore_mem>>) src(%dma_wait3A_86 : memref<64x128xf32, #tpu.memory_space<vmem>>) dst(%dma_wait3A_82 : memref<64x128xf32, #tpu.memory_space<vmem_shared>>)
      tpu.yield
    }) : () -> ()
    %mul3A_32 = arith.constant 640 : i32
    %mul3A_33 = arith.muli %arg1, %mul3A_32 : i32
    %add3A_34 = arith.constant 384 : i32
    %add3A_35 = arith.addi %mul3A_33, %add3A_34 : i32
    %run_scoped3A_36 = arith.constant 0 : i32
    "tpu.region"() ({
      %run_scoped3A_64 = tpu.sem_alloc : memref<!tpu.dma_semaphore, #tpu.memory_space<semaphore_mem>>
      %dma_start3A = arith.constant 0 : i32
      %dma_start3A_65 = arith.constant 0 : i32
      %dma_start3A_66 = tpu.memref_slice %arg9[%run_scoped3A_36, %dma_start3A, %dma_start3A_65] : memref<3x64x128xf32, #tpu.memory_space<vmem>> -> memref<1x64x128xf32, #tpu.memory_space<vmem>>
      %dma_start3A_67 = tpu.memref_squeeze %dma_start3A_66 : memref<1x64x128xf32, #tpu.memory_space<vmem>> -> memref<64x128xf32, #tpu.memory_space<vmem>>
      %dma_start3A_68 = arith.constant 0 : i32
      %dma_start3A_69 = tpu.memref_slice %arg6[%add3A_35, %dma_start3A_68] : memref<10240x128xf32, #tpu.memory_space<vmem_shared>> -> memref<64x128xf32, #tpu.memory_space<vmem_shared>>
      %dma_start3A_70 = arith.constant 0 : i32
      %dma_start3A_71 = tpu.memref_slice %arg6[%add3A_35, %dma_start3A_70] : memref<10240x128xf32, #tpu.memory_space<vmem_shared>> -> memref<64x128xf32, #tpu.memory_space<vmem_shared>>
      %dma_start3A_72 = arith.constant 0 : i32
      %dma_start3A_73 = arith.constant 0 : i32
      %dma_start3A_74 = tpu.memref_slice %arg9[%run_scoped3A_36, %dma_start3A_72, %dma_start3A_73] : memref<3x64x128xf32, #tpu.memory_space<vmem>> -> memref<1x64x128xf32, #tpu.memory_space<vmem>>
      %dma_start3A_75 = tpu.memref_squeeze %dma_start3A_74 : memref<1x64x128xf32, #tpu.memory_space<vmem>> -> memref<64x128xf32, #tpu.memory_space<vmem>>
      tpu.enqueue_dma source(%dma_start3A_75 : memref<64x128xf32, #tpu.memory_space<vmem>>) target(%dma_start3A_71 : memref<64x128xf32, #tpu.memory_space<vmem_shared>>) target_semaphore(%run_scoped3A_64 : memref<!tpu.dma_semaphore, #tpu.memory_space<semaphore_mem>>)
      %dma_wait3A = arith.constant 0 : i32
      %dma_wait3A_76 = arith.constant 0 : i32
      %dma_wait3A_77 = tpu.memref_slice %arg9[%run_scoped3A_36, %dma_wait3A, %dma_wait3A_76] : memref<3x64x128xf32, #tpu.memory_space<vmem>> -> memref<1x64x128xf32, #tpu.memory_space<vmem>>
      %dma_wait3A_78 = tpu.memref_squeeze %dma_wait3A_77 : memref<1x64x128xf32, #tpu.memory_space<vmem>> -> memref<64x128xf32, #tpu.memory_space<vmem>>
      %dma_wait3A_79 = arith.constant 0 : i32
      %dma_wait3A_80 = tpu.memref_slice %arg6[%add3A_35, %dma_wait3A_79] : memref<10240x128xf32, #tpu.memory_space<vmem_shared>> -> memref<64x128xf32, #tpu.memory_space<vmem_shared>>
      %dma_wait3A_81 = arith.constant 0 : i32
      %dma_wait3A_82 = tpu.memref_slice %arg6[%add3A_35, %dma_wait3A_81] : memref<10240x128xf32, #tpu.memory_space<vmem_shared>> -> memref<64x128xf32, #tpu.memory_space<vmem_shared>>
      %dma_wait3A_83 = arith.constant 0 : i32
      %dma_wait3A_84 = arith.constant 0 : i32
      %dma_wait3A_85 = tpu.memref_slice %arg9[%run_scoped3A_36, %dma_wait3A_83, %dma_wait3A_84] : memref<3x64x128xf32, #tpu.memory_space<vmem>> -> memref<1x64x128xf32, #tpu.memory_space<vmem>>
      %dma_wait3A_86 = tpu.memref_squeeze %dma_wait3A_85 : memref<1x64x128xf32, #tpu.memory_space<vmem>> -> memref<64x128xf32, #tpu.memory_space<vmem>>
      tpu.wait_dma2 semaphore(%run_scoped3A_64 : memref<!tpu.dma_semaphore, #tpu.memory_space<semaphore_mem>>) src(%dma_wait3A_86 : memref<64x128xf32, #tpu.memory_space<vmem>>) dst(%dma_wait3A_82 : memref<64x128xf32, #tpu.memory_space<vmem_shared>>)
      tpu.yield
    }) : () -> ()
    %mul3A_37 = arith.constant 640 : i32
    %mul3A_38 = arith.muli %arg1, %mul3A_37 : i32
    %add3A_39 = arith.constant 448 : i32
    %add3A_40 = arith.addi %mul3A_38, %add3A_39 : i32
    %run_scoped3A_41 = arith.constant 0 : i32
    "tpu.region"() ({
      %run_scoped3A_64 = tpu.sem_alloc : memref<!tpu.dma_semaphore, #tpu.memory_space<semaphore_mem>>
      %dma_start3A = arith.constant 0 : i32
      %dma_start3A_65 = arith.constant 0 : i32
      %dma_start3A_66 = tpu.memref_slice %arg9[%run_scoped3A_41, %dma_start3A, %dma_start3A_65] : memref<3x64x128xf32, #tpu.memory_space<vmem>> -> memref<1x64x128xf32, #tpu.memory_space<vmem>>
      %dma_start3A_67 = tpu.memref_squeeze %dma_start3A_66 : memref<1x64x128xf32, #tpu.memory_space<vmem>> -> memref<64x128xf32, #tpu.memory_space<vmem>>
      %dma_start3A_68 = arith.constant 0 : i32
      %dma_start3A_69 = tpu.memref_slice %arg6[%add3A_40, %dma_start3A_68] : memref<10240x128xf32, #tpu.memory_space<vmem_shared>> -> memref<64x128xf32, #tpu.memory_space<vmem_shared>>
      %dma_start3A_70 = arith.constant 0 : i32
      %dma_start3A_71 = tpu.memref_slice %arg6[%add3A_40, %dma_start3A_70] : memref<10240x128xf32, #tpu.memory_space<vmem_shared>> -> memref<64x128xf32, #tpu.memory_space<vmem_shared>>
      %dma_start3A_72 = arith.constant 0 : i32
      %dma_start3A_73 = arith.constant 0 : i32
      %dma_start3A_74 = tpu.memref_slice %arg9[%run_scoped3A_41, %dma_start3A_72, %dma_start3A_73] : memref<3x64x128xf32, #tpu.memory_space<vmem>> -> memref<1x64x128xf32, #tpu.memory_space<vmem>>
      %dma_start3A_75 = tpu.memref_squeeze %dma_start3A_74 : memref<1x64x128xf32, #tpu.memory_space<vmem>> -> memref<64x128xf32, #tpu.memory_space<vmem>>
      tpu.enqueue_dma source(%dma_start3A_75 : memref<64x128xf32, #tpu.memory_space<vmem>>) target(%dma_start3A_71 : memref<64x128xf32, #tpu.memory_space<vmem_shared>>) target_semaphore(%run_scoped3A_64 : memref<!tpu.dma_semaphore, #tpu.memory_space<semaphore_mem>>)
      %dma_wait3A = arith.constant 0 : i32
      %dma_wait3A_76 = arith.constant 0 : i32
      %dma_wait3A_77 = tpu.memref_slice %arg9[%run_scoped3A_41, %dma_wait3A, %dma_wait3A_76] : memref<3x64x128xf32, #tpu.memory_space<vmem>> -> memref<1x64x128xf32, #tpu.memory_space<vmem>>
      %dma_wait3A_78 = tpu.memref_squeeze %dma_wait3A_77 : memref<1x64x128xf32, #tpu.memory_space<vmem>> -> memref<64x128xf32, #tpu.memory_space<vmem>>
      %dma_wait3A_79 = arith.constant 0 : i32
      %dma_wait3A_80 = tpu.memref_slice %arg6[%add3A_40, %dma_wait3A_79] : memref<10240x128xf32, #tpu.memory_space<vmem_shared>> -> memref<64x128xf32, #tpu.memory_space<vmem_shared>>
      %dma_wait3A_81 = arith.constant 0 : i32
      %dma_wait3A_82 = tpu.memref_slice %arg6[%add3A_40, %dma_wait3A_81] : memref<10240x128xf32, #tpu.memory_space<vmem_shared>> -> memref<64x128xf32, #tpu.memory_space<vmem_shared>>
      %dma_wait3A_83 = arith.constant 0 : i32
      %dma_wait3A_84 = arith.constant 0 : i32
      %dma_wait3A_85 = tpu.memref_slice %arg9[%run_scoped3A_41, %dma_wait3A_83, %dma_wait3A_84] : memref<3x64x128xf32, #tpu.memory_space<vmem>> -> memref<1x64x128xf32, #tpu.memory_space<vmem>>
      %dma_wait3A_86 = tpu.memref_squeeze %dma_wait3A_85 : memref<1x64x128xf32, #tpu.memory_space<vmem>> -> memref<64x128xf32, #tpu.memory_space<vmem>>
      tpu.wait_dma2 semaphore(%run_scoped3A_64 : memref<!tpu.dma_semaphore, #tpu.memory_space<semaphore_mem>>) src(%dma_wait3A_86 : memref<64x128xf32, #tpu.memory_space<vmem>>) dst(%dma_wait3A_82 : memref<64x128xf32, #tpu.memory_space<vmem_shared>>)
      tpu.yield
    }) : () -> ()
    %mul3A_42 = arith.constant 640 : i32
    %mul3A_43 = arith.muli %arg1, %mul3A_42 : i32
    %add3A_44 = arith.constant 512 : i32
    %add3A_45 = arith.addi %mul3A_43, %add3A_44 : i32
    %run_scoped3A_46 = arith.constant 0 : i32
    "tpu.region"() ({
      %run_scoped3A_64 = tpu.sem_alloc : memref<!tpu.dma_semaphore, #tpu.memory_space<semaphore_mem>>
      %dma_start3A = arith.constant 0 : i32
      %dma_start3A_65 = arith.constant 0 : i32
      %dma_start3A_66 = tpu.memref_slice %arg9[%run_scoped3A_46, %dma_start3A, %dma_start3A_65] : memref<3x64x128xf32, #tpu.memory_space<vmem>> -> memref<1x64x128xf32, #tpu.memory_space<vmem>>
      %dma_start3A_67 = tpu.memref_squeeze %dma_start3A_66 : memref<1x64x128xf32, #tpu.memory_space<vmem>> -> memref<64x128xf32, #tpu.memory_space<vmem>>
      %dma_start3A_68 = arith.constant 0 : i32
      %dma_start3A_69 = tpu.memref_slice %arg6[%add3A_45, %dma_start3A_68] : memref<10240x128xf32, #tpu.memory_space<vmem_shared>> -> memref<64x128xf32, #tpu.memory_space<vmem_shared>>
      %dma_start3A_70 = arith.constant 0 : i32
      %dma_start3A_71 = tpu.memref_slice %arg6[%add3A_45, %dma_start3A_70] : memref<10240x128xf32, #tpu.memory_space<vmem_shared>> -> memref<64x128xf32, #tpu.memory_space<vmem_shared>>
      %dma_start3A_72 = arith.constant 0 : i32
      %dma_start3A_73 = arith.constant 0 : i32
      %dma_start3A_74 = tpu.memref_slice %arg9[%run_scoped3A_46, %dma_start3A_72, %dma_start3A_73] : memref<3x64x128xf32, #tpu.memory_space<vmem>> -> memref<1x64x128xf32, #tpu.memory_space<vmem>>
      %dma_start3A_75 = tpu.memref_squeeze %dma_start3A_74 : memref<1x64x128xf32, #tpu.memory_space<vmem>> -> memref<64x128xf32, #tpu.memory_space<vmem>>
      tpu.enqueue_dma source(%dma_start3A_75 : memref<64x128xf32, #tpu.memory_space<vmem>>) target(%dma_start3A_71 : memref<64x128xf32, #tpu.memory_space<vmem_shared>>) target_semaphore(%run_scoped3A_64 : memref<!tpu.dma_semaphore, #tpu.memory_space<semaphore_mem>>)
      %dma_wait3A = arith.constant 0 : i32
      %dma_wait3A_76 = arith.constant 0 : i32
      %dma_wait3A_77 = tpu.memref_slice %arg9[%run_scoped3A_46, %dma_wait3A, %dma_wait3A_76] : memref<3x64x128xf32, #tpu.memory_space<vmem>> -> memref<1x64x128xf32, #tpu.memory_space<vmem>>
      %dma_wait3A_78 = tpu.memref_squeeze %dma_wait3A_77 : memref<1x64x128xf32, #tpu.memory_space<vmem>> -> memref<64x128xf32, #tpu.memory_space<vmem>>
      %dma_wait3A_79 = arith.constant 0 : i32
      %dma_wait3A_80 = tpu.memref_slice %arg6[%add3A_45, %dma_wait3A_79] : memref<10240x128xf32, #tpu.memory_space<vmem_shared>> -> memref<64x128xf32, #tpu.memory_space<vmem_shared>>
      %dma_wait3A_81 = arith.constant 0 : i32
      %dma_wait3A_82 = tpu.memref_slice %arg6[%add3A_45, %dma_wait3A_81] : memref<10240x128xf32, #tpu.memory_space<vmem_shared>> -> memref<64x128xf32, #tpu.memory_space<vmem_shared>>
      %dma_wait3A_83 = arith.constant 0 : i32
      %dma_wait3A_84 = arith.constant 0 : i32
      %dma_wait3A_85 = tpu.memref_slice %arg9[%run_scoped3A_46, %dma_wait3A_83, %dma_wait3A_84] : memref<3x64x128xf32, #tpu.memory_space<vmem>> -> memref<1x64x128xf32, #tpu.memory_space<vmem>>
      %dma_wait3A_86 = tpu.memref_squeeze %dma_wait3A_85 : memref<1x64x128xf32, #tpu.memory_space<vmem>> -> memref<64x128xf32, #tpu.memory_space<vmem>>
      tpu.wait_dma2 semaphore(%run_scoped3A_64 : memref<!tpu.dma_semaphore, #tpu.memory_space<semaphore_mem>>) src(%dma_wait3A_86 : memref<64x128xf32, #tpu.memory_space<vmem>>) dst(%dma_wait3A_82 : memref<64x128xf32, #tpu.memory_space<vmem_shared>>)
      tpu.yield
    }) : () -> ()
    %mul3A_47 = arith.constant 640 : i32
    %mul3A_48 = arith.muli %arg1, %mul3A_47 : i32
    %add3A_49 = arith.constant 576 : i32
    %add3A_50 = arith.addi %mul3A_48, %add3A_49 : i32
    %run_scoped3A_51 = arith.constant 0 : i32
    "tpu.region"() ({
      %run_scoped3A_64 = tpu.sem_alloc : memref<!tpu.dma_semaphore, #tpu.memory_space<semaphore_mem>>
      %dma_start3A = arith.constant 0 : i32
      %dma_start3A_65 = arith.constant 0 : i32
      %dma_start3A_66 = tpu.memref_slice %arg9[%run_scoped3A_51, %dma_start3A, %dma_start3A_65] : memref<3x64x128xf32, #tpu.memory_space<vmem>> -> memref<1x64x128xf32, #tpu.memory_space<vmem>>
      %dma_start3A_67 = tpu.memref_squeeze %dma_start3A_66 : memref<1x64x128xf32, #tpu.memory_space<vmem>> -> memref<64x128xf32, #tpu.memory_space<vmem>>
      %dma_start3A_68 = arith.constant 0 : i32
      %dma_start3A_69 = tpu.memref_slice %arg6[%add3A_50, %dma_start3A_68] : memref<10240x128xf32, #tpu.memory_space<vmem_shared>> -> memref<64x128xf32, #tpu.memory_space<vmem_shared>>
      %dma_start3A_70 = arith.constant 0 : i32
      %dma_start3A_71 = tpu.memref_slice %arg6[%add3A_50, %dma_start3A_70] : memref<10240x128xf32, #tpu.memory_space<vmem_shared>> -> memref<64x128xf32, #tpu.memory_space<vmem_shared>>
      %dma_start3A_72 = arith.constant 0 : i32
      %dma_start3A_73 = arith.constant 0 : i32
      %dma_start3A_74 = tpu.memref_slice %arg9[%run_scoped3A_51, %dma_start3A_72, %dma_start3A_73] : memref<3x64x128xf32, #tpu.memory_space<vmem>> -> memref<1x64x128xf32, #tpu.memory_space<vmem>>
      %dma_start3A_75 = tpu.memref_squeeze %dma_start3A_74 : memref<1x64x128xf32, #tpu.memory_space<vmem>> -> memref<64x128xf32, #tpu.memory_space<vmem>>
      tpu.enqueue_dma source(%dma_start3A_75 : memref<64x128xf32, #tpu.memory_space<vmem>>) target(%dma_start3A_71 : memref<64x128xf32, #tpu.memory_space<vmem_shared>>) target_semaphore(%run_scoped3A_64 : memref<!tpu.dma_semaphore, #tpu.memory_space<semaphore_mem>>)
      %dma_wait3A = arith.constant 0 : i32
      %dma_wait3A_76 = arith.constant 0 : i32
      %dma_wait3A_77 = tpu.memref_slice %arg9[%run_scoped3A_51, %dma_wait3A, %dma_wait3A_76] : memref<3x64x128xf32, #tpu.memory_space<vmem>> -> memref<1x64x128xf32, #tpu.memory_space<vmem>>
      %dma_wait3A_78 = tpu.memref_squeeze %dma_wait3A_77 : memref<1x64x128xf32, #tpu.memory_space<vmem>> -> memref<64x128xf32, #tpu.memory_space<vmem>>
      %dma_wait3A_79 = arith.constant 0 : i32
      %dma_wait3A_80 = tpu.memref_slice %arg6[%add3A_50, %dma_wait3A_79] : memref<10240x128xf32, #tpu.memory_space<vmem_shared>> -> memref<64x128xf32, #tpu.memory_space<vmem_shared>>
      %dma_wait3A_81 = arith.constant 0 : i32
      %dma_wait3A_82 = tpu.memref_slice %arg6[%add3A_50, %dma_wait3A_81] : memref<10240x128xf32, #tpu.memory_space<vmem_shared>> -> memref<64x128xf32, #tpu.memory_space<vmem_shared>>
      %dma_wait3A_83 = arith.constant 0 : i32
      %dma_wait3A_84 = arith.constant 0 : i32
      %dma_wait3A_85 = tpu.memref_slice %arg9[%run_scoped3A_51, %dma_wait3A_83, %dma_wait3A_84] : memref<3x64x128xf32, #tpu.memory_space<vmem>> -> memref<1x64x128xf32, #tpu.memory_space<vmem>>
      %dma_wait3A_86 = tpu.memref_squeeze %dma_wait3A_85 : memref<1x64x128xf32, #tpu.memory_space<vmem>> -> memref<64x128xf32, #tpu.memory_space<vmem>>
      tpu.wait_dma2 semaphore(%run_scoped3A_64 : memref<!tpu.dma_semaphore, #tpu.memory_space<semaphore_mem>>) src(%dma_wait3A_86 : memref<64x128xf32, #tpu.memory_space<vmem>>) dst(%dma_wait3A_82 : memref<64x128xf32, #tpu.memory_space<vmem_shared>>)
      tpu.yield
    }) : () -> ()
    %barrier3A = arith.constant 0 : index
    tpu.barrier barrier_id(%barrier3A)
    %eq3A = arith.constant 0 : i32
    %eq3A_52 = arith.cmpi eq, %arg0, %eq3A : i32
    %convert_element_type3A = arith.extui %eq3A_52 : i1 to i32
    %cond3A = arith.constant 0 : i32
    %cond3A_53 = arith.cmpi ne, %convert_element_type3A, %cond3A : i32
    scf.if %cond3A_53 {
      %mul3A_64 = arith.constant 320 : i32
      %mul3A_65 = arith.muli %arg1, %mul3A_64 : i32
      %add3A_66 = arith.constant 0 : i32
      %add3A_67 = arith.addi %mul3A_65, %add3A_66 : i32
      "tpu.region"() ({
        %run_scoped3A_566 = tpu.sem_alloc : memref<!tpu.dma_semaphore, #tpu.memory_space<semaphore_mem>>
        %dma_start3A_567 = arith.constant 0 : i32
        %dma_start3A_568 = arith.constant 0 : i32
        %dma_start3A_569 = tpu.memref_slice %arg7[%dma_start3A_567, %dma_start3A_568] : memref<80x64xi32, #tpu.memory_space<vmem>> -> memref<80x64xi32, #tpu.memory_space<vmem>>
        %dma_start3A_570 = arith.constant 0 : i32
        %dma_start3A_571 = tpu.memref_slice %arg3[%add3A_67, %dma_start3A_570] : memref<5120x64xi32, #tpu.memory_space<hbm>> -> memref<80x64xi32, #tpu.memory_space<hbm>>
        %dma_start3A_572 = arith.constant 0 : i32
        %dma_start3A_573 = arith.constant 0 : i32
        %dma_start3A_574 = tpu.memref_slice %arg7[%dma_start3A_572, %dma_start3A_573] : memref<80x64xi32, #tpu.memory_space<vmem>> -> memref<80x64xi32, #tpu.memory_space<vmem>>
        %dma_start3A_575 = arith.constant 0 : i32
        %dma_start3A_576 = tpu.memref_slice %arg3[%add3A_67, %dma_start3A_575] : memref<5120x64xi32, #tpu.memory_space<hbm>> -> memref<80x64xi32, #tpu.memory_space<hbm>>
        tpu.enqueue_dma source(%dma_start3A_576 : memref<80x64xi32, #tpu.memory_space<hbm>>) target(%dma_start3A_574 : memref<80x64xi32, #tpu.memory_space<vmem>>) target_semaphore(%run_scoped3A_566 : memref<!tpu.dma_semaphore, #tpu.memory_space<semaphore_mem>>)
        %dma_wait3A_577 = arith.constant 0 : i32
        %dma_wait3A_578 = arith.constant 0 : i32
        %dma_wait3A_579 = tpu.memref_slice %arg7[%dma_wait3A_577, %dma_wait3A_578] : memref<80x64xi32, #tpu.memory_space<vmem>> -> memref<80x64xi32, #tpu.memory_space<vmem>>
        %dma_wait3A_580 = arith.constant 0 : i32
        %dma_wait3A_581 = tpu.memref_slice %arg3[%add3A_67, %dma_wait3A_580] : memref<5120x64xi32, #tpu.memory_space<hbm>> -> memref<80x64xi32, #tpu.memory_space<hbm>>
        %dma_wait3A_582 = arith.constant 0 : i32
        %dma_wait3A_583 = arith.constant 0 : i32
        %dma_wait3A_584 = tpu.memref_slice %arg7[%dma_wait3A_582, %dma_wait3A_583] : memref<80x64xi32, #tpu.memory_space<vmem>> -> memref<80x64xi32, #tpu.memory_space<vmem>>
        %dma_wait3A_585 = arith.constant 0 : i32
        %dma_wait3A_586 = tpu.memref_slice %arg3[%add3A_67, %dma_wait3A_585] : memref<5120x64xi32, #tpu.memory_space<hbm>> -> memref<80x64xi32, #tpu.memory_space<hbm>>
        tpu.wait_dma2 semaphore(%run_scoped3A_566 : memref<!tpu.dma_semaphore, #tpu.memory_space<semaphore_mem>>) src(%dma_wait3A_586 : memref<80x64xi32, #tpu.memory_space<hbm>>) dst(%dma_wait3A_584 : memref<80x64xi32, #tpu.memory_space<vmem>>)
        tpu.yield
      }) : () -> ()
      %mul3A_68 = arith.constant 1 : i32
      %mul3A_69 = arith.muli %add3A_67, %mul3A_68 : i32
      "tpu.region"() ({
        %run_scoped3A_566 = tpu.sem_alloc : memref<!tpu.dma_semaphore, #tpu.memory_space<semaphore_mem>>
        %dma_start3A_567 = arith.constant 0 : i32
        %dma_start3A_568 = arith.constant 0 : i32
        %dma_start3A_569 = tpu.memref_slice %arg8[%dma_start3A_567, %dma_start3A_568] : memref<80x64xi32, #tpu.memory_space<vmem>> -> memref<80x64xi32, #tpu.memory_space<vmem>>
        %dma_start3A_570 = arith.constant 0 : i32
        %dma_start3A_571 = tpu.memref_slice %arg4[%mul3A_69, %dma_start3A_570] : memref<5120x64xi32, #tpu.memory_space<hbm>> -> memref<80x64xi32, #tpu.memory_space<hbm>>
        %dma_start3A_572 = arith.constant 0 : i32
        %dma_start3A_573 = arith.constant 0 : i32
        %dma_start3A_574 = tpu.memref_slice %arg8[%dma_start3A_572, %dma_start3A_573] : memref<80x64xi32, #tpu.memory_space<vmem>> -> memref<80x64xi32, #tpu.memory_space<vmem>>
        %dma_start3A_575 = arith.constant 0 : i32
        %dma_start3A_576 = tpu.memref_slice %arg4[%mul3A_69, %dma_start3A_575] : memref<5120x64xi32, #tpu.memory_space<hbm>> -> memref<80x64xi32, #tpu.memory_space<hbm>>
        tpu.enqueue_dma source(%dma_start3A_576 : memref<80x64xi32, #tpu.memory_space<hbm>>) target(%dma_start3A_574 : memref<80x64xi32, #tpu.memory_space<vmem>>) target_semaphore(%run_scoped3A_566 : memref<!tpu.dma_semaphore, #tpu.memory_space<semaphore_mem>>)
        %dma_wait3A_577 = arith.constant 0 : i32
        %dma_wait3A_578 = arith.constant 0 : i32
        %dma_wait3A_579 = tpu.memref_slice %arg8[%dma_wait3A_577, %dma_wait3A_578] : memref<80x64xi32, #tpu.memory_space<vmem>> -> memref<80x64xi32, #tpu.memory_space<vmem>>
        %dma_wait3A_580 = arith.constant 0 : i32
        %dma_wait3A_581 = tpu.memref_slice %arg4[%mul3A_69, %dma_wait3A_580] : memref<5120x64xi32, #tpu.memory_space<hbm>> -> memref<80x64xi32, #tpu.memory_space<hbm>>
        %dma_wait3A_582 = arith.constant 0 : i32
        %dma_wait3A_583 = arith.constant 0 : i32
        %dma_wait3A_584 = tpu.memref_slice %arg8[%dma_wait3A_582, %dma_wait3A_583] : memref<80x64xi32, #tpu.memory_space<vmem>> -> memref<80x64xi32, #tpu.memory_space<vmem>>
        %dma_wait3A_585 = arith.constant 0 : i32
        %dma_wait3A_586 = tpu.memref_slice %arg4[%mul3A_69, %dma_wait3A_585] : memref<5120x64xi32, #tpu.memory_space<hbm>> -> memref<80x64xi32, #tpu.memory_space<hbm>>
        tpu.wait_dma2 semaphore(%run_scoped3A_566 : memref<!tpu.dma_semaphore, #tpu.memory_space<semaphore_mem>>) src(%dma_wait3A_586 : memref<80x64xi32, #tpu.memory_space<hbm>>) dst(%dma_wait3A_584 : memref<80x64xi32, #tpu.memory_space<vmem>>)
        tpu.yield
      }) : () -> ()
      %dma_start3A = arith.constant 0 : i32
      %dma_start3A_70 = arith.constant 0 : i32
      %dma_start3A_71 = arith.constant 0 : i32
      %dma_start3A_72 = arith.constant 0 : i32
      %dma_start3A_73 = tpu.memref_slice %arg9[%dma_start3A_70, %dma_start3A_71, %dma_start3A_72] : memref<3x64x128xf32, #tpu.memory_space<vmem>> -> memref<1x64x128xf32, #tpu.memory_space<vmem>>
      %dma_start3A_74 = tpu.memref_squeeze %dma_start3A_73 : memref<1x64x128xf32, #tpu.memory_space<vmem>> -> memref<64x128xf32, #tpu.memory_space<vmem>>
      %dma_start3A_75 = arith.constant 0 : i32
      %dma_start3A_76 = tpu.memref_slice %arg7[%dma_start3A, %dma_start3A_75] : memref<80x64xi32, #tpu.memory_space<vmem>> -> memref<1x64xi32, #tpu.memory_space<vmem>>
      %dma_start3A_77 = tpu.memref_squeeze %dma_start3A_76 : memref<1x64xi32, #tpu.memory_space<vmem>> -> memref<64xi32, #tpu.memory_space<vmem>>
      %dma_start3A_78 = arith.constant 0 : i32
      %dma_start3A_79 = arith.constant 0 : i32
      %dma_start3A_80 = tpu.memref_slice %arg2[%dma_start3A_78, %dma_start3A_79] : memref<10240x128xf32, #tpu.memory_space<hbm>> -> memref<10240x128xf32, #tpu.memory_space<hbm>>
      tpu.enqueue_indirect_dma source(%dma_start3A_80 : memref<10240x128xf32, #tpu.memory_space<hbm>>) target(%dma_start3A_74 : memref<64x128xf32, #tpu.memory_space<vmem>>) offsets(%dma_start3A_77 : memref<64xi32, #tpu.memory_space<vmem>>) semaphore(%arg10 : memref<!tpu.dma_semaphore, #tpu.memory_space<semaphore_mem>>)
      %dma_start3A_81 = arith.constant 1 : i32
      %dma_start3A_82 = arith.constant 1 : i32
      %dma_start3A_83 = arith.constant 0 : i32
      %dma_start3A_84 = arith.constant 0 : i32
      %dma_start3A_85 = tpu.memref_slice %arg9[%dma_start3A_82, %dma_start3A_83, %dma_start3A_84] : memref<3x64x128xf32, #tpu.memory_space<vmem>> -> memref<1x64x128xf32, #tpu.memory_space<vmem>>
      %dma_start3A_86 = tpu.memref_squeeze %dma_start3A_85 : memref<1x64x128xf32, #tpu.memory_space<vmem>> -> memref<64x128xf32, #tpu.memory_space<vmem>>
      %dma_start3A_87 = arith.constant 0 : i32
      %dma_start3A_88 = tpu.memref_slice %arg7[%dma_start3A_81, %dma_start3A_87] : memref<80x64xi32, #tpu.memory_space<vmem>> -> memref<1x64xi32, #tpu.memory_space<vmem>>
      %dma_start3A_89 = tpu.memref_squeeze %dma_start3A_88 : memref<1x64xi32, #tpu.memory_space<vmem>> -> memref<64xi32, #tpu.memory_space<vmem>>
      %dma_start3A_90 = arith.constant 0 : i32
      %dma_start3A_91 = arith.constant 0 : i32
      %dma_start3A_92 = tpu.memref_slice %arg2[%dma_start3A_90, %dma_start3A_91] : memref<10240x128xf32, #tpu.memory_space<hbm>> -> memref<10240x128xf32, #tpu.memory_space<hbm>>
      tpu.enqueue_indirect_dma source(%dma_start3A_92 : memref<10240x128xf32, #tpu.memory_space<hbm>>) target(%dma_start3A_86 : memref<64x128xf32, #tpu.memory_space<vmem>>) offsets(%dma_start3A_89 : memref<64xi32, #tpu.memory_space<vmem>>) semaphore(%arg11 : memref<!tpu.dma_semaphore, #tpu.memory_space<semaphore_mem>>)
      %dma_start3A_93 = arith.constant 2 : i32
      %dma_start3A_94 = arith.constant 2 : i32
      %dma_start3A_95 = arith.constant 0 : i32
      %dma_start3A_96 = arith.constant 0 : i32
      %dma_start3A_97 = tpu.memref_slice %arg9[%dma_start3A_94, %dma_start3A_95, %dma_start3A_96] : memref<3x64x128xf32, #tpu.memory_space<vmem>> -> memref<1x64x128xf32, #tpu.memory_space<vmem>>
      %dma_start3A_98 = tpu.memref_squeeze %dma_start3A_97 : memref<1x64x128xf32, #tpu.memory_space<vmem>> -> memref<64x128xf32, #tpu.memory_space<vmem>>
      %dma_start3A_99 = arith.constant 0 : i32
      %dma_start3A_100 = tpu.memref_slice %arg7[%dma_start3A_93, %dma_start3A_99] : memref<80x64xi32, #tpu.memory_space<vmem>> -> memref<1x64xi32, #tpu.memory_space<vmem>>
      %dma_start3A_101 = tpu.memref_squeeze %dma_start3A_100 : memref<1x64xi32, #tpu.memory_space<vmem>> -> memref<64xi32, #tpu.memory_space<vmem>>
      %dma_start3A_102 = arith.constant 0 : i32
      %dma_start3A_103 = arith.constant 0 : i32
      %dma_start3A_104 = tpu.memref_slice %arg2[%dma_start3A_102, %dma_start3A_103] : memref<10240x128xf32, #tpu.memory_space<hbm>> -> memref<10240x128xf32, #tpu.memory_space<hbm>>
      tpu.enqueue_indirect_dma source(%dma_start3A_104 : memref<10240x128xf32, #tpu.memory_space<hbm>>) target(%dma_start3A_98 : memref<64x128xf32, #tpu.memory_space<vmem>>) offsets(%dma_start3A_101 : memref<64xi32, #tpu.memory_space<vmem>>) semaphore(%arg12 : memref<!tpu.dma_semaphore, #tpu.memory_space<semaphore_mem>>)
      %scan3A_105 = arith.constant 0 : i32
      %scan3A_106 = arith.constant 0 : i32
      %scan3A_107 = arith.constant 25 : i32
      %scan3A_108 = arith.addi %scan3A_106, %scan3A_107 : i32
      %scan3A_109 = arith.constant 1 : i32
      scf.for %scan3A_566 = %scan3A_106 to %scan3A_108 step %scan3A_109  : i32 {
        %mul3A_567 = arith.constant 3 : i32
        %mul3A_568 = arith.muli %scan3A_566, %mul3A_567 : i32
        %add3A_569 = arith.constant 0 : i32
        %add3A_570 = arith.addi %mul3A_568, %add3A_569 : i32
        %dma_wait3A_571 = arith.constant 0 : i32
        %dma_wait3A_572 = arith.constant 0 : i32
        %dma_wait3A_573 = arith.constant 0 : i32
        %dma_wait3A_574 = tpu.memref_slice %arg9[%dma_wait3A_571, %dma_wait3A_572, %dma_wait3A_573] : memref<3x64x128xf32, #tpu.memory_space<vmem>> -> memref<1x64x128xf32, #tpu.memory_space<vmem>>
        %dma_wait3A_575 = tpu.memref_squeeze %dma_wait3A_574 : memref<1x64x128xf32, #tpu.memory_space<vmem>> -> memref<64x128xf32, #tpu.memory_space<vmem>>
        %dma_wait3A_576 = arith.constant 0 : i32
        %dma_wait3A_577 = tpu.memref_slice %arg7[%add3A_570, %dma_wait3A_576] : memref<80x64xi32, #tpu.memory_space<vmem>> -> memref<1x64xi32, #tpu.memory_space<vmem>>
        %dma_wait3A_578 = tpu.memref_squeeze %dma_wait3A_577 : memref<1x64xi32, #tpu.memory_space<vmem>> -> memref<64xi32, #tpu.memory_space<vmem>>
        %dma_wait3A_579 = arith.constant 0 : i32
        %dma_wait3A_580 = arith.constant 0 : i32
        %dma_wait3A_581 = tpu.memref_slice %arg2[%dma_wait3A_579, %dma_wait3A_580] : memref<10240x128xf32, #tpu.memory_space<hbm>> -> memref<10240x128xf32, #tpu.memory_space<hbm>>
        tpu.wait_indirect_dma semaphore(%arg10 : memref<!tpu.dma_semaphore, #tpu.memory_space<semaphore_mem>>) src(%dma_wait3A_581 : memref<10240x128xf32, #tpu.memory_space<hbm>>) dst(%dma_wait3A_575 : memref<64x128xf32, #tpu.memory_space<vmem>>)
        %mul3A_582 = arith.constant 1 : i32
        %mul3A_583 = arith.muli %add3A_570, %mul3A_582 : i32
        %add3A_584 = arith.constant 0 : i32
        %add3A_585 = arith.addi %mul3A_583, %add3A_584 : i32
        %dma_start3A_586 = arith.constant 0 : i32
        %dma_start3A_587 = arith.constant 0 : i32
        %dma_start3A_588 = arith.constant 0 : i32
        %dma_start3A_589 = tpu.memref_slice %arg9[%dma_start3A_586, %dma_start3A_587, %dma_start3A_588] : memref<3x64x128xf32, #tpu.memory_space<vmem>> -> memref<1x64x128xf32, #tpu.memory_space<vmem>>
        %dma_start3A_590 = tpu.memref_squeeze %dma_start3A_589 : memref<1x64x128xf32, #tpu.memory_space<vmem>> -> memref<64x128xf32, #tpu.memory_space<vmem>>
        %dma_start3A_591 = arith.constant 0 : i32
        %dma_start3A_592 = tpu.memref_slice %arg8[%add3A_585, %dma_start3A_591] : memref<80x64xi32, #tpu.memory_space<vmem>> -> memref<1x64xi32, #tpu.memory_space<vmem>>
        %dma_start3A_593 = tpu.memref_squeeze %dma_start3A_592 : memref<1x64xi32, #tpu.memory_space<vmem>> -> memref<64xi32, #tpu.memory_space<vmem>>
        %dma_start3A_594 = arith.constant 0 : i32
        %dma_start3A_595 = arith.constant 0 : i32
        %dma_start3A_596 = tpu.memref_slice %arg6[%dma_start3A_594, %dma_start3A_595] : memref<10240x128xf32, #tpu.memory_space<vmem_shared>> -> memref<10240x128xf32, #tpu.memory_space<vmem_shared>>
        tpu.enqueue_indirect_dma source(%dma_start3A_590 : memref<64x128xf32, #tpu.memory_space<vmem>>) target(%dma_start3A_596 : memref<10240x128xf32, #tpu.memory_space<vmem_shared>>) offsets(%dma_start3A_593 : memref<64xi32, #tpu.memory_space<vmem>>) semaphore(%arg13 : memref<!tpu.dma_semaphore, #tpu.memory_space<semaphore_mem>>) {add = true}
        %mul3A_597 = arith.constant 1 : i32
        %mul3A_598 = arith.muli %add3A_570, %mul3A_597 : i32
        %add3A_599 = arith.constant 0 : i32
        %add3A_600 = arith.addi %mul3A_598, %add3A_599 : i32
        %dma_wait3A_601 = arith.constant 0 : i32
        %dma_wait3A_602 = arith.constant 0 : i32
        %dma_wait3A_603 = arith.constant 0 : i32
        %dma_wait3A_604 = tpu.memref_slice %arg9[%dma_wait3A_601, %dma_wait3A_602, %dma_wait3A_603] : memref<3x64x128xf32, #tpu.memory_space<vmem>> -> memref<1x64x128xf32, #tpu.memory_space<vmem>>
        %dma_wait3A_605 = tpu.memref_squeeze %dma_wait3A_604 : memref<1x64x128xf32, #tpu.memory_space<vmem>> -> memref<64x128xf32, #tpu.memory_space<vmem>>
        %dma_wait3A_606 = arith.constant 0 : i32
        %dma_wait3A_607 = tpu.memref_slice %arg8[%add3A_600, %dma_wait3A_606] : memref<80x64xi32, #tpu.memory_space<vmem>> -> memref<1x64xi32, #tpu.memory_space<vmem>>
        %dma_wait3A_608 = tpu.memref_squeeze %dma_wait3A_607 : memref<1x64xi32, #tpu.memory_space<vmem>> -> memref<64xi32, #tpu.memory_space<vmem>>
        %dma_wait3A_609 = arith.constant 0 : i32
        %dma_wait3A_610 = arith.constant 0 : i32
        %dma_wait3A_611 = tpu.memref_slice %arg6[%dma_wait3A_609, %dma_wait3A_610] : memref<10240x128xf32, #tpu.memory_space<vmem_shared>> -> memref<10240x128xf32, #tpu.memory_space<vmem_shared>>
        tpu.wait_indirect_dma semaphore(%arg13 : memref<!tpu.dma_semaphore, #tpu.memory_space<semaphore_mem>>) src(%dma_wait3A_605 : memref<64x128xf32, #tpu.memory_space<vmem>>) dst(%dma_wait3A_611 : memref<10240x128xf32, #tpu.memory_space<vmem_shared>>)
        %add3A_612 = arith.constant 3 : i32
        %add3A_613 = arith.addi %add3A_570, %add3A_612 : i32
        %dma_start3A_614 = arith.constant 0 : i32
        %dma_start3A_615 = arith.constant 0 : i32
        %dma_start3A_616 = arith.constant 0 : i32
        %dma_start3A_617 = tpu.memref_slice %arg9[%dma_start3A_614, %dma_start3A_615, %dma_start3A_616] : memref<3x64x128xf32, #tpu.memory_space<vmem>> -> memref<1x64x128xf32, #tpu.memory_space<vmem>>
        %dma_start3A_618 = tpu.memref_squeeze %dma_start3A_617 : memref<1x64x128xf32, #tpu.memory_space<vmem>> -> memref<64x128xf32, #tpu.memory_space<vmem>>
        %dma_start3A_619 = arith.constant 0 : i32
        %dma_start3A_620 = tpu.memref_slice %arg7[%add3A_613, %dma_start3A_619] : memref<80x64xi32, #tpu.memory_space<vmem>> -> memref<1x64xi32, #tpu.memory_space<vmem>>
        %dma_start3A_621 = tpu.memref_squeeze %dma_start3A_620 : memref<1x64xi32, #tpu.memory_space<vmem>> -> memref<64xi32, #tpu.memory_space<vmem>>
        %dma_start3A_622 = arith.constant 0 : i32
        %dma_start3A_623 = arith.constant 0 : i32
        %dma_start3A_624 = tpu.memref_slice %arg2[%dma_start3A_622, %dma_start3A_623] : memref<10240x128xf32, #tpu.memory_space<hbm>> -> memref<10240x128xf32, #tpu.memory_space<hbm>>
        tpu.enqueue_indirect_dma source(%dma_start3A_624 : memref<10240x128xf32, #tpu.memory_space<hbm>>) target(%dma_start3A_618 : memref<64x128xf32, #tpu.memory_space<vmem>>) offsets(%dma_start3A_621 : memref<64xi32, #tpu.memory_space<vmem>>) semaphore(%arg10 : memref<!tpu.dma_semaphore, #tpu.memory_space<semaphore_mem>>)
        %add3A_625 = arith.constant 1 : i32
        %add3A_626 = arith.addi %mul3A_568, %add3A_625 : i32
        %dma_wait3A_627 = arith.constant 1 : i32
        %dma_wait3A_628 = arith.constant 0 : i32
        %dma_wait3A_629 = arith.constant 0 : i32
        %dma_wait3A_630 = tpu.memref_slice %arg9[%dma_wait3A_627, %dma_wait3A_628, %dma_wait3A_629] : memref<3x64x128xf32, #tpu.memory_space<vmem>> -> memref<1x64x128xf32, #tpu.memory_space<vmem>>
        %dma_wait3A_631 = tpu.memref_squeeze %dma_wait3A_630 : memref<1x64x128xf32, #tpu.memory_space<vmem>> -> memref<64x128xf32, #tpu.memory_space<vmem>>
        %dma_wait3A_632 = arith.constant 0 : i32
        %dma_wait3A_633 = tpu.memref_slice %arg7[%add3A_626, %dma_wait3A_632] : memref<80x64xi32, #tpu.memory_space<vmem>> -> memref<1x64xi32, #tpu.memory_space<vmem>>
        %dma_wait3A_634 = tpu.memref_squeeze %dma_wait3A_633 : memref<1x64xi32, #tpu.memory_space<vmem>> -> memref<64xi32, #tpu.memory_space<vmem>>
        %dma_wait3A_635 = arith.constant 0 : i32
        %dma_wait3A_636 = arith.constant 0 : i32
        %dma_wait3A_637 = tpu.memref_slice %arg2[%dma_wait3A_635, %dma_wait3A_636] : memref<10240x128xf32, #tpu.memory_space<hbm>> -> memref<10240x128xf32, #tpu.memory_space<hbm>>
        tpu.wait_indirect_dma semaphore(%arg11 : memref<!tpu.dma_semaphore, #tpu.memory_space<semaphore_mem>>) src(%dma_wait3A_637 : memref<10240x128xf32, #tpu.memory_space<hbm>>) dst(%dma_wait3A_631 : memref<64x128xf32, #tpu.memory_space<vmem>>)
        %mul3A_638 = arith.constant 1 : i32
        %mul3A_639 = arith.muli %add3A_626, %mul3A_638 : i32
        %add3A_640 = arith.constant 0 : i32
        %add3A_641 = arith.addi %mul3A_639, %add3A_640 : i32
        %dma_start3A_642 = arith.constant 1 : i32
        %dma_start3A_643 = arith.constant 0 : i32
        %dma_start3A_644 = arith.constant 0 : i32
        %dma_start3A_645 = tpu.memref_slice %arg9[%dma_start3A_642, %dma_start3A_643, %dma_start3A_644] : memref<3x64x128xf32, #tpu.memory_space<vmem>> -> memref<1x64x128xf32, #tpu.memory_space<vmem>>
        %dma_start3A_646 = tpu.memref_squeeze %dma_start3A_645 : memref<1x64x128xf32, #tpu.memory_space<vmem>> -> memref<64x128xf32, #tpu.memory_space<vmem>>
        %dma_start3A_647 = arith.constant 0 : i32
        %dma_start3A_648 = tpu.memref_slice %arg8[%add3A_641, %dma_start3A_647] : memref<80x64xi32, #tpu.memory_space<vmem>> -> memref<1x64xi32, #tpu.memory_space<vmem>>
        %dma_start3A_649 = tpu.memref_squeeze %dma_start3A_648 : memref<1x64xi32, #tpu.memory_space<vmem>> -> memref<64xi32, #tpu.memory_space<vmem>>
        %dma_start3A_650 = arith.constant 0 : i32
        %dma_start3A_651 = arith.constant 0 : i32
        %dma_start3A_652 = tpu.memref_slice %arg6[%dma_start3A_650, %dma_start3A_651] : memref<10240x128xf32, #tpu.memory_space<vmem_shared>> -> memref<10240x128xf32, #tpu.memory_space<vmem_shared>>
        tpu.enqueue_indirect_dma source(%dma_start3A_646 : memref<64x128xf32, #tpu.memory_space<vmem>>) target(%dma_start3A_652 : memref<10240x128xf32, #tpu.memory_space<vmem_shared>>) offsets(%dma_start3A_649 : memref<64xi32, #tpu.memory_space<vmem>>) semaphore(%arg14 : memref<!tpu.dma_semaphore, #tpu.memory_space<semaphore_mem>>) {add = true}
        %mul3A_653 = arith.constant 1 : i32
        %mul3A_654 = arith.muli %add3A_626, %mul3A_653 : i32
        %add3A_655 = arith.constant 0 : i32
        %add3A_656 = arith.addi %mul3A_654, %add3A_655 : i32
        %dma_wait3A_657 = arith.constant 1 : i32
        %dma_wait3A_658 = arith.constant 0 : i32
        %dma_wait3A_659 = arith.constant 0 : i32
        %dma_wait3A_660 = tpu.memref_slice %arg9[%dma_wait3A_657, %dma_wait3A_658, %dma_wait3A_659] : memref<3x64x128xf32, #tpu.memory_space<vmem>> -> memref<1x64x128xf32, #tpu.memory_space<vmem>>
        %dma_wait3A_661 = tpu.memref_squeeze %dma_wait3A_660 : memref<1x64x128xf32, #tpu.memory_space<vmem>> -> memref<64x128xf32, #tpu.memory_space<vmem>>
        %dma_wait3A_662 = arith.constant 0 : i32
        %dma_wait3A_663 = tpu.memref_slice %arg8[%add3A_656, %dma_wait3A_662] : memref<80x64xi32, #tpu.memory_space<vmem>> -> memref<1x64xi32, #tpu.memory_space<vmem>>
        %dma_wait3A_664 = tpu.memref_squeeze %dma_wait3A_663 : memref<1x64xi32, #tpu.memory_space<vmem>> -> memref<64xi32, #tpu.memory_space<vmem>>
        %dma_wait3A_665 = arith.constant 0 : i32
        %dma_wait3A_666 = arith.constant 0 : i32
        %dma_wait3A_667 = tpu.memref_slice %arg6[%dma_wait3A_665, %dma_wait3A_666] : memref<10240x128xf32, #tpu.memory_space<vmem_shared>> -> memref<10240x128xf32, #tpu.memory_space<vmem_shared>>
        tpu.wait_indirect_dma semaphore(%arg14 : memref<!tpu.dma_semaphore, #tpu.memory_space<semaphore_mem>>) src(%dma_wait3A_661 : memref<64x128xf32, #tpu.memory_space<vmem>>) dst(%dma_wait3A_667 : memref<10240x128xf32, #tpu.memory_space<vmem_shared>>)
        %add3A_668 = arith.constant 3 : i32
        %add3A_669 = arith.addi %add3A_626, %add3A_668 : i32
        %dma_start3A_670 = arith.constant 1 : i32
        %dma_start3A_671 = arith.constant 0 : i32
        %dma_start3A_672 = arith.constant 0 : i32
        %dma_start3A_673 = tpu.memref_slice %arg9[%dma_start3A_670, %dma_start3A_671, %dma_start3A_672] : memref<3x64x128xf32, #tpu.memory_space<vmem>> -> memref<1x64x128xf32, #tpu.memory_space<vmem>>
        %dma_start3A_674 = tpu.memref_squeeze %dma_start3A_673 : memref<1x64x128xf32, #tpu.memory_space<vmem>> -> memref<64x128xf32, #tpu.memory_space<vmem>>
        %dma_start3A_675 = arith.constant 0 : i32
        %dma_start3A_676 = tpu.memref_slice %arg7[%add3A_669, %dma_start3A_675] : memref<80x64xi32, #tpu.memory_space<vmem>> -> memref<1x64xi32, #tpu.memory_space<vmem>>
        %dma_start3A_677 = tpu.memref_squeeze %dma_start3A_676 : memref<1x64xi32, #tpu.memory_space<vmem>> -> memref<64xi32, #tpu.memory_space<vmem>>
        %dma_start3A_678 = arith.constant 0 : i32
        %dma_start3A_679 = arith.constant 0 : i32
        %dma_start3A_680 = tpu.memref_slice %arg2[%dma_start3A_678, %dma_start3A_679] : memref<10240x128xf32, #tpu.memory_space<hbm>> -> memref<10240x128xf32, #tpu.memory_space<hbm>>
        tpu.enqueue_indirect_dma source(%dma_start3A_680 : memref<10240x128xf32, #tpu.memory_space<hbm>>) target(%dma_start3A_674 : memref<64x128xf32, #tpu.memory_space<vmem>>) offsets(%dma_start3A_677 : memref<64xi32, #tpu.memory_space<vmem>>) semaphore(%arg11 : memref<!tpu.dma_semaphore, #tpu.memory_space<semaphore_mem>>)
        %add3A_681 = arith.constant 2 : i32
        %add3A_682 = arith.addi %mul3A_568, %add3A_681 : i32
        %dma_wait3A_683 = arith.constant 2 : i32
        %dma_wait3A_684 = arith.constant 0 : i32
        %dma_wait3A_685 = arith.constant 0 : i32
        %dma_wait3A_686 = tpu.memref_slice %arg9[%dma_wait3A_683, %dma_wait3A_684, %dma_wait3A_685] : memref<3x64x128xf32, #tpu.memory_space<vmem>> -> memref<1x64x128xf32, #tpu.memory_space<vmem>>
        %dma_wait3A_687 = tpu.memref_squeeze %dma_wait3A_686 : memref<1x64x128xf32, #tpu.memory_space<vmem>> -> memref<64x128xf32, #tpu.memory_space<vmem>>
        %dma_wait3A_688 = arith.constant 0 : i32
        %dma_wait3A_689 = tpu.memref_slice %arg7[%add3A_682, %dma_wait3A_688] : memref<80x64xi32, #tpu.memory_space<vmem>> -> memref<1x64xi32, #tpu.memory_space<vmem>>
        %dma_wait3A_690 = tpu.memref_squeeze %dma_wait3A_689 : memref<1x64xi32, #tpu.memory_space<vmem>> -> memref<64xi32, #tpu.memory_space<vmem>>
        %dma_wait3A_691 = arith.constant 0 : i32
        %dma_wait3A_692 = arith.constant 0 : i32
        %dma_wait3A_693 = tpu.memref_slice %arg2[%dma_wait3A_691, %dma_wait3A_692] : memref<10240x128xf32, #tpu.memory_space<hbm>> -> memref<10240x128xf32, #tpu.memory_space<hbm>>
        tpu.wait_indirect_dma semaphore(%arg12 : memref<!tpu.dma_semaphore, #tpu.memory_space<semaphore_mem>>) src(%dma_wait3A_693 : memref<10240x128xf32, #tpu.memory_space<hbm>>) dst(%dma_wait3A_687 : memref<64x128xf32, #tpu.memory_space<vmem>>)
        %mul3A_694 = arith.constant 1 : i32
        %mul3A_695 = arith.muli %add3A_682, %mul3A_694 : i32
        %add3A_696 = arith.constant 0 : i32
        %add3A_697 = arith.addi %mul3A_695, %add3A_696 : i32
        %dma_start3A_698 = arith.constant 2 : i32
        %dma_start3A_699 = arith.constant 0 : i32
        %dma_start3A_700 = arith.constant 0 : i32
        %dma_start3A_701 = tpu.memref_slice %arg9[%dma_start3A_698, %dma_start3A_699, %dma_start3A_700] : memref<3x64x128xf32, #tpu.memory_space<vmem>> -> memref<1x64x128xf32, #tpu.memory_space<vmem>>
        %dma_start3A_702 = tpu.memref_squeeze %dma_start3A_701 : memref<1x64x128xf32, #tpu.memory_space<vmem>> -> memref<64x128xf32, #tpu.memory_space<vmem>>
        %dma_start3A_703 = arith.constant 0 : i32
        %dma_start3A_704 = tpu.memref_slice %arg8[%add3A_697, %dma_start3A_703] : memref<80x64xi32, #tpu.memory_space<vmem>> -> memref<1x64xi32, #tpu.memory_space<vmem>>
        %dma_start3A_705 = tpu.memref_squeeze %dma_start3A_704 : memref<1x64xi32, #tpu.memory_space<vmem>> -> memref<64xi32, #tpu.memory_space<vmem>>
        %dma_start3A_706 = arith.constant 0 : i32
        %dma_start3A_707 = arith.constant 0 : i32
        %dma_start3A_708 = tpu.memref_slice %arg6[%dma_start3A_706, %dma_start3A_707] : memref<10240x128xf32, #tpu.memory_space<vmem_shared>> -> memref<10240x128xf32, #tpu.memory_space<vmem_shared>>
        tpu.enqueue_indirect_dma source(%dma_start3A_702 : memref<64x128xf32, #tpu.memory_space<vmem>>) target(%dma_start3A_708 : memref<10240x128xf32, #tpu.memory_space<vmem_shared>>) offsets(%dma_start3A_705 : memref<64xi32, #tpu.memory_space<vmem>>) semaphore(%arg15 : memref<!tpu.dma_semaphore, #tpu.memory_space<semaphore_mem>>) {add = true}
        %mul3A_709 = arith.constant 1 : i32
        %mul3A_710 = arith.muli %add3A_682, %mul3A_709 : i32
        %add3A_711 = arith.constant 0 : i32
        %add3A_712 = arith.addi %mul3A_710, %add3A_711 : i32
        %dma_wait3A_713 = arith.constant 2 : i32
        %dma_wait3A_714 = arith.constant 0 : i32
        %dma_wait3A_715 = arith.constant 0 : i32
        %dma_wait3A_716 = tpu.memref_slice %arg9[%dma_wait3A_713, %dma_wait3A_714, %dma_wait3A_715] : memref<3x64x128xf32, #tpu.memory_space<vmem>> -> memref<1x64x128xf32, #tpu.memory_space<vmem>>
        %dma_wait3A_717 = tpu.memref_squeeze %dma_wait3A_716 : memref<1x64x128xf32, #tpu.memory_space<vmem>> -> memref<64x128xf32, #tpu.memory_space<vmem>>
        %dma_wait3A_718 = arith.constant 0 : i32
        %dma_wait3A_719 = tpu.memref_slice %arg8[%add3A_712, %dma_wait3A_718] : memref<80x64xi32, #tpu.memory_space<vmem>> -> memref<1x64xi32, #tpu.memory_space<vmem>>
        %dma_wait3A_720 = tpu.memref_squeeze %dma_wait3A_719 : memref<1x64xi32, #tpu.memory_space<vmem>> -> memref<64xi32, #tpu.memory_space<vmem>>
        %dma_wait3A_721 = arith.constant 0 : i32
        %dma_wait3A_722 = arith.constant 0 : i32
        %dma_wait3A_723 = tpu.memref_slice %arg6[%dma_wait3A_721, %dma_wait3A_722] : memref<10240x128xf32, #tpu.memory_space<vmem_shared>> -> memref<10240x128xf32, #tpu.memory_space<vmem_shared>>
        tpu.wait_indirect_dma semaphore(%arg15 : memref<!tpu.dma_semaphore, #tpu.memory_space<semaphore_mem>>) src(%dma_wait3A_717 : memref<64x128xf32, #tpu.memory_space<vmem>>) dst(%dma_wait3A_723 : memref<10240x128xf32, #tpu.memory_space<vmem_shared>>)
        %add3A_724 = arith.constant 3 : i32
        %add3A_725 = arith.addi %add3A_682, %add3A_724 : i32
        %dma_start3A_726 = arith.constant 2 : i32
        %dma_start3A_727 = arith.constant 0 : i32
        %dma_start3A_728 = arith.constant 0 : i32
        %dma_start3A_729 = tpu.memref_slice %arg9[%dma_start3A_726, %dma_start3A_727, %dma_start3A_728] : memref<3x64x128xf32, #tpu.memory_space<vmem>> -> memref<1x64x128xf32, #tpu.memory_space<vmem>>
        %dma_start3A_730 = tpu.memref_squeeze %dma_start3A_729 : memref<1x64x128xf32, #tpu.memory_space<vmem>> -> memref<64x128xf32, #tpu.memory_space<vmem>>
        %dma_start3A_731 = arith.constant 0 : i32
        %dma_start3A_732 = tpu.memref_slice %arg7[%add3A_725, %dma_start3A_731] : memref<80x64xi32, #tpu.memory_space<vmem>> -> memref<1x64xi32, #tpu.memory_space<vmem>>
        %dma_start3A_733 = tpu.memref_squeeze %dma_start3A_732 : memref<1x64xi32, #tpu.memory_space<vmem>> -> memref<64xi32, #tpu.memory_space<vmem>>
        %dma_start3A_734 = arith.constant 0 : i32
        %dma_start3A_735 = arith.constant 0 : i32
        %dma_start3A_736 = tpu.memref_slice %arg2[%dma_start3A_734, %dma_start3A_735] : memref<10240x128xf32, #tpu.memory_space<hbm>> -> memref<10240x128xf32, #tpu.memory_space<hbm>>
        tpu.enqueue_indirect_dma source(%dma_start3A_736 : memref<10240x128xf32, #tpu.memory_space<hbm>>) target(%dma_start3A_730 : memref<64x128xf32, #tpu.memory_space<vmem>>) offsets(%dma_start3A_733 : memref<64xi32, #tpu.memory_space<vmem>>) semaphore(%arg12 : memref<!tpu.dma_semaphore, #tpu.memory_space<semaphore_mem>>)
      }
      %scan3A_110 = arith.constant 25 : i32
      %dma_wait3A = arith.constant 75 : i32
      %dma_wait3A_111 = arith.constant 0 : i32
      %dma_wait3A_112 = arith.constant 0 : i32
      %dma_wait3A_113 = arith.constant 0 : i32
      %dma_wait3A_114 = tpu.memref_slice %arg9[%dma_wait3A_111, %dma_wait3A_112, %dma_wait3A_113] : memref<3x64x128xf32, #tpu.memory_space<vmem>> -> memref<1x64x128xf32, #tpu.memory_space<vmem>>
      %dma_wait3A_115 = tpu.memref_squeeze %dma_wait3A_114 : memref<1x64x128xf32, #tpu.memory_space<vmem>> -> memref<64x128xf32, #tpu.memory_space<vmem>>
      %dma_wait3A_116 = arith.constant 0 : i32
      %dma_wait3A_117 = tpu.memref_slice %arg7[%dma_wait3A, %dma_wait3A_116] : memref<80x64xi32, #tpu.memory_space<vmem>> -> memref<1x64xi32, #tpu.memory_space<vmem>>
      %dma_wait3A_118 = tpu.memref_squeeze %dma_wait3A_117 : memref<1x64xi32, #tpu.memory_space<vmem>> -> memref<64xi32, #tpu.memory_space<vmem>>
      %dma_wait3A_119 = arith.constant 0 : i32
      %dma_wait3A_120 = arith.constant 0 : i32
      %dma_wait3A_121 = tpu.memref_slice %arg2[%dma_wait3A_119, %dma_wait3A_120] : memref<10240x128xf32, #tpu.memory_space<hbm>> -> memref<10240x128xf32, #tpu.memory_space<hbm>>
      tpu.wait_indirect_dma semaphore(%arg10 : memref<!tpu.dma_semaphore, #tpu.memory_space<semaphore_mem>>) src(%dma_wait3A_121 : memref<10240x128xf32, #tpu.memory_space<hbm>>) dst(%dma_wait3A_115 : memref<64x128xf32, #tpu.memory_space<vmem>>)
      %dma_start3A_122 = arith.constant 0 : i32
      %dma_start3A_123 = arith.constant 75 : i32
      %dma_start3A_124 = arith.constant 0 : i32
      %dma_start3A_125 = arith.constant 0 : i32
      %dma_start3A_126 = tpu.memref_slice %arg9[%dma_start3A_122, %dma_start3A_124, %dma_start3A_125] : memref<3x64x128xf32, #tpu.memory_space<vmem>> -> memref<1x64x128xf32, #tpu.memory_space<vmem>>
      %dma_start3A_127 = tpu.memref_squeeze %dma_start3A_126 : memref<1x64x128xf32, #tpu.memory_space<vmem>> -> memref<64x128xf32, #tpu.memory_space<vmem>>
      %dma_start3A_128 = arith.constant 0 : i32
      %dma_start3A_129 = tpu.memref_slice %arg8[%dma_start3A_123, %dma_start3A_128] : memref<80x64xi32, #tpu.memory_space<vmem>> -> memref<1x64xi32, #tpu.memory_space<vmem>>
      %dma_start3A_130 = tpu.memref_squeeze %dma_start3A_129 : memref<1x64xi32, #tpu.memory_space<vmem>> -> memref<64xi32, #tpu.memory_space<vmem>>
      %dma_start3A_131 = arith.constant 0 : i32
      %dma_start3A_132 = arith.constant 0 : i32
      %dma_start3A_133 = tpu.memref_slice %arg6[%dma_start3A_131, %dma_start3A_132] : memref<10240x128xf32, #tpu.memory_space<vmem_shared>> -> memref<10240x128xf32, #tpu.memory_space<vmem_shared>>
      tpu.enqueue_indirect_dma source(%dma_start3A_127 : memref<64x128xf32, #tpu.memory_space<vmem>>) target(%dma_start3A_133 : memref<10240x128xf32, #tpu.memory_space<vmem_shared>>) offsets(%dma_start3A_130 : memref<64xi32, #tpu.memory_space<vmem>>) semaphore(%arg13 : memref<!tpu.dma_semaphore, #tpu.memory_space<semaphore_mem>>) {add = true}
      %dma_wait3A_134 = arith.constant 0 : i32
      %dma_wait3A_135 = arith.constant 75 : i32
      %dma_wait3A_136 = arith.constant 0 : i32
      %dma_wait3A_137 = arith.constant 0 : i32
      %dma_wait3A_138 = tpu.memref_slice %arg9[%dma_wait3A_134, %dma_wait3A_136, %dma_wait3A_137] : memref<3x64x128xf32, #tpu.memory_space<vmem>> -> memref<1x64x128xf32, #tpu.memory_space<vmem>>
      %dma_wait3A_139 = tpu.memref_squeeze %dma_wait3A_138 : memref<1x64x128xf32, #tpu.memory_space<vmem>> -> memref<64x128xf32, #tpu.memory_space<vmem>>
      %dma_wait3A_140 = arith.constant 0 : i32
      %dma_wait3A_141 = tpu.memref_slice %arg8[%dma_wait3A_135, %dma_wait3A_140] : memref<80x64xi32, #tpu.memory_space<vmem>> -> memref<1x64xi32, #tpu.memory_space<vmem>>
      %dma_wait3A_142 = tpu.memref_squeeze %dma_wait3A_141 : memref<1x64xi32, #tpu.memory_space<vmem>> -> memref<64xi32, #tpu.memory_space<vmem>>
      %dma_wait3A_143 = arith.constant 0 : i32
      %dma_wait3A_144 = arith.constant 0 : i32
      %dma_wait3A_145 = tpu.memref_slice %arg6[%dma_wait3A_143, %dma_wait3A_144] : memref<10240x128xf32, #tpu.memory_space<vmem_shared>> -> memref<10240x128xf32, #tpu.memory_space<vmem_shared>>
      tpu.wait_indirect_dma semaphore(%arg13 : memref<!tpu.dma_semaphore, #tpu.memory_space<semaphore_mem>>) src(%dma_wait3A_139 : memref<64x128xf32, #tpu.memory_space<vmem>>) dst(%dma_wait3A_145 : memref<10240x128xf32, #tpu.memory_space<vmem_shared>>)
      %dma_start3A_146 = arith.constant 78 : i32
      %dma_start3A_147 = arith.constant 0 : i32
      %dma_start3A_148 = arith.constant 0 : i32
      %dma_start3A_149 = arith.constant 0 : i32
      %dma_start3A_150 = tpu.memref_slice %arg9[%dma_start3A_147, %dma_start3A_148, %dma_start3A_149] : memref<3x64x128xf32, #tpu.memory_space<vmem>> -> memref<1x64x128xf32, #tpu.memory_space<vmem>>
      %dma_start3A_151 = tpu.memref_squeeze %dma_start3A_150 : memref<1x64x128xf32, #tpu.memory_space<vmem>> -> memref<64x128xf32, #tpu.memory_space<vmem>>
      %dma_start3A_152 = arith.constant 0 : i32
      %dma_start3A_153 = tpu.memref_slice %arg7[%dma_start3A_146, %dma_start3A_152] : memref<80x64xi32, #tpu.memory_space<vmem>> -> memref<1x64xi32, #tpu.memory_space<vmem>>
      %dma_start3A_154 = tpu.memref_squeeze %dma_start3A_153 : memref<1x64xi32, #tpu.memory_space<vmem>> -> memref<64xi32, #tpu.memory_space<vmem>>
      %dma_start3A_155 = arith.constant 0 : i32
      %dma_start3A_156 = arith.constant 0 : i32
      %dma_start3A_157 = tpu.memref_slice %arg2[%dma_start3A_155, %dma_start3A_156] : memref<10240x128xf32, #tpu.memory_space<hbm>> -> memref<10240x128xf32, #tpu.memory_space<hbm>>
      tpu.enqueue_indirect_dma source(%dma_start3A_157 : memref<10240x128xf32, #tpu.memory_space<hbm>>) target(%dma_start3A_151 : memref<64x128xf32, #tpu.memory_space<vmem>>) offsets(%dma_start3A_154 : memref<64xi32, #tpu.memory_space<vmem>>) semaphore(%arg10 : memref<!tpu.dma_semaphore, #tpu.memory_space<semaphore_mem>>)
      %dma_wait3A_158 = arith.constant 76 : i32
      %dma_wait3A_159 = arith.constant 1 : i32
      %dma_wait3A_160 = arith.constant 0 : i32
      %dma_wait3A_161 = arith.constant 0 : i32
      %dma_wait3A_162 = tpu.memref_slice %arg9[%dma_wait3A_159, %dma_wait3A_160, %dma_wait3A_161] : memref<3x64x128xf32, #tpu.memory_space<vmem>> -> memref<1x64x128xf32, #tpu.memory_space<vmem>>
      %dma_wait3A_163 = tpu.memref_squeeze %dma_wait3A_162 : memref<1x64x128xf32, #tpu.memory_space<vmem>> -> memref<64x128xf32, #tpu.memory_space<vmem>>
      %dma_wait3A_164 = arith.constant 0 : i32
      %dma_wait3A_165 = tpu.memref_slice %arg7[%dma_wait3A_158, %dma_wait3A_164] : memref<80x64xi32, #tpu.memory_space<vmem>> -> memref<1x64xi32, #tpu.memory_space<vmem>>
      %dma_wait3A_166 = tpu.memref_squeeze %dma_wait3A_165 : memref<1x64xi32, #tpu.memory_space<vmem>> -> memref<64xi32, #tpu.memory_space<vmem>>
      %dma_wait3A_167 = arith.constant 0 : i32
      %dma_wait3A_168 = arith.constant 0 : i32
      %dma_wait3A_169 = tpu.memref_slice %arg2[%dma_wait3A_167, %dma_wait3A_168] : memref<10240x128xf32, #tpu.memory_space<hbm>> -> memref<10240x128xf32, #tpu.memory_space<hbm>>
      tpu.wait_indirect_dma semaphore(%arg11 : memref<!tpu.dma_semaphore, #tpu.memory_space<semaphore_mem>>) src(%dma_wait3A_169 : memref<10240x128xf32, #tpu.memory_space<hbm>>) dst(%dma_wait3A_163 : memref<64x128xf32, #tpu.memory_space<vmem>>)
      %dma_start3A_170 = arith.constant 1 : i32
      %dma_start3A_171 = arith.constant 76 : i32
      %dma_start3A_172 = arith.constant 0 : i32
      %dma_start3A_173 = arith.constant 0 : i32
      %dma_start3A_174 = tpu.memref_slice %arg9[%dma_start3A_170, %dma_start3A_172, %dma_start3A_173] : memref<3x64x128xf32, #tpu.memory_space<vmem>> -> memref<1x64x128xf32, #tpu.memory_space<vmem>>
      %dma_start3A_175 = tpu.memref_squeeze %dma_start3A_174 : memref<1x64x128xf32, #tpu.memory_space<vmem>> -> memref<64x128xf32, #tpu.memory_space<vmem>>
      %dma_start3A_176 = arith.constant 0 : i32
      %dma_start3A_177 = tpu.memref_slice %arg8[%dma_start3A_171, %dma_start3A_176] : memref<80x64xi32, #tpu.memory_space<vmem>> -> memref<1x64xi32, #tpu.memory_space<vmem>>
      %dma_start3A_178 = tpu.memref_squeeze %dma_start3A_177 : memref<1x64xi32, #tpu.memory_space<vmem>> -> memref<64xi32, #tpu.memory_space<vmem>>
      %dma_start3A_179 = arith.constant 0 : i32
      %dma_start3A_180 = arith.constant 0 : i32
      %dma_start3A_181 = tpu.memref_slice %arg6[%dma_start3A_179, %dma_start3A_180] : memref<10240x128xf32, #tpu.memory_space<vmem_shared>> -> memref<10240x128xf32, #tpu.memory_space<vmem_shared>>
      tpu.enqueue_indirect_dma source(%dma_start3A_175 : memref<64x128xf32, #tpu.memory_space<vmem>>) target(%dma_start3A_181 : memref<10240x128xf32, #tpu.memory_space<vmem_shared>>) offsets(%dma_start3A_178 : memref<64xi32, #tpu.memory_space<vmem>>) semaphore(%arg14 : memref<!tpu.dma_semaphore, #tpu.memory_space<semaphore_mem>>) {add = true}
      %dma_wait3A_182 = arith.constant 1 : i32
      %dma_wait3A_183 = arith.constant 76 : i32
      %dma_wait3A_184 = arith.constant 0 : i32
      %dma_wait3A_185 = arith.constant 0 : i32
      %dma_wait3A_186 = tpu.memref_slice %arg9[%dma_wait3A_182, %dma_wait3A_184, %dma_wait3A_185] : memref<3x64x128xf32, #tpu.memory_space<vmem>> -> memref<1x64x128xf32, #tpu.memory_space<vmem>>
      %dma_wait3A_187 = tpu.memref_squeeze %dma_wait3A_186 : memref<1x64x128xf32, #tpu.memory_space<vmem>> -> memref<64x128xf32, #tpu.memory_space<vmem>>
      %dma_wait3A_188 = arith.constant 0 : i32
      %dma_wait3A_189 = tpu.memref_slice %arg8[%dma_wait3A_183, %dma_wait3A_188] : memref<80x64xi32, #tpu.memory_space<vmem>> -> memref<1x64xi32, #tpu.memory_space<vmem>>
      %dma_wait3A_190 = tpu.memref_squeeze %dma_wait3A_189 : memref<1x64xi32, #tpu.memory_space<vmem>> -> memref<64xi32, #tpu.memory_space<vmem>>
      %dma_wait3A_191 = arith.constant 0 : i32
      %dma_wait3A_192 = arith.constant 0 : i32
      %dma_wait3A_193 = tpu.memref_slice %arg6[%dma_wait3A_191, %dma_wait3A_192] : memref<10240x128xf32, #tpu.memory_space<vmem_shared>> -> memref<10240x128xf32, #tpu.memory_space<vmem_shared>>
      tpu.wait_indirect_dma semaphore(%arg14 : memref<!tpu.dma_semaphore, #tpu.memory_space<semaphore_mem>>) src(%dma_wait3A_187 : memref<64x128xf32, #tpu.memory_space<vmem>>) dst(%dma_wait3A_193 : memref<10240x128xf32, #tpu.memory_space<vmem_shared>>)
      %dma_start3A_194 = arith.constant 79 : i32
      %dma_start3A_195 = arith.constant 1 : i32
      %dma_start3A_196 = arith.constant 0 : i32
      %dma_start3A_197 = arith.constant 0 : i32
      %dma_start3A_198 = tpu.memref_slice %arg9[%dma_start3A_195, %dma_start3A_196, %dma_start3A_197] : memref<3x64x128xf32, #tpu.memory_space<vmem>> -> memref<1x64x128xf32, #tpu.memory_space<vmem>>
      %dma_start3A_199 = tpu.memref_squeeze %dma_start3A_198 : memref<1x64x128xf32, #tpu.memory_space<vmem>> -> memref<64x128xf32, #tpu.memory_space<vmem>>
      %dma_start3A_200 = arith.constant 0 : i32
      %dma_start3A_201 = tpu.memref_slice %arg7[%dma_start3A_194, %dma_start3A_200] : memref<80x64xi32, #tpu.memory_space<vmem>> -> memref<1x64xi32, #tpu.memory_space<vmem>>
      %dma_start3A_202 = tpu.memref_squeeze %dma_start3A_201 : memref<1x64xi32, #tpu.memory_space<vmem>> -> memref<64xi32, #tpu.memory_space<vmem>>
      %dma_start3A_203 = arith.constant 0 : i32
      %dma_start3A_204 = arith.constant 0 : i32
      %dma_start3A_205 = tpu.memref_slice %arg2[%dma_start3A_203, %dma_start3A_204] : memref<10240x128xf32, #tpu.memory_space<hbm>> -> memref<10240x128xf32, #tpu.memory_space<hbm>>
      tpu.enqueue_indirect_dma source(%dma_start3A_205 : memref<10240x128xf32, #tpu.memory_space<hbm>>) target(%dma_start3A_199 : memref<64x128xf32, #tpu.memory_space<vmem>>) offsets(%dma_start3A_202 : memref<64xi32, #tpu.memory_space<vmem>>) semaphore(%arg11 : memref<!tpu.dma_semaphore, #tpu.memory_space<semaphore_mem>>)
      %dma_wait3A_206 = arith.constant 77 : i32
      %dma_wait3A_207 = arith.constant 2 : i32
      %dma_wait3A_208 = arith.constant 0 : i32
      %dma_wait3A_209 = arith.constant 0 : i32
      %dma_wait3A_210 = tpu.memref_slice %arg9[%dma_wait3A_207, %dma_wait3A_208, %dma_wait3A_209] : memref<3x64x128xf32, #tpu.memory_space<vmem>> -> memref<1x64x128xf32, #tpu.memory_space<vmem>>
      %dma_wait3A_211 = tpu.memref_squeeze %dma_wait3A_210 : memref<1x64x128xf32, #tpu.memory_space<vmem>> -> memref<64x128xf32, #tpu.memory_space<vmem>>
      %dma_wait3A_212 = arith.constant 0 : i32
      %dma_wait3A_213 = tpu.memref_slice %arg7[%dma_wait3A_206, %dma_wait3A_212] : memref<80x64xi32, #tpu.memory_space<vmem>> -> memref<1x64xi32, #tpu.memory_space<vmem>>
      %dma_wait3A_214 = tpu.memref_squeeze %dma_wait3A_213 : memref<1x64xi32, #tpu.memory_space<vmem>> -> memref<64xi32, #tpu.memory_space<vmem>>
      %dma_wait3A_215 = arith.constant 0 : i32
      %dma_wait3A_216 = arith.constant 0 : i32
      %dma_wait3A_217 = tpu.memref_slice %arg2[%dma_wait3A_215, %dma_wait3A_216] : memref<10240x128xf32, #tpu.memory_space<hbm>> -> memref<10240x128xf32, #tpu.memory_space<hbm>>
      tpu.wait_indirect_dma semaphore(%arg12 : memref<!tpu.dma_semaphore, #tpu.memory_space<semaphore_mem>>) src(%dma_wait3A_217 : memref<10240x128xf32, #tpu.memory_space<hbm>>) dst(%dma_wait3A_211 : memref<64x128xf32, #tpu.memory_space<vmem>>)
      %dma_start3A_218 = arith.constant 2 : i32
      %dma_start3A_219 = arith.constant 77 : i32
      %dma_start3A_220 = arith.constant 0 : i32
      %dma_start3A_221 = arith.constant 0 : i32
      %dma_start3A_222 = tpu.memref_slice %arg9[%dma_start3A_218, %dma_start3A_220, %dma_start3A_221] : memref<3x64x128xf32, #tpu.memory_space<vmem>> -> memref<1x64x128xf32, #tpu.memory_space<vmem>>
      %dma_start3A_223 = tpu.memref_squeeze %dma_start3A_222 : memref<1x64x128xf32, #tpu.memory_space<vmem>> -> memref<64x128xf32, #tpu.memory_space<vmem>>
      %dma_start3A_224 = arith.constant 0 : i32
      %dma_start3A_225 = tpu.memref_slice %arg8[%dma_start3A_219, %dma_start3A_224] : memref<80x64xi32, #tpu.memory_space<vmem>> -> memref<1x64xi32, #tpu.memory_space<vmem>>
      %dma_start3A_226 = tpu.memref_squeeze %dma_start3A_225 : memref<1x64xi32, #tpu.memory_space<vmem>> -> memref<64xi32, #tpu.memory_space<vmem>>
      %dma_start3A_227 = arith.constant 0 : i32
      %dma_start3A_228 = arith.constant 0 : i32
      %dma_start3A_229 = tpu.memref_slice %arg6[%dma_start3A_227, %dma_start3A_228] : memref<10240x128xf32, #tpu.memory_space<vmem_shared>> -> memref<10240x128xf32, #tpu.memory_space<vmem_shared>>
      tpu.enqueue_indirect_dma source(%dma_start3A_223 : memref<64x128xf32, #tpu.memory_space<vmem>>) target(%dma_start3A_229 : memref<10240x128xf32, #tpu.memory_space<vmem_shared>>) offsets(%dma_start3A_226 : memref<64xi32, #tpu.memory_space<vmem>>) semaphore(%arg15 : memref<!tpu.dma_semaphore, #tpu.memory_space<semaphore_mem>>) {add = true}
      %dma_wait3A_230 = arith.constant 2 : i32
      %dma_wait3A_231 = arith.constant 77 : i32
      %dma_wait3A_232 = arith.constant 0 : i32
      %dma_wait3A_233 = arith.constant 0 : i32
      %dma_wait3A_234 = tpu.memref_slice %arg9[%dma_wait3A_230, %dma_wait3A_232, %dma_wait3A_233] : memref<3x64x128xf32, #tpu.memory_space<vmem>> -> memref<1x64x128xf32, #tpu.memory_space<vmem>>
      %dma_wait3A_235 = tpu.memref_squeeze %dma_wait3A_234 : memref<1x64x128xf32, #tpu.memory_space<vmem>> -> memref<64x128xf32, #tpu.memory_space<vmem>>
      %dma_wait3A_236 = arith.constant 0 : i32
      %dma_wait3A_237 = tpu.memref_slice %arg8[%dma_wait3A_231, %dma_wait3A_236] : memref<80x64xi32, #tpu.memory_space<vmem>> -> memref<1x64xi32, #tpu.memory_space<vmem>>
      %dma_wait3A_238 = tpu.memref_squeeze %dma_wait3A_237 : memref<1x64xi32, #tpu.memory_space<vmem>> -> memref<64xi32, #tpu.memory_space<vmem>>
      %dma_wait3A_239 = arith.constant 0 : i32
      %dma_wait3A_240 = arith.constant 0 : i32
      %dma_wait3A_241 = tpu.memref_slice %arg6[%dma_wait3A_239, %dma_wait3A_240] : memref<10240x128xf32, #tpu.memory_space<vmem_shared>> -> memref<10240x128xf32, #tpu.memory_space<vmem_shared>>
      tpu.wait_indirect_dma semaphore(%arg15 : memref<!tpu.dma_semaphore, #tpu.memory_space<semaphore_mem>>) src(%dma_wait3A_235 : memref<64x128xf32, #tpu.memory_space<vmem>>) dst(%dma_wait3A_241 : memref<10240x128xf32, #tpu.memory_space<vmem_shared>>)
      %dma_wait3A_242 = arith.constant 78 : i32
      %dma_wait3A_243 = arith.constant 0 : i32
      %dma_wait3A_244 = arith.constant 0 : i32
      %dma_wait3A_245 = arith.constant 0 : i32
      %dma_wait3A_246 = tpu.memref_slice %arg9[%dma_wait3A_243, %dma_wait3A_244, %dma_wait3A_245] : memref<3x64x128xf32, #tpu.memory_space<vmem>> -> memref<1x64x128xf32, #tpu.memory_space<vmem>>
      %dma_wait3A_247 = tpu.memref_squeeze %dma_wait3A_246 : memref<1x64x128xf32, #tpu.memory_space<vmem>> -> memref<64x128xf32, #tpu.memory_space<vmem>>
      %dma_wait3A_248 = arith.constant 0 : i32
      %dma_wait3A_249 = tpu.memref_slice %arg7[%dma_wait3A_242, %dma_wait3A_248] : memref<80x64xi32, #tpu.memory_space<vmem>> -> memref<1x64xi32, #tpu.memory_space<vmem>>
      %dma_wait3A_250 = tpu.memref_squeeze %dma_wait3A_249 : memref<1x64xi32, #tpu.memory_space<vmem>> -> memref<64xi32, #tpu.memory_space<vmem>>
      %dma_wait3A_251 = arith.constant 0 : i32
      %dma_wait3A_252 = arith.constant 0 : i32
      %dma_wait3A_253 = tpu.memref_slice %arg2[%dma_wait3A_251, %dma_wait3A_252] : memref<10240x128xf32, #tpu.memory_space<hbm>> -> memref<10240x128xf32, #tpu.memory_space<hbm>>
      tpu.wait_indirect_dma semaphore(%arg10 : memref<!tpu.dma_semaphore, #tpu.memory_space<semaphore_mem>>) src(%dma_wait3A_253 : memref<10240x128xf32, #tpu.memory_space<hbm>>) dst(%dma_wait3A_247 : memref<64x128xf32, #tpu.memory_space<vmem>>)
      %dma_start3A_254 = arith.constant 0 : i32
      %dma_start3A_255 = arith.constant 78 : i32
      %dma_start3A_256 = arith.constant 0 : i32
      %dma_start3A_257 = arith.constant 0 : i32
      %dma_start3A_258 = tpu.memref_slice %arg9[%dma_start3A_254, %dma_start3A_256, %dma_start3A_257] : memref<3x64x128xf32, #tpu.memory_space<vmem>> -> memref<1x64x128xf32, #tpu.memory_space<vmem>>
      %dma_start3A_259 = tpu.memref_squeeze %dma_start3A_258 : memref<1x64x128xf32, #tpu.memory_space<vmem>> -> memref<64x128xf32, #tpu.memory_space<vmem>>
      %dma_start3A_260 = arith.constant 0 : i32
      %dma_start3A_261 = tpu.memref_slice %arg8[%dma_start3A_255, %dma_start3A_260] : memref<80x64xi32, #tpu.memory_space<vmem>> -> memref<1x64xi32, #tpu.memory_space<vmem>>
      %dma_start3A_262 = tpu.memref_squeeze %dma_start3A_261 : memref<1x64xi32, #tpu.memory_space<vmem>> -> memref<64xi32, #tpu.memory_space<vmem>>
      %dma_start3A_263 = arith.constant 0 : i32
      %dma_start3A_264 = arith.constant 0 : i32
      %dma_start3A_265 = tpu.memref_slice %arg6[%dma_start3A_263, %dma_start3A_264] : memref<10240x128xf32, #tpu.memory_space<vmem_shared>> -> memref<10240x128xf32, #tpu.memory_space<vmem_shared>>
      tpu.enqueue_indirect_dma source(%dma_start3A_259 : memref<64x128xf32, #tpu.memory_space<vmem>>) target(%dma_start3A_265 : memref<10240x128xf32, #tpu.memory_space<vmem_shared>>) offsets(%dma_start3A_262 : memref<64xi32, #tpu.memory_space<vmem>>) semaphore(%arg13 : memref<!tpu.dma_semaphore, #tpu.memory_space<semaphore_mem>>) {add = true}
      %dma_wait3A_266 = arith.constant 0 : i32
      %dma_wait3A_267 = arith.constant 78 : i32
      %dma_wait3A_268 = arith.constant 0 : i32
      %dma_wait3A_269 = arith.constant 0 : i32
      %dma_wait3A_270 = tpu.memref_slice %arg9[%dma_wait3A_266, %dma_wait3A_268, %dma_wait3A_269] : memref<3x64x128xf32, #tpu.memory_space<vmem>> -> memref<1x64x128xf32, #tpu.memory_space<vmem>>
      %dma_wait3A_271 = tpu.memref_squeeze %dma_wait3A_270 : memref<1x64x128xf32, #tpu.memory_space<vmem>> -> memref<64x128xf32, #tpu.memory_space<vmem>>
      %dma_wait3A_272 = arith.constant 0 : i32
      %dma_wait3A_273 = tpu.memref_slice %arg8[%dma_wait3A_267, %dma_wait3A_272] : memref<80x64xi32, #tpu.memory_space<vmem>> -> memref<1x64xi32, #tpu.memory_space<vmem>>
      %dma_wait3A_274 = tpu.memref_squeeze %dma_wait3A_273 : memref<1x64xi32, #tpu.memory_space<vmem>> -> memref<64xi32, #tpu.memory_space<vmem>>
      %dma_wait3A_275 = arith.constant 0 : i32
      %dma_wait3A_276 = arith.constant 0 : i32
      %dma_wait3A_277 = tpu.memref_slice %arg6[%dma_wait3A_275, %dma_wait3A_276] : memref<10240x128xf32, #tpu.memory_space<vmem_shared>> -> memref<10240x128xf32, #tpu.memory_space<vmem_shared>>
      tpu.wait_indirect_dma semaphore(%arg13 : memref<!tpu.dma_semaphore, #tpu.memory_space<semaphore_mem>>) src(%dma_wait3A_271 : memref<64x128xf32, #tpu.memory_space<vmem>>) dst(%dma_wait3A_277 : memref<10240x128xf32, #tpu.memory_space<vmem_shared>>)
      %dma_wait3A_278 = arith.constant 79 : i32
      %dma_wait3A_279 = arith.constant 1 : i32
      %dma_wait3A_280 = arith.constant 0 : i32
      %dma_wait3A_281 = arith.constant 0 : i32
      %dma_wait3A_282 = tpu.memref_slice %arg9[%dma_wait3A_279, %dma_wait3A_280, %dma_wait3A_281] : memref<3x64x128xf32, #tpu.memory_space<vmem>> -> memref<1x64x128xf32, #tpu.memory_space<vmem>>
      %dma_wait3A_283 = tpu.memref_squeeze %dma_wait3A_282 : memref<1x64x128xf32, #tpu.memory_space<vmem>> -> memref<64x128xf32, #tpu.memory_space<vmem>>
      %dma_wait3A_284 = arith.constant 0 : i32
      %dma_wait3A_285 = tpu.memref_slice %arg7[%dma_wait3A_278, %dma_wait3A_284] : memref<80x64xi32, #tpu.memory_space<vmem>> -> memref<1x64xi32, #tpu.memory_space<vmem>>
      %dma_wait3A_286 = tpu.memref_squeeze %dma_wait3A_285 : memref<1x64xi32, #tpu.memory_space<vmem>> -> memref<64xi32, #tpu.memory_space<vmem>>
      %dma_wait3A_287 = arith.constant 0 : i32
      %dma_wait3A_288 = arith.constant 0 : i32
      %dma_wait3A_289 = tpu.memref_slice %arg2[%dma_wait3A_287, %dma_wait3A_288] : memref<10240x128xf32, #tpu.memory_space<hbm>> -> memref<10240x128xf32, #tpu.memory_space<hbm>>
      tpu.wait_indirect_dma semaphore(%arg11 : memref<!tpu.dma_semaphore, #tpu.memory_space<semaphore_mem>>) src(%dma_wait3A_289 : memref<10240x128xf32, #tpu.memory_space<hbm>>) dst(%dma_wait3A_283 : memref<64x128xf32, #tpu.memory_space<vmem>>)
      %dma_start3A_290 = arith.constant 1 : i32
      %dma_start3A_291 = arith.constant 79 : i32
      %dma_start3A_292 = arith.constant 0 : i32
      %dma_start3A_293 = arith.constant 0 : i32
      %dma_start3A_294 = tpu.memref_slice %arg9[%dma_start3A_290, %dma_start3A_292, %dma_start3A_293] : memref<3x64x128xf32, #tpu.memory_space<vmem>> -> memref<1x64x128xf32, #tpu.memory_space<vmem>>
      %dma_start3A_295 = tpu.memref_squeeze %dma_start3A_294 : memref<1x64x128xf32, #tpu.memory_space<vmem>> -> memref<64x128xf32, #tpu.memory_space<vmem>>
      %dma_start3A_296 = arith.constant 0 : i32
      %dma_start3A_297 = tpu.memref_slice %arg8[%dma_start3A_291, %dma_start3A_296] : memref<80x64xi32, #tpu.memory_space<vmem>> -> memref<1x64xi32, #tpu.memory_space<vmem>>
      %dma_start3A_298 = tpu.memref_squeeze %dma_start3A_297 : memref<1x64xi32, #tpu.memory_space<vmem>> -> memref<64xi32, #tpu.memory_space<vmem>>
      %dma_start3A_299 = arith.constant 0 : i32
      %dma_start3A_300 = arith.constant 0 : i32
      %dma_start3A_301 = tpu.memref_slice %arg6[%dma_start3A_299, %dma_start3A_300] : memref<10240x128xf32, #tpu.memory_space<vmem_shared>> -> memref<10240x128xf32, #tpu.memory_space<vmem_shared>>
      tpu.enqueue_indirect_dma source(%dma_start3A_295 : memref<64x128xf32, #tpu.memory_space<vmem>>) target(%dma_start3A_301 : memref<10240x128xf32, #tpu.memory_space<vmem_shared>>) offsets(%dma_start3A_298 : memref<64xi32, #tpu.memory_space<vmem>>) semaphore(%arg14 : memref<!tpu.dma_semaphore, #tpu.memory_space<semaphore_mem>>) {add = true}
      %dma_wait3A_302 = arith.constant 1 : i32
      %dma_wait3A_303 = arith.constant 79 : i32
      %dma_wait3A_304 = arith.constant 0 : i32
      %dma_wait3A_305 = arith.constant 0 : i32
      %dma_wait3A_306 = tpu.memref_slice %arg9[%dma_wait3A_302, %dma_wait3A_304, %dma_wait3A_305] : memref<3x64x128xf32, #tpu.memory_space<vmem>> -> memref<1x64x128xf32, #tpu.memory_space<vmem>>
      %dma_wait3A_307 = tpu.memref_squeeze %dma_wait3A_306 : memref<1x64x128xf32, #tpu.memory_space<vmem>> -> memref<64x128xf32, #tpu.memory_space<vmem>>
      %dma_wait3A_308 = arith.constant 0 : i32
      %dma_wait3A_309 = tpu.memref_slice %arg8[%dma_wait3A_303, %dma_wait3A_308] : memref<80x64xi32, #tpu.memory_space<vmem>> -> memref<1x64xi32, #tpu.memory_space<vmem>>
      %dma_wait3A_310 = tpu.memref_squeeze %dma_wait3A_309 : memref<1x64xi32, #tpu.memory_space<vmem>> -> memref<64xi32, #tpu.memory_space<vmem>>
      %dma_wait3A_311 = arith.constant 0 : i32
      %dma_wait3A_312 = arith.constant 0 : i32
      %dma_wait3A_313 = tpu.memref_slice %arg6[%dma_wait3A_311, %dma_wait3A_312] : memref<10240x128xf32, #tpu.memory_space<vmem_shared>> -> memref<10240x128xf32, #tpu.memory_space<vmem_shared>>
      tpu.wait_indirect_dma semaphore(%arg14 : memref<!tpu.dma_semaphore, #tpu.memory_space<semaphore_mem>>) src(%dma_wait3A_307 : memref<64x128xf32, #tpu.memory_space<vmem>>) dst(%dma_wait3A_313 : memref<10240x128xf32, #tpu.memory_space<vmem_shared>>)
      %mul3A_314 = arith.constant 320 : i32
      %mul3A_315 = arith.muli %arg1, %mul3A_314 : i32
      %add3A_316 = arith.constant 80 : i32
      %add3A_317 = arith.addi %mul3A_315, %add3A_316 : i32
      "tpu.region"() ({
        %run_scoped3A_566 = tpu.sem_alloc : memref<!tpu.dma_semaphore, #tpu.memory_space<semaphore_mem>>
        %dma_start3A_567 = arith.constant 0 : i32
        %dma_start3A_568 = arith.constant 0 : i32
        %dma_start3A_569 = tpu.memref_slice %arg7[%dma_start3A_567, %dma_start3A_568] : memref<80x64xi32, #tpu.memory_space<vmem>> -> memref<80x64xi32, #tpu.memory_space<vmem>>
        %dma_start3A_570 = arith.constant 0 : i32
        %dma_start3A_571 = tpu.memref_slice %arg3[%add3A_317, %dma_start3A_570] : memref<5120x64xi32, #tpu.memory_space<hbm>> -> memref<80x64xi32, #tpu.memory_space<hbm>>
        %dma_start3A_572 = arith.constant 0 : i32
        %dma_start3A_573 = arith.constant 0 : i32
        %dma_start3A_574 = tpu.memref_slice %arg7[%dma_start3A_572, %dma_start3A_573] : memref<80x64xi32, #tpu.memory_space<vmem>> -> memref<80x64xi32, #tpu.memory_space<vmem>>
        %dma_start3A_575 = arith.constant 0 : i32
        %dma_start3A_576 = tpu.memref_slice %arg3[%add3A_317, %dma_start3A_575] : memref<5120x64xi32, #tpu.memory_space<hbm>> -> memref<80x64xi32, #tpu.memory_space<hbm>>
        tpu.enqueue_dma source(%dma_start3A_576 : memref<80x64xi32, #tpu.memory_space<hbm>>) target(%dma_start3A_574 : memref<80x64xi32, #tpu.memory_space<vmem>>) target_semaphore(%run_scoped3A_566 : memref<!tpu.dma_semaphore, #tpu.memory_space<semaphore_mem>>)
        %dma_wait3A_577 = arith.constant 0 : i32
        %dma_wait3A_578 = arith.constant 0 : i32
        %dma_wait3A_579 = tpu.memref_slice %arg7[%dma_wait3A_577, %dma_wait3A_578] : memref<80x64xi32, #tpu.memory_space<vmem>> -> memref<80x64xi32, #tpu.memory_space<vmem>>
        %dma_wait3A_580 = arith.constant 0 : i32
        %dma_wait3A_581 = tpu.memref_slice %arg3[%add3A_317, %dma_wait3A_580] : memref<5120x64xi32, #tpu.memory_space<hbm>> -> memref<80x64xi32, #tpu.memory_space<hbm>>
        %dma_wait3A_582 = arith.constant 0 : i32
        %dma_wait3A_583 = arith.constant 0 : i32
        %dma_wait3A_584 = tpu.memref_slice %arg7[%dma_wait3A_582, %dma_wait3A_583] : memref<80x64xi32, #tpu.memory_space<vmem>> -> memref<80x64xi32, #tpu.memory_space<vmem>>
        %dma_wait3A_585 = arith.constant 0 : i32
        %dma_wait3A_586 = tpu.memref_slice %arg3[%add3A_317, %dma_wait3A_585] : memref<5120x64xi32, #tpu.memory_space<hbm>> -> memref<80x64xi32, #tpu.memory_space<hbm>>
        tpu.wait_dma2 semaphore(%run_scoped3A_566 : memref<!tpu.dma_semaphore, #tpu.memory_space<semaphore_mem>>) src(%dma_wait3A_586 : memref<80x64xi32, #tpu.memory_space<hbm>>) dst(%dma_wait3A_584 : memref<80x64xi32, #tpu.memory_space<vmem>>)
        tpu.yield
      }) : () -> ()
      %mul3A_318 = arith.constant 1 : i32
      %mul3A_319 = arith.muli %add3A_317, %mul3A_318 : i32
      "tpu.region"() ({
        %run_scoped3A_566 = tpu.sem_alloc : memref<!tpu.dma_semaphore, #tpu.memory_space<semaphore_mem>>
        %dma_start3A_567 = arith.constant 0 : i32
        %dma_start3A_568 = arith.constant 0 : i32
        %dma_start3A_569 = tpu.memref_slice %arg8[%dma_start3A_567, %dma_start3A_568] : memref<80x64xi32, #tpu.memory_space<vmem>> -> memref<80x64xi32, #tpu.memory_space<vmem>>
        %dma_start3A_570 = arith.constant 0 : i32
        %dma_start3A_571 = tpu.memref_slice %arg4[%mul3A_319, %dma_start3A_570] : memref<5120x64xi32, #tpu.memory_space<hbm>> -> memref<80x64xi32, #tpu.memory_space<hbm>>
        %dma_start3A_572 = arith.constant 0 : i32
        %dma_start3A_573 = arith.constant 0 : i32
        %dma_start3A_574 = tpu.memref_slice %arg8[%dma_start3A_572, %dma_start3A_573] : memref<80x64xi32, #tpu.memory_space<vmem>> -> memref<80x64xi32, #tpu.memory_space<vmem>>
        %dma_start3A_575 = arith.constant 0 : i32
        %dma_start3A_576 = tpu.memref_slice %arg4[%mul3A_319, %dma_start3A_575] : memref<5120x64xi32, #tpu.memory_space<hbm>> -> memref<80x64xi32, #tpu.memory_space<hbm>>
        tpu.enqueue_dma source(%dma_start3A_576 : memref<80x64xi32, #tpu.memory_space<hbm>>) target(%dma_start3A_574 : memref<80x64xi32, #tpu.memory_space<vmem>>) target_semaphore(%run_scoped3A_566 : memref<!tpu.dma_semaphore, #tpu.memory_space<semaphore_mem>>)
        %dma_wait3A_577 = arith.constant 0 : i32
        %dma_wait3A_578 = arith.constant 0 : i32
        %dma_wait3A_579 = tpu.memref_slice %arg8[%dma_wait3A_577, %dma_wait3A_578] : memref<80x64xi32, #tpu.memory_space<vmem>> -> memref<80x64xi32, #tpu.memory_space<vmem>>
        %dma_wait3A_580 = arith.constant 0 : i32
        %dma_wait3A_581 = tpu.memref_slice %arg4[%mul3A_319, %dma_wait3A_580] : memref<5120x64xi32, #tpu.memory_space<hbm>> -> memref<80x64xi32, #tpu.memory_space<hbm>>
        %dma_wait3A_582 = arith.constant 0 : i32
        %dma_wait3A_583 = arith.constant 0 : i32
        %dma_wait3A_584 = tpu.memref_slice %arg8[%dma_wait3A_582, %dma_wait3A_583] : memref<80x64xi32, #tpu.memory_space<vmem>> -> memref<80x64xi32, #tpu.memory_space<vmem>>
        %dma_wait3A_585 = arith.constant 0 : i32
        %dma_wait3A_586 = tpu.memref_slice %arg4[%mul3A_319, %dma_wait3A_585] : memref<5120x64xi32, #tpu.memory_space<hbm>> -> memref<80x64xi32, #tpu.memory_space<hbm>>
        tpu.wait_dma2 semaphore(%run_scoped3A_566 : memref<!tpu.dma_semaphore, #tpu.memory_space<semaphore_mem>>) src(%dma_wait3A_586 : memref<80x64xi32, #tpu.memory_space<hbm>>) dst(%dma_wait3A_584 : memref<80x64xi32, #tpu.memory_space<vmem>>)
        tpu.yield
      }) : () -> ()
      %dma_start3A_320 = arith.constant 0 : i32
      %dma_start3A_321 = arith.constant 0 : i32
      %dma_start3A_322 = arith.constant 0 : i32
      %dma_start3A_323 = arith.constant 0 : i32
      %dma_start3A_324 = tpu.memref_slice %arg9[%dma_start3A_321, %dma_start3A_322, %dma_start3A_323] : memref<3x64x128xf32, #tpu.memory_space<vmem>> -> memref<1x64x128xf32, #tpu.memory_space<vmem>>
      %dma_start3A_325 = tpu.memref_squeeze %dma_start3A_324 : memref<1x64x128xf32, #tpu.memory_space<vmem>> -> memref<64x128xf32, #tpu.memory_space<vmem>>
      %dma_start3A_326 = arith.constant 0 : i32
      %dma_start3A_327 = tpu.memref_slice %arg7[%dma_start3A_320, %dma_start3A_326] : memref<80x64xi32, #tpu.memory_space<vmem>> -> memref<1x64xi32, #tpu.memory_space<vmem>>
      %dma_start3A_328 = tpu.memref_squeeze %dma_start3A_327 : memref<1x64xi32, #tpu.memory_space<vmem>> -> memref<64xi32, #tpu.memory_space<vmem>>
      %dma_start3A_329 = arith.constant 0 : i32
      %dma_start3A_330 = arith.constant 0 : i32
      %dma_start3A_331 = tpu.memref_slice %arg2[%dma_start3A_329, %dma_start3A_330] : memref<10240x128xf32, #tpu.memory_space<hbm>> -> memref<10240x128xf32, #tpu.memory_space<hbm>>
      tpu.enqueue_indirect_dma source(%dma_start3A_331 : memref<10240x128xf32, #tpu.memory_space<hbm>>) target(%dma_start3A_325 : memref<64x128xf32, #tpu.memory_space<vmem>>) offsets(%dma_start3A_328 : memref<64xi32, #tpu.memory_space<vmem>>) semaphore(%arg10 : memref<!tpu.dma_semaphore, #tpu.memory_space<semaphore_mem>>)
      %dma_start3A_332 = arith.constant 1 : i32
      %dma_start3A_333 = arith.constant 1 : i32
      %dma_start3A_334 = arith.constant 0 : i32
      %dma_start3A_335 = arith.constant 0 : i32
      %dma_start3A_336 = tpu.memref_slice %arg9[%dma_start3A_333, %dma_start3A_334, %dma_start3A_335] : memref<3x64x128xf32, #tpu.memory_space<vmem>> -> memref<1x64x128xf32, #tpu.memory_space<vmem>>
      %dma_start3A_337 = tpu.memref_squeeze %dma_start3A_336 : memref<1x64x128xf32, #tpu.memory_space<vmem>> -> memref<64x128xf32, #tpu.memory_space<vmem>>
      %dma_start3A_338 = arith.constant 0 : i32
      %dma_start3A_339 = tpu.memref_slice %arg7[%dma_start3A_332, %dma_start3A_338] : memref<80x64xi32, #tpu.memory_space<vmem>> -> memref<1x64xi32, #tpu.memory_space<vmem>>
      %dma_start3A_340 = tpu.memref_squeeze %dma_start3A_339 : memref<1x64xi32, #tpu.memory_space<vmem>> -> memref<64xi32, #tpu.memory_space<vmem>>
      %dma_start3A_341 = arith.constant 0 : i32
      %dma_start3A_342 = arith.constant 0 : i32
      %dma_start3A_343 = tpu.memref_slice %arg2[%dma_start3A_341, %dma_start3A_342] : memref<10240x128xf32, #tpu.memory_space<hbm>> -> memref<10240x128xf32, #tpu.memory_space<hbm>>
      tpu.enqueue_indirect_dma source(%dma_start3A_343 : memref<10240x128xf32, #tpu.memory_space<hbm>>) target(%dma_start3A_337 : memref<64x128xf32, #tpu.memory_space<vmem>>) offsets(%dma_start3A_340 : memref<64xi32, #tpu.memory_space<vmem>>) semaphore(%arg11 : memref<!tpu.dma_semaphore, #tpu.memory_space<semaphore_mem>>)
      %dma_start3A_344 = arith.constant 2 : i32
      %dma_start3A_345 = arith.constant 2 : i32
      %dma_start3A_346 = arith.constant 0 : i32
      %dma_start3A_347 = arith.constant 0 : i32
      %dma_start3A_348 = tpu.memref_slice %arg9[%dma_start3A_345, %dma_start3A_346, %dma_start3A_347] : memref<3x64x128xf32, #tpu.memory_space<vmem>> -> memref<1x64x128xf32, #tpu.memory_space<vmem>>
      %dma_start3A_349 = tpu.memref_squeeze %dma_start3A_348 : memref<1x64x128xf32, #tpu.memory_space<vmem>> -> memref<64x128xf32, #tpu.memory_space<vmem>>
      %dma_start3A_350 = arith.constant 0 : i32
      %dma_start3A_351 = tpu.memref_slice %arg7[%dma_start3A_344, %dma_start3A_350] : memref<80x64xi32, #tpu.memory_space<vmem>> -> memref<1x64xi32, #tpu.memory_space<vmem>>
      %dma_start3A_352 = tpu.memref_squeeze %dma_start3A_351 : memref<1x64xi32, #tpu.memory_space<vmem>> -> memref<64xi32, #tpu.memory_space<vmem>>
      %dma_start3A_353 = arith.constant 0 : i32
      %dma_start3A_354 = arith.constant 0 : i32
      %dma_start3A_355 = tpu.memref_slice %arg2[%dma_start3A_353, %dma_start3A_354] : memref<10240x128xf32, #tpu.memory_space<hbm>> -> memref<10240x128xf32, #tpu.memory_space<hbm>>
      tpu.enqueue_indirect_dma source(%dma_start3A_355 : memref<10240x128xf32, #tpu.memory_space<hbm>>) target(%dma_start3A_349 : memref<64x128xf32, #tpu.memory_space<vmem>>) offsets(%dma_start3A_352 : memref<64xi32, #tpu.memory_space<vmem>>) semaphore(%arg12 : memref<!tpu.dma_semaphore, #tpu.memory_space<semaphore_mem>>)
      %scan3A_356 = arith.constant 0 : i32
      %scan3A_357 = arith.constant 0 : i32
      %scan3A_358 = arith.constant 25 : i32
      %scan3A_359 = arith.addi %scan3A_357, %scan3A_358 : i32
      %scan3A_360 = arith.constant 1 : i32
      scf.for %scan3A_566 = %scan3A_357 to %scan3A_359 step %scan3A_360  : i32 {
        %mul3A_567 = arith.constant 3 : i32
        %mul3A_568 = arith.muli %scan3A_566, %mul3A_567 : i32
        %add3A_569 = arith.constant 0 : i32
        %add3A_570 = arith.addi %mul3A_568, %add3A_569 : i32
        %dma_wait3A_571 = arith.constant 0 : i32
        %dma_wait3A_572 = arith.constant 0 : i32
        %dma_wait3A_573 = arith.constant 0 : i32
        %dma_wait3A_574 = tpu.memref_slice %arg9[%dma_wait3A_571, %dma_wait3A_572, %dma_wait3A_573] : memref<3x64x128xf32, #tpu.memory_space<vmem>> -> memref<1x64x128xf32, #tpu.memory_space<vmem>>
        %dma_wait3A_575 = tpu.memref_squeeze %dma_wait3A_574 : memref<1x64x128xf32, #tpu.memory_space<vmem>> -> memref<64x128xf32, #tpu.memory_space<vmem>>
        %dma_wait3A_576 = arith.constant 0 : i32
        %dma_wait3A_577 = tpu.memref_slice %arg7[%add3A_570, %dma_wait3A_576] : memref<80x64xi32, #tpu.memory_space<vmem>> -> memref<1x64xi32, #tpu.memory_space<vmem>>
        %dma_wait3A_578 = tpu.memref_squeeze %dma_wait3A_577 : memref<1x64xi32, #tpu.memory_space<vmem>> -> memref<64xi32, #tpu.memory_space<vmem>>
        %dma_wait3A_579 = arith.constant 0 : i32
        %dma_wait3A_580 = arith.constant 0 : i32
        %dma_wait3A_581 = tpu.memref_slice %arg2[%dma_wait3A_579, %dma_wait3A_580] : memref<10240x128xf32, #tpu.memory_space<hbm>> -> memref<10240x128xf32, #tpu.memory_space<hbm>>
        tpu.wait_indirect_dma semaphore(%arg10 : memref<!tpu.dma_semaphore, #tpu.memory_space<semaphore_mem>>) src(%dma_wait3A_581 : memref<10240x128xf32, #tpu.memory_space<hbm>>) dst(%dma_wait3A_575 : memref<64x128xf32, #tpu.memory_space<vmem>>)
        %mul3A_582 = arith.constant 1 : i32
        %mul3A_583 = arith.muli %add3A_570, %mul3A_582 : i32
        %add3A_584 = arith.constant 0 : i32
        %add3A_585 = arith.addi %mul3A_583, %add3A_584 : i32
        %dma_start3A_586 = arith.constant 0 : i32
        %dma_start3A_587 = arith.constant 0 : i32
        %dma_start3A_588 = arith.constant 0 : i32
        %dma_start3A_589 = tpu.memref_slice %arg9[%dma_start3A_586, %dma_start3A_587, %dma_start3A_588] : memref<3x64x128xf32, #tpu.memory_space<vmem>> -> memref<1x64x128xf32, #tpu.memory_space<vmem>>
        %dma_start3A_590 = tpu.memref_squeeze %dma_start3A_589 : memref<1x64x128xf32, #tpu.memory_space<vmem>> -> memref<64x128xf32, #tpu.memory_space<vmem>>
        %dma_start3A_591 = arith.constant 0 : i32
        %dma_start3A_592 = tpu.memref_slice %arg8[%add3A_585, %dma_start3A_591] : memref<80x64xi32, #tpu.memory_space<vmem>> -> memref<1x64xi32, #tpu.memory_space<vmem>>
        %dma_start3A_593 = tpu.memref_squeeze %dma_start3A_592 : memref<1x64xi32, #tpu.memory_space<vmem>> -> memref<64xi32, #tpu.memory_space<vmem>>
        %dma_start3A_594 = arith.constant 0 : i32
        %dma_start3A_595 = arith.constant 0 : i32
        %dma_start3A_596 = tpu.memref_slice %arg6[%dma_start3A_594, %dma_start3A_595] : memref<10240x128xf32, #tpu.memory_space<vmem_shared>> -> memref<10240x128xf32, #tpu.memory_space<vmem_shared>>
        tpu.enqueue_indirect_dma source(%dma_start3A_590 : memref<64x128xf32, #tpu.memory_space<vmem>>) target(%dma_start3A_596 : memref<10240x128xf32, #tpu.memory_space<vmem_shared>>) offsets(%dma_start3A_593 : memref<64xi32, #tpu.memory_space<vmem>>) semaphore(%arg13 : memref<!tpu.dma_semaphore, #tpu.memory_space<semaphore_mem>>) {add = true}
        %mul3A_597 = arith.constant 1 : i32
        %mul3A_598 = arith.muli %add3A_570, %mul3A_597 : i32
        %add3A_599 = arith.constant 0 : i32
        %add3A_600 = arith.addi %mul3A_598, %add3A_599 : i32
        %dma_wait3A_601 = arith.constant 0 : i32
        %dma_wait3A_602 = arith.constant 0 : i32
        %dma_wait3A_603 = arith.constant 0 : i32
        %dma_wait3A_604 = tpu.memref_slice %arg9[%dma_wait3A_601, %dma_wait3A_602, %dma_wait3A_603] : memref<3x64x128xf32, #tpu.memory_space<vmem>> -> memref<1x64x128xf32, #tpu.memory_space<vmem>>
        %dma_wait3A_605 = tpu.memref_squeeze %dma_wait3A_604 : memref<1x64x128xf32, #tpu.memory_space<vmem>> -> memref<64x128xf32, #tpu.memory_space<vmem>>
        %dma_wait3A_606 = arith.constant 0 : i32
        %dma_wait3A_607 = tpu.memref_slice %arg8[%add3A_600, %dma_wait3A_606] : memref<80x64xi32, #tpu.memory_space<vmem>> -> memref<1x64xi32, #tpu.memory_space<vmem>>
        %dma_wait3A_608 = tpu.memref_squeeze %dma_wait3A_607 : memref<1x64xi32, #tpu.memory_space<vmem>> -> memref<64xi32, #tpu.memory_space<vmem>>
        %dma_wait3A_609 = arith.constant 0 : i32
        %dma_wait3A_610 = arith.constant 0 : i32
        %dma_wait3A_611 = tpu.memref_slice %arg6[%dma_wait3A_609, %dma_wait3A_610] : memref<10240x128xf32, #tpu.memory_space<vmem_shared>> -> memref<10240x128xf32, #tpu.memory_space<vmem_shared>>
        tpu.wait_indirect_dma semaphore(%arg13 : memref<!tpu.dma_semaphore, #tpu.memory_space<semaphore_mem>>) src(%dma_wait3A_605 : memref<64x128xf32, #tpu.memory_space<vmem>>) dst(%dma_wait3A_611 : memref<10240x128xf32, #tpu.memory_space<vmem_shared>>)
        %add3A_612 = arith.constant 3 : i32
        %add3A_613 = arith.addi %add3A_570, %add3A_612 : i32
        %dma_start3A_614 = arith.constant 0 : i32
        %dma_start3A_615 = arith.constant 0 : i32
        %dma_start3A_616 = arith.constant 0 : i32
        %dma_start3A_617 = tpu.memref_slice %arg9[%dma_start3A_614, %dma_start3A_615, %dma_start3A_616] : memref<3x64x128xf32, #tpu.memory_space<vmem>> -> memref<1x64x128xf32, #tpu.memory_space<vmem>>
        %dma_start3A_618 = tpu.memref_squeeze %dma_start3A_617 : memref<1x64x128xf32, #tpu.memory_space<vmem>> -> memref<64x128xf32, #tpu.memory_space<vmem>>
        %dma_start3A_619 = arith.constant 0 : i32
        %dma_start3A_620 = tpu.memref_slice %arg7[%add3A_613, %dma_start3A_619] : memref<80x64xi32, #tpu.memory_space<vmem>> -> memref<1x64xi32, #tpu.memory_space<vmem>>
        %dma_start3A_621 = tpu.memref_squeeze %dma_start3A_620 : memref<1x64xi32, #tpu.memory_space<vmem>> -> memref<64xi32, #tpu.memory_space<vmem>>
        %dma_start3A_622 = arith.constant 0 : i32
        %dma_start3A_623 = arith.constant 0 : i32
        %dma_start3A_624 = tpu.memref_slice %arg2[%dma_start3A_622, %dma_start3A_623] : memref<10240x128xf32, #tpu.memory_space<hbm>> -> memref<10240x128xf32, #tpu.memory_space<hbm>>
        tpu.enqueue_indirect_dma source(%dma_start3A_624 : memref<10240x128xf32, #tpu.memory_space<hbm>>) target(%dma_start3A_618 : memref<64x128xf32, #tpu.memory_space<vmem>>) offsets(%dma_start3A_621 : memref<64xi32, #tpu.memory_space<vmem>>) semaphore(%arg10 : memref<!tpu.dma_semaphore, #tpu.memory_space<semaphore_mem>>)
        %add3A_625 = arith.constant 1 : i32
        %add3A_626 = arith.addi %mul3A_568, %add3A_625 : i32
        %dma_wait3A_627 = arith.constant 1 : i32
        %dma_wait3A_628 = arith.constant 0 : i32
        %dma_wait3A_629 = arith.constant 0 : i32
        %dma_wait3A_630 = tpu.memref_slice %arg9[%dma_wait3A_627, %dma_wait3A_628, %dma_wait3A_629] : memref<3x64x128xf32, #tpu.memory_space<vmem>> -> memref<1x64x128xf32, #tpu.memory_space<vmem>>
        %dma_wait3A_631 = tpu.memref_squeeze %dma_wait3A_630 : memref<1x64x128xf32, #tpu.memory_space<vmem>> -> memref<64x128xf32, #tpu.memory_space<vmem>>
        %dma_wait3A_632 = arith.constant 0 : i32
        %dma_wait3A_633 = tpu.memref_slice %arg7[%add3A_626, %dma_wait3A_632] : memref<80x64xi32, #tpu.memory_space<vmem>> -> memref<1x64xi32, #tpu.memory_space<vmem>>
        %dma_wait3A_634 = tpu.memref_squeeze %dma_wait3A_633 : memref<1x64xi32, #tpu.memory_space<vmem>> -> memref<64xi32, #tpu.memory_space<vmem>>
        %dma_wait3A_635 = arith.constant 0 : i32
        %dma_wait3A_636 = arith.constant 0 : i32
        %dma_wait3A_637 = tpu.memref_slice %arg2[%dma_wait3A_635, %dma_wait3A_636] : memref<10240x128xf32, #tpu.memory_space<hbm>> -> memref<10240x128xf32, #tpu.memory_space<hbm>>
        tpu.wait_indirect_dma semaphore(%arg11 : memref<!tpu.dma_semaphore, #tpu.memory_space<semaphore_mem>>) src(%dma_wait3A_637 : memref<10240x128xf32, #tpu.memory_space<hbm>>) dst(%dma_wait3A_631 : memref<64x128xf32, #tpu.memory_space<vmem>>)
        %mul3A_638 = arith.constant 1 : i32
        %mul3A_639 = arith.muli %add3A_626, %mul3A_638 : i32
        %add3A_640 = arith.constant 0 : i32
        %add3A_641 = arith.addi %mul3A_639, %add3A_640 : i32
        %dma_start3A_642 = arith.constant 1 : i32
        %dma_start3A_643 = arith.constant 0 : i32
        %dma_start3A_644 = arith.constant 0 : i32
        %dma_start3A_645 = tpu.memref_slice %arg9[%dma_start3A_642, %dma_start3A_643, %dma_start3A_644] : memref<3x64x128xf32, #tpu.memory_space<vmem>> -> memref<1x64x128xf32, #tpu.memory_space<vmem>>
        %dma_start3A_646 = tpu.memref_squeeze %dma_start3A_645 : memref<1x64x128xf32, #tpu.memory_space<vmem>> -> memref<64x128xf32, #tpu.memory_space<vmem>>
        %dma_start3A_647 = arith.constant 0 : i32
        %dma_start3A_648 = tpu.memref_slice %arg8[%add3A_641, %dma_start3A_647] : memref<80x64xi32, #tpu.memory_space<vmem>> -> memref<1x64xi32, #tpu.memory_space<vmem>>
        %dma_start3A_649 = tpu.memref_squeeze %dma_start3A_648 : memref<1x64xi32, #tpu.memory_space<vmem>> -> memref<64xi32, #tpu.memory_space<vmem>>
        %dma_start3A_650 = arith.constant 0 : i32
        %dma_start3A_651 = arith.constant 0 : i32
        %dma_start3A_652 = tpu.memref_slice %arg6[%dma_start3A_650, %dma_start3A_651] : memref<10240x128xf32, #tpu.memory_space<vmem_shared>> -> memref<10240x128xf32, #tpu.memory_space<vmem_shared>>
        tpu.enqueue_indirect_dma source(%dma_start3A_646 : memref<64x128xf32, #tpu.memory_space<vmem>>) target(%dma_start3A_652 : memref<10240x128xf32, #tpu.memory_space<vmem_shared>>) offsets(%dma_start3A_649 : memref<64xi32, #tpu.memory_space<vmem>>) semaphore(%arg14 : memref<!tpu.dma_semaphore, #tpu.memory_space<semaphore_mem>>) {add = true}
        %mul3A_653 = arith.constant 1 : i32
        %mul3A_654 = arith.muli %add3A_626, %mul3A_653 : i32
        %add3A_655 = arith.constant 0 : i32
        %add3A_656 = arith.addi %mul3A_654, %add3A_655 : i32
        %dma_wait3A_657 = arith.constant 1 : i32
        %dma_wait3A_658 = arith.constant 0 : i32
        %dma_wait3A_659 = arith.constant 0 : i32
        %dma_wait3A_660 = tpu.memref_slice %arg9[%dma_wait3A_657, %dma_wait3A_658, %dma_wait3A_659] : memref<3x64x128xf32, #tpu.memory_space<vmem>> -> memref<1x64x128xf32, #tpu.memory_space<vmem>>
        %dma_wait3A_661 = tpu.memref_squeeze %dma_wait3A_660 : memref<1x64x128xf32, #tpu.memory_space<vmem>> -> memref<64x128xf32, #tpu.memory_space<vmem>>
        %dma_wait3A_662 = arith.constant 0 : i32
        %dma_wait3A_663 = tpu.memref_slice %arg8[%add3A_656, %dma_wait3A_662] : memref<80x64xi32, #tpu.memory_space<vmem>> -> memref<1x64xi32, #tpu.memory_space<vmem>>
        %dma_wait3A_664 = tpu.memref_squeeze %dma_wait3A_663 : memref<1x64xi32, #tpu.memory_space<vmem>> -> memref<64xi32, #tpu.memory_space<vmem>>
        %dma_wait3A_665 = arith.constant 0 : i32
        %dma_wait3A_666 = arith.constant 0 : i32
        %dma_wait3A_667 = tpu.memref_slice %arg6[%dma_wait3A_665, %dma_wait3A_666] : memref<10240x128xf32, #tpu.memory_space<vmem_shared>> -> memref<10240x128xf32, #tpu.memory_space<vmem_shared>>
        tpu.wait_indirect_dma semaphore(%arg14 : memref<!tpu.dma_semaphore, #tpu.memory_space<semaphore_mem>>) src(%dma_wait3A_661 : memref<64x128xf32, #tpu.memory_space<vmem>>) dst(%dma_wait3A_667 : memref<10240x128xf32, #tpu.memory_space<vmem_shared>>)
        %add3A_668 = arith.constant 3 : i32
        %add3A_669 = arith.addi %add3A_626, %add3A_668 : i32
        %dma_start3A_670 = arith.constant 1 : i32
        %dma_start3A_671 = arith.constant 0 : i32
        %dma_start3A_672 = arith.constant 0 : i32
        %dma_start3A_673 = tpu.memref_slice %arg9[%dma_start3A_670, %dma_start3A_671, %dma_start3A_672] : memref<3x64x128xf32, #tpu.memory_space<vmem>> -> memref<1x64x128xf32, #tpu.memory_space<vmem>>
        %dma_start3A_674 = tpu.memref_squeeze %dma_start3A_673 : memref<1x64x128xf32, #tpu.memory_space<vmem>> -> memref<64x128xf32, #tpu.memory_space<vmem>>
        %dma_start3A_675 = arith.constant 0 : i32
        %dma_start3A_676 = tpu.memref_slice %arg7[%add3A_669, %dma_start3A_675] : memref<80x64xi32, #tpu.memory_space<vmem>> -> memref<1x64xi32, #tpu.memory_space<vmem>>
        %dma_start3A_677 = tpu.memref_squeeze %dma_start3A_676 : memref<1x64xi32, #tpu.memory_space<vmem>> -> memref<64xi32, #tpu.memory_space<vmem>>
        %dma_start3A_678 = arith.constant 0 : i32
        %dma_start3A_679 = arith.constant 0 : i32
        %dma_start3A_680 = tpu.memref_slice %arg2[%dma_start3A_678, %dma_start3A_679] : memref<10240x128xf32, #tpu.memory_space<hbm>> -> memref<10240x128xf32, #tpu.memory_space<hbm>>
        tpu.enqueue_indirect_dma source(%dma_start3A_680 : memref<10240x128xf32, #tpu.memory_space<hbm>>) target(%dma_start3A_674 : memref<64x128xf32, #tpu.memory_space<vmem>>) offsets(%dma_start3A_677 : memref<64xi32, #tpu.memory_space<vmem>>) semaphore(%arg11 : memref<!tpu.dma_semaphore, #tpu.memory_space<semaphore_mem>>)
        %add3A_681 = arith.constant 2 : i32
        %add3A_682 = arith.addi %mul3A_568, %add3A_681 : i32
        %dma_wait3A_683 = arith.constant 2 : i32
        %dma_wait3A_684 = arith.constant 0 : i32
        %dma_wait3A_685 = arith.constant 0 : i32
        %dma_wait3A_686 = tpu.memref_slice %arg9[%dma_wait3A_683, %dma_wait3A_684, %dma_wait3A_685] : memref<3x64x128xf32, #tpu.memory_space<vmem>> -> memref<1x64x128xf32, #tpu.memory_space<vmem>>
        %dma_wait3A_687 = tpu.memref_squeeze %dma_wait3A_686 : memref<1x64x128xf32, #tpu.memory_space<vmem>> -> memref<64x128xf32, #tpu.memory_space<vmem>>
        %dma_wait3A_688 = arith.constant 0 : i32
        %dma_wait3A_689 = tpu.memref_slice %arg7[%add3A_682, %dma_wait3A_688] : memref<80x64xi32, #tpu.memory_space<vmem>> -> memref<1x64xi32, #tpu.memory_space<vmem>>
        %dma_wait3A_690 = tpu.memref_squeeze %dma_wait3A_689 : memref<1x64xi32, #tpu.memory_space<vmem>> -> memref<64xi32, #tpu.memory_space<vmem>>
        %dma_wait3A_691 = arith.constant 0 : i32
        %dma_wait3A_692 = arith.constant 0 : i32
        %dma_wait3A_693 = tpu.memref_slice %arg2[%dma_wait3A_691, %dma_wait3A_692] : memref<10240x128xf32, #tpu.memory_space<hbm>> -> memref<10240x128xf32, #tpu.memory_space<hbm>>
        tpu.wait_indirect_dma semaphore(%arg12 : memref<!tpu.dma_semaphore, #tpu.memory_space<semaphore_mem>>) src(%dma_wait3A_693 : memref<10240x128xf32, #tpu.memory_space<hbm>>) dst(%dma_wait3A_687 : memref<64x128xf32, #tpu.memory_space<vmem>>)
        %mul3A_694 = arith.constant 1 : i32
        %mul3A_695 = arith.muli %add3A_682, %mul3A_694 : i32
        %add3A_696 = arith.constant 0 : i32
        %add3A_697 = arith.addi %mul3A_695, %add3A_696 : i32
        %dma_start3A_698 = arith.constant 2 : i32
        %dma_start3A_699 = arith.constant 0 : i32
        %dma_start3A_700 = arith.constant 0 : i32
        %dma_start3A_701 = tpu.memref_slice %arg9[%dma_start3A_698, %dma_start3A_699, %dma_start3A_700] : memref<3x64x128xf32, #tpu.memory_space<vmem>> -> memref<1x64x128xf32, #tpu.memory_space<vmem>>
        %dma_start3A_702 = tpu.memref_squeeze %dma_start3A_701 : memref<1x64x128xf32, #tpu.memory_space<vmem>> -> memref<64x128xf32, #tpu.memory_space<vmem>>
        %dma_start3A_703 = arith.constant 0 : i32
        %dma_start3A_704 = tpu.memref_slice %arg8[%add3A_697, %dma_start3A_703] : memref<80x64xi32, #tpu.memory_space<vmem>> -> memref<1x64xi32, #tpu.memory_space<vmem>>
        %dma_start3A_705 = tpu.memref_squeeze %dma_start3A_704 : memref<1x64xi32, #tpu.memory_space<vmem>> -> memref<64xi32, #tpu.memory_space<vmem>>
        %dma_start3A_706 = arith.constant 0 : i32
        %dma_start3A_707 = arith.constant 0 : i32
        %dma_start3A_708 = tpu.memref_slice %arg6[%dma_start3A_706, %dma_start3A_707] : memref<10240x128xf32, #tpu.memory_space<vmem_shared>> -> memref<10240x128xf32, #tpu.memory_space<vmem_shared>>
        tpu.enqueue_indirect_dma source(%dma_start3A_702 : memref<64x128xf32, #tpu.memory_space<vmem>>) target(%dma_start3A_708 : memref<10240x128xf32, #tpu.memory_space<vmem_shared>>) offsets(%dma_start3A_705 : memref<64xi32, #tpu.memory_space<vmem>>) semaphore(%arg15 : memref<!tpu.dma_semaphore, #tpu.memory_space<semaphore_mem>>) {add = true}
        %mul3A_709 = arith.constant 1 : i32
        %mul3A_710 = arith.muli %add3A_682, %mul3A_709 : i32
        %add3A_711 = arith.constant 0 : i32
        %add3A_712 = arith.addi %mul3A_710, %add3A_711 : i32
        %dma_wait3A_713 = arith.constant 2 : i32
        %dma_wait3A_714 = arith.constant 0 : i32
        %dma_wait3A_715 = arith.constant 0 : i32
        %dma_wait3A_716 = tpu.memref_slice %arg9[%dma_wait3A_713, %dma_wait3A_714, %dma_wait3A_715] : memref<3x64x128xf32, #tpu.memory_space<vmem>> -> memref<1x64x128xf32, #tpu.memory_space<vmem>>
        %dma_wait3A_717 = tpu.memref_squeeze %dma_wait3A_716 : memref<1x64x128xf32, #tpu.memory_space<vmem>> -> memref<64x128xf32, #tpu.memory_space<vmem>>
        %dma_wait3A_718 = arith.constant 0 : i32
        %dma_wait3A_719 = tpu.memref_slice %arg8[%add3A_712, %dma_wait3A_718] : memref<80x64xi32, #tpu.memory_space<vmem>> -> memref<1x64xi32, #tpu.memory_space<vmem>>
        %dma_wait3A_720 = tpu.memref_squeeze %dma_wait3A_719 : memref<1x64xi32, #tpu.memory_space<vmem>> -> memref<64xi32, #tpu.memory_space<vmem>>
        %dma_wait3A_721 = arith.constant 0 : i32
        %dma_wait3A_722 = arith.constant 0 : i32
        %dma_wait3A_723 = tpu.memref_slice %arg6[%dma_wait3A_721, %dma_wait3A_722] : memref<10240x128xf32, #tpu.memory_space<vmem_shared>> -> memref<10240x128xf32, #tpu.memory_space<vmem_shared>>
        tpu.wait_indirect_dma semaphore(%arg15 : memref<!tpu.dma_semaphore, #tpu.memory_space<semaphore_mem>>) src(%dma_wait3A_717 : memref<64x128xf32, #tpu.memory_space<vmem>>) dst(%dma_wait3A_723 : memref<10240x128xf32, #tpu.memory_space<vmem_shared>>)
        %add3A_724 = arith.constant 3 : i32
        %add3A_725 = arith.addi %add3A_682, %add3A_724 : i32
        %dma_start3A_726 = arith.constant 2 : i32
        %dma_start3A_727 = arith.constant 0 : i32
        %dma_start3A_728 = arith.constant 0 : i32
        %dma_start3A_729 = tpu.memref_slice %arg9[%dma_start3A_726, %dma_start3A_727, %dma_start3A_728] : memref<3x64x128xf32, #tpu.memory_space<vmem>> -> memref<1x64x128xf32, #tpu.memory_space<vmem>>
        %dma_start3A_730 = tpu.memref_squeeze %dma_start3A_729 : memref<1x64x128xf32, #tpu.memory_space<vmem>> -> memref<64x128xf32, #tpu.memory_space<vmem>>
        %dma_start3A_731 = arith.constant 0 : i32
        %dma_start3A_732 = tpu.memref_slice %arg7[%add3A_725, %dma_start3A_731] : memref<80x64xi32, #tpu.memory_space<vmem>> -> memref<1x64xi32, #tpu.memory_space<vmem>>
        %dma_start3A_733 = tpu.memref_squeeze %dma_start3A_732 : memref<1x64xi32, #tpu.memory_space<vmem>> -> memref<64xi32, #tpu.memory_space<vmem>>
        %dma_start3A_734 = arith.constant 0 : i32
        %dma_start3A_735 = arith.constant 0 : i32
        %dma_start3A_736 = tpu.memref_slice %arg2[%dma_start3A_734, %dma_start3A_735] : memref<10240x128xf32, #tpu.memory_space<hbm>> -> memref<10240x128xf32, #tpu.memory_space<hbm>>
        tpu.enqueue_indirect_dma source(%dma_start3A_736 : memref<10240x128xf32, #tpu.memory_space<hbm>>) target(%dma_start3A_730 : memref<64x128xf32, #tpu.memory_space<vmem>>) offsets(%dma_start3A_733 : memref<64xi32, #tpu.memory_space<vmem>>) semaphore(%arg12 : memref<!tpu.dma_semaphore, #tpu.memory_space<semaphore_mem>>)
      }
      %scan3A_361 = arith.constant 25 : i32
      %dma_wait3A_362 = arith.constant 75 : i32
      %dma_wait3A_363 = arith.constant 0 : i32
      %dma_wait3A_364 = arith.constant 0 : i32
      %dma_wait3A_365 = arith.constant 0 : i32
      %dma_wait3A_366 = tpu.memref_slice %arg9[%dma_wait3A_363, %dma_wait3A_364, %dma_wait3A_365] : memref<3x64x128xf32, #tpu.memory_space<vmem>> -> memref<1x64x128xf32, #tpu.memory_space<vmem>>
      %dma_wait3A_367 = tpu.memref_squeeze %dma_wait3A_366 : memref<1x64x128xf32, #tpu.memory_space<vmem>> -> memref<64x128xf32, #tpu.memory_space<vmem>>
      %dma_wait3A_368 = arith.constant 0 : i32
      %dma_wait3A_369 = tpu.memref_slice %arg7[%dma_wait3A_362, %dma_wait3A_368] : memref<80x64xi32, #tpu.memory_space<vmem>> -> memref<1x64xi32, #tpu.memory_space<vmem>>
      %dma_wait3A_370 = tpu.memref_squeeze %dma_wait3A_369 : memref<1x64xi32, #tpu.memory_space<vmem>> -> memref<64xi32, #tpu.memory_space<vmem>>
      %dma_wait3A_371 = arith.constant 0 : i32
      %dma_wait3A_372 = arith.constant 0 : i32
      %dma_wait3A_373 = tpu.memref_slice %arg2[%dma_wait3A_371, %dma_wait3A_372] : memref<10240x128xf32, #tpu.memory_space<hbm>> -> memref<10240x128xf32, #tpu.memory_space<hbm>>
      tpu.wait_indirect_dma semaphore(%arg10 : memref<!tpu.dma_semaphore, #tpu.memory_space<semaphore_mem>>) src(%dma_wait3A_373 : memref<10240x128xf32, #tpu.memory_space<hbm>>) dst(%dma_wait3A_367 : memref<64x128xf32, #tpu.memory_space<vmem>>)
      %dma_start3A_374 = arith.constant 0 : i32
      %dma_start3A_375 = arith.constant 75 : i32
      %dma_start3A_376 = arith.constant 0 : i32
      %dma_start3A_377 = arith.constant 0 : i32
      %dma_start3A_378 = tpu.memref_slice %arg9[%dma_start3A_374, %dma_start3A_376, %dma_start3A_377] : memref<3x64x128xf32, #tpu.memory_space<vmem>> -> memref<1x64x128xf32, #tpu.memory_space<vmem>>
      %dma_start3A_379 = tpu.memref_squeeze %dma_start3A_378 : memref<1x64x128xf32, #tpu.memory_space<vmem>> -> memref<64x128xf32, #tpu.memory_space<vmem>>
      %dma_start3A_380 = arith.constant 0 : i32
      %dma_start3A_381 = tpu.memref_slice %arg8[%dma_start3A_375, %dma_start3A_380] : memref<80x64xi32, #tpu.memory_space<vmem>> -> memref<1x64xi32, #tpu.memory_space<vmem>>
      %dma_start3A_382 = tpu.memref_squeeze %dma_start3A_381 : memref<1x64xi32, #tpu.memory_space<vmem>> -> memref<64xi32, #tpu.memory_space<vmem>>
      %dma_start3A_383 = arith.constant 0 : i32
      %dma_start3A_384 = arith.constant 0 : i32
      %dma_start3A_385 = tpu.memref_slice %arg6[%dma_start3A_383, %dma_start3A_384] : memref<10240x128xf32, #tpu.memory_space<vmem_shared>> -> memref<10240x128xf32, #tpu.memory_space<vmem_shared>>
      tpu.enqueue_indirect_dma source(%dma_start3A_379 : memref<64x128xf32, #tpu.memory_space<vmem>>) target(%dma_start3A_385 : memref<10240x128xf32, #tpu.memory_space<vmem_shared>>) offsets(%dma_start3A_382 : memref<64xi32, #tpu.memory_space<vmem>>) semaphore(%arg13 : memref<!tpu.dma_semaphore, #tpu.memory_space<semaphore_mem>>) {add = true}
      %dma_wait3A_386 = arith.constant 0 : i32
      %dma_wait3A_387 = arith.constant 75 : i32
      %dma_wait3A_388 = arith.constant 0 : i32
      %dma_wait3A_389 = arith.constant 0 : i32
      %dma_wait3A_390 = tpu.memref_slice %arg9[%dma_wait3A_386, %dma_wait3A_388, %dma_wait3A_389] : memref<3x64x128xf32, #tpu.memory_space<vmem>> -> memref<1x64x128xf32, #tpu.memory_space<vmem>>
      %dma_wait3A_391 = tpu.memref_squeeze %dma_wait3A_390 : memref<1x64x128xf32, #tpu.memory_space<vmem>> -> memref<64x128xf32, #tpu.memory_space<vmem>>
      %dma_wait3A_392 = arith.constant 0 : i32
      %dma_wait3A_393 = tpu.memref_slice %arg8[%dma_wait3A_387, %dma_wait3A_392] : memref<80x64xi32, #tpu.memory_space<vmem>> -> memref<1x64xi32, #tpu.memory_space<vmem>>
      %dma_wait3A_394 = tpu.memref_squeeze %dma_wait3A_393 : memref<1x64xi32, #tpu.memory_space<vmem>> -> memref<64xi32, #tpu.memory_space<vmem>>
      %dma_wait3A_395 = arith.constant 0 : i32
      %dma_wait3A_396 = arith.constant 0 : i32
      %dma_wait3A_397 = tpu.memref_slice %arg6[%dma_wait3A_395, %dma_wait3A_396] : memref<10240x128xf32, #tpu.memory_space<vmem_shared>> -> memref<10240x128xf32, #tpu.memory_space<vmem_shared>>
      tpu.wait_indirect_dma semaphore(%arg13 : memref<!tpu.dma_semaphore, #tpu.memory_space<semaphore_mem>>) src(%dma_wait3A_391 : memref<64x128xf32, #tpu.memory_space<vmem>>) dst(%dma_wait3A_397 : memref<10240x128xf32, #tpu.memory_space<vmem_shared>>)
      %dma_start3A_398 = arith.constant 78 : i32
      %dma_start3A_399 = arith.constant 0 : i32
      %dma_start3A_400 = arith.constant 0 : i32
      %dma_start3A_401 = arith.constant 0 : i32
      %dma_start3A_402 = tpu.memref_slice %arg9[%dma_start3A_399, %dma_start3A_400, %dma_start3A_401] : memref<3x64x128xf32, #tpu.memory_space<vmem>> -> memref<1x64x128xf32, #tpu.memory_space<vmem>>
      %dma_start3A_403 = tpu.memref_squeeze %dma_start3A_402 : memref<1x64x128xf32, #tpu.memory_space<vmem>> -> memref<64x128xf32, #tpu.memory_space<vmem>>
      %dma_start3A_404 = arith.constant 0 : i32
      %dma_start3A_405 = tpu.memref_slice %arg7[%dma_start3A_398, %dma_start3A_404] : memref<80x64xi32, #tpu.memory_space<vmem>> -> memref<1x64xi32, #tpu.memory_space<vmem>>
      %dma_start3A_406 = tpu.memref_squeeze %dma_start3A_405 : memref<1x64xi32, #tpu.memory_space<vmem>> -> memref<64xi32, #tpu.memory_space<vmem>>
      %dma_start3A_407 = arith.constant 0 : i32
      %dma_start3A_408 = arith.constant 0 : i32
      %dma_start3A_409 = tpu.memref_slice %arg2[%dma_start3A_407, %dma_start3A_408] : memref<10240x128xf32, #tpu.memory_space<hbm>> -> memref<10240x128xf32, #tpu.memory_space<hbm>>
      tpu.enqueue_indirect_dma source(%dma_start3A_409 : memref<10240x128xf32, #tpu.memory_space<hbm>>) target(%dma_start3A_403 : memref<64x128xf32, #tpu.memory_space<vmem>>) offsets(%dma_start3A_406 : memref<64xi32, #tpu.memory_space<vmem>>) semaphore(%arg10 : memref<!tpu.dma_semaphore, #tpu.memory_space<semaphore_mem>>)
      %dma_wait3A_410 = arith.constant 76 : i32
      %dma_wait3A_411 = arith.constant 1 : i32
      %dma_wait3A_412 = arith.constant 0 : i32
      %dma_wait3A_413 = arith.constant 0 : i32
      %dma_wait3A_414 = tpu.memref_slice %arg9[%dma_wait3A_411, %dma_wait3A_412, %dma_wait3A_413] : memref<3x64x128xf32, #tpu.memory_space<vmem>> -> memref<1x64x128xf32, #tpu.memory_space<vmem>>
      %dma_wait3A_415 = tpu.memref_squeeze %dma_wait3A_414 : memref<1x64x128xf32, #tpu.memory_space<vmem>> -> memref<64x128xf32, #tpu.memory_space<vmem>>
      %dma_wait3A_416 = arith.constant 0 : i32
      %dma_wait3A_417 = tpu.memref_slice %arg7[%dma_wait3A_410, %dma_wait3A_416] : memref<80x64xi32, #tpu.memory_space<vmem>> -> memref<1x64xi32, #tpu.memory_space<vmem>>
      %dma_wait3A_418 = tpu.memref_squeeze %dma_wait3A_417 : memref<1x64xi32, #tpu.memory_space<vmem>> -> memref<64xi32, #tpu.memory_space<vmem>>
      %dma_wait3A_419 = arith.constant 0 : i32
      %dma_wait3A_420 = arith.constant 0 : i32
      %dma_wait3A_421 = tpu.memref_slice %arg2[%dma_wait3A_419, %dma_wait3A_420] : memref<10240x128xf32, #tpu.memory_space<hbm>> -> memref<10240x128xf32, #tpu.memory_space<hbm>>
      tpu.wait_indirect_dma semaphore(%arg11 : memref<!tpu.dma_semaphore, #tpu.memory_space<semaphore_mem>>) src(%dma_wait3A_421 : memref<10240x128xf32, #tpu.memory_space<hbm>>) dst(%dma_wait3A_415 : memref<64x128xf32, #tpu.memory_space<vmem>>)
      %dma_start3A_422 = arith.constant 1 : i32
      %dma_start3A_423 = arith.constant 76 : i32
      %dma_start3A_424 = arith.constant 0 : i32
      %dma_start3A_425 = arith.constant 0 : i32
      %dma_start3A_426 = tpu.memref_slice %arg9[%dma_start3A_422, %dma_start3A_424, %dma_start3A_425] : memref<3x64x128xf32, #tpu.memory_space<vmem>> -> memref<1x64x128xf32, #tpu.memory_space<vmem>>
      %dma_start3A_427 = tpu.memref_squeeze %dma_start3A_426 : memref<1x64x128xf32, #tpu.memory_space<vmem>> -> memref<64x128xf32, #tpu.memory_space<vmem>>
      %dma_start3A_428 = arith.constant 0 : i32
      %dma_start3A_429 = tpu.memref_slice %arg8[%dma_start3A_423, %dma_start3A_428] : memref<80x64xi32, #tpu.memory_space<vmem>> -> memref<1x64xi32, #tpu.memory_space<vmem>>
      %dma_start3A_430 = tpu.memref_squeeze %dma_start3A_429 : memref<1x64xi32, #tpu.memory_space<vmem>> -> memref<64xi32, #tpu.memory_space<vmem>>
      %dma_start3A_431 = arith.constant 0 : i32
      %dma_start3A_432 = arith.constant 0 : i32
      %dma_start3A_433 = tpu.memref_slice %arg6[%dma_start3A_431, %dma_start3A_432] : memref<10240x128xf32, #tpu.memory_space<vmem_shared>> -> memref<10240x128xf32, #tpu.memory_space<vmem_shared>>
      tpu.enqueue_indirect_dma source(%dma_start3A_427 : memref<64x128xf32, #tpu.memory_space<vmem>>) target(%dma_start3A_433 : memref<10240x128xf32, #tpu.memory_space<vmem_shared>>) offsets(%dma_start3A_430 : memref<64xi32, #tpu.memory_space<vmem>>) semaphore(%arg14 : memref<!tpu.dma_semaphore, #tpu.memory_space<semaphore_mem>>) {add = true}
      %dma_wait3A_434 = arith.constant 1 : i32
      %dma_wait3A_435 = arith.constant 76 : i32
      %dma_wait3A_436 = arith.constant 0 : i32
      %dma_wait3A_437 = arith.constant 0 : i32
      %dma_wait3A_438 = tpu.memref_slice %arg9[%dma_wait3A_434, %dma_wait3A_436, %dma_wait3A_437] : memref<3x64x128xf32, #tpu.memory_space<vmem>> -> memref<1x64x128xf32, #tpu.memory_space<vmem>>
      %dma_wait3A_439 = tpu.memref_squeeze %dma_wait3A_438 : memref<1x64x128xf32, #tpu.memory_space<vmem>> -> memref<64x128xf32, #tpu.memory_space<vmem>>
      %dma_wait3A_440 = arith.constant 0 : i32
      %dma_wait3A_441 = tpu.memref_slice %arg8[%dma_wait3A_435, %dma_wait3A_440] : memref<80x64xi32, #tpu.memory_space<vmem>> -> memref<1x64xi32, #tpu.memory_space<vmem>>
      %dma_wait3A_442 = tpu.memref_squeeze %dma_wait3A_441 : memref<1x64xi32, #tpu.memory_space<vmem>> -> memref<64xi32, #tpu.memory_space<vmem>>
      %dma_wait3A_443 = arith.constant 0 : i32
      %dma_wait3A_444 = arith.constant 0 : i32
      %dma_wait3A_445 = tpu.memref_slice %arg6[%dma_wait3A_443, %dma_wait3A_444] : memref<10240x128xf32, #tpu.memory_space<vmem_shared>> -> memref<10240x128xf32, #tpu.memory_space<vmem_shared>>
      tpu.wait_indirect_dma semaphore(%arg14 : memref<!tpu.dma_semaphore, #tpu.memory_space<semaphore_mem>>) src(%dma_wait3A_439 : memref<64x128xf32, #tpu.memory_space<vmem>>) dst(%dma_wait3A_445 : memref<10240x128xf32, #tpu.memory_space<vmem_shared>>)
      %dma_start3A_446 = arith.constant 79 : i32
      %dma_start3A_447 = arith.constant 1 : i32
      %dma_start3A_448 = arith.constant 0 : i32
      %dma_start3A_449 = arith.constant 0 : i32
      %dma_start3A_450 = tpu.memref_slice %arg9[%dma_start3A_447, %dma_start3A_448, %dma_start3A_449] : memref<3x64x128xf32, #tpu.memory_space<vmem>> -> memref<1x64x128xf32, #tpu.memory_space<vmem>>
      %dma_start3A_451 = tpu.memref_squeeze %dma_start3A_450 : memref<1x64x128xf32, #tpu.memory_space<vmem>> -> memref<64x128xf32, #tpu.memory_space<vmem>>
      %dma_start3A_452 = arith.constant 0 : i32
      %dma_start3A_453 = tpu.memref_slice %arg7[%dma_start3A_446, %dma_start3A_452] : memref<80x64xi32, #tpu.memory_space<vmem>> -> memref<1x64xi32, #tpu.memory_space<vmem>>
      %dma_start3A_454 = tpu.memref_squeeze %dma_start3A_453 : memref<1x64xi32, #tpu.memory_space<vmem>> -> memref<64xi32, #tpu.memory_space<vmem>>
      %dma_start3A_455 = arith.constant 0 : i32
      %dma_start3A_456 = arith.constant 0 : i32
      %dma_start3A_457 = tpu.memref_slice %arg2[%dma_start3A_455, %dma_start3A_456] : memref<10240x128xf32, #tpu.memory_space<hbm>> -> memref<10240x128xf32, #tpu.memory_space<hbm>>
      tpu.enqueue_indirect_dma source(%dma_start3A_457 : memref<10240x128xf32, #tpu.memory_space<hbm>>) target(%dma_start3A_451 : memref<64x128xf32, #tpu.memory_space<vmem>>) offsets(%dma_start3A_454 : memref<64xi32, #tpu.memory_space<vmem>>) semaphore(%arg11 : memref<!tpu.dma_semaphore, #tpu.memory_space<semaphore_mem>>)
      %dma_wait3A_458 = arith.constant 77 : i32
      %dma_wait3A_459 = arith.constant 2 : i32
      %dma_wait3A_460 = arith.constant 0 : i32
      %dma_wait3A_461 = arith.constant 0 : i32
      %dma_wait3A_462 = tpu.memref_slice %arg9[%dma_wait3A_459, %dma_wait3A_460, %dma_wait3A_461] : memref<3x64x128xf32, #tpu.memory_space<vmem>> -> memref<1x64x128xf32, #tpu.memory_space<vmem>>
      %dma_wait3A_463 = tpu.memref_squeeze %dma_wait3A_462 : memref<1x64x128xf32, #tpu.memory_space<vmem>> -> memref<64x128xf32, #tpu.memory_space<vmem>>
      %dma_wait3A_464 = arith.constant 0 : i32
      %dma_wait3A_465 = tpu.memref_slice %arg7[%dma_wait3A_458, %dma_wait3A_464] : memref<80x64xi32, #tpu.memory_space<vmem>> -> memref<1x64xi32, #tpu.memory_space<vmem>>
      %dma_wait3A_466 = tpu.memref_squeeze %dma_wait3A_465 : memref<1x64xi32, #tpu.memory_space<vmem>> -> memref<64xi32, #tpu.memory_space<vmem>>
      %dma_wait3A_467 = arith.constant 0 : i32
      %dma_wait3A_468 = arith.constant 0 : i32
      %dma_wait3A_469 = tpu.memref_slice %arg2[%dma_wait3A_467, %dma_wait3A_468] : memref<10240x128xf32, #tpu.memory_space<hbm>> -> memref<10240x128xf32, #tpu.memory_space<hbm>>
      tpu.wait_indirect_dma semaphore(%arg12 : memref<!tpu.dma_semaphore, #tpu.memory_space<semaphore_mem>>) src(%dma_wait3A_469 : memref<10240x128xf32, #tpu.memory_space<hbm>>) dst(%dma_wait3A_463 : memref<64x128xf32, #tpu.memory_space<vmem>>)
      %dma_start3A_470 = arith.constant 2 : i32
      %dma_start3A_471 = arith.constant 77 : i32
      %dma_start3A_472 = arith.constant 0 : i32
      %dma_start3A_473 = arith.constant 0 : i32
      %dma_start3A_474 = tpu.memref_slice %arg9[%dma_start3A_470, %dma_start3A_472, %dma_start3A_473] : memref<3x64x128xf32, #tpu.memory_space<vmem>> -> memref<1x64x128xf32, #tpu.memory_space<vmem>>
      %dma_start3A_475 = tpu.memref_squeeze %dma_start3A_474 : memref<1x64x128xf32, #tpu.memory_space<vmem>> -> memref<64x128xf32, #tpu.memory_space<vmem>>
      %dma_start3A_476 = arith.constant 0 : i32
      %dma_start3A_477 = tpu.memref_slice %arg8[%dma_start3A_471, %dma_start3A_476] : memref<80x64xi32, #tpu.memory_space<vmem>> -> memref<1x64xi32, #tpu.memory_space<vmem>>
      %dma_start3A_478 = tpu.memref_squeeze %dma_start3A_477 : memref<1x64xi32, #tpu.memory_space<vmem>> -> memref<64xi32, #tpu.memory_space<vmem>>
      %dma_start3A_479 = arith.constant 0 : i32
      %dma_start3A_480 = arith.constant 0 : i32
      %dma_start3A_481 = tpu.memref_slice %arg6[%dma_start3A_479, %dma_start3A_480] : memref<10240x128xf32, #tpu.memory_space<vmem_shared>> -> memref<10240x128xf32, #tpu.memory_space<vmem_shared>>
      tpu.enqueue_indirect_dma source(%dma_start3A_475 : memref<64x128xf32, #tpu.memory_space<vmem>>) target(%dma_start3A_481 : memref<10240x128xf32, #tpu.memory_space<vmem_shared>>) offsets(%dma_start3A_478 : memref<64xi32, #tpu.memory_space<vmem>>) semaphore(%arg15 : memref<!tpu.dma_semaphore, #tpu.memory_space<semaphore_mem>>) {add = true}
      %dma_wait3A_482 = arith.constant 2 : i32
      %dma_wait3A_483 = arith.constant 77 : i32
      %dma_wait3A_484 = arith.constant 0 : i32
      %dma_wait3A_485 = arith.constant 0 : i32
      %dma_wait3A_486 = tpu.memref_slice %arg9[%dma_wait3A_482, %dma_wait3A_484, %dma_wait3A_485] : memref<3x64x128xf32, #tpu.memory_space<vmem>> -> memref<1x64x128xf32, #tpu.memory_space<vmem>>
      %dma_wait3A_487 = tpu.memref_squeeze %dma_wait3A_486 : memref<1x64x128xf32, #tpu.memory_space<vmem>> -> memref<64x128xf32, #tpu.memory_space<vmem>>
      %dma_wait3A_488 = arith.constant 0 : i32
      %dma_wait3A_489 = tpu.memref_slice %arg8[%dma_wait3A_483, %dma_wait3A_488] : memref<80x64xi32, #tpu.memory_space<vmem>> -> memref<1x64xi32, #tpu.memory_space<vmem>>
      %dma_wait3A_490 = tpu.memref_squeeze %dma_wait3A_489 : memref<1x64xi32, #tpu.memory_space<vmem>> -> memref<64xi32, #tpu.memory_space<vmem>>
      %dma_wait3A_491 = arith.constant 0 : i32
      %dma_wait3A_492 = arith.constant 0 : i32
      %dma_wait3A_493 = tpu.memref_slice %arg6[%dma_wait3A_491, %dma_wait3A_492] : memref<10240x128xf32, #tpu.memory_space<vmem_shared>> -> memref<10240x128xf32, #tpu.memory_space<vmem_shared>>
      tpu.wait_indirect_dma semaphore(%arg15 : memref<!tpu.dma_semaphore, #tpu.memory_space<semaphore_mem>>) src(%dma_wait3A_487 : memref<64x128xf32, #tpu.memory_space<vmem>>) dst(%dma_wait3A_493 : memref<10240x128xf32, #tpu.memory_space<vmem_shared>>)
      %dma_wait3A_494 = arith.constant 78 : i32
      %dma_wait3A_495 = arith.constant 0 : i32
      %dma_wait3A_496 = arith.constant 0 : i32
      %dma_wait3A_497 = arith.constant 0 : i32
      %dma_wait3A_498 = tpu.memref_slice %arg9[%dma_wait3A_495, %dma_wait3A_496, %dma_wait3A_497] : memref<3x64x128xf32, #tpu.memory_space<vmem>> -> memref<1x64x128xf32, #tpu.memory_space<vmem>>
      %dma_wait3A_499 = tpu.memref_squeeze %dma_wait3A_498 : memref<1x64x128xf32, #tpu.memory_space<vmem>> -> memref<64x128xf32, #tpu.memory_space<vmem>>
      %dma_wait3A_500 = arith.constant 0 : i32
      %dma_wait3A_501 = tpu.memref_slice %arg7[%dma_wait3A_494, %dma_wait3A_500] : memref<80x64xi32, #tpu.memory_space<vmem>> -> memref<1x64xi32, #tpu.memory_space<vmem>>
      %dma_wait3A_502 = tpu.memref_squeeze %dma_wait3A_501 : memref<1x64xi32, #tpu.memory_space<vmem>> -> memref<64xi32, #tpu.memory_space<vmem>>
      %dma_wait3A_503 = arith.constant 0 : i32
      %dma_wait3A_504 = arith.constant 0 : i32
      %dma_wait3A_505 = tpu.memref_slice %arg2[%dma_wait3A_503, %dma_wait3A_504] : memref<10240x128xf32, #tpu.memory_space<hbm>> -> memref<10240x128xf32, #tpu.memory_space<hbm>>
      tpu.wait_indirect_dma semaphore(%arg10 : memref<!tpu.dma_semaphore, #tpu.memory_space<semaphore_mem>>) src(%dma_wait3A_505 : memref<10240x128xf32, #tpu.memory_space<hbm>>) dst(%dma_wait3A_499 : memref<64x128xf32, #tpu.memory_space<vmem>>)
      %dma_start3A_506 = arith.constant 0 : i32
      %dma_start3A_507 = arith.constant 78 : i32
      %dma_start3A_508 = arith.constant 0 : i32
      %dma_start3A_509 = arith.constant 0 : i32
      %dma_start3A_510 = tpu.memref_slice %arg9[%dma_start3A_506, %dma_start3A_508, %dma_start3A_509] : memref<3x64x128xf32, #tpu.memory_space<vmem>> -> memref<1x64x128xf32, #tpu.memory_space<vmem>>
      %dma_start3A_511 = tpu.memref_squeeze %dma_start3A_510 : memref<1x64x128xf32, #tpu.memory_space<vmem>> -> memref<64x128xf32, #tpu.memory_space<vmem>>
      %dma_start3A_512 = arith.constant 0 : i32
      %dma_start3A_513 = tpu.memref_slice %arg8[%dma_start3A_507, %dma_start3A_512] : memref<80x64xi32, #tpu.memory_space<vmem>> -> memref<1x64xi32, #tpu.memory_space<vmem>>
      %dma_start3A_514 = tpu.memref_squeeze %dma_start3A_513 : memref<1x64xi32, #tpu.memory_space<vmem>> -> memref<64xi32, #tpu.memory_space<vmem>>
      %dma_start3A_515 = arith.constant 0 : i32
      %dma_start3A_516 = arith.constant 0 : i32
      %dma_start3A_517 = tpu.memref_slice %arg6[%dma_start3A_515, %dma_start3A_516] : memref<10240x128xf32, #tpu.memory_space<vmem_shared>> -> memref<10240x128xf32, #tpu.memory_space<vmem_shared>>
      tpu.enqueue_indirect_dma source(%dma_start3A_511 : memref<64x128xf32, #tpu.memory_space<vmem>>) target(%dma_start3A_517 : memref<10240x128xf32, #tpu.memory_space<vmem_shared>>) offsets(%dma_start3A_514 : memref<64xi32, #tpu.memory_space<vmem>>) semaphore(%arg13 : memref<!tpu.dma_semaphore, #tpu.memory_space<semaphore_mem>>) {add = true}
      %dma_wait3A_518 = arith.constant 0 : i32
      %dma_wait3A_519 = arith.constant 78 : i32
      %dma_wait3A_520 = arith.constant 0 : i32
      %dma_wait3A_521 = arith.constant 0 : i32
      %dma_wait3A_522 = tpu.memref_slice %arg9[%dma_wait3A_518, %dma_wait3A_520, %dma_wait3A_521] : memref<3x64x128xf32, #tpu.memory_space<vmem>> -> memref<1x64x128xf32, #tpu.memory_space<vmem>>
      %dma_wait3A_523 = tpu.memref_squeeze %dma_wait3A_522 : memref<1x64x128xf32, #tpu.memory_space<vmem>> -> memref<64x128xf32, #tpu.memory_space<vmem>>
      %dma_wait3A_524 = arith.constant 0 : i32
      %dma_wait3A_525 = tpu.memref_slice %arg8[%dma_wait3A_519, %dma_wait3A_524] : memref<80x64xi32, #tpu.memory_space<vmem>> -> memref<1x64xi32, #tpu.memory_space<vmem>>
      %dma_wait3A_526 = tpu.memref_squeeze %dma_wait3A_525 : memref<1x64xi32, #tpu.memory_space<vmem>> -> memref<64xi32, #tpu.memory_space<vmem>>
      %dma_wait3A_527 = arith.constant 0 : i32
      %dma_wait3A_528 = arith.constant 0 : i32
      %dma_wait3A_529 = tpu.memref_slice %arg6[%dma_wait3A_527, %dma_wait3A_528] : memref<10240x128xf32, #tpu.memory_space<vmem_shared>> -> memref<10240x128xf32, #tpu.memory_space<vmem_shared>>
      tpu.wait_indirect_dma semaphore(%arg13 : memref<!tpu.dma_semaphore, #tpu.memory_space<semaphore_mem>>) src(%dma_wait3A_523 : memref<64x128xf32, #tpu.memory_space<vmem>>) dst(%dma_wait3A_529 : memref<10240x128xf32, #tpu.memory_space<vmem_shared>>)
      %dma_wait3A_530 = arith.constant 79 : i32
      %dma_wait3A_531 = arith.constant 1 : i32
      %dma_wait3A_532 = arith.constant 0 : i32
      %dma_wait3A_533 = arith.constant 0 : i32
      %dma_wait3A_534 = tpu.memref_slice %arg9[%dma_wait3A_531, %dma_wait3A_532, %dma_wait3A_533] : memref<3x64x128xf32, #tpu.memory_space<vmem>> -> memref<1x64x128xf32, #tpu.memory_space<vmem>>
      %dma_wait3A_535 = tpu.memref_squeeze %dma_wait3A_534 : memref<1x64x128xf32, #tpu.memory_space<vmem>> -> memref<64x128xf32, #tpu.memory_space<vmem>>
      %dma_wait3A_536 = arith.constant 0 : i32
      %dma_wait3A_537 = tpu.memref_slice %arg7[%dma_wait3A_530, %dma_wait3A_536] : memref<80x64xi32, #tpu.memory_space<vmem>> -> memref<1x64xi32, #tpu.memory_space<vmem>>
      %dma_wait3A_538 = tpu.memref_squeeze %dma_wait3A_537 : memref<1x64xi32, #tpu.memory_space<vmem>> -> memref<64xi32, #tpu.memory_space<vmem>>
      %dma_wait3A_539 = arith.constant 0 : i32
      %dma_wait3A_540 = arith.constant 0 : i32
      %dma_wait3A_541 = tpu.memref_slice %arg2[%dma_wait3A_539, %dma_wait3A_540] : memref<10240x128xf32, #tpu.memory_space<hbm>> -> memref<10240x128xf32, #tpu.memory_space<hbm>>
      tpu.wait_indirect_dma semaphore(%arg11 : memref<!tpu.dma_semaphore, #tpu.memory_space<semaphore_mem>>) src(%dma_wait3A_541 : memref<10240x128xf32, #tpu.memory_space<hbm>>) dst(%dma_wait3A_535 : memref<64x128xf32, #tpu.memory_space<vmem>>)
      %dma_start3A_542 = arith.constant 1 : i32
      %dma_start3A_543 = arith.constant 79 : i32
      %dma_start3A_544 = arith.constant 0 : i32
      %dma_start3A_545 = arith.constant 0 : i32
      %dma_start3A_546 = tpu.memref_slice %arg9[%dma_start3A_542, %dma_start3A_544, %dma_start3A_545] : memref<3x64x128xf32, #tpu.memory_space<vmem>> -> memref<1x64x128xf32, #tpu.memory_space<vmem>>
      %dma_start3A_547 = tpu.memref_squeeze %dma_start3A_546 : memref<1x64x128xf32, #tpu.memory_space<vmem>> -> memref<64x128xf32, #tpu.memory_space<vmem>>
      %dma_start3A_548 = arith.constant 0 : i32
      %dma_start3A_549 = tpu.memref_slice %arg8[%dma_start3A_543, %dma_start3A_548] : memref<80x64xi32, #tpu.memory_space<vmem>> -> memref<1x64xi32, #tpu.memory_space<vmem>>
      %dma_start3A_550 = tpu.memref_squeeze %dma_start3A_549 : memref<1x64xi32, #tpu.memory_space<vmem>> -> memref<64xi32, #tpu.memory_space<vmem>>
      %dma_start3A_551 = arith.constant 0 : i32
      %dma_start3A_552 = arith.constant 0 : i32
      %dma_start3A_553 = tpu.memref_slice %arg6[%dma_start3A_551, %dma_start3A_552] : memref<10240x128xf32, #tpu.memory_space<vmem_shared>> -> memref<10240x128xf32, #tpu.memory_space<vmem_shared>>
      tpu.enqueue_indirect_dma source(%dma_start3A_547 : memref<64x128xf32, #tpu.memory_space<vmem>>) target(%dma_start3A_553 : memref<10240x128xf32, #tpu.memory_space<vmem_shared>>) offsets(%dma_start3A_550 : memref<64xi32, #tpu.memory_space<vmem>>) semaphore(%arg14 : memref<!tpu.dma_semaphore, #tpu.memory_space<semaphore_mem>>) {add = true}
      %dma_wait3A_554 = arith.constant 1 : i32
      %dma_wait3A_555 = arith.constant 79 : i32
      %dma_wait3A_556 = arith.constant 0 : i32
      %dma_wait3A_557 = arith.constant 0 : i32
      %dma_wait3A_558 = tpu.memref_slice %arg9[%dma_wait3A_554, %dma_wait3A_556, %dma_wait3A_557] : memref<3x64x128xf32, #tpu.memory_space<vmem>> -> memref<1x64x128xf32, #tpu.memory_space<vmem>>
      %dma_wait3A_559 = tpu.memref_squeeze %dma_wait3A_558 : memref<1x64x128xf32, #tpu.memory_space<vmem>> -> memref<64x128xf32, #tpu.memory_space<vmem>>
      %dma_wait3A_560 = arith.constant 0 : i32
      %dma_wait3A_561 = tpu.memref_slice %arg8[%dma_wait3A_555, %dma_wait3A_560] : memref<80x64xi32, #tpu.memory_space<vmem>> -> memref<1x64xi32, #tpu.memory_space<vmem>>
      %dma_wait3A_562 = tpu.memref_squeeze %dma_wait3A_561 : memref<1x64xi32, #tpu.memory_space<vmem>> -> memref<64xi32, #tpu.memory_space<vmem>>
      %dma_wait3A_563 = arith.constant 0 : i32
      %dma_wait3A_564 = arith.constant 0 : i32
      %dma_wait3A_565 = tpu.memref_slice %arg6[%dma_wait3A_563, %dma_wait3A_564] : memref<10240x128xf32, #tpu.memory_space<vmem_shared>> -> memref<10240x128xf32, #tpu.memory_space<vmem_shared>>
      tpu.wait_indirect_dma semaphore(%arg14 : memref<!tpu.dma_semaphore, #tpu.memory_space<semaphore_mem>>) src(%dma_wait3A_559 : memref<64x128xf32, #tpu.memory_space<vmem>>) dst(%dma_wait3A_565 : memref<10240x128xf32, #tpu.memory_space<vmem_shared>>)
    } else {
    }
    %eq3A_54 = arith.constant 1 : i32
    %eq3A_55 = arith.cmpi eq, %arg0, %eq3A_54 : i32
    %convert_element_type3A_56 = arith.extui %eq3A_55 : i1 to i32
    %cond3A_57 = arith.constant 0 : i32
    %cond3A_58 = arith.cmpi ne, %convert_element_type3A_56, %cond3A_57 : i32
    scf.if %cond3A_58 {
      %mul3A_64 = arith.constant 320 : i32
      %mul3A_65 = arith.muli %arg1, %mul3A_64 : i32
      %add3A_66 = arith.constant 160 : i32
      %add3A_67 = arith.addi %mul3A_65, %add3A_66 : i32
      %add3A_68 = arith.constant 0 : i32
      %add3A_69 = arith.addi %add3A_67, %add3A_68 : i32
      "tpu.region"() ({
        %run_scoped3A_570 = tpu.sem_alloc : memref<!tpu.dma_semaphore, #tpu.memory_space<semaphore_mem>>
        %dma_start3A_571 = arith.constant 0 : i32
        %dma_start3A_572 = arith.constant 0 : i32
        %dma_start3A_573 = tpu.memref_slice %arg7[%dma_start3A_571, %dma_start3A_572] : memref<80x64xi32, #tpu.memory_space<vmem>> -> memref<80x64xi32, #tpu.memory_space<vmem>>
        %dma_start3A_574 = arith.constant 0 : i32
        %dma_start3A_575 = tpu.memref_slice %arg3[%add3A_69, %dma_start3A_574] : memref<5120x64xi32, #tpu.memory_space<hbm>> -> memref<80x64xi32, #tpu.memory_space<hbm>>
        %dma_start3A_576 = arith.constant 0 : i32
        %dma_start3A_577 = arith.constant 0 : i32
        %dma_start3A_578 = tpu.memref_slice %arg7[%dma_start3A_576, %dma_start3A_577] : memref<80x64xi32, #tpu.memory_space<vmem>> -> memref<80x64xi32, #tpu.memory_space<vmem>>
        %dma_start3A_579 = arith.constant 0 : i32
        %dma_start3A_580 = tpu.memref_slice %arg3[%add3A_69, %dma_start3A_579] : memref<5120x64xi32, #tpu.memory_space<hbm>> -> memref<80x64xi32, #tpu.memory_space<hbm>>
        tpu.enqueue_dma source(%dma_start3A_580 : memref<80x64xi32, #tpu.memory_space<hbm>>) target(%dma_start3A_578 : memref<80x64xi32, #tpu.memory_space<vmem>>) target_semaphore(%run_scoped3A_570 : memref<!tpu.dma_semaphore, #tpu.memory_space<semaphore_mem>>)
        %dma_wait3A_581 = arith.constant 0 : i32
        %dma_wait3A_582 = arith.constant 0 : i32
        %dma_wait3A_583 = tpu.memref_slice %arg7[%dma_wait3A_581, %dma_wait3A_582] : memref<80x64xi32, #tpu.memory_space<vmem>> -> memref<80x64xi32, #tpu.memory_space<vmem>>
        %dma_wait3A_584 = arith.constant 0 : i32
        %dma_wait3A_585 = tpu.memref_slice %arg3[%add3A_69, %dma_wait3A_584] : memref<5120x64xi32, #tpu.memory_space<hbm>> -> memref<80x64xi32, #tpu.memory_space<hbm>>
        %dma_wait3A_586 = arith.constant 0 : i32
        %dma_wait3A_587 = arith.constant 0 : i32
        %dma_wait3A_588 = tpu.memref_slice %arg7[%dma_wait3A_586, %dma_wait3A_587] : memref<80x64xi32, #tpu.memory_space<vmem>> -> memref<80x64xi32, #tpu.memory_space<vmem>>
        %dma_wait3A_589 = arith.constant 0 : i32
        %dma_wait3A_590 = tpu.memref_slice %arg3[%add3A_69, %dma_wait3A_589] : memref<5120x64xi32, #tpu.memory_space<hbm>> -> memref<80x64xi32, #tpu.memory_space<hbm>>
        tpu.wait_dma2 semaphore(%run_scoped3A_570 : memref<!tpu.dma_semaphore, #tpu.memory_space<semaphore_mem>>) src(%dma_wait3A_590 : memref<80x64xi32, #tpu.memory_space<hbm>>) dst(%dma_wait3A_588 : memref<80x64xi32, #tpu.memory_space<vmem>>)
        tpu.yield
      }) : () -> ()
      %mul3A_70 = arith.constant 1 : i32
      %mul3A_71 = arith.muli %add3A_69, %mul3A_70 : i32
      "tpu.region"() ({
        %run_scoped3A_570 = tpu.sem_alloc : memref<!tpu.dma_semaphore, #tpu.memory_space<semaphore_mem>>
        %dma_start3A_571 = arith.constant 0 : i32
        %dma_start3A_572 = arith.constant 0 : i32
        %dma_start3A_573 = tpu.memref_slice %arg8[%dma_start3A_571, %dma_start3A_572] : memref<80x64xi32, #tpu.memory_space<vmem>> -> memref<80x64xi32, #tpu.memory_space<vmem>>
        %dma_start3A_574 = arith.constant 0 : i32
        %dma_start3A_575 = tpu.memref_slice %arg4[%mul3A_71, %dma_start3A_574] : memref<5120x64xi32, #tpu.memory_space<hbm>> -> memref<80x64xi32, #tpu.memory_space<hbm>>
        %dma_start3A_576 = arith.constant 0 : i32
        %dma_start3A_577 = arith.constant 0 : i32
        %dma_start3A_578 = tpu.memref_slice %arg8[%dma_start3A_576, %dma_start3A_577] : memref<80x64xi32, #tpu.memory_space<vmem>> -> memref<80x64xi32, #tpu.memory_space<vmem>>
        %dma_start3A_579 = arith.constant 0 : i32
        %dma_start3A_580 = tpu.memref_slice %arg4[%mul3A_71, %dma_start3A_579] : memref<5120x64xi32, #tpu.memory_space<hbm>> -> memref<80x64xi32, #tpu.memory_space<hbm>>
        tpu.enqueue_dma source(%dma_start3A_580 : memref<80x64xi32, #tpu.memory_space<hbm>>) target(%dma_start3A_578 : memref<80x64xi32, #tpu.memory_space<vmem>>) target_semaphore(%run_scoped3A_570 : memref<!tpu.dma_semaphore, #tpu.memory_space<semaphore_mem>>)
        %dma_wait3A_581 = arith.constant 0 : i32
        %dma_wait3A_582 = arith.constant 0 : i32
        %dma_wait3A_583 = tpu.memref_slice %arg8[%dma_wait3A_581, %dma_wait3A_582] : memref<80x64xi32, #tpu.memory_space<vmem>> -> memref<80x64xi32, #tpu.memory_space<vmem>>
        %dma_wait3A_584 = arith.constant 0 : i32
        %dma_wait3A_585 = tpu.memref_slice %arg4[%mul3A_71, %dma_wait3A_584] : memref<5120x64xi32, #tpu.memory_space<hbm>> -> memref<80x64xi32, #tpu.memory_space<hbm>>
        %dma_wait3A_586 = arith.constant 0 : i32
        %dma_wait3A_587 = arith.constant 0 : i32
        %dma_wait3A_588 = tpu.memref_slice %arg8[%dma_wait3A_586, %dma_wait3A_587] : memref<80x64xi32, #tpu.memory_space<vmem>> -> memref<80x64xi32, #tpu.memory_space<vmem>>
        %dma_wait3A_589 = arith.constant 0 : i32
        %dma_wait3A_590 = tpu.memref_slice %arg4[%mul3A_71, %dma_wait3A_589] : memref<5120x64xi32, #tpu.memory_space<hbm>> -> memref<80x64xi32, #tpu.memory_space<hbm>>
        tpu.wait_dma2 semaphore(%run_scoped3A_570 : memref<!tpu.dma_semaphore, #tpu.memory_space<semaphore_mem>>) src(%dma_wait3A_590 : memref<80x64xi32, #tpu.memory_space<hbm>>) dst(%dma_wait3A_588 : memref<80x64xi32, #tpu.memory_space<vmem>>)
        tpu.yield
      }) : () -> ()
      %dma_start3A = arith.constant 0 : i32
      %dma_start3A_72 = arith.constant 0 : i32
      %dma_start3A_73 = arith.constant 0 : i32
      %dma_start3A_74 = arith.constant 0 : i32
      %dma_start3A_75 = tpu.memref_slice %arg9[%dma_start3A_72, %dma_start3A_73, %dma_start3A_74] : memref<3x64x128xf32, #tpu.memory_space<vmem>> -> memref<1x64x128xf32, #tpu.memory_space<vmem>>
      %dma_start3A_76 = tpu.memref_squeeze %dma_start3A_75 : memref<1x64x128xf32, #tpu.memory_space<vmem>> -> memref<64x128xf32, #tpu.memory_space<vmem>>
      %dma_start3A_77 = arith.constant 0 : i32
      %dma_start3A_78 = tpu.memref_slice %arg7[%dma_start3A, %dma_start3A_77] : memref<80x64xi32, #tpu.memory_space<vmem>> -> memref<1x64xi32, #tpu.memory_space<vmem>>
      %dma_start3A_79 = tpu.memref_squeeze %dma_start3A_78 : memref<1x64xi32, #tpu.memory_space<vmem>> -> memref<64xi32, #tpu.memory_space<vmem>>
      %dma_start3A_80 = arith.constant 0 : i32
      %dma_start3A_81 = arith.constant 0 : i32
      %dma_start3A_82 = tpu.memref_slice %arg2[%dma_start3A_80, %dma_start3A_81] : memref<10240x128xf32, #tpu.memory_space<hbm>> -> memref<10240x128xf32, #tpu.memory_space<hbm>>
      tpu.enqueue_indirect_dma source(%dma_start3A_82 : memref<10240x128xf32, #tpu.memory_space<hbm>>) target(%dma_start3A_76 : memref<64x128xf32, #tpu.memory_space<vmem>>) offsets(%dma_start3A_79 : memref<64xi32, #tpu.memory_space<vmem>>) semaphore(%arg10 : memref<!tpu.dma_semaphore, #tpu.memory_space<semaphore_mem>>)
      %dma_start3A_83 = arith.constant 1 : i32
      %dma_start3A_84 = arith.constant 1 : i32
      %dma_start3A_85 = arith.constant 0 : i32
      %dma_start3A_86 = arith.constant 0 : i32
      %dma_start3A_87 = tpu.memref_slice %arg9[%dma_start3A_84, %dma_start3A_85, %dma_start3A_86] : memref<3x64x128xf32, #tpu.memory_space<vmem>> -> memref<1x64x128xf32, #tpu.memory_space<vmem>>
      %dma_start3A_88 = tpu.memref_squeeze %dma_start3A_87 : memref<1x64x128xf32, #tpu.memory_space<vmem>> -> memref<64x128xf32, #tpu.memory_space<vmem>>
      %dma_start3A_89 = arith.constant 0 : i32
      %dma_start3A_90 = tpu.memref_slice %arg7[%dma_start3A_83, %dma_start3A_89] : memref<80x64xi32, #tpu.memory_space<vmem>> -> memref<1x64xi32, #tpu.memory_space<vmem>>
      %dma_start3A_91 = tpu.memref_squeeze %dma_start3A_90 : memref<1x64xi32, #tpu.memory_space<vmem>> -> memref<64xi32, #tpu.memory_space<vmem>>
      %dma_start3A_92 = arith.constant 0 : i32
      %dma_start3A_93 = arith.constant 0 : i32
      %dma_start3A_94 = tpu.memref_slice %arg2[%dma_start3A_92, %dma_start3A_93] : memref<10240x128xf32, #tpu.memory_space<hbm>> -> memref<10240x128xf32, #tpu.memory_space<hbm>>
      tpu.enqueue_indirect_dma source(%dma_start3A_94 : memref<10240x128xf32, #tpu.memory_space<hbm>>) target(%dma_start3A_88 : memref<64x128xf32, #tpu.memory_space<vmem>>) offsets(%dma_start3A_91 : memref<64xi32, #tpu.memory_space<vmem>>) semaphore(%arg11 : memref<!tpu.dma_semaphore, #tpu.memory_space<semaphore_mem>>)
      %dma_start3A_95 = arith.constant 2 : i32
      %dma_start3A_96 = arith.constant 2 : i32
      %dma_start3A_97 = arith.constant 0 : i32
      %dma_start3A_98 = arith.constant 0 : i32
      %dma_start3A_99 = tpu.memref_slice %arg9[%dma_start3A_96, %dma_start3A_97, %dma_start3A_98] : memref<3x64x128xf32, #tpu.memory_space<vmem>> -> memref<1x64x128xf32, #tpu.memory_space<vmem>>
      %dma_start3A_100 = tpu.memref_squeeze %dma_start3A_99 : memref<1x64x128xf32, #tpu.memory_space<vmem>> -> memref<64x128xf32, #tpu.memory_space<vmem>>
      %dma_start3A_101 = arith.constant 0 : i32
      %dma_start3A_102 = tpu.memref_slice %arg7[%dma_start3A_95, %dma_start3A_101] : memref<80x64xi32, #tpu.memory_space<vmem>> -> memref<1x64xi32, #tpu.memory_space<vmem>>
      %dma_start3A_103 = tpu.memref_squeeze %dma_start3A_102 : memref<1x64xi32, #tpu.memory_space<vmem>> -> memref<64xi32, #tpu.memory_space<vmem>>
      %dma_start3A_104 = arith.constant 0 : i32
      %dma_start3A_105 = arith.constant 0 : i32
      %dma_start3A_106 = tpu.memref_slice %arg2[%dma_start3A_104, %dma_start3A_105] : memref<10240x128xf32, #tpu.memory_space<hbm>> -> memref<10240x128xf32, #tpu.memory_space<hbm>>
      tpu.enqueue_indirect_dma source(%dma_start3A_106 : memref<10240x128xf32, #tpu.memory_space<hbm>>) target(%dma_start3A_100 : memref<64x128xf32, #tpu.memory_space<vmem>>) offsets(%dma_start3A_103 : memref<64xi32, #tpu.memory_space<vmem>>) semaphore(%arg12 : memref<!tpu.dma_semaphore, #tpu.memory_space<semaphore_mem>>)
      %scan3A_107 = arith.constant 0 : i32
      %scan3A_108 = arith.constant 0 : i32
      %scan3A_109 = arith.constant 25 : i32
      %scan3A_110 = arith.addi %scan3A_108, %scan3A_109 : i32
      %scan3A_111 = arith.constant 1 : i32
      scf.for %scan3A_570 = %scan3A_108 to %scan3A_110 step %scan3A_111  : i32 {
        %mul3A_571 = arith.constant 3 : i32
        %mul3A_572 = arith.muli %scan3A_570, %mul3A_571 : i32
        %add3A_573 = arith.constant 0 : i32
        %add3A_574 = arith.addi %mul3A_572, %add3A_573 : i32
        %dma_wait3A_575 = arith.constant 0 : i32
        %dma_wait3A_576 = arith.constant 0 : i32
        %dma_wait3A_577 = arith.constant 0 : i32
        %dma_wait3A_578 = tpu.memref_slice %arg9[%dma_wait3A_575, %dma_wait3A_576, %dma_wait3A_577] : memref<3x64x128xf32, #tpu.memory_space<vmem>> -> memref<1x64x128xf32, #tpu.memory_space<vmem>>
        %dma_wait3A_579 = tpu.memref_squeeze %dma_wait3A_578 : memref<1x64x128xf32, #tpu.memory_space<vmem>> -> memref<64x128xf32, #tpu.memory_space<vmem>>
        %dma_wait3A_580 = arith.constant 0 : i32
        %dma_wait3A_581 = tpu.memref_slice %arg7[%add3A_574, %dma_wait3A_580] : memref<80x64xi32, #tpu.memory_space<vmem>> -> memref<1x64xi32, #tpu.memory_space<vmem>>
        %dma_wait3A_582 = tpu.memref_squeeze %dma_wait3A_581 : memref<1x64xi32, #tpu.memory_space<vmem>> -> memref<64xi32, #tpu.memory_space<vmem>>
        %dma_wait3A_583 = arith.constant 0 : i32
        %dma_wait3A_584 = arith.constant 0 : i32
        %dma_wait3A_585 = tpu.memref_slice %arg2[%dma_wait3A_583, %dma_wait3A_584] : memref<10240x128xf32, #tpu.memory_space<hbm>> -> memref<10240x128xf32, #tpu.memory_space<hbm>>
        tpu.wait_indirect_dma semaphore(%arg10 : memref<!tpu.dma_semaphore, #tpu.memory_space<semaphore_mem>>) src(%dma_wait3A_585 : memref<10240x128xf32, #tpu.memory_space<hbm>>) dst(%dma_wait3A_579 : memref<64x128xf32, #tpu.memory_space<vmem>>)
        %mul3A_586 = arith.constant 1 : i32
        %mul3A_587 = arith.muli %add3A_574, %mul3A_586 : i32
        %add3A_588 = arith.constant 0 : i32
        %add3A_589 = arith.addi %mul3A_587, %add3A_588 : i32
        %dma_start3A_590 = arith.constant 0 : i32
        %dma_start3A_591 = arith.constant 0 : i32
        %dma_start3A_592 = arith.constant 0 : i32
        %dma_start3A_593 = tpu.memref_slice %arg9[%dma_start3A_590, %dma_start3A_591, %dma_start3A_592] : memref<3x64x128xf32, #tpu.memory_space<vmem>> -> memref<1x64x128xf32, #tpu.memory_space<vmem>>
        %dma_start3A_594 = tpu.memref_squeeze %dma_start3A_593 : memref<1x64x128xf32, #tpu.memory_space<vmem>> -> memref<64x128xf32, #tpu.memory_space<vmem>>
        %dma_start3A_595 = arith.constant 0 : i32
        %dma_start3A_596 = tpu.memref_slice %arg8[%add3A_589, %dma_start3A_595] : memref<80x64xi32, #tpu.memory_space<vmem>> -> memref<1x64xi32, #tpu.memory_space<vmem>>
        %dma_start3A_597 = tpu.memref_squeeze %dma_start3A_596 : memref<1x64xi32, #tpu.memory_space<vmem>> -> memref<64xi32, #tpu.memory_space<vmem>>
        %dma_start3A_598 = arith.constant 0 : i32
        %dma_start3A_599 = arith.constant 0 : i32
        %dma_start3A_600 = tpu.memref_slice %arg6[%dma_start3A_598, %dma_start3A_599] : memref<10240x128xf32, #tpu.memory_space<vmem_shared>> -> memref<10240x128xf32, #tpu.memory_space<vmem_shared>>
        tpu.enqueue_indirect_dma source(%dma_start3A_594 : memref<64x128xf32, #tpu.memory_space<vmem>>) target(%dma_start3A_600 : memref<10240x128xf32, #tpu.memory_space<vmem_shared>>) offsets(%dma_start3A_597 : memref<64xi32, #tpu.memory_space<vmem>>) semaphore(%arg13 : memref<!tpu.dma_semaphore, #tpu.memory_space<semaphore_mem>>) {add = true}
        %mul3A_601 = arith.constant 1 : i32
        %mul3A_602 = arith.muli %add3A_574, %mul3A_601 : i32
        %add3A_603 = arith.constant 0 : i32
        %add3A_604 = arith.addi %mul3A_602, %add3A_603 : i32
        %dma_wait3A_605 = arith.constant 0 : i32
        %dma_wait3A_606 = arith.constant 0 : i32
        %dma_wait3A_607 = arith.constant 0 : i32
        %dma_wait3A_608 = tpu.memref_slice %arg9[%dma_wait3A_605, %dma_wait3A_606, %dma_wait3A_607] : memref<3x64x128xf32, #tpu.memory_space<vmem>> -> memref<1x64x128xf32, #tpu.memory_space<vmem>>
        %dma_wait3A_609 = tpu.memref_squeeze %dma_wait3A_608 : memref<1x64x128xf32, #tpu.memory_space<vmem>> -> memref<64x128xf32, #tpu.memory_space<vmem>>
        %dma_wait3A_610 = arith.constant 0 : i32
        %dma_wait3A_611 = tpu.memref_slice %arg8[%add3A_604, %dma_wait3A_610] : memref<80x64xi32, #tpu.memory_space<vmem>> -> memref<1x64xi32, #tpu.memory_space<vmem>>
        %dma_wait3A_612 = tpu.memref_squeeze %dma_wait3A_611 : memref<1x64xi32, #tpu.memory_space<vmem>> -> memref<64xi32, #tpu.memory_space<vmem>>
        %dma_wait3A_613 = arith.constant 0 : i32
        %dma_wait3A_614 = arith.constant 0 : i32
        %dma_wait3A_615 = tpu.memref_slice %arg6[%dma_wait3A_613, %dma_wait3A_614] : memref<10240x128xf32, #tpu.memory_space<vmem_shared>> -> memref<10240x128xf32, #tpu.memory_space<vmem_shared>>
        tpu.wait_indirect_dma semaphore(%arg13 : memref<!tpu.dma_semaphore, #tpu.memory_space<semaphore_mem>>) src(%dma_wait3A_609 : memref<64x128xf32, #tpu.memory_space<vmem>>) dst(%dma_wait3A_615 : memref<10240x128xf32, #tpu.memory_space<vmem_shared>>)
        %add3A_616 = arith.constant 3 : i32
        %add3A_617 = arith.addi %add3A_574, %add3A_616 : i32
        %dma_start3A_618 = arith.constant 0 : i32
        %dma_start3A_619 = arith.constant 0 : i32
        %dma_start3A_620 = arith.constant 0 : i32
        %dma_start3A_621 = tpu.memref_slice %arg9[%dma_start3A_618, %dma_start3A_619, %dma_start3A_620] : memref<3x64x128xf32, #tpu.memory_space<vmem>> -> memref<1x64x128xf32, #tpu.memory_space<vmem>>
        %dma_start3A_622 = tpu.memref_squeeze %dma_start3A_621 : memref<1x64x128xf32, #tpu.memory_space<vmem>> -> memref<64x128xf32, #tpu.memory_space<vmem>>
        %dma_start3A_623 = arith.constant 0 : i32
        %dma_start3A_624 = tpu.memref_slice %arg7[%add3A_617, %dma_start3A_623] : memref<80x64xi32, #tpu.memory_space<vmem>> -> memref<1x64xi32, #tpu.memory_space<vmem>>
        %dma_start3A_625 = tpu.memref_squeeze %dma_start3A_624 : memref<1x64xi32, #tpu.memory_space<vmem>> -> memref<64xi32, #tpu.memory_space<vmem>>
        %dma_start3A_626 = arith.constant 0 : i32
        %dma_start3A_627 = arith.constant 0 : i32
        %dma_start3A_628 = tpu.memref_slice %arg2[%dma_start3A_626, %dma_start3A_627] : memref<10240x128xf32, #tpu.memory_space<hbm>> -> memref<10240x128xf32, #tpu.memory_space<hbm>>
        tpu.enqueue_indirect_dma source(%dma_start3A_628 : memref<10240x128xf32, #tpu.memory_space<hbm>>) target(%dma_start3A_622 : memref<64x128xf32, #tpu.memory_space<vmem>>) offsets(%dma_start3A_625 : memref<64xi32, #tpu.memory_space<vmem>>) semaphore(%arg10 : memref<!tpu.dma_semaphore, #tpu.memory_space<semaphore_mem>>)
        %add3A_629 = arith.constant 1 : i32
        %add3A_630 = arith.addi %mul3A_572, %add3A_629 : i32
        %dma_wait3A_631 = arith.constant 1 : i32
        %dma_wait3A_632 = arith.constant 0 : i32
        %dma_wait3A_633 = arith.constant 0 : i32
        %dma_wait3A_634 = tpu.memref_slice %arg9[%dma_wait3A_631, %dma_wait3A_632, %dma_wait3A_633] : memref<3x64x128xf32, #tpu.memory_space<vmem>> -> memref<1x64x128xf32, #tpu.memory_space<vmem>>
        %dma_wait3A_635 = tpu.memref_squeeze %dma_wait3A_634 : memref<1x64x128xf32, #tpu.memory_space<vmem>> -> memref<64x128xf32, #tpu.memory_space<vmem>>
        %dma_wait3A_636 = arith.constant 0 : i32
        %dma_wait3A_637 = tpu.memref_slice %arg7[%add3A_630, %dma_wait3A_636] : memref<80x64xi32, #tpu.memory_space<vmem>> -> memref<1x64xi32, #tpu.memory_space<vmem>>
        %dma_wait3A_638 = tpu.memref_squeeze %dma_wait3A_637 : memref<1x64xi32, #tpu.memory_space<vmem>> -> memref<64xi32, #tpu.memory_space<vmem>>
        %dma_wait3A_639 = arith.constant 0 : i32
        %dma_wait3A_640 = arith.constant 0 : i32
        %dma_wait3A_641 = tpu.memref_slice %arg2[%dma_wait3A_639, %dma_wait3A_640] : memref<10240x128xf32, #tpu.memory_space<hbm>> -> memref<10240x128xf32, #tpu.memory_space<hbm>>
        tpu.wait_indirect_dma semaphore(%arg11 : memref<!tpu.dma_semaphore, #tpu.memory_space<semaphore_mem>>) src(%dma_wait3A_641 : memref<10240x128xf32, #tpu.memory_space<hbm>>) dst(%dma_wait3A_635 : memref<64x128xf32, #tpu.memory_space<vmem>>)
        %mul3A_642 = arith.constant 1 : i32
        %mul3A_643 = arith.muli %add3A_630, %mul3A_642 : i32
        %add3A_644 = arith.constant 0 : i32
        %add3A_645 = arith.addi %mul3A_643, %add3A_644 : i32
        %dma_start3A_646 = arith.constant 1 : i32
        %dma_start3A_647 = arith.constant 0 : i32
        %dma_start3A_648 = arith.constant 0 : i32
        %dma_start3A_649 = tpu.memref_slice %arg9[%dma_start3A_646, %dma_start3A_647, %dma_start3A_648] : memref<3x64x128xf32, #tpu.memory_space<vmem>> -> memref<1x64x128xf32, #tpu.memory_space<vmem>>
        %dma_start3A_650 = tpu.memref_squeeze %dma_start3A_649 : memref<1x64x128xf32, #tpu.memory_space<vmem>> -> memref<64x128xf32, #tpu.memory_space<vmem>>
        %dma_start3A_651 = arith.constant 0 : i32
        %dma_start3A_652 = tpu.memref_slice %arg8[%add3A_645, %dma_start3A_651] : memref<80x64xi32, #tpu.memory_space<vmem>> -> memref<1x64xi32, #tpu.memory_space<vmem>>
        %dma_start3A_653 = tpu.memref_squeeze %dma_start3A_652 : memref<1x64xi32, #tpu.memory_space<vmem>> -> memref<64xi32, #tpu.memory_space<vmem>>
        %dma_start3A_654 = arith.constant 0 : i32
        %dma_start3A_655 = arith.constant 0 : i32
        %dma_start3A_656 = tpu.memref_slice %arg6[%dma_start3A_654, %dma_start3A_655] : memref<10240x128xf32, #tpu.memory_space<vmem_shared>> -> memref<10240x128xf32, #tpu.memory_space<vmem_shared>>
        tpu.enqueue_indirect_dma source(%dma_start3A_650 : memref<64x128xf32, #tpu.memory_space<vmem>>) target(%dma_start3A_656 : memref<10240x128xf32, #tpu.memory_space<vmem_shared>>) offsets(%dma_start3A_653 : memref<64xi32, #tpu.memory_space<vmem>>) semaphore(%arg14 : memref<!tpu.dma_semaphore, #tpu.memory_space<semaphore_mem>>) {add = true}
        %mul3A_657 = arith.constant 1 : i32
        %mul3A_658 = arith.muli %add3A_630, %mul3A_657 : i32
        %add3A_659 = arith.constant 0 : i32
        %add3A_660 = arith.addi %mul3A_658, %add3A_659 : i32
        %dma_wait3A_661 = arith.constant 1 : i32
        %dma_wait3A_662 = arith.constant 0 : i32
        %dma_wait3A_663 = arith.constant 0 : i32
        %dma_wait3A_664 = tpu.memref_slice %arg9[%dma_wait3A_661, %dma_wait3A_662, %dma_wait3A_663] : memref<3x64x128xf32, #tpu.memory_space<vmem>> -> memref<1x64x128xf32, #tpu.memory_space<vmem>>
        %dma_wait3A_665 = tpu.memref_squeeze %dma_wait3A_664 : memref<1x64x128xf32, #tpu.memory_space<vmem>> -> memref<64x128xf32, #tpu.memory_space<vmem>>
        %dma_wait3A_666 = arith.constant 0 : i32
        %dma_wait3A_667 = tpu.memref_slice %arg8[%add3A_660, %dma_wait3A_666] : memref<80x64xi32, #tpu.memory_space<vmem>> -> memref<1x64xi32, #tpu.memory_space<vmem>>
        %dma_wait3A_668 = tpu.memref_squeeze %dma_wait3A_667 : memref<1x64xi32, #tpu.memory_space<vmem>> -> memref<64xi32, #tpu.memory_space<vmem>>
        %dma_wait3A_669 = arith.constant 0 : i32
        %dma_wait3A_670 = arith.constant 0 : i32
        %dma_wait3A_671 = tpu.memref_slice %arg6[%dma_wait3A_669, %dma_wait3A_670] : memref<10240x128xf32, #tpu.memory_space<vmem_shared>> -> memref<10240x128xf32, #tpu.memory_space<vmem_shared>>
        tpu.wait_indirect_dma semaphore(%arg14 : memref<!tpu.dma_semaphore, #tpu.memory_space<semaphore_mem>>) src(%dma_wait3A_665 : memref<64x128xf32, #tpu.memory_space<vmem>>) dst(%dma_wait3A_671 : memref<10240x128xf32, #tpu.memory_space<vmem_shared>>)
        %add3A_672 = arith.constant 3 : i32
        %add3A_673 = arith.addi %add3A_630, %add3A_672 : i32
        %dma_start3A_674 = arith.constant 1 : i32
        %dma_start3A_675 = arith.constant 0 : i32
        %dma_start3A_676 = arith.constant 0 : i32
        %dma_start3A_677 = tpu.memref_slice %arg9[%dma_start3A_674, %dma_start3A_675, %dma_start3A_676] : memref<3x64x128xf32, #tpu.memory_space<vmem>> -> memref<1x64x128xf32, #tpu.memory_space<vmem>>
        %dma_start3A_678 = tpu.memref_squeeze %dma_start3A_677 : memref<1x64x128xf32, #tpu.memory_space<vmem>> -> memref<64x128xf32, #tpu.memory_space<vmem>>
        %dma_start3A_679 = arith.constant 0 : i32
        %dma_start3A_680 = tpu.memref_slice %arg7[%add3A_673, %dma_start3A_679] : memref<80x64xi32, #tpu.memory_space<vmem>> -> memref<1x64xi32, #tpu.memory_space<vmem>>
        %dma_start3A_681 = tpu.memref_squeeze %dma_start3A_680 : memref<1x64xi32, #tpu.memory_space<vmem>> -> memref<64xi32, #tpu.memory_space<vmem>>
        %dma_start3A_682 = arith.constant 0 : i32
        %dma_start3A_683 = arith.constant 0 : i32
        %dma_start3A_684 = tpu.memref_slice %arg2[%dma_start3A_682, %dma_start3A_683] : memref<10240x128xf32, #tpu.memory_space<hbm>> -> memref<10240x128xf32, #tpu.memory_space<hbm>>
        tpu.enqueue_indirect_dma source(%dma_start3A_684 : memref<10240x128xf32, #tpu.memory_space<hbm>>) target(%dma_start3A_678 : memref<64x128xf32, #tpu.memory_space<vmem>>) offsets(%dma_start3A_681 : memref<64xi32, #tpu.memory_space<vmem>>) semaphore(%arg11 : memref<!tpu.dma_semaphore, #tpu.memory_space<semaphore_mem>>)
        %add3A_685 = arith.constant 2 : i32
        %add3A_686 = arith.addi %mul3A_572, %add3A_685 : i32
        %dma_wait3A_687 = arith.constant 2 : i32
        %dma_wait3A_688 = arith.constant 0 : i32
        %dma_wait3A_689 = arith.constant 0 : i32
        %dma_wait3A_690 = tpu.memref_slice %arg9[%dma_wait3A_687, %dma_wait3A_688, %dma_wait3A_689] : memref<3x64x128xf32, #tpu.memory_space<vmem>> -> memref<1x64x128xf32, #tpu.memory_space<vmem>>
        %dma_wait3A_691 = tpu.memref_squeeze %dma_wait3A_690 : memref<1x64x128xf32, #tpu.memory_space<vmem>> -> memref<64x128xf32, #tpu.memory_space<vmem>>
        %dma_wait3A_692 = arith.constant 0 : i32
        %dma_wait3A_693 = tpu.memref_slice %arg7[%add3A_686, %dma_wait3A_692] : memref<80x64xi32, #tpu.memory_space<vmem>> -> memref<1x64xi32, #tpu.memory_space<vmem>>
        %dma_wait3A_694 = tpu.memref_squeeze %dma_wait3A_693 : memref<1x64xi32, #tpu.memory_space<vmem>> -> memref<64xi32, #tpu.memory_space<vmem>>
        %dma_wait3A_695 = arith.constant 0 : i32
        %dma_wait3A_696 = arith.constant 0 : i32
        %dma_wait3A_697 = tpu.memref_slice %arg2[%dma_wait3A_695, %dma_wait3A_696] : memref<10240x128xf32, #tpu.memory_space<hbm>> -> memref<10240x128xf32, #tpu.memory_space<hbm>>
        tpu.wait_indirect_dma semaphore(%arg12 : memref<!tpu.dma_semaphore, #tpu.memory_space<semaphore_mem>>) src(%dma_wait3A_697 : memref<10240x128xf32, #tpu.memory_space<hbm>>) dst(%dma_wait3A_691 : memref<64x128xf32, #tpu.memory_space<vmem>>)
        %mul3A_698 = arith.constant 1 : i32
        %mul3A_699 = arith.muli %add3A_686, %mul3A_698 : i32
        %add3A_700 = arith.constant 0 : i32
        %add3A_701 = arith.addi %mul3A_699, %add3A_700 : i32
        %dma_start3A_702 = arith.constant 2 : i32
        %dma_start3A_703 = arith.constant 0 : i32
        %dma_start3A_704 = arith.constant 0 : i32
        %dma_start3A_705 = tpu.memref_slice %arg9[%dma_start3A_702, %dma_start3A_703, %dma_start3A_704] : memref<3x64x128xf32, #tpu.memory_space<vmem>> -> memref<1x64x128xf32, #tpu.memory_space<vmem>>
        %dma_start3A_706 = tpu.memref_squeeze %dma_start3A_705 : memref<1x64x128xf32, #tpu.memory_space<vmem>> -> memref<64x128xf32, #tpu.memory_space<vmem>>
        %dma_start3A_707 = arith.constant 0 : i32
        %dma_start3A_708 = tpu.memref_slice %arg8[%add3A_701, %dma_start3A_707] : memref<80x64xi32, #tpu.memory_space<vmem>> -> memref<1x64xi32, #tpu.memory_space<vmem>>
        %dma_start3A_709 = tpu.memref_squeeze %dma_start3A_708 : memref<1x64xi32, #tpu.memory_space<vmem>> -> memref<64xi32, #tpu.memory_space<vmem>>
        %dma_start3A_710 = arith.constant 0 : i32
        %dma_start3A_711 = arith.constant 0 : i32
        %dma_start3A_712 = tpu.memref_slice %arg6[%dma_start3A_710, %dma_start3A_711] : memref<10240x128xf32, #tpu.memory_space<vmem_shared>> -> memref<10240x128xf32, #tpu.memory_space<vmem_shared>>
        tpu.enqueue_indirect_dma source(%dma_start3A_706 : memref<64x128xf32, #tpu.memory_space<vmem>>) target(%dma_start3A_712 : memref<10240x128xf32, #tpu.memory_space<vmem_shared>>) offsets(%dma_start3A_709 : memref<64xi32, #tpu.memory_space<vmem>>) semaphore(%arg15 : memref<!tpu.dma_semaphore, #tpu.memory_space<semaphore_mem>>) {add = true}
        %mul3A_713 = arith.constant 1 : i32
        %mul3A_714 = arith.muli %add3A_686, %mul3A_713 : i32
        %add3A_715 = arith.constant 0 : i32
        %add3A_716 = arith.addi %mul3A_714, %add3A_715 : i32
        %dma_wait3A_717 = arith.constant 2 : i32
        %dma_wait3A_718 = arith.constant 0 : i32
        %dma_wait3A_719 = arith.constant 0 : i32
        %dma_wait3A_720 = tpu.memref_slice %arg9[%dma_wait3A_717, %dma_wait3A_718, %dma_wait3A_719] : memref<3x64x128xf32, #tpu.memory_space<vmem>> -> memref<1x64x128xf32, #tpu.memory_space<vmem>>
        %dma_wait3A_721 = tpu.memref_squeeze %dma_wait3A_720 : memref<1x64x128xf32, #tpu.memory_space<vmem>> -> memref<64x128xf32, #tpu.memory_space<vmem>>
        %dma_wait3A_722 = arith.constant 0 : i32
        %dma_wait3A_723 = tpu.memref_slice %arg8[%add3A_716, %dma_wait3A_722] : memref<80x64xi32, #tpu.memory_space<vmem>> -> memref<1x64xi32, #tpu.memory_space<vmem>>
        %dma_wait3A_724 = tpu.memref_squeeze %dma_wait3A_723 : memref<1x64xi32, #tpu.memory_space<vmem>> -> memref<64xi32, #tpu.memory_space<vmem>>
        %dma_wait3A_725 = arith.constant 0 : i32
        %dma_wait3A_726 = arith.constant 0 : i32
        %dma_wait3A_727 = tpu.memref_slice %arg6[%dma_wait3A_725, %dma_wait3A_726] : memref<10240x128xf32, #tpu.memory_space<vmem_shared>> -> memref<10240x128xf32, #tpu.memory_space<vmem_shared>>
        tpu.wait_indirect_dma semaphore(%arg15 : memref<!tpu.dma_semaphore, #tpu.memory_space<semaphore_mem>>) src(%dma_wait3A_721 : memref<64x128xf32, #tpu.memory_space<vmem>>) dst(%dma_wait3A_727 : memref<10240x128xf32, #tpu.memory_space<vmem_shared>>)
        %add3A_728 = arith.constant 3 : i32
        %add3A_729 = arith.addi %add3A_686, %add3A_728 : i32
        %dma_start3A_730 = arith.constant 2 : i32
        %dma_start3A_731 = arith.constant 0 : i32
        %dma_start3A_732 = arith.constant 0 : i32
        %dma_start3A_733 = tpu.memref_slice %arg9[%dma_start3A_730, %dma_start3A_731, %dma_start3A_732] : memref<3x64x128xf32, #tpu.memory_space<vmem>> -> memref<1x64x128xf32, #tpu.memory_space<vmem>>
        %dma_start3A_734 = tpu.memref_squeeze %dma_start3A_733 : memref<1x64x128xf32, #tpu.memory_space<vmem>> -> memref<64x128xf32, #tpu.memory_space<vmem>>
        %dma_start3A_735 = arith.constant 0 : i32
        %dma_start3A_736 = tpu.memref_slice %arg7[%add3A_729, %dma_start3A_735] : memref<80x64xi32, #tpu.memory_space<vmem>> -> memref<1x64xi32, #tpu.memory_space<vmem>>
        %dma_start3A_737 = tpu.memref_squeeze %dma_start3A_736 : memref<1x64xi32, #tpu.memory_space<vmem>> -> memref<64xi32, #tpu.memory_space<vmem>>
        %dma_start3A_738 = arith.constant 0 : i32
        %dma_start3A_739 = arith.constant 0 : i32
        %dma_start3A_740 = tpu.memref_slice %arg2[%dma_start3A_738, %dma_start3A_739] : memref<10240x128xf32, #tpu.memory_space<hbm>> -> memref<10240x128xf32, #tpu.memory_space<hbm>>
        tpu.enqueue_indirect_dma source(%dma_start3A_740 : memref<10240x128xf32, #tpu.memory_space<hbm>>) target(%dma_start3A_734 : memref<64x128xf32, #tpu.memory_space<vmem>>) offsets(%dma_start3A_737 : memref<64xi32, #tpu.memory_space<vmem>>) semaphore(%arg12 : memref<!tpu.dma_semaphore, #tpu.memory_space<semaphore_mem>>)
      }
      %scan3A_112 = arith.constant 25 : i32
      %dma_wait3A = arith.constant 75 : i32
      %dma_wait3A_113 = arith.constant 0 : i32
      %dma_wait3A_114 = arith.constant 0 : i32
      %dma_wait3A_115 = arith.constant 0 : i32
      %dma_wait3A_116 = tpu.memref_slice %arg9[%dma_wait3A_113, %dma_wait3A_114, %dma_wait3A_115] : memref<3x64x128xf32, #tpu.memory_space<vmem>> -> memref<1x64x128xf32, #tpu.memory_space<vmem>>
      %dma_wait3A_117 = tpu.memref_squeeze %dma_wait3A_116 : memref<1x64x128xf32, #tpu.memory_space<vmem>> -> memref<64x128xf32, #tpu.memory_space<vmem>>
      %dma_wait3A_118 = arith.constant 0 : i32
      %dma_wait3A_119 = tpu.memref_slice %arg7[%dma_wait3A, %dma_wait3A_118] : memref<80x64xi32, #tpu.memory_space<vmem>> -> memref<1x64xi32, #tpu.memory_space<vmem>>
      %dma_wait3A_120 = tpu.memref_squeeze %dma_wait3A_119 : memref<1x64xi32, #tpu.memory_space<vmem>> -> memref<64xi32, #tpu.memory_space<vmem>>
      %dma_wait3A_121 = arith.constant 0 : i32
      %dma_wait3A_122 = arith.constant 0 : i32
      %dma_wait3A_123 = tpu.memref_slice %arg2[%dma_wait3A_121, %dma_wait3A_122] : memref<10240x128xf32, #tpu.memory_space<hbm>> -> memref<10240x128xf32, #tpu.memory_space<hbm>>
      tpu.wait_indirect_dma semaphore(%arg10 : memref<!tpu.dma_semaphore, #tpu.memory_space<semaphore_mem>>) src(%dma_wait3A_123 : memref<10240x128xf32, #tpu.memory_space<hbm>>) dst(%dma_wait3A_117 : memref<64x128xf32, #tpu.memory_space<vmem>>)
      %dma_start3A_124 = arith.constant 0 : i32
      %dma_start3A_125 = arith.constant 75 : i32
      %dma_start3A_126 = arith.constant 0 : i32
      %dma_start3A_127 = arith.constant 0 : i32
      %dma_start3A_128 = tpu.memref_slice %arg9[%dma_start3A_124, %dma_start3A_126, %dma_start3A_127] : memref<3x64x128xf32, #tpu.memory_space<vmem>> -> memref<1x64x128xf32, #tpu.memory_space<vmem>>
      %dma_start3A_129 = tpu.memref_squeeze %dma_start3A_128 : memref<1x64x128xf32, #tpu.memory_space<vmem>> -> memref<64x128xf32, #tpu.memory_space<vmem>>
      %dma_start3A_130 = arith.constant 0 : i32
      %dma_start3A_131 = tpu.memref_slice %arg8[%dma_start3A_125, %dma_start3A_130] : memref<80x64xi32, #tpu.memory_space<vmem>> -> memref<1x64xi32, #tpu.memory_space<vmem>>
      %dma_start3A_132 = tpu.memref_squeeze %dma_start3A_131 : memref<1x64xi32, #tpu.memory_space<vmem>> -> memref<64xi32, #tpu.memory_space<vmem>>
      %dma_start3A_133 = arith.constant 0 : i32
      %dma_start3A_134 = arith.constant 0 : i32
      %dma_start3A_135 = tpu.memref_slice %arg6[%dma_start3A_133, %dma_start3A_134] : memref<10240x128xf32, #tpu.memory_space<vmem_shared>> -> memref<10240x128xf32, #tpu.memory_space<vmem_shared>>
      tpu.enqueue_indirect_dma source(%dma_start3A_129 : memref<64x128xf32, #tpu.memory_space<vmem>>) target(%dma_start3A_135 : memref<10240x128xf32, #tpu.memory_space<vmem_shared>>) offsets(%dma_start3A_132 : memref<64xi32, #tpu.memory_space<vmem>>) semaphore(%arg13 : memref<!tpu.dma_semaphore, #tpu.memory_space<semaphore_mem>>) {add = true}
      %dma_wait3A_136 = arith.constant 0 : i32
      %dma_wait3A_137 = arith.constant 75 : i32
      %dma_wait3A_138 = arith.constant 0 : i32
      %dma_wait3A_139 = arith.constant 0 : i32
      %dma_wait3A_140 = tpu.memref_slice %arg9[%dma_wait3A_136, %dma_wait3A_138, %dma_wait3A_139] : memref<3x64x128xf32, #tpu.memory_space<vmem>> -> memref<1x64x128xf32, #tpu.memory_space<vmem>>
      %dma_wait3A_141 = tpu.memref_squeeze %dma_wait3A_140 : memref<1x64x128xf32, #tpu.memory_space<vmem>> -> memref<64x128xf32, #tpu.memory_space<vmem>>
      %dma_wait3A_142 = arith.constant 0 : i32
      %dma_wait3A_143 = tpu.memref_slice %arg8[%dma_wait3A_137, %dma_wait3A_142] : memref<80x64xi32, #tpu.memory_space<vmem>> -> memref<1x64xi32, #tpu.memory_space<vmem>>
      %dma_wait3A_144 = tpu.memref_squeeze %dma_wait3A_143 : memref<1x64xi32, #tpu.memory_space<vmem>> -> memref<64xi32, #tpu.memory_space<vmem>>
      %dma_wait3A_145 = arith.constant 0 : i32
      %dma_wait3A_146 = arith.constant 0 : i32
      %dma_wait3A_147 = tpu.memref_slice %arg6[%dma_wait3A_145, %dma_wait3A_146] : memref<10240x128xf32, #tpu.memory_space<vmem_shared>> -> memref<10240x128xf32, #tpu.memory_space<vmem_shared>>
      tpu.wait_indirect_dma semaphore(%arg13 : memref<!tpu.dma_semaphore, #tpu.memory_space<semaphore_mem>>) src(%dma_wait3A_141 : memref<64x128xf32, #tpu.memory_space<vmem>>) dst(%dma_wait3A_147 : memref<10240x128xf32, #tpu.memory_space<vmem_shared>>)
      %dma_start3A_148 = arith.constant 78 : i32
      %dma_start3A_149 = arith.constant 0 : i32
      %dma_start3A_150 = arith.constant 0 : i32
      %dma_start3A_151 = arith.constant 0 : i32
      %dma_start3A_152 = tpu.memref_slice %arg9[%dma_start3A_149, %dma_start3A_150, %dma_start3A_151] : memref<3x64x128xf32, #tpu.memory_space<vmem>> -> memref<1x64x128xf32, #tpu.memory_space<vmem>>
      %dma_start3A_153 = tpu.memref_squeeze %dma_start3A_152 : memref<1x64x128xf32, #tpu.memory_space<vmem>> -> memref<64x128xf32, #tpu.memory_space<vmem>>
      %dma_start3A_154 = arith.constant 0 : i32
      %dma_start3A_155 = tpu.memref_slice %arg7[%dma_start3A_148, %dma_start3A_154] : memref<80x64xi32, #tpu.memory_space<vmem>> -> memref<1x64xi32, #tpu.memory_space<vmem>>
      %dma_start3A_156 = tpu.memref_squeeze %dma_start3A_155 : memref<1x64xi32, #tpu.memory_space<vmem>> -> memref<64xi32, #tpu.memory_space<vmem>>
      %dma_start3A_157 = arith.constant 0 : i32
      %dma_start3A_158 = arith.constant 0 : i32
      %dma_start3A_159 = tpu.memref_slice %arg2[%dma_start3A_157, %dma_start3A_158] : memref<10240x128xf32, #tpu.memory_space<hbm>> -> memref<10240x128xf32, #tpu.memory_space<hbm>>
      tpu.enqueue_indirect_dma source(%dma_start3A_159 : memref<10240x128xf32, #tpu.memory_space<hbm>>) target(%dma_start3A_153 : memref<64x128xf32, #tpu.memory_space<vmem>>) offsets(%dma_start3A_156 : memref<64xi32, #tpu.memory_space<vmem>>) semaphore(%arg10 : memref<!tpu.dma_semaphore, #tpu.memory_space<semaphore_mem>>)
      %dma_wait3A_160 = arith.constant 76 : i32
      %dma_wait3A_161 = arith.constant 1 : i32
      %dma_wait3A_162 = arith.constant 0 : i32
      %dma_wait3A_163 = arith.constant 0 : i32
      %dma_wait3A_164 = tpu.memref_slice %arg9[%dma_wait3A_161, %dma_wait3A_162, %dma_wait3A_163] : memref<3x64x128xf32, #tpu.memory_space<vmem>> -> memref<1x64x128xf32, #tpu.memory_space<vmem>>
      %dma_wait3A_165 = tpu.memref_squeeze %dma_wait3A_164 : memref<1x64x128xf32, #tpu.memory_space<vmem>> -> memref<64x128xf32, #tpu.memory_space<vmem>>
      %dma_wait3A_166 = arith.constant 0 : i32
      %dma_wait3A_167 = tpu.memref_slice %arg7[%dma_wait3A_160, %dma_wait3A_166] : memref<80x64xi32, #tpu.memory_space<vmem>> -> memref<1x64xi32, #tpu.memory_space<vmem>>
      %dma_wait3A_168 = tpu.memref_squeeze %dma_wait3A_167 : memref<1x64xi32, #tpu.memory_space<vmem>> -> memref<64xi32, #tpu.memory_space<vmem>>
      %dma_wait3A_169 = arith.constant 0 : i32
      %dma_wait3A_170 = arith.constant 0 : i32
      %dma_wait3A_171 = tpu.memref_slice %arg2[%dma_wait3A_169, %dma_wait3A_170] : memref<10240x128xf32, #tpu.memory_space<hbm>> -> memref<10240x128xf32, #tpu.memory_space<hbm>>
      tpu.wait_indirect_dma semaphore(%arg11 : memref<!tpu.dma_semaphore, #tpu.memory_space<semaphore_mem>>) src(%dma_wait3A_171 : memref<10240x128xf32, #tpu.memory_space<hbm>>) dst(%dma_wait3A_165 : memref<64x128xf32, #tpu.memory_space<vmem>>)
      %dma_start3A_172 = arith.constant 1 : i32
      %dma_start3A_173 = arith.constant 76 : i32
      %dma_start3A_174 = arith.constant 0 : i32
      %dma_start3A_175 = arith.constant 0 : i32
      %dma_start3A_176 = tpu.memref_slice %arg9[%dma_start3A_172, %dma_start3A_174, %dma_start3A_175] : memref<3x64x128xf32, #tpu.memory_space<vmem>> -> memref<1x64x128xf32, #tpu.memory_space<vmem>>
      %dma_start3A_177 = tpu.memref_squeeze %dma_start3A_176 : memref<1x64x128xf32, #tpu.memory_space<vmem>> -> memref<64x128xf32, #tpu.memory_space<vmem>>
      %dma_start3A_178 = arith.constant 0 : i32
      %dma_start3A_179 = tpu.memref_slice %arg8[%dma_start3A_173, %dma_start3A_178] : memref<80x64xi32, #tpu.memory_space<vmem>> -> memref<1x64xi32, #tpu.memory_space<vmem>>
      %dma_start3A_180 = tpu.memref_squeeze %dma_start3A_179 : memref<1x64xi32, #tpu.memory_space<vmem>> -> memref<64xi32, #tpu.memory_space<vmem>>
      %dma_start3A_181 = arith.constant 0 : i32
      %dma_start3A_182 = arith.constant 0 : i32
      %dma_start3A_183 = tpu.memref_slice %arg6[%dma_start3A_181, %dma_start3A_182] : memref<10240x128xf32, #tpu.memory_space<vmem_shared>> -> memref<10240x128xf32, #tpu.memory_space<vmem_shared>>
      tpu.enqueue_indirect_dma source(%dma_start3A_177 : memref<64x128xf32, #tpu.memory_space<vmem>>) target(%dma_start3A_183 : memref<10240x128xf32, #tpu.memory_space<vmem_shared>>) offsets(%dma_start3A_180 : memref<64xi32, #tpu.memory_space<vmem>>) semaphore(%arg14 : memref<!tpu.dma_semaphore, #tpu.memory_space<semaphore_mem>>) {add = true}
      %dma_wait3A_184 = arith.constant 1 : i32
      %dma_wait3A_185 = arith.constant 76 : i32
      %dma_wait3A_186 = arith.constant 0 : i32
      %dma_wait3A_187 = arith.constant 0 : i32
      %dma_wait3A_188 = tpu.memref_slice %arg9[%dma_wait3A_184, %dma_wait3A_186, %dma_wait3A_187] : memref<3x64x128xf32, #tpu.memory_space<vmem>> -> memref<1x64x128xf32, #tpu.memory_space<vmem>>
      %dma_wait3A_189 = tpu.memref_squeeze %dma_wait3A_188 : memref<1x64x128xf32, #tpu.memory_space<vmem>> -> memref<64x128xf32, #tpu.memory_space<vmem>>
      %dma_wait3A_190 = arith.constant 0 : i32
      %dma_wait3A_191 = tpu.memref_slice %arg8[%dma_wait3A_185, %dma_wait3A_190] : memref<80x64xi32, #tpu.memory_space<vmem>> -> memref<1x64xi32, #tpu.memory_space<vmem>>
      %dma_wait3A_192 = tpu.memref_squeeze %dma_wait3A_191 : memref<1x64xi32, #tpu.memory_space<vmem>> -> memref<64xi32, #tpu.memory_space<vmem>>
      %dma_wait3A_193 = arith.constant 0 : i32
      %dma_wait3A_194 = arith.constant 0 : i32
      %dma_wait3A_195 = tpu.memref_slice %arg6[%dma_wait3A_193, %dma_wait3A_194] : memref<10240x128xf32, #tpu.memory_space<vmem_shared>> -> memref<10240x128xf32, #tpu.memory_space<vmem_shared>>
      tpu.wait_indirect_dma semaphore(%arg14 : memref<!tpu.dma_semaphore, #tpu.memory_space<semaphore_mem>>) src(%dma_wait3A_189 : memref<64x128xf32, #tpu.memory_space<vmem>>) dst(%dma_wait3A_195 : memref<10240x128xf32, #tpu.memory_space<vmem_shared>>)
      %dma_start3A_196 = arith.constant 79 : i32
      %dma_start3A_197 = arith.constant 1 : i32
      %dma_start3A_198 = arith.constant 0 : i32
      %dma_start3A_199 = arith.constant 0 : i32
      %dma_start3A_200 = tpu.memref_slice %arg9[%dma_start3A_197, %dma_start3A_198, %dma_start3A_199] : memref<3x64x128xf32, #tpu.memory_space<vmem>> -> memref<1x64x128xf32, #tpu.memory_space<vmem>>
      %dma_start3A_201 = tpu.memref_squeeze %dma_start3A_200 : memref<1x64x128xf32, #tpu.memory_space<vmem>> -> memref<64x128xf32, #tpu.memory_space<vmem>>
      %dma_start3A_202 = arith.constant 0 : i32
      %dma_start3A_203 = tpu.memref_slice %arg7[%dma_start3A_196, %dma_start3A_202] : memref<80x64xi32, #tpu.memory_space<vmem>> -> memref<1x64xi32, #tpu.memory_space<vmem>>
      %dma_start3A_204 = tpu.memref_squeeze %dma_start3A_203 : memref<1x64xi32, #tpu.memory_space<vmem>> -> memref<64xi32, #tpu.memory_space<vmem>>
      %dma_start3A_205 = arith.constant 0 : i32
      %dma_start3A_206 = arith.constant 0 : i32
      %dma_start3A_207 = tpu.memref_slice %arg2[%dma_start3A_205, %dma_start3A_206] : memref<10240x128xf32, #tpu.memory_space<hbm>> -> memref<10240x128xf32, #tpu.memory_space<hbm>>
      tpu.enqueue_indirect_dma source(%dma_start3A_207 : memref<10240x128xf32, #tpu.memory_space<hbm>>) target(%dma_start3A_201 : memref<64x128xf32, #tpu.memory_space<vmem>>) offsets(%dma_start3A_204 : memref<64xi32, #tpu.memory_space<vmem>>) semaphore(%arg11 : memref<!tpu.dma_semaphore, #tpu.memory_space<semaphore_mem>>)
      %dma_wait3A_208 = arith.constant 77 : i32
      %dma_wait3A_209 = arith.constant 2 : i32
      %dma_wait3A_210 = arith.constant 0 : i32
      %dma_wait3A_211 = arith.constant 0 : i32
      %dma_wait3A_212 = tpu.memref_slice %arg9[%dma_wait3A_209, %dma_wait3A_210, %dma_wait3A_211] : memref<3x64x128xf32, #tpu.memory_space<vmem>> -> memref<1x64x128xf32, #tpu.memory_space<vmem>>
      %dma_wait3A_213 = tpu.memref_squeeze %dma_wait3A_212 : memref<1x64x128xf32, #tpu.memory_space<vmem>> -> memref<64x128xf32, #tpu.memory_space<vmem>>
      %dma_wait3A_214 = arith.constant 0 : i32
      %dma_wait3A_215 = tpu.memref_slice %arg7[%dma_wait3A_208, %dma_wait3A_214] : memref<80x64xi32, #tpu.memory_space<vmem>> -> memref<1x64xi32, #tpu.memory_space<vmem>>
      %dma_wait3A_216 = tpu.memref_squeeze %dma_wait3A_215 : memref<1x64xi32, #tpu.memory_space<vmem>> -> memref<64xi32, #tpu.memory_space<vmem>>
      %dma_wait3A_217 = arith.constant 0 : i32
      %dma_wait3A_218 = arith.constant 0 : i32
      %dma_wait3A_219 = tpu.memref_slice %arg2[%dma_wait3A_217, %dma_wait3A_218] : memref<10240x128xf32, #tpu.memory_space<hbm>> -> memref<10240x128xf32, #tpu.memory_space<hbm>>
      tpu.wait_indirect_dma semaphore(%arg12 : memref<!tpu.dma_semaphore, #tpu.memory_space<semaphore_mem>>) src(%dma_wait3A_219 : memref<10240x128xf32, #tpu.memory_space<hbm>>) dst(%dma_wait3A_213 : memref<64x128xf32, #tpu.memory_space<vmem>>)
      %dma_start3A_220 = arith.constant 2 : i32
      %dma_start3A_221 = arith.constant 77 : i32
      %dma_start3A_222 = arith.constant 0 : i32
      %dma_start3A_223 = arith.constant 0 : i32
      %dma_start3A_224 = tpu.memref_slice %arg9[%dma_start3A_220, %dma_start3A_222, %dma_start3A_223] : memref<3x64x128xf32, #tpu.memory_space<vmem>> -> memref<1x64x128xf32, #tpu.memory_space<vmem>>
      %dma_start3A_225 = tpu.memref_squeeze %dma_start3A_224 : memref<1x64x128xf32, #tpu.memory_space<vmem>> -> memref<64x128xf32, #tpu.memory_space<vmem>>
      %dma_start3A_226 = arith.constant 0 : i32
      %dma_start3A_227 = tpu.memref_slice %arg8[%dma_start3A_221, %dma_start3A_226] : memref<80x64xi32, #tpu.memory_space<vmem>> -> memref<1x64xi32, #tpu.memory_space<vmem>>
      %dma_start3A_228 = tpu.memref_squeeze %dma_start3A_227 : memref<1x64xi32, #tpu.memory_space<vmem>> -> memref<64xi32, #tpu.memory_space<vmem>>
      %dma_start3A_229 = arith.constant 0 : i32
      %dma_start3A_230 = arith.constant 0 : i32
      %dma_start3A_231 = tpu.memref_slice %arg6[%dma_start3A_229, %dma_start3A_230] : memref<10240x128xf32, #tpu.memory_space<vmem_shared>> -> memref<10240x128xf32, #tpu.memory_space<vmem_shared>>
      tpu.enqueue_indirect_dma source(%dma_start3A_225 : memref<64x128xf32, #tpu.memory_space<vmem>>) target(%dma_start3A_231 : memref<10240x128xf32, #tpu.memory_space<vmem_shared>>) offsets(%dma_start3A_228 : memref<64xi32, #tpu.memory_space<vmem>>) semaphore(%arg15 : memref<!tpu.dma_semaphore, #tpu.memory_space<semaphore_mem>>) {add = true}
      %dma_wait3A_232 = arith.constant 2 : i32
      %dma_wait3A_233 = arith.constant 77 : i32
      %dma_wait3A_234 = arith.constant 0 : i32
      %dma_wait3A_235 = arith.constant 0 : i32
      %dma_wait3A_236 = tpu.memref_slice %arg9[%dma_wait3A_232, %dma_wait3A_234, %dma_wait3A_235] : memref<3x64x128xf32, #tpu.memory_space<vmem>> -> memref<1x64x128xf32, #tpu.memory_space<vmem>>
      %dma_wait3A_237 = tpu.memref_squeeze %dma_wait3A_236 : memref<1x64x128xf32, #tpu.memory_space<vmem>> -> memref<64x128xf32, #tpu.memory_space<vmem>>
      %dma_wait3A_238 = arith.constant 0 : i32
      %dma_wait3A_239 = tpu.memref_slice %arg8[%dma_wait3A_233, %dma_wait3A_238] : memref<80x64xi32, #tpu.memory_space<vmem>> -> memref<1x64xi32, #tpu.memory_space<vmem>>
      %dma_wait3A_240 = tpu.memref_squeeze %dma_wait3A_239 : memref<1x64xi32, #tpu.memory_space<vmem>> -> memref<64xi32, #tpu.memory_space<vmem>>
      %dma_wait3A_241 = arith.constant 0 : i32
      %dma_wait3A_242 = arith.constant 0 : i32
      %dma_wait3A_243 = tpu.memref_slice %arg6[%dma_wait3A_241, %dma_wait3A_242] : memref<10240x128xf32, #tpu.memory_space<vmem_shared>> -> memref<10240x128xf32, #tpu.memory_space<vmem_shared>>
      tpu.wait_indirect_dma semaphore(%arg15 : memref<!tpu.dma_semaphore, #tpu.memory_space<semaphore_mem>>) src(%dma_wait3A_237 : memref<64x128xf32, #tpu.memory_space<vmem>>) dst(%dma_wait3A_243 : memref<10240x128xf32, #tpu.memory_space<vmem_shared>>)
      %dma_wait3A_244 = arith.constant 78 : i32
      %dma_wait3A_245 = arith.constant 0 : i32
      %dma_wait3A_246 = arith.constant 0 : i32
      %dma_wait3A_247 = arith.constant 0 : i32
      %dma_wait3A_248 = tpu.memref_slice %arg9[%dma_wait3A_245, %dma_wait3A_246, %dma_wait3A_247] : memref<3x64x128xf32, #tpu.memory_space<vmem>> -> memref<1x64x128xf32, #tpu.memory_space<vmem>>
      %dma_wait3A_249 = tpu.memref_squeeze %dma_wait3A_248 : memref<1x64x128xf32, #tpu.memory_space<vmem>> -> memref<64x128xf32, #tpu.memory_space<vmem>>
      %dma_wait3A_250 = arith.constant 0 : i32
      %dma_wait3A_251 = tpu.memref_slice %arg7[%dma_wait3A_244, %dma_wait3A_250] : memref<80x64xi32, #tpu.memory_space<vmem>> -> memref<1x64xi32, #tpu.memory_space<vmem>>
      %dma_wait3A_252 = tpu.memref_squeeze %dma_wait3A_251 : memref<1x64xi32, #tpu.memory_space<vmem>> -> memref<64xi32, #tpu.memory_space<vmem>>
      %dma_wait3A_253 = arith.constant 0 : i32
      %dma_wait3A_254 = arith.constant 0 : i32
      %dma_wait3A_255 = tpu.memref_slice %arg2[%dma_wait3A_253, %dma_wait3A_254] : memref<10240x128xf32, #tpu.memory_space<hbm>> -> memref<10240x128xf32, #tpu.memory_space<hbm>>
      tpu.wait_indirect_dma semaphore(%arg10 : memref<!tpu.dma_semaphore, #tpu.memory_space<semaphore_mem>>) src(%dma_wait3A_255 : memref<10240x128xf32, #tpu.memory_space<hbm>>) dst(%dma_wait3A_249 : memref<64x128xf32, #tpu.memory_space<vmem>>)
      %dma_start3A_256 = arith.constant 0 : i32
      %dma_start3A_257 = arith.constant 78 : i32
      %dma_start3A_258 = arith.constant 0 : i32
      %dma_start3A_259 = arith.constant 0 : i32
      %dma_start3A_260 = tpu.memref_slice %arg9[%dma_start3A_256, %dma_start3A_258, %dma_start3A_259] : memref<3x64x128xf32, #tpu.memory_space<vmem>> -> memref<1x64x128xf32, #tpu.memory_space<vmem>>
      %dma_start3A_261 = tpu.memref_squeeze %dma_start3A_260 : memref<1x64x128xf32, #tpu.memory_space<vmem>> -> memref<64x128xf32, #tpu.memory_space<vmem>>
      %dma_start3A_262 = arith.constant 0 : i32
      %dma_start3A_263 = tpu.memref_slice %arg8[%dma_start3A_257, %dma_start3A_262] : memref<80x64xi32, #tpu.memory_space<vmem>> -> memref<1x64xi32, #tpu.memory_space<vmem>>
      %dma_start3A_264 = tpu.memref_squeeze %dma_start3A_263 : memref<1x64xi32, #tpu.memory_space<vmem>> -> memref<64xi32, #tpu.memory_space<vmem>>
      %dma_start3A_265 = arith.constant 0 : i32
      %dma_start3A_266 = arith.constant 0 : i32
      %dma_start3A_267 = tpu.memref_slice %arg6[%dma_start3A_265, %dma_start3A_266] : memref<10240x128xf32, #tpu.memory_space<vmem_shared>> -> memref<10240x128xf32, #tpu.memory_space<vmem_shared>>
      tpu.enqueue_indirect_dma source(%dma_start3A_261 : memref<64x128xf32, #tpu.memory_space<vmem>>) target(%dma_start3A_267 : memref<10240x128xf32, #tpu.memory_space<vmem_shared>>) offsets(%dma_start3A_264 : memref<64xi32, #tpu.memory_space<vmem>>) semaphore(%arg13 : memref<!tpu.dma_semaphore, #tpu.memory_space<semaphore_mem>>) {add = true}
      %dma_wait3A_268 = arith.constant 0 : i32
      %dma_wait3A_269 = arith.constant 78 : i32
      %dma_wait3A_270 = arith.constant 0 : i32
      %dma_wait3A_271 = arith.constant 0 : i32
      %dma_wait3A_272 = tpu.memref_slice %arg9[%dma_wait3A_268, %dma_wait3A_270, %dma_wait3A_271] : memref<3x64x128xf32, #tpu.memory_space<vmem>> -> memref<1x64x128xf32, #tpu.memory_space<vmem>>
      %dma_wait3A_273 = tpu.memref_squeeze %dma_wait3A_272 : memref<1x64x128xf32, #tpu.memory_space<vmem>> -> memref<64x128xf32, #tpu.memory_space<vmem>>
      %dma_wait3A_274 = arith.constant 0 : i32
      %dma_wait3A_275 = tpu.memref_slice %arg8[%dma_wait3A_269, %dma_wait3A_274] : memref<80x64xi32, #tpu.memory_space<vmem>> -> memref<1x64xi32, #tpu.memory_space<vmem>>
      %dma_wait3A_276 = tpu.memref_squeeze %dma_wait3A_275 : memref<1x64xi32, #tpu.memory_space<vmem>> -> memref<64xi32, #tpu.memory_space<vmem>>
      %dma_wait3A_277 = arith.constant 0 : i32
      %dma_wait3A_278 = arith.constant 0 : i32
      %dma_wait3A_279 = tpu.memref_slice %arg6[%dma_wait3A_277, %dma_wait3A_278] : memref<10240x128xf32, #tpu.memory_space<vmem_shared>> -> memref<10240x128xf32, #tpu.memory_space<vmem_shared>>
      tpu.wait_indirect_dma semaphore(%arg13 : memref<!tpu.dma_semaphore, #tpu.memory_space<semaphore_mem>>) src(%dma_wait3A_273 : memref<64x128xf32, #tpu.memory_space<vmem>>) dst(%dma_wait3A_279 : memref<10240x128xf32, #tpu.memory_space<vmem_shared>>)
      %dma_wait3A_280 = arith.constant 79 : i32
      %dma_wait3A_281 = arith.constant 1 : i32
      %dma_wait3A_282 = arith.constant 0 : i32
      %dma_wait3A_283 = arith.constant 0 : i32
      %dma_wait3A_284 = tpu.memref_slice %arg9[%dma_wait3A_281, %dma_wait3A_282, %dma_wait3A_283] : memref<3x64x128xf32, #tpu.memory_space<vmem>> -> memref<1x64x128xf32, #tpu.memory_space<vmem>>
      %dma_wait3A_285 = tpu.memref_squeeze %dma_wait3A_284 : memref<1x64x128xf32, #tpu.memory_space<vmem>> -> memref<64x128xf32, #tpu.memory_space<vmem>>
      %dma_wait3A_286 = arith.constant 0 : i32
      %dma_wait3A_287 = tpu.memref_slice %arg7[%dma_wait3A_280, %dma_wait3A_286] : memref<80x64xi32, #tpu.memory_space<vmem>> -> memref<1x64xi32, #tpu.memory_space<vmem>>
      %dma_wait3A_288 = tpu.memref_squeeze %dma_wait3A_287 : memref<1x64xi32, #tpu.memory_space<vmem>> -> memref<64xi32, #tpu.memory_space<vmem>>
      %dma_wait3A_289 = arith.constant 0 : i32
      %dma_wait3A_290 = arith.constant 0 : i32
      %dma_wait3A_291 = tpu.memref_slice %arg2[%dma_wait3A_289, %dma_wait3A_290] : memref<10240x128xf32, #tpu.memory_space<hbm>> -> memref<10240x128xf32, #tpu.memory_space<hbm>>
      tpu.wait_indirect_dma semaphore(%arg11 : memref<!tpu.dma_semaphore, #tpu.memory_space<semaphore_mem>>) src(%dma_wait3A_291 : memref<10240x128xf32, #tpu.memory_space<hbm>>) dst(%dma_wait3A_285 : memref<64x128xf32, #tpu.memory_space<vmem>>)
      %dma_start3A_292 = arith.constant 1 : i32
      %dma_start3A_293 = arith.constant 79 : i32
      %dma_start3A_294 = arith.constant 0 : i32
      %dma_start3A_295 = arith.constant 0 : i32
      %dma_start3A_296 = tpu.memref_slice %arg9[%dma_start3A_292, %dma_start3A_294, %dma_start3A_295] : memref<3x64x128xf32, #tpu.memory_space<vmem>> -> memref<1x64x128xf32, #tpu.memory_space<vmem>>
      %dma_start3A_297 = tpu.memref_squeeze %dma_start3A_296 : memref<1x64x128xf32, #tpu.memory_space<vmem>> -> memref<64x128xf32, #tpu.memory_space<vmem>>
      %dma_start3A_298 = arith.constant 0 : i32
      %dma_start3A_299 = tpu.memref_slice %arg8[%dma_start3A_293, %dma_start3A_298] : memref<80x64xi32, #tpu.memory_space<vmem>> -> memref<1x64xi32, #tpu.memory_space<vmem>>
      %dma_start3A_300 = tpu.memref_squeeze %dma_start3A_299 : memref<1x64xi32, #tpu.memory_space<vmem>> -> memref<64xi32, #tpu.memory_space<vmem>>
      %dma_start3A_301 = arith.constant 0 : i32
      %dma_start3A_302 = arith.constant 0 : i32
      %dma_start3A_303 = tpu.memref_slice %arg6[%dma_start3A_301, %dma_start3A_302] : memref<10240x128xf32, #tpu.memory_space<vmem_shared>> -> memref<10240x128xf32, #tpu.memory_space<vmem_shared>>
      tpu.enqueue_indirect_dma source(%dma_start3A_297 : memref<64x128xf32, #tpu.memory_space<vmem>>) target(%dma_start3A_303 : memref<10240x128xf32, #tpu.memory_space<vmem_shared>>) offsets(%dma_start3A_300 : memref<64xi32, #tpu.memory_space<vmem>>) semaphore(%arg14 : memref<!tpu.dma_semaphore, #tpu.memory_space<semaphore_mem>>) {add = true}
      %dma_wait3A_304 = arith.constant 1 : i32
      %dma_wait3A_305 = arith.constant 79 : i32
      %dma_wait3A_306 = arith.constant 0 : i32
      %dma_wait3A_307 = arith.constant 0 : i32
      %dma_wait3A_308 = tpu.memref_slice %arg9[%dma_wait3A_304, %dma_wait3A_306, %dma_wait3A_307] : memref<3x64x128xf32, #tpu.memory_space<vmem>> -> memref<1x64x128xf32, #tpu.memory_space<vmem>>
      %dma_wait3A_309 = tpu.memref_squeeze %dma_wait3A_308 : memref<1x64x128xf32, #tpu.memory_space<vmem>> -> memref<64x128xf32, #tpu.memory_space<vmem>>
      %dma_wait3A_310 = arith.constant 0 : i32
      %dma_wait3A_311 = tpu.memref_slice %arg8[%dma_wait3A_305, %dma_wait3A_310] : memref<80x64xi32, #tpu.memory_space<vmem>> -> memref<1x64xi32, #tpu.memory_space<vmem>>
      %dma_wait3A_312 = tpu.memref_squeeze %dma_wait3A_311 : memref<1x64xi32, #tpu.memory_space<vmem>> -> memref<64xi32, #tpu.memory_space<vmem>>
      %dma_wait3A_313 = arith.constant 0 : i32
      %dma_wait3A_314 = arith.constant 0 : i32
      %dma_wait3A_315 = tpu.memref_slice %arg6[%dma_wait3A_313, %dma_wait3A_314] : memref<10240x128xf32, #tpu.memory_space<vmem_shared>> -> memref<10240x128xf32, #tpu.memory_space<vmem_shared>>
      tpu.wait_indirect_dma semaphore(%arg14 : memref<!tpu.dma_semaphore, #tpu.memory_space<semaphore_mem>>) src(%dma_wait3A_309 : memref<64x128xf32, #tpu.memory_space<vmem>>) dst(%dma_wait3A_315 : memref<10240x128xf32, #tpu.memory_space<vmem_shared>>)
      %mul3A_316 = arith.constant 320 : i32
      %mul3A_317 = arith.muli %arg1, %mul3A_316 : i32
      %add3A_318 = arith.constant 160 : i32
      %add3A_319 = arith.addi %mul3A_317, %add3A_318 : i32
      %add3A_320 = arith.constant 80 : i32
      %add3A_321 = arith.addi %add3A_319, %add3A_320 : i32
      "tpu.region"() ({
        %run_scoped3A_570 = tpu.sem_alloc : memref<!tpu.dma_semaphore, #tpu.memory_space<semaphore_mem>>
        %dma_start3A_571 = arith.constant 0 : i32
        %dma_start3A_572 = arith.constant 0 : i32
        %dma_start3A_573 = tpu.memref_slice %arg7[%dma_start3A_571, %dma_start3A_572] : memref<80x64xi32, #tpu.memory_space<vmem>> -> memref<80x64xi32, #tpu.memory_space<vmem>>
        %dma_start3A_574 = arith.constant 0 : i32
        %dma_start3A_575 = tpu.memref_slice %arg3[%add3A_321, %dma_start3A_574] : memref<5120x64xi32, #tpu.memory_space<hbm>> -> memref<80x64xi32, #tpu.memory_space<hbm>>
        %dma_start3A_576 = arith.constant 0 : i32
        %dma_start3A_577 = arith.constant 0 : i32
        %dma_start3A_578 = tpu.memref_slice %arg7[%dma_start3A_576, %dma_start3A_577] : memref<80x64xi32, #tpu.memory_space<vmem>> -> memref<80x64xi32, #tpu.memory_space<vmem>>
        %dma_start3A_579 = arith.constant 0 : i32
        %dma_start3A_580 = tpu.memref_slice %arg3[%add3A_321, %dma_start3A_579] : memref<5120x64xi32, #tpu.memory_space<hbm>> -> memref<80x64xi32, #tpu.memory_space<hbm>>
        tpu.enqueue_dma source(%dma_start3A_580 : memref<80x64xi32, #tpu.memory_space<hbm>>) target(%dma_start3A_578 : memref<80x64xi32, #tpu.memory_space<vmem>>) target_semaphore(%run_scoped3A_570 : memref<!tpu.dma_semaphore, #tpu.memory_space<semaphore_mem>>)
        %dma_wait3A_581 = arith.constant 0 : i32
        %dma_wait3A_582 = arith.constant 0 : i32
        %dma_wait3A_583 = tpu.memref_slice %arg7[%dma_wait3A_581, %dma_wait3A_582] : memref<80x64xi32, #tpu.memory_space<vmem>> -> memref<80x64xi32, #tpu.memory_space<vmem>>
        %dma_wait3A_584 = arith.constant 0 : i32
        %dma_wait3A_585 = tpu.memref_slice %arg3[%add3A_321, %dma_wait3A_584] : memref<5120x64xi32, #tpu.memory_space<hbm>> -> memref<80x64xi32, #tpu.memory_space<hbm>>
        %dma_wait3A_586 = arith.constant 0 : i32
        %dma_wait3A_587 = arith.constant 0 : i32
        %dma_wait3A_588 = tpu.memref_slice %arg7[%dma_wait3A_586, %dma_wait3A_587] : memref<80x64xi32, #tpu.memory_space<vmem>> -> memref<80x64xi32, #tpu.memory_space<vmem>>
        %dma_wait3A_589 = arith.constant 0 : i32
        %dma_wait3A_590 = tpu.memref_slice %arg3[%add3A_321, %dma_wait3A_589] : memref<5120x64xi32, #tpu.memory_space<hbm>> -> memref<80x64xi32, #tpu.memory_space<hbm>>
        tpu.wait_dma2 semaphore(%run_scoped3A_570 : memref<!tpu.dma_semaphore, #tpu.memory_space<semaphore_mem>>) src(%dma_wait3A_590 : memref<80x64xi32, #tpu.memory_space<hbm>>) dst(%dma_wait3A_588 : memref<80x64xi32, #tpu.memory_space<vmem>>)
        tpu.yield
      }) : () -> ()
      %mul3A_322 = arith.constant 1 : i32
      %mul3A_323 = arith.muli %add3A_321, %mul3A_322 : i32
      "tpu.region"() ({
        %run_scoped3A_570 = tpu.sem_alloc : memref<!tpu.dma_semaphore, #tpu.memory_space<semaphore_mem>>
        %dma_start3A_571 = arith.constant 0 : i32
        %dma_start3A_572 = arith.constant 0 : i32
        %dma_start3A_573 = tpu.memref_slice %arg8[%dma_start3A_571, %dma_start3A_572] : memref<80x64xi32, #tpu.memory_space<vmem>> -> memref<80x64xi32, #tpu.memory_space<vmem>>
        %dma_start3A_574 = arith.constant 0 : i32
        %dma_start3A_575 = tpu.memref_slice %arg4[%mul3A_323, %dma_start3A_574] : memref<5120x64xi32, #tpu.memory_space<hbm>> -> memref<80x64xi32, #tpu.memory_space<hbm>>
        %dma_start3A_576 = arith.constant 0 : i32
        %dma_start3A_577 = arith.constant 0 : i32
        %dma_start3A_578 = tpu.memref_slice %arg8[%dma_start3A_576, %dma_start3A_577] : memref<80x64xi32, #tpu.memory_space<vmem>> -> memref<80x64xi32, #tpu.memory_space<vmem>>
        %dma_start3A_579 = arith.constant 0 : i32
        %dma_start3A_580 = tpu.memref_slice %arg4[%mul3A_323, %dma_start3A_579] : memref<5120x64xi32, #tpu.memory_space<hbm>> -> memref<80x64xi32, #tpu.memory_space<hbm>>
        tpu.enqueue_dma source(%dma_start3A_580 : memref<80x64xi32, #tpu.memory_space<hbm>>) target(%dma_start3A_578 : memref<80x64xi32, #tpu.memory_space<vmem>>) target_semaphore(%run_scoped3A_570 : memref<!tpu.dma_semaphore, #tpu.memory_space<semaphore_mem>>)
        %dma_wait3A_581 = arith.constant 0 : i32
        %dma_wait3A_582 = arith.constant 0 : i32
        %dma_wait3A_583 = tpu.memref_slice %arg8[%dma_wait3A_581, %dma_wait3A_582] : memref<80x64xi32, #tpu.memory_space<vmem>> -> memref<80x64xi32, #tpu.memory_space<vmem>>
        %dma_wait3A_584 = arith.constant 0 : i32
        %dma_wait3A_585 = tpu.memref_slice %arg4[%mul3A_323, %dma_wait3A_584] : memref<5120x64xi32, #tpu.memory_space<hbm>> -> memref<80x64xi32, #tpu.memory_space<hbm>>
        %dma_wait3A_586 = arith.constant 0 : i32
        %dma_wait3A_587 = arith.constant 0 : i32
        %dma_wait3A_588 = tpu.memref_slice %arg8[%dma_wait3A_586, %dma_wait3A_587] : memref<80x64xi32, #tpu.memory_space<vmem>> -> memref<80x64xi32, #tpu.memory_space<vmem>>
        %dma_wait3A_589 = arith.constant 0 : i32
        %dma_wait3A_590 = tpu.memref_slice %arg4[%mul3A_323, %dma_wait3A_589] : memref<5120x64xi32, #tpu.memory_space<hbm>> -> memref<80x64xi32, #tpu.memory_space<hbm>>
        tpu.wait_dma2 semaphore(%run_scoped3A_570 : memref<!tpu.dma_semaphore, #tpu.memory_space<semaphore_mem>>) src(%dma_wait3A_590 : memref<80x64xi32, #tpu.memory_space<hbm>>) dst(%dma_wait3A_588 : memref<80x64xi32, #tpu.memory_space<vmem>>)
        tpu.yield
      }) : () -> ()
      %dma_start3A_324 = arith.constant 0 : i32
      %dma_start3A_325 = arith.constant 0 : i32
      %dma_start3A_326 = arith.constant 0 : i32
      %dma_start3A_327 = arith.constant 0 : i32
      %dma_start3A_328 = tpu.memref_slice %arg9[%dma_start3A_325, %dma_start3A_326, %dma_start3A_327] : memref<3x64x128xf32, #tpu.memory_space<vmem>> -> memref<1x64x128xf32, #tpu.memory_space<vmem>>
      %dma_start3A_329 = tpu.memref_squeeze %dma_start3A_328 : memref<1x64x128xf32, #tpu.memory_space<vmem>> -> memref<64x128xf32, #tpu.memory_space<vmem>>
      %dma_start3A_330 = arith.constant 0 : i32
      %dma_start3A_331 = tpu.memref_slice %arg7[%dma_start3A_324, %dma_start3A_330] : memref<80x64xi32, #tpu.memory_space<vmem>> -> memref<1x64xi32, #tpu.memory_space<vmem>>
      %dma_start3A_332 = tpu.memref_squeeze %dma_start3A_331 : memref<1x64xi32, #tpu.memory_space<vmem>> -> memref<64xi32, #tpu.memory_space<vmem>>
      %dma_start3A_333 = arith.constant 0 : i32
      %dma_start3A_334 = arith.constant 0 : i32
      %dma_start3A_335 = tpu.memref_slice %arg2[%dma_start3A_333, %dma_start3A_334] : memref<10240x128xf32, #tpu.memory_space<hbm>> -> memref<10240x128xf32, #tpu.memory_space<hbm>>
      tpu.enqueue_indirect_dma source(%dma_start3A_335 : memref<10240x128xf32, #tpu.memory_space<hbm>>) target(%dma_start3A_329 : memref<64x128xf32, #tpu.memory_space<vmem>>) offsets(%dma_start3A_332 : memref<64xi32, #tpu.memory_space<vmem>>) semaphore(%arg10 : memref<!tpu.dma_semaphore, #tpu.memory_space<semaphore_mem>>)
      %dma_start3A_336 = arith.constant 1 : i32
      %dma_start3A_337 = arith.constant 1 : i32
      %dma_start3A_338 = arith.constant 0 : i32
      %dma_start3A_339 = arith.constant 0 : i32
      %dma_start3A_340 = tpu.memref_slice %arg9[%dma_start3A_337, %dma_start3A_338, %dma_start3A_339] : memref<3x64x128xf32, #tpu.memory_space<vmem>> -> memref<1x64x128xf32, #tpu.memory_space<vmem>>
      %dma_start3A_341 = tpu.memref_squeeze %dma_start3A_340 : memref<1x64x128xf32, #tpu.memory_space<vmem>> -> memref<64x128xf32, #tpu.memory_space<vmem>>
      %dma_start3A_342 = arith.constant 0 : i32
      %dma_start3A_343 = tpu.memref_slice %arg7[%dma_start3A_336, %dma_start3A_342] : memref<80x64xi32, #tpu.memory_space<vmem>> -> memref<1x64xi32, #tpu.memory_space<vmem>>
      %dma_start3A_344 = tpu.memref_squeeze %dma_start3A_343 : memref<1x64xi32, #tpu.memory_space<vmem>> -> memref<64xi32, #tpu.memory_space<vmem>>
      %dma_start3A_345 = arith.constant 0 : i32
      %dma_start3A_346 = arith.constant 0 : i32
      %dma_start3A_347 = tpu.memref_slice %arg2[%dma_start3A_345, %dma_start3A_346] : memref<10240x128xf32, #tpu.memory_space<hbm>> -> memref<10240x128xf32, #tpu.memory_space<hbm>>
      tpu.enqueue_indirect_dma source(%dma_start3A_347 : memref<10240x128xf32, #tpu.memory_space<hbm>>) target(%dma_start3A_341 : memref<64x128xf32, #tpu.memory_space<vmem>>) offsets(%dma_start3A_344 : memref<64xi32, #tpu.memory_space<vmem>>) semaphore(%arg11 : memref<!tpu.dma_semaphore, #tpu.memory_space<semaphore_mem>>)
      %dma_start3A_348 = arith.constant 2 : i32
      %dma_start3A_349 = arith.constant 2 : i32
      %dma_start3A_350 = arith.constant 0 : i32
      %dma_start3A_351 = arith.constant 0 : i32
      %dma_start3A_352 = tpu.memref_slice %arg9[%dma_start3A_349, %dma_start3A_350, %dma_start3A_351] : memref<3x64x128xf32, #tpu.memory_space<vmem>> -> memref<1x64x128xf32, #tpu.memory_space<vmem>>
      %dma_start3A_353 = tpu.memref_squeeze %dma_start3A_352 : memref<1x64x128xf32, #tpu.memory_space<vmem>> -> memref<64x128xf32, #tpu.memory_space<vmem>>
      %dma_start3A_354 = arith.constant 0 : i32
      %dma_start3A_355 = tpu.memref_slice %arg7[%dma_start3A_348, %dma_start3A_354] : memref<80x64xi32, #tpu.memory_space<vmem>> -> memref<1x64xi32, #tpu.memory_space<vmem>>
      %dma_start3A_356 = tpu.memref_squeeze %dma_start3A_355 : memref<1x64xi32, #tpu.memory_space<vmem>> -> memref<64xi32, #tpu.memory_space<vmem>>
      %dma_start3A_357 = arith.constant 0 : i32
      %dma_start3A_358 = arith.constant 0 : i32
      %dma_start3A_359 = tpu.memref_slice %arg2[%dma_start3A_357, %dma_start3A_358] : memref<10240x128xf32, #tpu.memory_space<hbm>> -> memref<10240x128xf32, #tpu.memory_space<hbm>>
      tpu.enqueue_indirect_dma source(%dma_start3A_359 : memref<10240x128xf32, #tpu.memory_space<hbm>>) target(%dma_start3A_353 : memref<64x128xf32, #tpu.memory_space<vmem>>) offsets(%dma_start3A_356 : memref<64xi32, #tpu.memory_space<vmem>>) semaphore(%arg12 : memref<!tpu.dma_semaphore, #tpu.memory_space<semaphore_mem>>)
      %scan3A_360 = arith.constant 0 : i32
      %scan3A_361 = arith.constant 0 : i32
      %scan3A_362 = arith.constant 25 : i32
      %scan3A_363 = arith.addi %scan3A_361, %scan3A_362 : i32
      %scan3A_364 = arith.constant 1 : i32
      scf.for %scan3A_570 = %scan3A_361 to %scan3A_363 step %scan3A_364  : i32 {
        %mul3A_571 = arith.constant 3 : i32
        %mul3A_572 = arith.muli %scan3A_570, %mul3A_571 : i32
        %add3A_573 = arith.constant 0 : i32
        %add3A_574 = arith.addi %mul3A_572, %add3A_573 : i32
        %dma_wait3A_575 = arith.constant 0 : i32
        %dma_wait3A_576 = arith.constant 0 : i32
        %dma_wait3A_577 = arith.constant 0 : i32
        %dma_wait3A_578 = tpu.memref_slice %arg9[%dma_wait3A_575, %dma_wait3A_576, %dma_wait3A_577] : memref<3x64x128xf32, #tpu.memory_space<vmem>> -> memref<1x64x128xf32, #tpu.memory_space<vmem>>
        %dma_wait3A_579 = tpu.memref_squeeze %dma_wait3A_578 : memref<1x64x128xf32, #tpu.memory_space<vmem>> -> memref<64x128xf32, #tpu.memory_space<vmem>>
        %dma_wait3A_580 = arith.constant 0 : i32
        %dma_wait3A_581 = tpu.memref_slice %arg7[%add3A_574, %dma_wait3A_580] : memref<80x64xi32, #tpu.memory_space<vmem>> -> memref<1x64xi32, #tpu.memory_space<vmem>>
        %dma_wait3A_582 = tpu.memref_squeeze %dma_wait3A_581 : memref<1x64xi32, #tpu.memory_space<vmem>> -> memref<64xi32, #tpu.memory_space<vmem>>
        %dma_wait3A_583 = arith.constant 0 : i32
        %dma_wait3A_584 = arith.constant 0 : i32
        %dma_wait3A_585 = tpu.memref_slice %arg2[%dma_wait3A_583, %dma_wait3A_584] : memref<10240x128xf32, #tpu.memory_space<hbm>> -> memref<10240x128xf32, #tpu.memory_space<hbm>>
        tpu.wait_indirect_dma semaphore(%arg10 : memref<!tpu.dma_semaphore, #tpu.memory_space<semaphore_mem>>) src(%dma_wait3A_585 : memref<10240x128xf32, #tpu.memory_space<hbm>>) dst(%dma_wait3A_579 : memref<64x128xf32, #tpu.memory_space<vmem>>)
        %mul3A_586 = arith.constant 1 : i32
        %mul3A_587 = arith.muli %add3A_574, %mul3A_586 : i32
        %add3A_588 = arith.constant 0 : i32
        %add3A_589 = arith.addi %mul3A_587, %add3A_588 : i32
        %dma_start3A_590 = arith.constant 0 : i32
        %dma_start3A_591 = arith.constant 0 : i32
        %dma_start3A_592 = arith.constant 0 : i32
        %dma_start3A_593 = tpu.memref_slice %arg9[%dma_start3A_590, %dma_start3A_591, %dma_start3A_592] : memref<3x64x128xf32, #tpu.memory_space<vmem>> -> memref<1x64x128xf32, #tpu.memory_space<vmem>>
        %dma_start3A_594 = tpu.memref_squeeze %dma_start3A_593 : memref<1x64x128xf32, #tpu.memory_space<vmem>> -> memref<64x128xf32, #tpu.memory_space<vmem>>
        %dma_start3A_595 = arith.constant 0 : i32
        %dma_start3A_596 = tpu.memref_slice %arg8[%add3A_589, %dma_start3A_595] : memref<80x64xi32, #tpu.memory_space<vmem>> -> memref<1x64xi32, #tpu.memory_space<vmem>>
        %dma_start3A_597 = tpu.memref_squeeze %dma_start3A_596 : memref<1x64xi32, #tpu.memory_space<vmem>> -> memref<64xi32, #tpu.memory_space<vmem>>
        %dma_start3A_598 = arith.constant 0 : i32
        %dma_start3A_599 = arith.constant 0 : i32
        %dma_start3A_600 = tpu.memref_slice %arg6[%dma_start3A_598, %dma_start3A_599] : memref<10240x128xf32, #tpu.memory_space<vmem_shared>> -> memref<10240x128xf32, #tpu.memory_space<vmem_shared>>
        tpu.enqueue_indirect_dma source(%dma_start3A_594 : memref<64x128xf32, #tpu.memory_space<vmem>>) target(%dma_start3A_600 : memref<10240x128xf32, #tpu.memory_space<vmem_shared>>) offsets(%dma_start3A_597 : memref<64xi32, #tpu.memory_space<vmem>>) semaphore(%arg13 : memref<!tpu.dma_semaphore, #tpu.memory_space<semaphore_mem>>) {add = true}
        %mul3A_601 = arith.constant 1 : i32
        %mul3A_602 = arith.muli %add3A_574, %mul3A_601 : i32
        %add3A_603 = arith.constant 0 : i32
        %add3A_604 = arith.addi %mul3A_602, %add3A_603 : i32
        %dma_wait3A_605 = arith.constant 0 : i32
        %dma_wait3A_606 = arith.constant 0 : i32
        %dma_wait3A_607 = arith.constant 0 : i32
        %dma_wait3A_608 = tpu.memref_slice %arg9[%dma_wait3A_605, %dma_wait3A_606, %dma_wait3A_607] : memref<3x64x128xf32, #tpu.memory_space<vmem>> -> memref<1x64x128xf32, #tpu.memory_space<vmem>>
        %dma_wait3A_609 = tpu.memref_squeeze %dma_wait3A_608 : memref<1x64x128xf32, #tpu.memory_space<vmem>> -> memref<64x128xf32, #tpu.memory_space<vmem>>
        %dma_wait3A_610 = arith.constant 0 : i32
        %dma_wait3A_611 = tpu.memref_slice %arg8[%add3A_604, %dma_wait3A_610] : memref<80x64xi32, #tpu.memory_space<vmem>> -> memref<1x64xi32, #tpu.memory_space<vmem>>
        %dma_wait3A_612 = tpu.memref_squeeze %dma_wait3A_611 : memref<1x64xi32, #tpu.memory_space<vmem>> -> memref<64xi32, #tpu.memory_space<vmem>>
        %dma_wait3A_613 = arith.constant 0 : i32
        %dma_wait3A_614 = arith.constant 0 : i32
        %dma_wait3A_615 = tpu.memref_slice %arg6[%dma_wait3A_613, %dma_wait3A_614] : memref<10240x128xf32, #tpu.memory_space<vmem_shared>> -> memref<10240x128xf32, #tpu.memory_space<vmem_shared>>
        tpu.wait_indirect_dma semaphore(%arg13 : memref<!tpu.dma_semaphore, #tpu.memory_space<semaphore_mem>>) src(%dma_wait3A_609 : memref<64x128xf32, #tpu.memory_space<vmem>>) dst(%dma_wait3A_615 : memref<10240x128xf32, #tpu.memory_space<vmem_shared>>)
        %add3A_616 = arith.constant 3 : i32
        %add3A_617 = arith.addi %add3A_574, %add3A_616 : i32
        %dma_start3A_618 = arith.constant 0 : i32
        %dma_start3A_619 = arith.constant 0 : i32
        %dma_start3A_620 = arith.constant 0 : i32
        %dma_start3A_621 = tpu.memref_slice %arg9[%dma_start3A_618, %dma_start3A_619, %dma_start3A_620] : memref<3x64x128xf32, #tpu.memory_space<vmem>> -> memref<1x64x128xf32, #tpu.memory_space<vmem>>
        %dma_start3A_622 = tpu.memref_squeeze %dma_start3A_621 : memref<1x64x128xf32, #tpu.memory_space<vmem>> -> memref<64x128xf32, #tpu.memory_space<vmem>>
        %dma_start3A_623 = arith.constant 0 : i32
        %dma_start3A_624 = tpu.memref_slice %arg7[%add3A_617, %dma_start3A_623] : memref<80x64xi32, #tpu.memory_space<vmem>> -> memref<1x64xi32, #tpu.memory_space<vmem>>
        %dma_start3A_625 = tpu.memref_squeeze %dma_start3A_624 : memref<1x64xi32, #tpu.memory_space<vmem>> -> memref<64xi32, #tpu.memory_space<vmem>>
        %dma_start3A_626 = arith.constant 0 : i32
        %dma_start3A_627 = arith.constant 0 : i32
        %dma_start3A_628 = tpu.memref_slice %arg2[%dma_start3A_626, %dma_start3A_627] : memref<10240x128xf32, #tpu.memory_space<hbm>> -> memref<10240x128xf32, #tpu.memory_space<hbm>>
        tpu.enqueue_indirect_dma source(%dma_start3A_628 : memref<10240x128xf32, #tpu.memory_space<hbm>>) target(%dma_start3A_622 : memref<64x128xf32, #tpu.memory_space<vmem>>) offsets(%dma_start3A_625 : memref<64xi32, #tpu.memory_space<vmem>>) semaphore(%arg10 : memref<!tpu.dma_semaphore, #tpu.memory_space<semaphore_mem>>)
        %add3A_629 = arith.constant 1 : i32
        %add3A_630 = arith.addi %mul3A_572, %add3A_629 : i32
        %dma_wait3A_631 = arith.constant 1 : i32
        %dma_wait3A_632 = arith.constant 0 : i32
        %dma_wait3A_633 = arith.constant 0 : i32
        %dma_wait3A_634 = tpu.memref_slice %arg9[%dma_wait3A_631, %dma_wait3A_632, %dma_wait3A_633] : memref<3x64x128xf32, #tpu.memory_space<vmem>> -> memref<1x64x128xf32, #tpu.memory_space<vmem>>
        %dma_wait3A_635 = tpu.memref_squeeze %dma_wait3A_634 : memref<1x64x128xf32, #tpu.memory_space<vmem>> -> memref<64x128xf32, #tpu.memory_space<vmem>>
        %dma_wait3A_636 = arith.constant 0 : i32
        %dma_wait3A_637 = tpu.memref_slice %arg7[%add3A_630, %dma_wait3A_636] : memref<80x64xi32, #tpu.memory_space<vmem>> -> memref<1x64xi32, #tpu.memory_space<vmem>>
        %dma_wait3A_638 = tpu.memref_squeeze %dma_wait3A_637 : memref<1x64xi32, #tpu.memory_space<vmem>> -> memref<64xi32, #tpu.memory_space<vmem>>
        %dma_wait3A_639 = arith.constant 0 : i32
        %dma_wait3A_640 = arith.constant 0 : i32
        %dma_wait3A_641 = tpu.memref_slice %arg2[%dma_wait3A_639, %dma_wait3A_640] : memref<10240x128xf32, #tpu.memory_space<hbm>> -> memref<10240x128xf32, #tpu.memory_space<hbm>>
        tpu.wait_indirect_dma semaphore(%arg11 : memref<!tpu.dma_semaphore, #tpu.memory_space<semaphore_mem>>) src(%dma_wait3A_641 : memref<10240x128xf32, #tpu.memory_space<hbm>>) dst(%dma_wait3A_635 : memref<64x128xf32, #tpu.memory_space<vmem>>)
        %mul3A_642 = arith.constant 1 : i32
        %mul3A_643 = arith.muli %add3A_630, %mul3A_642 : i32
        %add3A_644 = arith.constant 0 : i32
        %add3A_645 = arith.addi %mul3A_643, %add3A_644 : i32
        %dma_start3A_646 = arith.constant 1 : i32
        %dma_start3A_647 = arith.constant 0 : i32
        %dma_start3A_648 = arith.constant 0 : i32
        %dma_start3A_649 = tpu.memref_slice %arg9[%dma_start3A_646, %dma_start3A_647, %dma_start3A_648] : memref<3x64x128xf32, #tpu.memory_space<vmem>> -> memref<1x64x128xf32, #tpu.memory_space<vmem>>
        %dma_start3A_650 = tpu.memref_squeeze %dma_start3A_649 : memref<1x64x128xf32, #tpu.memory_space<vmem>> -> memref<64x128xf32, #tpu.memory_space<vmem>>
        %dma_start3A_651 = arith.constant 0 : i32
        %dma_start3A_652 = tpu.memref_slice %arg8[%add3A_645, %dma_start3A_651] : memref<80x64xi32, #tpu.memory_space<vmem>> -> memref<1x64xi32, #tpu.memory_space<vmem>>
        %dma_start3A_653 = tpu.memref_squeeze %dma_start3A_652 : memref<1x64xi32, #tpu.memory_space<vmem>> -> memref<64xi32, #tpu.memory_space<vmem>>
        %dma_start3A_654 = arith.constant 0 : i32
        %dma_start3A_655 = arith.constant 0 : i32
        %dma_start3A_656 = tpu.memref_slice %arg6[%dma_start3A_654, %dma_start3A_655] : memref<10240x128xf32, #tpu.memory_space<vmem_shared>> -> memref<10240x128xf32, #tpu.memory_space<vmem_shared>>
        tpu.enqueue_indirect_dma source(%dma_start3A_650 : memref<64x128xf32, #tpu.memory_space<vmem>>) target(%dma_start3A_656 : memref<10240x128xf32, #tpu.memory_space<vmem_shared>>) offsets(%dma_start3A_653 : memref<64xi32, #tpu.memory_space<vmem>>) semaphore(%arg14 : memref<!tpu.dma_semaphore, #tpu.memory_space<semaphore_mem>>) {add = true}
        %mul3A_657 = arith.constant 1 : i32
        %mul3A_658 = arith.muli %add3A_630, %mul3A_657 : i32
        %add3A_659 = arith.constant 0 : i32
        %add3A_660 = arith.addi %mul3A_658, %add3A_659 : i32
        %dma_wait3A_661 = arith.constant 1 : i32
        %dma_wait3A_662 = arith.constant 0 : i32
        %dma_wait3A_663 = arith.constant 0 : i32
        %dma_wait3A_664 = tpu.memref_slice %arg9[%dma_wait3A_661, %dma_wait3A_662, %dma_wait3A_663] : memref<3x64x128xf32, #tpu.memory_space<vmem>> -> memref<1x64x128xf32, #tpu.memory_space<vmem>>
        %dma_wait3A_665 = tpu.memref_squeeze %dma_wait3A_664 : memref<1x64x128xf32, #tpu.memory_space<vmem>> -> memref<64x128xf32, #tpu.memory_space<vmem>>
        %dma_wait3A_666 = arith.constant 0 : i32
        %dma_wait3A_667 = tpu.memref_slice %arg8[%add3A_660, %dma_wait3A_666] : memref<80x64xi32, #tpu.memory_space<vmem>> -> memref<1x64xi32, #tpu.memory_space<vmem>>
        %dma_wait3A_668 = tpu.memref_squeeze %dma_wait3A_667 : memref<1x64xi32, #tpu.memory_space<vmem>> -> memref<64xi32, #tpu.memory_space<vmem>>
        %dma_wait3A_669 = arith.constant 0 : i32
        %dma_wait3A_670 = arith.constant 0 : i32
        %dma_wait3A_671 = tpu.memref_slice %arg6[%dma_wait3A_669, %dma_wait3A_670] : memref<10240x128xf32, #tpu.memory_space<vmem_shared>> -> memref<10240x128xf32, #tpu.memory_space<vmem_shared>>
        tpu.wait_indirect_dma semaphore(%arg14 : memref<!tpu.dma_semaphore, #tpu.memory_space<semaphore_mem>>) src(%dma_wait3A_665 : memref<64x128xf32, #tpu.memory_space<vmem>>) dst(%dma_wait3A_671 : memref<10240x128xf32, #tpu.memory_space<vmem_shared>>)
        %add3A_672 = arith.constant 3 : i32
        %add3A_673 = arith.addi %add3A_630, %add3A_672 : i32
        %dma_start3A_674 = arith.constant 1 : i32
        %dma_start3A_675 = arith.constant 0 : i32
        %dma_start3A_676 = arith.constant 0 : i32
        %dma_start3A_677 = tpu.memref_slice %arg9[%dma_start3A_674, %dma_start3A_675, %dma_start3A_676] : memref<3x64x128xf32, #tpu.memory_space<vmem>> -> memref<1x64x128xf32, #tpu.memory_space<vmem>>
        %dma_start3A_678 = tpu.memref_squeeze %dma_start3A_677 : memref<1x64x128xf32, #tpu.memory_space<vmem>> -> memref<64x128xf32, #tpu.memory_space<vmem>>
        %dma_start3A_679 = arith.constant 0 : i32
        %dma_start3A_680 = tpu.memref_slice %arg7[%add3A_673, %dma_start3A_679] : memref<80x64xi32, #tpu.memory_space<vmem>> -> memref<1x64xi32, #tpu.memory_space<vmem>>
        %dma_start3A_681 = tpu.memref_squeeze %dma_start3A_680 : memref<1x64xi32, #tpu.memory_space<vmem>> -> memref<64xi32, #tpu.memory_space<vmem>>
        %dma_start3A_682 = arith.constant 0 : i32
        %dma_start3A_683 = arith.constant 0 : i32
        %dma_start3A_684 = tpu.memref_slice %arg2[%dma_start3A_682, %dma_start3A_683] : memref<10240x128xf32, #tpu.memory_space<hbm>> -> memref<10240x128xf32, #tpu.memory_space<hbm>>
        tpu.enqueue_indirect_dma source(%dma_start3A_684 : memref<10240x128xf32, #tpu.memory_space<hbm>>) target(%dma_start3A_678 : memref<64x128xf32, #tpu.memory_space<vmem>>) offsets(%dma_start3A_681 : memref<64xi32, #tpu.memory_space<vmem>>) semaphore(%arg11 : memref<!tpu.dma_semaphore, #tpu.memory_space<semaphore_mem>>)
        %add3A_685 = arith.constant 2 : i32
        %add3A_686 = arith.addi %mul3A_572, %add3A_685 : i32
        %dma_wait3A_687 = arith.constant 2 : i32
        %dma_wait3A_688 = arith.constant 0 : i32
        %dma_wait3A_689 = arith.constant 0 : i32
        %dma_wait3A_690 = tpu.memref_slice %arg9[%dma_wait3A_687, %dma_wait3A_688, %dma_wait3A_689] : memref<3x64x128xf32, #tpu.memory_space<vmem>> -> memref<1x64x128xf32, #tpu.memory_space<vmem>>
        %dma_wait3A_691 = tpu.memref_squeeze %dma_wait3A_690 : memref<1x64x128xf32, #tpu.memory_space<vmem>> -> memref<64x128xf32, #tpu.memory_space<vmem>>
        %dma_wait3A_692 = arith.constant 0 : i32
        %dma_wait3A_693 = tpu.memref_slice %arg7[%add3A_686, %dma_wait3A_692] : memref<80x64xi32, #tpu.memory_space<vmem>> -> memref<1x64xi32, #tpu.memory_space<vmem>>
        %dma_wait3A_694 = tpu.memref_squeeze %dma_wait3A_693 : memref<1x64xi32, #tpu.memory_space<vmem>> -> memref<64xi32, #tpu.memory_space<vmem>>
        %dma_wait3A_695 = arith.constant 0 : i32
        %dma_wait3A_696 = arith.constant 0 : i32
        %dma_wait3A_697 = tpu.memref_slice %arg2[%dma_wait3A_695, %dma_wait3A_696] : memref<10240x128xf32, #tpu.memory_space<hbm>> -> memref<10240x128xf32, #tpu.memory_space<hbm>>
        tpu.wait_indirect_dma semaphore(%arg12 : memref<!tpu.dma_semaphore, #tpu.memory_space<semaphore_mem>>) src(%dma_wait3A_697 : memref<10240x128xf32, #tpu.memory_space<hbm>>) dst(%dma_wait3A_691 : memref<64x128xf32, #tpu.memory_space<vmem>>)
        %mul3A_698 = arith.constant 1 : i32
        %mul3A_699 = arith.muli %add3A_686, %mul3A_698 : i32
        %add3A_700 = arith.constant 0 : i32
        %add3A_701 = arith.addi %mul3A_699, %add3A_700 : i32
        %dma_start3A_702 = arith.constant 2 : i32
        %dma_start3A_703 = arith.constant 0 : i32
        %dma_start3A_704 = arith.constant 0 : i32
        %dma_start3A_705 = tpu.memref_slice %arg9[%dma_start3A_702, %dma_start3A_703, %dma_start3A_704] : memref<3x64x128xf32, #tpu.memory_space<vmem>> -> memref<1x64x128xf32, #tpu.memory_space<vmem>>
        %dma_start3A_706 = tpu.memref_squeeze %dma_start3A_705 : memref<1x64x128xf32, #tpu.memory_space<vmem>> -> memref<64x128xf32, #tpu.memory_space<vmem>>
        %dma_start3A_707 = arith.constant 0 : i32
        %dma_start3A_708 = tpu.memref_slice %arg8[%add3A_701, %dma_start3A_707] : memref<80x64xi32, #tpu.memory_space<vmem>> -> memref<1x64xi32, #tpu.memory_space<vmem>>
        %dma_start3A_709 = tpu.memref_squeeze %dma_start3A_708 : memref<1x64xi32, #tpu.memory_space<vmem>> -> memref<64xi32, #tpu.memory_space<vmem>>
        %dma_start3A_710 = arith.constant 0 : i32
        %dma_start3A_711 = arith.constant 0 : i32
        %dma_start3A_712 = tpu.memref_slice %arg6[%dma_start3A_710, %dma_start3A_711] : memref<10240x128xf32, #tpu.memory_space<vmem_shared>> -> memref<10240x128xf32, #tpu.memory_space<vmem_shared>>
        tpu.enqueue_indirect_dma source(%dma_start3A_706 : memref<64x128xf32, #tpu.memory_space<vmem>>) target(%dma_start3A_712 : memref<10240x128xf32, #tpu.memory_space<vmem_shared>>) offsets(%dma_start3A_709 : memref<64xi32, #tpu.memory_space<vmem>>) semaphore(%arg15 : memref<!tpu.dma_semaphore, #tpu.memory_space<semaphore_mem>>) {add = true}
        %mul3A_713 = arith.constant 1 : i32
        %mul3A_714 = arith.muli %add3A_686, %mul3A_713 : i32
        %add3A_715 = arith.constant 0 : i32
        %add3A_716 = arith.addi %mul3A_714, %add3A_715 : i32
        %dma_wait3A_717 = arith.constant 2 : i32
        %dma_wait3A_718 = arith.constant 0 : i32
        %dma_wait3A_719 = arith.constant 0 : i32
        %dma_wait3A_720 = tpu.memref_slice %arg9[%dma_wait3A_717, %dma_wait3A_718, %dma_wait3A_719] : memref<3x64x128xf32, #tpu.memory_space<vmem>> -> memref<1x64x128xf32, #tpu.memory_space<vmem>>
        %dma_wait3A_721 = tpu.memref_squeeze %dma_wait3A_720 : memref<1x64x128xf32, #tpu.memory_space<vmem>> -> memref<64x128xf32, #tpu.memory_space<vmem>>
        %dma_wait3A_722 = arith.constant 0 : i32
        %dma_wait3A_723 = tpu.memref_slice %arg8[%add3A_716, %dma_wait3A_722] : memref<80x64xi32, #tpu.memory_space<vmem>> -> memref<1x64xi32, #tpu.memory_space<vmem>>
        %dma_wait3A_724 = tpu.memref_squeeze %dma_wait3A_723 : memref<1x64xi32, #tpu.memory_space<vmem>> -> memref<64xi32, #tpu.memory_space<vmem>>
        %dma_wait3A_725 = arith.constant 0 : i32
        %dma_wait3A_726 = arith.constant 0 : i32
        %dma_wait3A_727 = tpu.memref_slice %arg6[%dma_wait3A_725, %dma_wait3A_726] : memref<10240x128xf32, #tpu.memory_space<vmem_shared>> -> memref<10240x128xf32, #tpu.memory_space<vmem_shared>>
        tpu.wait_indirect_dma semaphore(%arg15 : memref<!tpu.dma_semaphore, #tpu.memory_space<semaphore_mem>>) src(%dma_wait3A_721 : memref<64x128xf32, #tpu.memory_space<vmem>>) dst(%dma_wait3A_727 : memref<10240x128xf32, #tpu.memory_space<vmem_shared>>)
        %add3A_728 = arith.constant 3 : i32
        %add3A_729 = arith.addi %add3A_686, %add3A_728 : i32
        %dma_start3A_730 = arith.constant 2 : i32
        %dma_start3A_731 = arith.constant 0 : i32
        %dma_start3A_732 = arith.constant 0 : i32
        %dma_start3A_733 = tpu.memref_slice %arg9[%dma_start3A_730, %dma_start3A_731, %dma_start3A_732] : memref<3x64x128xf32, #tpu.memory_space<vmem>> -> memref<1x64x128xf32, #tpu.memory_space<vmem>>
        %dma_start3A_734 = tpu.memref_squeeze %dma_start3A_733 : memref<1x64x128xf32, #tpu.memory_space<vmem>> -> memref<64x128xf32, #tpu.memory_space<vmem>>
        %dma_start3A_735 = arith.constant 0 : i32
        %dma_start3A_736 = tpu.memref_slice %arg7[%add3A_729, %dma_start3A_735] : memref<80x64xi32, #tpu.memory_space<vmem>> -> memref<1x64xi32, #tpu.memory_space<vmem>>
        %dma_start3A_737 = tpu.memref_squeeze %dma_start3A_736 : memref<1x64xi32, #tpu.memory_space<vmem>> -> memref<64xi32, #tpu.memory_space<vmem>>
        %dma_start3A_738 = arith.constant 0 : i32
        %dma_start3A_739 = arith.constant 0 : i32
        %dma_start3A_740 = tpu.memref_slice %arg2[%dma_start3A_738, %dma_start3A_739] : memref<10240x128xf32, #tpu.memory_space<hbm>> -> memref<10240x128xf32, #tpu.memory_space<hbm>>
        tpu.enqueue_indirect_dma source(%dma_start3A_740 : memref<10240x128xf32, #tpu.memory_space<hbm>>) target(%dma_start3A_734 : memref<64x128xf32, #tpu.memory_space<vmem>>) offsets(%dma_start3A_737 : memref<64xi32, #tpu.memory_space<vmem>>) semaphore(%arg12 : memref<!tpu.dma_semaphore, #tpu.memory_space<semaphore_mem>>)
      }
      %scan3A_365 = arith.constant 25 : i32
      %dma_wait3A_366 = arith.constant 75 : i32
      %dma_wait3A_367 = arith.constant 0 : i32
      %dma_wait3A_368 = arith.constant 0 : i32
      %dma_wait3A_369 = arith.constant 0 : i32
      %dma_wait3A_370 = tpu.memref_slice %arg9[%dma_wait3A_367, %dma_wait3A_368, %dma_wait3A_369] : memref<3x64x128xf32, #tpu.memory_space<vmem>> -> memref<1x64x128xf32, #tpu.memory_space<vmem>>
      %dma_wait3A_371 = tpu.memref_squeeze %dma_wait3A_370 : memref<1x64x128xf32, #tpu.memory_space<vmem>> -> memref<64x128xf32, #tpu.memory_space<vmem>>
      %dma_wait3A_372 = arith.constant 0 : i32
      %dma_wait3A_373 = tpu.memref_slice %arg7[%dma_wait3A_366, %dma_wait3A_372] : memref<80x64xi32, #tpu.memory_space<vmem>> -> memref<1x64xi32, #tpu.memory_space<vmem>>
      %dma_wait3A_374 = tpu.memref_squeeze %dma_wait3A_373 : memref<1x64xi32, #tpu.memory_space<vmem>> -> memref<64xi32, #tpu.memory_space<vmem>>
      %dma_wait3A_375 = arith.constant 0 : i32
      %dma_wait3A_376 = arith.constant 0 : i32
      %dma_wait3A_377 = tpu.memref_slice %arg2[%dma_wait3A_375, %dma_wait3A_376] : memref<10240x128xf32, #tpu.memory_space<hbm>> -> memref<10240x128xf32, #tpu.memory_space<hbm>>
      tpu.wait_indirect_dma semaphore(%arg10 : memref<!tpu.dma_semaphore, #tpu.memory_space<semaphore_mem>>) src(%dma_wait3A_377 : memref<10240x128xf32, #tpu.memory_space<hbm>>) dst(%dma_wait3A_371 : memref<64x128xf32, #tpu.memory_space<vmem>>)
      %dma_start3A_378 = arith.constant 0 : i32
      %dma_start3A_379 = arith.constant 75 : i32
      %dma_start3A_380 = arith.constant 0 : i32
      %dma_start3A_381 = arith.constant 0 : i32
      %dma_start3A_382 = tpu.memref_slice %arg9[%dma_start3A_378, %dma_start3A_380, %dma_start3A_381] : memref<3x64x128xf32, #tpu.memory_space<vmem>> -> memref<1x64x128xf32, #tpu.memory_space<vmem>>
      %dma_start3A_383 = tpu.memref_squeeze %dma_start3A_382 : memref<1x64x128xf32, #tpu.memory_space<vmem>> -> memref<64x128xf32, #tpu.memory_space<vmem>>
      %dma_start3A_384 = arith.constant 0 : i32
      %dma_start3A_385 = tpu.memref_slice %arg8[%dma_start3A_379, %dma_start3A_384] : memref<80x64xi32, #tpu.memory_space<vmem>> -> memref<1x64xi32, #tpu.memory_space<vmem>>
      %dma_start3A_386 = tpu.memref_squeeze %dma_start3A_385 : memref<1x64xi32, #tpu.memory_space<vmem>> -> memref<64xi32, #tpu.memory_space<vmem>>
      %dma_start3A_387 = arith.constant 0 : i32
      %dma_start3A_388 = arith.constant 0 : i32
      %dma_start3A_389 = tpu.memref_slice %arg6[%dma_start3A_387, %dma_start3A_388] : memref<10240x128xf32, #tpu.memory_space<vmem_shared>> -> memref<10240x128xf32, #tpu.memory_space<vmem_shared>>
      tpu.enqueue_indirect_dma source(%dma_start3A_383 : memref<64x128xf32, #tpu.memory_space<vmem>>) target(%dma_start3A_389 : memref<10240x128xf32, #tpu.memory_space<vmem_shared>>) offsets(%dma_start3A_386 : memref<64xi32, #tpu.memory_space<vmem>>) semaphore(%arg13 : memref<!tpu.dma_semaphore, #tpu.memory_space<semaphore_mem>>) {add = true}
      %dma_wait3A_390 = arith.constant 0 : i32
      %dma_wait3A_391 = arith.constant 75 : i32
      %dma_wait3A_392 = arith.constant 0 : i32
      %dma_wait3A_393 = arith.constant 0 : i32
      %dma_wait3A_394 = tpu.memref_slice %arg9[%dma_wait3A_390, %dma_wait3A_392, %dma_wait3A_393] : memref<3x64x128xf32, #tpu.memory_space<vmem>> -> memref<1x64x128xf32, #tpu.memory_space<vmem>>
      %dma_wait3A_395 = tpu.memref_squeeze %dma_wait3A_394 : memref<1x64x128xf32, #tpu.memory_space<vmem>> -> memref<64x128xf32, #tpu.memory_space<vmem>>
      %dma_wait3A_396 = arith.constant 0 : i32
      %dma_wait3A_397 = tpu.memref_slice %arg8[%dma_wait3A_391, %dma_wait3A_396] : memref<80x64xi32, #tpu.memory_space<vmem>> -> memref<1x64xi32, #tpu.memory_space<vmem>>
      %dma_wait3A_398 = tpu.memref_squeeze %dma_wait3A_397 : memref<1x64xi32, #tpu.memory_space<vmem>> -> memref<64xi32, #tpu.memory_space<vmem>>
      %dma_wait3A_399 = arith.constant 0 : i32
      %dma_wait3A_400 = arith.constant 0 : i32
      %dma_wait3A_401 = tpu.memref_slice %arg6[%dma_wait3A_399, %dma_wait3A_400] : memref<10240x128xf32, #tpu.memory_space<vmem_shared>> -> memref<10240x128xf32, #tpu.memory_space<vmem_shared>>
      tpu.wait_indirect_dma semaphore(%arg13 : memref<!tpu.dma_semaphore, #tpu.memory_space<semaphore_mem>>) src(%dma_wait3A_395 : memref<64x128xf32, #tpu.memory_space<vmem>>) dst(%dma_wait3A_401 : memref<10240x128xf32, #tpu.memory_space<vmem_shared>>)
      %dma_start3A_402 = arith.constant 78 : i32
      %dma_start3A_403 = arith.constant 0 : i32
      %dma_start3A_404 = arith.constant 0 : i32
      %dma_start3A_405 = arith.constant 0 : i32
      %dma_start3A_406 = tpu.memref_slice %arg9[%dma_start3A_403, %dma_start3A_404, %dma_start3A_405] : memref<3x64x128xf32, #tpu.memory_space<vmem>> -> memref<1x64x128xf32, #tpu.memory_space<vmem>>
      %dma_start3A_407 = tpu.memref_squeeze %dma_start3A_406 : memref<1x64x128xf32, #tpu.memory_space<vmem>> -> memref<64x128xf32, #tpu.memory_space<vmem>>
      %dma_start3A_408 = arith.constant 0 : i32
      %dma_start3A_409 = tpu.memref_slice %arg7[%dma_start3A_402, %dma_start3A_408] : memref<80x64xi32, #tpu.memory_space<vmem>> -> memref<1x64xi32, #tpu.memory_space<vmem>>
      %dma_start3A_410 = tpu.memref_squeeze %dma_start3A_409 : memref<1x64xi32, #tpu.memory_space<vmem>> -> memref<64xi32, #tpu.memory_space<vmem>>
      %dma_start3A_411 = arith.constant 0 : i32
      %dma_start3A_412 = arith.constant 0 : i32
      %dma_start3A_413 = tpu.memref_slice %arg2[%dma_start3A_411, %dma_start3A_412] : memref<10240x128xf32, #tpu.memory_space<hbm>> -> memref<10240x128xf32, #tpu.memory_space<hbm>>
      tpu.enqueue_indirect_dma source(%dma_start3A_413 : memref<10240x128xf32, #tpu.memory_space<hbm>>) target(%dma_start3A_407 : memref<64x128xf32, #tpu.memory_space<vmem>>) offsets(%dma_start3A_410 : memref<64xi32, #tpu.memory_space<vmem>>) semaphore(%arg10 : memref<!tpu.dma_semaphore, #tpu.memory_space<semaphore_mem>>)
      %dma_wait3A_414 = arith.constant 76 : i32
      %dma_wait3A_415 = arith.constant 1 : i32
      %dma_wait3A_416 = arith.constant 0 : i32
      %dma_wait3A_417 = arith.constant 0 : i32
      %dma_wait3A_418 = tpu.memref_slice %arg9[%dma_wait3A_415, %dma_wait3A_416, %dma_wait3A_417] : memref<3x64x128xf32, #tpu.memory_space<vmem>> -> memref<1x64x128xf32, #tpu.memory_space<vmem>>
      %dma_wait3A_419 = tpu.memref_squeeze %dma_wait3A_418 : memref<1x64x128xf32, #tpu.memory_space<vmem>> -> memref<64x128xf32, #tpu.memory_space<vmem>>
      %dma_wait3A_420 = arith.constant 0 : i32
      %dma_wait3A_421 = tpu.memref_slice %arg7[%dma_wait3A_414, %dma_wait3A_420] : memref<80x64xi32, #tpu.memory_space<vmem>> -> memref<1x64xi32, #tpu.memory_space<vmem>>
      %dma_wait3A_422 = tpu.memref_squeeze %dma_wait3A_421 : memref<1x64xi32, #tpu.memory_space<vmem>> -> memref<64xi32, #tpu.memory_space<vmem>>
      %dma_wait3A_423 = arith.constant 0 : i32
      %dma_wait3A_424 = arith.constant 0 : i32
      %dma_wait3A_425 = tpu.memref_slice %arg2[%dma_wait3A_423, %dma_wait3A_424] : memref<10240x128xf32, #tpu.memory_space<hbm>> -> memref<10240x128xf32, #tpu.memory_space<hbm>>
      tpu.wait_indirect_dma semaphore(%arg11 : memref<!tpu.dma_semaphore, #tpu.memory_space<semaphore_mem>>) src(%dma_wait3A_425 : memref<10240x128xf32, #tpu.memory_space<hbm>>) dst(%dma_wait3A_419 : memref<64x128xf32, #tpu.memory_space<vmem>>)
      %dma_start3A_426 = arith.constant 1 : i32
      %dma_start3A_427 = arith.constant 76 : i32
      %dma_start3A_428 = arith.constant 0 : i32
      %dma_start3A_429 = arith.constant 0 : i32
      %dma_start3A_430 = tpu.memref_slice %arg9[%dma_start3A_426, %dma_start3A_428, %dma_start3A_429] : memref<3x64x128xf32, #tpu.memory_space<vmem>> -> memref<1x64x128xf32, #tpu.memory_space<vmem>>
      %dma_start3A_431 = tpu.memref_squeeze %dma_start3A_430 : memref<1x64x128xf32, #tpu.memory_space<vmem>> -> memref<64x128xf32, #tpu.memory_space<vmem>>
      %dma_start3A_432 = arith.constant 0 : i32
      %dma_start3A_433 = tpu.memref_slice %arg8[%dma_start3A_427, %dma_start3A_432] : memref<80x64xi32, #tpu.memory_space<vmem>> -> memref<1x64xi32, #tpu.memory_space<vmem>>
      %dma_start3A_434 = tpu.memref_squeeze %dma_start3A_433 : memref<1x64xi32, #tpu.memory_space<vmem>> -> memref<64xi32, #tpu.memory_space<vmem>>
      %dma_start3A_435 = arith.constant 0 : i32
      %dma_start3A_436 = arith.constant 0 : i32
      %dma_start3A_437 = tpu.memref_slice %arg6[%dma_start3A_435, %dma_start3A_436] : memref<10240x128xf32, #tpu.memory_space<vmem_shared>> -> memref<10240x128xf32, #tpu.memory_space<vmem_shared>>
      tpu.enqueue_indirect_dma source(%dma_start3A_431 : memref<64x128xf32, #tpu.memory_space<vmem>>) target(%dma_start3A_437 : memref<10240x128xf32, #tpu.memory_space<vmem_shared>>) offsets(%dma_start3A_434 : memref<64xi32, #tpu.memory_space<vmem>>) semaphore(%arg14 : memref<!tpu.dma_semaphore, #tpu.memory_space<semaphore_mem>>) {add = true}
      %dma_wait3A_438 = arith.constant 1 : i32
      %dma_wait3A_439 = arith.constant 76 : i32
      %dma_wait3A_440 = arith.constant 0 : i32
      %dma_wait3A_441 = arith.constant 0 : i32
      %dma_wait3A_442 = tpu.memref_slice %arg9[%dma_wait3A_438, %dma_wait3A_440, %dma_wait3A_441] : memref<3x64x128xf32, #tpu.memory_space<vmem>> -> memref<1x64x128xf32, #tpu.memory_space<vmem>>
      %dma_wait3A_443 = tpu.memref_squeeze %dma_wait3A_442 : memref<1x64x128xf32, #tpu.memory_space<vmem>> -> memref<64x128xf32, #tpu.memory_space<vmem>>
      %dma_wait3A_444 = arith.constant 0 : i32
      %dma_wait3A_445 = tpu.memref_slice %arg8[%dma_wait3A_439, %dma_wait3A_444] : memref<80x64xi32, #tpu.memory_space<vmem>> -> memref<1x64xi32, #tpu.memory_space<vmem>>
      %dma_wait3A_446 = tpu.memref_squeeze %dma_wait3A_445 : memref<1x64xi32, #tpu.memory_space<vmem>> -> memref<64xi32, #tpu.memory_space<vmem>>
      %dma_wait3A_447 = arith.constant 0 : i32
      %dma_wait3A_448 = arith.constant 0 : i32
      %dma_wait3A_449 = tpu.memref_slice %arg6[%dma_wait3A_447, %dma_wait3A_448] : memref<10240x128xf32, #tpu.memory_space<vmem_shared>> -> memref<10240x128xf32, #tpu.memory_space<vmem_shared>>
      tpu.wait_indirect_dma semaphore(%arg14 : memref<!tpu.dma_semaphore, #tpu.memory_space<semaphore_mem>>) src(%dma_wait3A_443 : memref<64x128xf32, #tpu.memory_space<vmem>>) dst(%dma_wait3A_449 : memref<10240x128xf32, #tpu.memory_space<vmem_shared>>)
      %dma_start3A_450 = arith.constant 79 : i32
      %dma_start3A_451 = arith.constant 1 : i32
      %dma_start3A_452 = arith.constant 0 : i32
      %dma_start3A_453 = arith.constant 0 : i32
      %dma_start3A_454 = tpu.memref_slice %arg9[%dma_start3A_451, %dma_start3A_452, %dma_start3A_453] : memref<3x64x128xf32, #tpu.memory_space<vmem>> -> memref<1x64x128xf32, #tpu.memory_space<vmem>>
      %dma_start3A_455 = tpu.memref_squeeze %dma_start3A_454 : memref<1x64x128xf32, #tpu.memory_space<vmem>> -> memref<64x128xf32, #tpu.memory_space<vmem>>
      %dma_start3A_456 = arith.constant 0 : i32
      %dma_start3A_457 = tpu.memref_slice %arg7[%dma_start3A_450, %dma_start3A_456] : memref<80x64xi32, #tpu.memory_space<vmem>> -> memref<1x64xi32, #tpu.memory_space<vmem>>
      %dma_start3A_458 = tpu.memref_squeeze %dma_start3A_457 : memref<1x64xi32, #tpu.memory_space<vmem>> -> memref<64xi32, #tpu.memory_space<vmem>>
      %dma_start3A_459 = arith.constant 0 : i32
      %dma_start3A_460 = arith.constant 0 : i32
      %dma_start3A_461 = tpu.memref_slice %arg2[%dma_start3A_459, %dma_start3A_460] : memref<10240x128xf32, #tpu.memory_space<hbm>> -> memref<10240x128xf32, #tpu.memory_space<hbm>>
      tpu.enqueue_indirect_dma source(%dma_start3A_461 : memref<10240x128xf32, #tpu.memory_space<hbm>>) target(%dma_start3A_455 : memref<64x128xf32, #tpu.memory_space<vmem>>) offsets(%dma_start3A_458 : memref<64xi32, #tpu.memory_space<vmem>>) semaphore(%arg11 : memref<!tpu.dma_semaphore, #tpu.memory_space<semaphore_mem>>)
      %dma_wait3A_462 = arith.constant 77 : i32
      %dma_wait3A_463 = arith.constant 2 : i32
      %dma_wait3A_464 = arith.constant 0 : i32
      %dma_wait3A_465 = arith.constant 0 : i32
      %dma_wait3A_466 = tpu.memref_slice %arg9[%dma_wait3A_463, %dma_wait3A_464, %dma_wait3A_465] : memref<3x64x128xf32, #tpu.memory_space<vmem>> -> memref<1x64x128xf32, #tpu.memory_space<vmem>>
      %dma_wait3A_467 = tpu.memref_squeeze %dma_wait3A_466 : memref<1x64x128xf32, #tpu.memory_space<vmem>> -> memref<64x128xf32, #tpu.memory_space<vmem>>
      %dma_wait3A_468 = arith.constant 0 : i32
      %dma_wait3A_469 = tpu.memref_slice %arg7[%dma_wait3A_462, %dma_wait3A_468] : memref<80x64xi32, #tpu.memory_space<vmem>> -> memref<1x64xi32, #tpu.memory_space<vmem>>
      %dma_wait3A_470 = tpu.memref_squeeze %dma_wait3A_469 : memref<1x64xi32, #tpu.memory_space<vmem>> -> memref<64xi32, #tpu.memory_space<vmem>>
      %dma_wait3A_471 = arith.constant 0 : i32
      %dma_wait3A_472 = arith.constant 0 : i32
      %dma_wait3A_473 = tpu.memref_slice %arg2[%dma_wait3A_471, %dma_wait3A_472] : memref<10240x128xf32, #tpu.memory_space<hbm>> -> memref<10240x128xf32, #tpu.memory_space<hbm>>
      tpu.wait_indirect_dma semaphore(%arg12 : memref<!tpu.dma_semaphore, #tpu.memory_space<semaphore_mem>>) src(%dma_wait3A_473 : memref<10240x128xf32, #tpu.memory_space<hbm>>) dst(%dma_wait3A_467 : memref<64x128xf32, #tpu.memory_space<vmem>>)
      %dma_start3A_474 = arith.constant 2 : i32
      %dma_start3A_475 = arith.constant 77 : i32
      %dma_start3A_476 = arith.constant 0 : i32
      %dma_start3A_477 = arith.constant 0 : i32
      %dma_start3A_478 = tpu.memref_slice %arg9[%dma_start3A_474, %dma_start3A_476, %dma_start3A_477] : memref<3x64x128xf32, #tpu.memory_space<vmem>> -> memref<1x64x128xf32, #tpu.memory_space<vmem>>
      %dma_start3A_479 = tpu.memref_squeeze %dma_start3A_478 : memref<1x64x128xf32, #tpu.memory_space<vmem>> -> memref<64x128xf32, #tpu.memory_space<vmem>>
      %dma_start3A_480 = arith.constant 0 : i32
      %dma_start3A_481 = tpu.memref_slice %arg8[%dma_start3A_475, %dma_start3A_480] : memref<80x64xi32, #tpu.memory_space<vmem>> -> memref<1x64xi32, #tpu.memory_space<vmem>>
      %dma_start3A_482 = tpu.memref_squeeze %dma_start3A_481 : memref<1x64xi32, #tpu.memory_space<vmem>> -> memref<64xi32, #tpu.memory_space<vmem>>
      %dma_start3A_483 = arith.constant 0 : i32
      %dma_start3A_484 = arith.constant 0 : i32
      %dma_start3A_485 = tpu.memref_slice %arg6[%dma_start3A_483, %dma_start3A_484] : memref<10240x128xf32, #tpu.memory_space<vmem_shared>> -> memref<10240x128xf32, #tpu.memory_space<vmem_shared>>
      tpu.enqueue_indirect_dma source(%dma_start3A_479 : memref<64x128xf32, #tpu.memory_space<vmem>>) target(%dma_start3A_485 : memref<10240x128xf32, #tpu.memory_space<vmem_shared>>) offsets(%dma_start3A_482 : memref<64xi32, #tpu.memory_space<vmem>>) semaphore(%arg15 : memref<!tpu.dma_semaphore, #tpu.memory_space<semaphore_mem>>) {add = true}
      %dma_wait3A_486 = arith.constant 2 : i32
      %dma_wait3A_487 = arith.constant 77 : i32
      %dma_wait3A_488 = arith.constant 0 : i32
      %dma_wait3A_489 = arith.constant 0 : i32
      %dma_wait3A_490 = tpu.memref_slice %arg9[%dma_wait3A_486, %dma_wait3A_488, %dma_wait3A_489] : memref<3x64x128xf32, #tpu.memory_space<vmem>> -> memref<1x64x128xf32, #tpu.memory_space<vmem>>
      %dma_wait3A_491 = tpu.memref_squeeze %dma_wait3A_490 : memref<1x64x128xf32, #tpu.memory_space<vmem>> -> memref<64x128xf32, #tpu.memory_space<vmem>>
      %dma_wait3A_492 = arith.constant 0 : i32
      %dma_wait3A_493 = tpu.memref_slice %arg8[%dma_wait3A_487, %dma_wait3A_492] : memref<80x64xi32, #tpu.memory_space<vmem>> -> memref<1x64xi32, #tpu.memory_space<vmem>>
      %dma_wait3A_494 = tpu.memref_squeeze %dma_wait3A_493 : memref<1x64xi32, #tpu.memory_space<vmem>> -> memref<64xi32, #tpu.memory_space<vmem>>
      %dma_wait3A_495 = arith.constant 0 : i32
      %dma_wait3A_496 = arith.constant 0 : i32
      %dma_wait3A_497 = tpu.memref_slice %arg6[%dma_wait3A_495, %dma_wait3A_496] : memref<10240x128xf32, #tpu.memory_space<vmem_shared>> -> memref<10240x128xf32, #tpu.memory_space<vmem_shared>>
      tpu.wait_indirect_dma semaphore(%arg15 : memref<!tpu.dma_semaphore, #tpu.memory_space<semaphore_mem>>) src(%dma_wait3A_491 : memref<64x128xf32, #tpu.memory_space<vmem>>) dst(%dma_wait3A_497 : memref<10240x128xf32, #tpu.memory_space<vmem_shared>>)
      %dma_wait3A_498 = arith.constant 78 : i32
      %dma_wait3A_499 = arith.constant 0 : i32
      %dma_wait3A_500 = arith.constant 0 : i32
      %dma_wait3A_501 = arith.constant 0 : i32
      %dma_wait3A_502 = tpu.memref_slice %arg9[%dma_wait3A_499, %dma_wait3A_500, %dma_wait3A_501] : memref<3x64x128xf32, #tpu.memory_space<vmem>> -> memref<1x64x128xf32, #tpu.memory_space<vmem>>
      %dma_wait3A_503 = tpu.memref_squeeze %dma_wait3A_502 : memref<1x64x128xf32, #tpu.memory_space<vmem>> -> memref<64x128xf32, #tpu.memory_space<vmem>>
      %dma_wait3A_504 = arith.constant 0 : i32
      %dma_wait3A_505 = tpu.memref_slice %arg7[%dma_wait3A_498, %dma_wait3A_504] : memref<80x64xi32, #tpu.memory_space<vmem>> -> memref<1x64xi32, #tpu.memory_space<vmem>>
      %dma_wait3A_506 = tpu.memref_squeeze %dma_wait3A_505 : memref<1x64xi32, #tpu.memory_space<vmem>> -> memref<64xi32, #tpu.memory_space<vmem>>
      %dma_wait3A_507 = arith.constant 0 : i32
      %dma_wait3A_508 = arith.constant 0 : i32
      %dma_wait3A_509 = tpu.memref_slice %arg2[%dma_wait3A_507, %dma_wait3A_508] : memref<10240x128xf32, #tpu.memory_space<hbm>> -> memref<10240x128xf32, #tpu.memory_space<hbm>>
      tpu.wait_indirect_dma semaphore(%arg10 : memref<!tpu.dma_semaphore, #tpu.memory_space<semaphore_mem>>) src(%dma_wait3A_509 : memref<10240x128xf32, #tpu.memory_space<hbm>>) dst(%dma_wait3A_503 : memref<64x128xf32, #tpu.memory_space<vmem>>)
      %dma_start3A_510 = arith.constant 0 : i32
      %dma_start3A_511 = arith.constant 78 : i32
      %dma_start3A_512 = arith.constant 0 : i32
      %dma_start3A_513 = arith.constant 0 : i32
      %dma_start3A_514 = tpu.memref_slice %arg9[%dma_start3A_510, %dma_start3A_512, %dma_start3A_513] : memref<3x64x128xf32, #tpu.memory_space<vmem>> -> memref<1x64x128xf32, #tpu.memory_space<vmem>>
      %dma_start3A_515 = tpu.memref_squeeze %dma_start3A_514 : memref<1x64x128xf32, #tpu.memory_space<vmem>> -> memref<64x128xf32, #tpu.memory_space<vmem>>
      %dma_start3A_516 = arith.constant 0 : i32
      %dma_start3A_517 = tpu.memref_slice %arg8[%dma_start3A_511, %dma_start3A_516] : memref<80x64xi32, #tpu.memory_space<vmem>> -> memref<1x64xi32, #tpu.memory_space<vmem>>
      %dma_start3A_518 = tpu.memref_squeeze %dma_start3A_517 : memref<1x64xi32, #tpu.memory_space<vmem>> -> memref<64xi32, #tpu.memory_space<vmem>>
      %dma_start3A_519 = arith.constant 0 : i32
      %dma_start3A_520 = arith.constant 0 : i32
      %dma_start3A_521 = tpu.memref_slice %arg6[%dma_start3A_519, %dma_start3A_520] : memref<10240x128xf32, #tpu.memory_space<vmem_shared>> -> memref<10240x128xf32, #tpu.memory_space<vmem_shared>>
      tpu.enqueue_indirect_dma source(%dma_start3A_515 : memref<64x128xf32, #tpu.memory_space<vmem>>) target(%dma_start3A_521 : memref<10240x128xf32, #tpu.memory_space<vmem_shared>>) offsets(%dma_start3A_518 : memref<64xi32, #tpu.memory_space<vmem>>) semaphore(%arg13 : memref<!tpu.dma_semaphore, #tpu.memory_space<semaphore_mem>>) {add = true}
      %dma_wait3A_522 = arith.constant 0 : i32
      %dma_wait3A_523 = arith.constant 78 : i32
      %dma_wait3A_524 = arith.constant 0 : i32
      %dma_wait3A_525 = arith.constant 0 : i32
      %dma_wait3A_526 = tpu.memref_slice %arg9[%dma_wait3A_522, %dma_wait3A_524, %dma_wait3A_525] : memref<3x64x128xf32, #tpu.memory_space<vmem>> -> memref<1x64x128xf32, #tpu.memory_space<vmem>>
      %dma_wait3A_527 = tpu.memref_squeeze %dma_wait3A_526 : memref<1x64x128xf32, #tpu.memory_space<vmem>> -> memref<64x128xf32, #tpu.memory_space<vmem>>
      %dma_wait3A_528 = arith.constant 0 : i32
      %dma_wait3A_529 = tpu.memref_slice %arg8[%dma_wait3A_523, %dma_wait3A_528] : memref<80x64xi32, #tpu.memory_space<vmem>> -> memref<1x64xi32, #tpu.memory_space<vmem>>
      %dma_wait3A_530 = tpu.memref_squeeze %dma_wait3A_529 : memref<1x64xi32, #tpu.memory_space<vmem>> -> memref<64xi32, #tpu.memory_space<vmem>>
      %dma_wait3A_531 = arith.constant 0 : i32
      %dma_wait3A_532 = arith.constant 0 : i32
      %dma_wait3A_533 = tpu.memref_slice %arg6[%dma_wait3A_531, %dma_wait3A_532] : memref<10240x128xf32, #tpu.memory_space<vmem_shared>> -> memref<10240x128xf32, #tpu.memory_space<vmem_shared>>
      tpu.wait_indirect_dma semaphore(%arg13 : memref<!tpu.dma_semaphore, #tpu.memory_space<semaphore_mem>>) src(%dma_wait3A_527 : memref<64x128xf32, #tpu.memory_space<vmem>>) dst(%dma_wait3A_533 : memref<10240x128xf32, #tpu.memory_space<vmem_shared>>)
      %dma_wait3A_534 = arith.constant 79 : i32
      %dma_wait3A_535 = arith.constant 1 : i32
      %dma_wait3A_536 = arith.constant 0 : i32
      %dma_wait3A_537 = arith.constant 0 : i32
      %dma_wait3A_538 = tpu.memref_slice %arg9[%dma_wait3A_535, %dma_wait3A_536, %dma_wait3A_537] : memref<3x64x128xf32, #tpu.memory_space<vmem>> -> memref<1x64x128xf32, #tpu.memory_space<vmem>>
      %dma_wait3A_539 = tpu.memref_squeeze %dma_wait3A_538 : memref<1x64x128xf32, #tpu.memory_space<vmem>> -> memref<64x128xf32, #tpu.memory_space<vmem>>
      %dma_wait3A_540 = arith.constant 0 : i32
      %dma_wait3A_541 = tpu.memref_slice %arg7[%dma_wait3A_534, %dma_wait3A_540] : memref<80x64xi32, #tpu.memory_space<vmem>> -> memref<1x64xi32, #tpu.memory_space<vmem>>
      %dma_wait3A_542 = tpu.memref_squeeze %dma_wait3A_541 : memref<1x64xi32, #tpu.memory_space<vmem>> -> memref<64xi32, #tpu.memory_space<vmem>>
      %dma_wait3A_543 = arith.constant 0 : i32
      %dma_wait3A_544 = arith.constant 0 : i32
      %dma_wait3A_545 = tpu.memref_slice %arg2[%dma_wait3A_543, %dma_wait3A_544] : memref<10240x128xf32, #tpu.memory_space<hbm>> -> memref<10240x128xf32, #tpu.memory_space<hbm>>
      tpu.wait_indirect_dma semaphore(%arg11 : memref<!tpu.dma_semaphore, #tpu.memory_space<semaphore_mem>>) src(%dma_wait3A_545 : memref<10240x128xf32, #tpu.memory_space<hbm>>) dst(%dma_wait3A_539 : memref<64x128xf32, #tpu.memory_space<vmem>>)
      %dma_start3A_546 = arith.constant 1 : i32
      %dma_start3A_547 = arith.constant 79 : i32
      %dma_start3A_548 = arith.constant 0 : i32
      %dma_start3A_549 = arith.constant 0 : i32
      %dma_start3A_550 = tpu.memref_slice %arg9[%dma_start3A_546, %dma_start3A_548, %dma_start3A_549] : memref<3x64x128xf32, #tpu.memory_space<vmem>> -> memref<1x64x128xf32, #tpu.memory_space<vmem>>
      %dma_start3A_551 = tpu.memref_squeeze %dma_start3A_550 : memref<1x64x128xf32, #tpu.memory_space<vmem>> -> memref<64x128xf32, #tpu.memory_space<vmem>>
      %dma_start3A_552 = arith.constant 0 : i32
      %dma_start3A_553 = tpu.memref_slice %arg8[%dma_start3A_547, %dma_start3A_552] : memref<80x64xi32, #tpu.memory_space<vmem>> -> memref<1x64xi32, #tpu.memory_space<vmem>>
      %dma_start3A_554 = tpu.memref_squeeze %dma_start3A_553 : memref<1x64xi32, #tpu.memory_space<vmem>> -> memref<64xi32, #tpu.memory_space<vmem>>
      %dma_start3A_555 = arith.constant 0 : i32
      %dma_start3A_556 = arith.constant 0 : i32
      %dma_start3A_557 = tpu.memref_slice %arg6[%dma_start3A_555, %dma_start3A_556] : memref<10240x128xf32, #tpu.memory_space<vmem_shared>> -> memref<10240x128xf32, #tpu.memory_space<vmem_shared>>
      tpu.enqueue_indirect_dma source(%dma_start3A_551 : memref<64x128xf32, #tpu.memory_space<vmem>>) target(%dma_start3A_557 : memref<10240x128xf32, #tpu.memory_space<vmem_shared>>) offsets(%dma_start3A_554 : memref<64xi32, #tpu.memory_space<vmem>>) semaphore(%arg14 : memref<!tpu.dma_semaphore, #tpu.memory_space<semaphore_mem>>) {add = true}
      %dma_wait3A_558 = arith.constant 1 : i32
      %dma_wait3A_559 = arith.constant 79 : i32
      %dma_wait3A_560 = arith.constant 0 : i32
      %dma_wait3A_561 = arith.constant 0 : i32
      %dma_wait3A_562 = tpu.memref_slice %arg9[%dma_wait3A_558, %dma_wait3A_560, %dma_wait3A_561] : memref<3x64x128xf32, #tpu.memory_space<vmem>> -> memref<1x64x128xf32, #tpu.memory_space<vmem>>
      %dma_wait3A_563 = tpu.memref_squeeze %dma_wait3A_562 : memref<1x64x128xf32, #tpu.memory_space<vmem>> -> memref<64x128xf32, #tpu.memory_space<vmem>>
      %dma_wait3A_564 = arith.constant 0 : i32
      %dma_wait3A_565 = tpu.memref_slice %arg8[%dma_wait3A_559, %dma_wait3A_564] : memref<80x64xi32, #tpu.memory_space<vmem>> -> memref<1x64xi32, #tpu.memory_space<vmem>>
      %dma_wait3A_566 = tpu.memref_squeeze %dma_wait3A_565 : memref<1x64xi32, #tpu.memory_space<vmem>> -> memref<64xi32, #tpu.memory_space<vmem>>
      %dma_wait3A_567 = arith.constant 0 : i32
      %dma_wait3A_568 = arith.constant 0 : i32
      %dma_wait3A_569 = tpu.memref_slice %arg6[%dma_wait3A_567, %dma_wait3A_568] : memref<10240x128xf32, #tpu.memory_space<vmem_shared>> -> memref<10240x128xf32, #tpu.memory_space<vmem_shared>>
      tpu.wait_indirect_dma semaphore(%arg14 : memref<!tpu.dma_semaphore, #tpu.memory_space<semaphore_mem>>) src(%dma_wait3A_563 : memref<64x128xf32, #tpu.memory_space<vmem>>) dst(%dma_wait3A_569 : memref<10240x128xf32, #tpu.memory_space<vmem_shared>>)
    } else {
    }
    %barrier3A_59 = arith.constant 0 : index
    tpu.barrier barrier_id(%barrier3A_59)
    %mul3A_60 = arith.constant 640 : i32
    %mul3A_61 = arith.muli %arg1, %mul3A_60 : i32
    %mul3A_62 = arith.constant 640 : i32
    %mul3A_63 = arith.muli %arg1, %mul3A_62 : i32
    "tpu.region"() ({
      %run_scoped3A_64 = tpu.sem_alloc : memref<!tpu.dma_semaphore, #tpu.memory_space<semaphore_mem>>
      %dma_start3A = arith.constant 0 : i32
      %dma_start3A_65 = tpu.memref_slice %arg5[%arg0, %mul3A_63, %dma_start3A] : memref<2x10240x128xf32, #tpu.memory_space<hbm>> -> memref<1x640x128xf32, #tpu.memory_space<hbm>>
      %dma_start3A_66 = tpu.memref_squeeze %dma_start3A_65 : memref<1x640x128xf32, #tpu.memory_space<hbm>> -> memref<640x128xf32, #tpu.memory_space<hbm>>
      %dma_start3A_67 = arith.constant 0 : i32
      %dma_start3A_68 = tpu.memref_slice %arg6[%mul3A_61, %dma_start3A_67] : memref<10240x128xf32, #tpu.memory_space<vmem_shared>> -> memref<640x128xf32, #tpu.memory_space<vmem_shared>>
      tpu.enqueue_dma source(%dma_start3A_68 : memref<640x128xf32, #tpu.memory_space<vmem_shared>>) target(%dma_start3A_66 : memref<640x128xf32, #tpu.memory_space<hbm>>) target_semaphore(%run_scoped3A_64 : memref<!tpu.dma_semaphore, #tpu.memory_space<semaphore_mem>>)
      %dma_wait3A = arith.constant 0 : i32
      %dma_wait3A_69 = tpu.memref_slice %arg5[%arg0, %mul3A_63, %dma_wait3A] : memref<2x10240x128xf32, #tpu.memory_space<hbm>> -> memref<1x640x128xf32, #tpu.memory_space<hbm>>
      %dma_wait3A_70 = tpu.memref_squeeze %dma_wait3A_69 : memref<1x640x128xf32, #tpu.memory_space<hbm>> -> memref<640x128xf32, #tpu.memory_space<hbm>>
      %dma_wait3A_71 = arith.constant 0 : i32
      %dma_wait3A_72 = tpu.memref_slice %arg6[%mul3A_61, %dma_wait3A_71] : memref<10240x128xf32, #tpu.memory_space<vmem_shared>> -> memref<640x128xf32, #tpu.memory_space<vmem_shared>>
      tpu.wait_dma2 semaphore(%run_scoped3A_64 : memref<!tpu.dma_semaphore, #tpu.memory_space<semaphore_mem>>) src(%dma_wait3A_72 : memref<640x128xf32, #tpu.memory_space<vmem_shared>>) dst(%dma_wait3A_70 : memref<640x128xf32, #tpu.memory_space<hbm>>)
      tpu.yield
    }) : () -> ()
    return
  }
}

module attributes {stable_mosaic.version = 14 : i64} {
  func.func @_scale_body(%arg0: i32, %arg1: memref<2x1024x1xf32, #tpu.memory_space<vmem>>, %arg2: memref<1024x128xf32, #tpu.memory_space<vmem>>, %arg3: memref<1024x1xf32, #tpu.memory_space<vmem>>, %arg4: memref<1024x128xf32, #tpu.memory_space<vmem>>) attributes {dimension_semantics = [#tpu.dimension_semantics<arbitrary>], iteration_bounds = array<i64: 10>, scalar_prefetch = 0 : i64, scratch_operands = 0 : i64, tpu.core_type = #tpu.core_type<tc>, window_params = [{transform_indices = @transform_0, window_bounds = array<i64: 2, 1024, 1>}, {transform_indices = @transform_1, window_bounds = array<i64: 1024, 128>}, {transform_indices = @transform_2, window_bounds = array<i64: 1024, 1>}, {transform_indices = @transform_3, window_bounds = array<i64: 1024, 128>}]} {
    %get3A = arith.constant 0 : index
    %get3A_0 = arith.constant 0 : index
    %get3A_1 = arith.constant 0 : index
    %get3A_2 = vector.load %arg1[%get3A, %get3A_0, %get3A_1] : memref<2x1024x1xf32, #tpu.memory_space<vmem>>, vector<1x1024x1xf32>
    %get3A_3 = vector.shape_cast %get3A_2 : vector<1x1024x1xf32> to vector<1024x1xf32>
    %get3A_4 = arith.constant 1 : index
    %get3A_5 = arith.constant 0 : index
    %get3A_6 = arith.constant 0 : index
    %get3A_7 = vector.load %arg1[%get3A_4, %get3A_5, %get3A_6] : memref<2x1024x1xf32, #tpu.memory_space<vmem>>, vector<1x1024x1xf32>
    %get3A_8 = vector.shape_cast %get3A_7 : vector<1x1024x1xf32> to vector<1024x1xf32>
    %add3A = arith.addf %get3A_3, %get3A_8 : vector<1024x1xf32>
    %gt3A = arith.constant 0.000000e+00 : f32
    %gt3A_9 = vector.broadcast %gt3A : f32 to vector<1024x1xf32>
    %gt3A_10 = arith.cmpf ogt, %add3A, %gt3A_9 : vector<1024x1xf32>
    %rsqrt3A = math.rsqrt %add3A : vector<1024x1xf32>
    %jit3A = arith.constant 0.000000e+00 : f32
    %broadcast_in_dim3A = vector.broadcast %jit3A : f32 to vector<1024x1xf32>
    %select_n3A = arith.select %gt3A_10, %rsqrt3A, %broadcast_in_dim3A : vector<1024x1xi1>, vector<1024x1xf32>
    %swap3A = arith.constant 0 : index
    %swap3A_11 = arith.constant 0 : index
    %swap3A_12 = vector.load %arg3[%swap3A, %swap3A_11] : memref<1024x1xf32, #tpu.memory_space<vmem>>, vector<1024x1xf32>
    tpu.vector_store %arg3[%swap3A, %swap3A_11], %select_n3A {strides = array<i32>} : memref<1024x1xf32, #tpu.memory_space<vmem>>, vector<1024x1xf32>,
    %get3A_13 = arith.constant 0 : index
    %get3A_14 = arith.constant 0 : index
    %get3A_15 = vector.load %arg2[%get3A_13, %get3A_14] : memref<1024x128xf32, #tpu.memory_space<vmem>>, vector<1024x128xf32>
    %mul3A = vector.broadcast %select_n3A : vector<1024x1xf32> to vector<1024x128xf32>
    %mul3A_16 = arith.mulf %get3A_15, %mul3A : vector<1024x128xf32>
    %swap3A_17 = arith.constant 0 : index
    %swap3A_18 = arith.constant 0 : index
    %swap3A_19 = vector.load %arg4[%swap3A_17, %swap3A_18] : memref<1024x128xf32, #tpu.memory_space<vmem>>, vector<1024x128xf32>
    tpu.vector_store %arg4[%swap3A_17, %swap3A_18], %mul3A_16 {strides = array<i32>} : memref<1024x128xf32, #tpu.memory_space<vmem>>, vector<1024x128xf32>,
    return
  }
  func.func @transform_0(%arg0: i32) -> (i32, i32, i32) {
    %c0_i32 = arith.constant 0 : i32
    %c0_i32_0 = arith.constant 0 : i32
    %c0_i32_1 = arith.constant 0 : i32
    return %c0_i32, %arg0, %c0_i32_0 : i32, i32, i32
  }
  func.func @transform_1(%arg0: i32) -> (i32, i32) {
    %c0_i32 = arith.constant 0 : i32
    %c0_i32_0 = arith.constant 0 : i32
    return %arg0, %c0_i32 : i32, i32
  }
  func.func @transform_2(%arg0: i32) -> (i32, i32) {
    %c0_i32 = arith.constant 0 : i32
    %c0_i32_0 = arith.constant 0 : i32
    return %arg0, %c0_i32 : i32, i32
  }
  func.func @transform_3(%arg0: i32) -> (i32, i32) {
    %c0_i32 = arith.constant 0 : i32
    %c0_i32_0 = arith.constant 0 : i32
    return %arg0, %c0_i32 : i32, i32
  }
}

module attributes {stable_mosaic.version = 14 : i64} {
  func.func @_final_body(%arg0: i32, %arg1: memref<1024x128xf32, #tpu.memory_space<vmem>>, %arg2: memref<2x1024x128xf32, #tpu.memory_space<vmem>>, %arg3: memref<1024x1xf32, #tpu.memory_space<vmem>>, %arg4: memref<1024x128xf32, #tpu.memory_space<vmem>>) attributes {dimension_semantics = [#tpu.dimension_semantics<arbitrary>], iteration_bounds = array<i64: 10>, scalar_prefetch = 0 : i64, scratch_operands = 0 : i64, tpu.core_type = #tpu.core_type<tc>, window_params = [{transform_indices = @transform_0, window_bounds = array<i64: 1024, 128>}, {transform_indices = @transform_1, window_bounds = array<i64: 2, 1024, 128>}, {transform_indices = @transform_2, window_bounds = array<i64: 1024, 1>}, {transform_indices = @transform_3, window_bounds = array<i64: 1024, 128>}]} {
    %get3A = arith.constant 0 : index
    %get3A_0 = arith.constant 0 : index
    %get3A_1 = arith.constant 0 : index
    %get3A_2 = vector.load %arg2[%get3A, %get3A_0, %get3A_1] : memref<2x1024x128xf32, #tpu.memory_space<vmem>>, vector<1x1024x128xf32>
    %get3A_3 = vector.shape_cast %get3A_2 : vector<1x1024x128xf32> to vector<1024x128xf32>
    %get3A_4 = arith.constant 1 : index
    %get3A_5 = arith.constant 0 : index
    %get3A_6 = arith.constant 0 : index
    %get3A_7 = vector.load %arg2[%get3A_4, %get3A_5, %get3A_6] : memref<2x1024x128xf32, #tpu.memory_space<vmem>>, vector<1x1024x128xf32>
    %get3A_8 = vector.shape_cast %get3A_7 : vector<1x1024x128xf32> to vector<1024x128xf32>
    %add3A = arith.addf %get3A_3, %get3A_8 : vector<1024x128xf32>
    %get3A_9 = arith.constant 0 : index
    %get3A_10 = arith.constant 0 : index
    %get3A_11 = vector.load %arg1[%get3A_9, %get3A_10] : memref<1024x128xf32, #tpu.memory_space<vmem>>, vector<1024x128xf32>
    %get3A_12 = arith.constant 0 : index
    %get3A_13 = arith.constant 0 : index
    %get3A_14 = vector.load %arg3[%get3A_12, %get3A_13] : memref<1024x1xf32, #tpu.memory_space<vmem>>, vector<1024x1xf32>
    %mul3A = vector.broadcast %get3A_14 : vector<1024x1xf32> to vector<1024x128xf32>
    %mul3A_15 = arith.mulf %mul3A, %add3A : vector<1024x128xf32>
    %sub3A = arith.subf %get3A_11, %mul3A_15 : vector<1024x128xf32>
    %swap3A = arith.constant 0 : index
    %swap3A_16 = arith.constant 0 : index
    %swap3A_17 = vector.load %arg4[%swap3A, %swap3A_16] : memref<1024x128xf32, #tpu.memory_space<vmem>>, vector<1024x128xf32>
    tpu.vector_store %arg4[%swap3A, %swap3A_16], %sub3A {strides = array<i32>} : memref<1024x128xf32, #tpu.memory_space<vmem>>, vector<1024x128xf32>,
    return
  }
  func.func @transform_0(%arg0: i32) -> (i32, i32) {
    %c0_i32 = arith.constant 0 : i32
    %c0_i32_0 = arith.constant 0 : i32
    return %arg0, %c0_i32 : i32, i32
  }
  func.func @transform_1(%arg0: i32) -> (i32, i32, i32) {
    %c0_i32 = arith.constant 0 : i32
    %c0_i32_0 = arith.constant 0 : i32
    %c0_i32_1 = arith.constant 0 : i32
    return %c0_i32, %arg0, %c0_i32_0 : i32, i32, i32
  }
  func.func @transform_2(%arg0: i32) -> (i32, i32) {
    %c0_i32 = arith.constant 0 : i32
    %c0_i32_0 = arith.constant 0 : i32
    return %arg0, %c0_i32 : i32, i32
  }
  func.func @transform_3(%arg0: i32) -> (i32, i32) {
    %c0_i32 = arith.constant 0 : i32
    %c0_i32_0 = arith.constant 0 : i32
    return %arg0, %c0_i32 : i32, i32
  }
}

</mosaic_0001>

<sc_bundles>
// kernel: kernel.6.cloned.1.call-start
scs
__scs_entry_jumppad:
0x0: {  	(pc) =	sbr.rel $0x88, $3  }
0x1: {  	(tag) =	ssettag $0x0;
	lr =	simm.s32 $0x1  }
0x2: {  	[smem:$0x3F9F] =	sst lr;
	_ =	strace $0xD0000000  }
0x3: {  	_ = 	snop  }
0x4: {  	_ = 	snop  }
0x5: {  	_ = 	snop  }
0x6: {  	_ = 	snop  }
0x7: {  	_ = 	snop  }
__scs_overlays_trampoline_lowered:
0x8: {  	[smem:$0x3FAE] =	sst s0  }
0x9: {  	[smem:$0x3FAF] =	sst s1  }
0xa: {  	[smem:$0x3FB0] =	sst s2  }
0xb: {  	[smem:$0x3FB1] =	sst s3  }
0xc: {  	[smem:$0x3FB2] =	sst s4  }
0xd: {  	[smem:$0x3FB3] =	sst s5  }
0xe: {  	[smem:$0x3FB4] =	sst s6  }
0xf: {  	[smem:$0x3FB5] =	sst s7  }
0x10: {  	[smem:$0x3FB6] =	sst s8  }
0x11: {  	[smem:$0x3FB7] =	sst s9;
	s0 =	simm.s32 @!p0 $0x0  }
0x12: {  	s1 =	sld [smem:$0x3F9D];
	s0 =	simm.s32 @p0 $0x1  }
0x13: {  	[smem:$0x3FB8] =	sst s0;
	s0 =	simm.s32 @!p1 $0x0  }
0x14: {  	s2 =	sld [smem:$0x3F9C];
	s0 =	simm.s32 @p1 $0x1  }
0x15: {  	[smem:$0x3FB9] =	sst s0;
	s0 =	simm.s32 @!p2 $0x0  }
0x16: {  	s3 =	sld [smem:$0x3FDB];
	s0 =	simm.s32 @p2 $0x1  }
0x17: {  	s4 =	simm.s32 $0x1BF5;
	[smem:$0x3FBB] =	sst s0  }
0x18: {  	s0 =	sld [smem:$0x3F9E];
	_ =	swait.ge [sflag:s4], $0x0  }
0x19: {  	s7 =	sld [smem:$0x3F9F]  }
0x1a: {  	s8 =	sadd.s32 $0xFFFFE003, lr  }
0x1b: {  	s9 =	sadd.s32 $0xFFFFFEF7, lr;
	s5 =	simm.s32 $0xFFFFFFFF;
	p2 =	slt.u32 s8, $0xFFFFF086  }
0x1c: {  	p1 =	slt.u32 s9, $0xF7A;
	s5 =	simm.s32 @!p2 $0x0  }
0x1d: {  	s5 =	simm.s32 @p1 $0x1;
	p0 =	seq.s32 s7, s2  }
0x1e: {  	s7 =	smul.u32 @!p0 $0xF7A, s2;
	p2 =	seq.s32 @!p0 s5, $0x0  }
0x1f: {  	s9 =	smul.u32 $0xF7A, s1;
	s8 =	simm.s32 @!p0 $0x1BF5;
	p2 =	por !p2, p0  }
0x20: {  	[sflag:s8] =	ssyncset.s32 @!p0 $0xFFFFF086;
	s6 =	sadd.s32 @!p0 s3, s7;
	s7 =	simm.s32 @!p0 $0x108  }
0x21: {  	s3 =	sadd.s32 s3, s9;
	s6 =	sadd.s32 @!p0 $0x88, s6;
	s7 =	simm.s32 @p2 $0x1082  }
0x22: {  	[simem:s7], [sflag:s8] =	dma.local @!p0 [hbm:s6], $0xF7A  }
0x23: {  	s9 =	sor.u32 $0xD0000000, s2;
	s6 =	simm.s32 $0x108;
	_ =	swait.ge @!p0 [sflag:s8], $0x0  }
0x24: {  	s3 =	sadd.s32 $0x88, s3;
	s6 =	simm.s32 @!p1 $0x1082;
	[sflag:s4] =	ssyncset.s32 $0xFFFFF086  }
0x25: {  	[simem:s6], [sflag:s4] =	dma.local [hbm:s3], $0xF7A  }
0x26: {  	[smem:$0x3F9F] =	sst s1;
	(tag) =	ssettag s2;
	_ =	strace s9  }
0x27: {  	s1 =	sld [smem:$0x3FAF]  }
0x28: {  	s2 =	sld [smem:$0x3FB0]  }
0x29: {  	s4 =	sld [smem:$0x3FB2]  }
0x2a: {  	p0 =	seq.s32 s5, $0x0;
	s5 =	sld [smem:$0x3FB3]  }
0x2b: {  	s6 =	sld [smem:$0x3FB4]  }
0x2c: {  	s7 =	sld [smem:$0x3FB5]  }
0x2d: {  	s3 =	simm.s32 $0x108;
	s8 =	sld [smem:$0x3FB6]  }
0x2e: {  	s3 =	simm.s32 @!p0 $0x1082;
	s9 =	sld [smem:$0x3FB7]  }
0x2f: {  	lr =	sadd.s32 s0, s3;
	s0 =	sld [smem:$0x3FAE]  }
0x30: {  	s3 =	sld [smem:$0x3FB1]  }
0x31: {  	[smem:$0x3FBA] =	sst s10  }
0x32: {  	s10 =	sld [smem:$0x3FB8];
	_ =	sdelay $0x3  }
0x33: {  	p0 =	seq.s32 s10, $0x1;
	s10 =	sld [smem:$0x3FBA];
	_ =	sdelay $0x3  }
0x34: {  	[smem:$0x3FBA] =	sst s10  }
0x35: {  	s10 =	sld [smem:$0x3FB9];
	_ =	sdelay $0x3  }
0x36: {  	p1 =	seq.s32 s10, $0x1;
	s10 =	sld [smem:$0x3FBA];
	_ =	sdelay $0x3  }
0x37: {  	[smem:$0x3FBA] =	sst s10  }
0x38: {  	s10 =	sld [smem:$0x3FBB]  }
0x39: {  	_ = 	snop;
	(pc) =	sbr.ind lr, $3  }
0x3a: {  	_ = 	snop  }
0x3b: {  	_ = 	snop  }
0x3c: {  	p2 =	seq.s32 s10, $0x1;
	s10 =	sld [smem:$0x3FBA]  }
0x3d: {  	_ =	shalt  }
0x3e: {  	_ =	shalt  }
0x3f: {  	_ =	shalt  }
0x40: {  	_ =	shalt  }
0x41: {  	_ =	shalt  }
0x42: {  	_ =	shalt  }
0x43: {  	_ =	shalt  }
0x44: {  	_ =	shalt  }
0x45: {  	_ =	shalt  }
0x46: {  	_ =	shalt  }
0x47: {  	_ =	shalt  }
0x48: {  	_ =	shalt  }
0x49: {  	_ =	shalt  }
0x4a: {  	_ =	shalt  }
0x4b: {  	_ =	shalt  }
0x4c: {  	_ =	shalt  }
0x4d: {  	_ =	shalt  }
0x4e: {  	_ =	shalt  }
0x4f: {  	_ =	shalt  }
0x50: {  	_ =	shalt  }
0x51: {  	_ =	shalt  }
0x52: {  	_ =	shalt  }
0x53: {  	_ =	shalt  }
0x54: {  	_ =	shalt  }
0x55: {  	_ =	shalt  }
0x56: {  	_ =	shalt  }
0x57: {  	_ =	shalt  }
0x58: {  	_ =	shalt  }
0x59: {  	_ =	shalt  }
0x5a: {  	_ =	shalt  }
0x5b: {  	_ =	shalt  }
0x5c: {  	_ =	shalt  }
0x5d: {  	_ =	shalt  }
0x5e: {  	_ =	shalt  }
0x5f: {  	_ =	shalt  }
0x60: {  	_ =	shalt  }
0x61: {  	_ =	shalt  }
0x62: {  	_ =	shalt  }
0x63: {  	_ =	shalt  }
0x64: {  	_ =	shalt  }
0x65: {  	_ =	shalt  }
0x66: {  	_ =	shalt  }
0x67: {  	_ =	shalt  }
0x68: {  	_ =	shalt  }
0x69: {  	_ =	shalt  }
0x6a: {  	_ =	shalt  }
0x6b: {  	_ =	shalt  }
0x6c: {  	_ =	shalt  }
0x6d: {  	_ =	shalt  }
0x6e: {  	_ =	shalt  }
0x6f: {  	_ =	shalt  }
0x70: {  	_ =	shalt  }
0x71: {  	_ =	shalt  }
0x72: {  	_ =	shalt  }
0x73: {  	_ =	shalt  }
0x74: {  	_ =	shalt  }
0x75: {  	_ =	shalt  }
0x76: {  	_ =	shalt  }
0x77: {  	_ =	shalt  }
0x78: {  	_ =	shalt  }
0x79: {  	_ =	shalt  }
0x7a: {  	_ =	shalt  }
0x7b: {  	_ =	shalt  }
0x7c: {  	_ =	shalt  }
0x7d: {  	_ =	shalt  }
0x7e: {  	_ =	shalt  }
0x7f: {  	_ =	shalt  }
0x80: {  	_ =	shalt  }
0x81: {  	_ =	shalt  }
0x82: {  	_ =	shalt  }
0x83: {  	_ =	shalt  }
0x84: {  	_ =	shalt  }
0x85: {  	_ =	shalt  }
0x86: {  	_ =	shalt  }
0x87: {  	_ =	shalt  }
.Lfunc_end0:
.L_simem_size_0:
called_computation_lowered:
.L_overlay_start_0:
0x88: {  	s2 =	sld [smem:$0x3FD9]  }
0x89: {  	s3 =	sld [smem:$0x3FFE];
	_ =	sdelay $0x1  }
0x8a: {  	s1 =	srdreg.scid  }
0x8b: {  	s0 =	sand.u32 $0x1, s1  }
0x8c: {  	s17 =	sshll.u32 s0, $0xA;
	s2 =	sadd.s32 s3, s2  }
0x8d: {  	s2 =	sadd.s32 s2, s17  }
0x8e: {  	[smem:$0x3FC6] =	sst s2  }
0x8f: {  	_ = 	snop  }
0x90: {  	s2 =	sld [smem:$0x3FD0];
	(tm) =	ssettm $0x1  }
0x91: {  	s18 =	sld [smem:$0x3FFB];
	_ =	sdelay $0x3  }
0x92: {  	_ =	strace s18  }
0x93: {  	s3 =	sld [smem:$0x3FFC];
	_ =	sdelay $0x3  }
0x94: {  	_ =	strace s3  }
0x95: {  	s3 =	sld [smem:$0x3FFD];
	_ =	sdelay $0x3  }
0x96: {  	_ =	strace s3  }
0x97: {  	_ =	strace $0x8FFFFFFF  }
0x98: {  	s19 =	sld [smem:$0x3FDB];
	_ =	sdelay $0x1  }
0x99: {  	s4 =	simm.s32 $_scs_section_size  }
0x9a: {  	s5 =	simm.s32 $_size__tile_overlayer_lowered;
	s6 =	simm.s32 $_tile_overlayer_lowered  }
0x9b: {  	s22 =	simm.s32 $0x1BFF;
	s21 =	sshll.u32 s6, $0x1;
	s3 =	sadd.s32 s4, s19  }
0x9c: {  	s7 =	simm.s32 $0x0;
	s20 =	sshll.u32 s5, $0x1;
	s5 =	sadd.s32 s21, s3  }
0x9d: {  	[timem:s7], [sflag:s22] =	dma.local [hbm:s5], s20  }
0x9e: {  	_ =	swait.ge [sflag:s22], s20  }
0x9f: {  	s4 =	ssub.s32 $0x0, s20;
	[sflag:s22] =	ssyncset.done $0x0  }
0xa0: {  	[sflag:s22] =	ssyncadd.s32 s4;
	_ =	sdelay $0x1  }
0xa1: {  	s23 =	simm.s32 $0x1B8B  }
0xa2: {  	_ =	swait.ge [sflag:s23], $0x1  }
0xa3: {  	[sflag:s23] =	ssyncset.done $0x0  }
0xa4: {  	s25 =	simm.s32 $0x1B8E;
	s24 =	sld [smem:$0x3FFE];
	[sflag:s23] =	ssyncadd.s32 $0xFFFFFFFF  }
0xa5: {  	s26 =	simm.s32 $execute0_lowered;
	[smem:$0x3FD2] =	sst s25  }
0xa6: {  	s5 =	sshll.u32 s26, $0x1;
	_ =	strace $0x80000046;
	[dreg:$0x1] =	wrdreg $0xFFFFFFFF  }
0xa7: {  	s28 =	simm.s32 $_size_execute0_lowered;
	s3 =	sadd.s32 s3, s5;
	[dreg:$0x0] =	wrdreg $0x0  }
0xa8: {  	s5 =	sshll.u32 s28, $0x1;
	[dreg:$0x2] =	wrdreg s3  }
0xa9: {  	[dreg:$0x3] =	wrdreg s5  }
0xaa: {  	[dreg:$0x4] =	wrdreg $0xC0  }
0xab: {  	_ =	task [dreg:s7], $0x5FFFF  }
0xac: {  	[dreg:$0x1] =	wrdreg $0xFFFFFFFF  }
0xad: {  	[dreg:$0x0] =	wrdreg $0x60  }
0xae: {  	[dreg:$0x2] =	wrdreg s2  }
0xaf: {  	[dreg:$0x3] =	wrdreg s24  }
0xb0: {  	[dreg:$0x4] =	wrdreg $0x0  }
0xb1: {  	[dreg:$0x5] =	wrdreg $0x9  }
0xb2: {  	_ =	task.clear_ibuf [dreg:s7], $0x6FFFF;
	_ =	strace $0x90000046  }
0xb3: {  	s29 =	simm.s32 $0x9;
	_ =	strace $0x80000048  }
0xb4: {  	_ =	swait.ge [sflag:s29], $0x1  }
0xb5: {  	[sflag:s29] =	ssyncadd.s32 $0xFFFFFFFF  }
0xb6: {  	_ =	strace $0x90000048  }
0xb7: {  	_ =	sfence  }
0xb8: {  	s30 =	sld [smem:$0x0];
	_ =	sdelay $0x2  }
0xb9: {  	s31 =	sshll.u32 s1, $0xD;
	s1 =	sshrl.u32 s1, $0x2  }
0xba: {  	s3 =	sand.u32 $0x4000, s31;
	s1 =	sadd.s32 s1, s30  }
0xbb: {  	s0 =	sor.u32 s3, s0;
	s1 =	sshll.u32 s1, $0x11  }
0xbc: {  	s0 =	sor.u32 s1, s0  }
0xbd: {  	s0 =	sadd.s32 $0x8F2B, s0  }
0xbe: {  	[sflag:s0] =	ssyncadd.remote.s32 $0x1  }
0xbf: {  	_ =	sfence.sel $0xFFFF  }
0xc0: {  	[dreg:$0x0] =	wrdreg $0xFFFFFFFF;
	(pc) =	sbr.abs _section_cstart, $3  }
0xc1: {  	[dreg:$0x1] =	wrdreg $0xFFFFFFFF  }
0xc2: {  	_ =	task.clear_ibuf [dreg:s7], $0x2FFFF;
	_ =	strace $0x9FFFFFFF  }
0xc3: {  	(tm) =	ssettm $0x7FFFFFFF  }
tec
execute0_lowered:
.L_overlay_start_1:
0x0: {  	(tag) =	ssettag $0x1  }
0x1: {  	s5 =	rddreg [dreg:$0x0]  }
0x2: {  	s4 =	rddreg [dreg:$0x1]  }
0x3: {  	s2 =	rddreg [dreg:$0x2]  }
0x4: {  	s0 =	rddreg [dreg:$0x3];
	s6 =	srdreg.scid  }
0x5: {  	s1 =	stileid.u32;
	s3 =	simm.s32 $0x0;
	s11 =	simm.s32 $0x40  }
0x6: {  	s12 =	simm.s32 $0x5280;
	s15 =	simm.s32 $0x20;
	s16 =	simm.s32 $0x10  }
0x7: {  	s17 =	simm.s32 $0x0;
	s6 =	sand.u32 $0x1, s6;
	s7 =	smul.u32 $0x500, s1  }
0x8: {  	[smem:$0x7FF] =	sst s3;
	s29 =	sshll.u32 s1, $0x1;
	s30 =	smul.u32 $0xA00, s1  }
0x9: {  	s13 =	sshll.u32 s1, $0x6;
	s8 =	sshll.u32 s6, $0x7;
	_ =	strace $0x80000047  }
0xa: {  	s9 =	ssub.s32 $0x2, s6;
	s6 =	sor.u32 s6, s29;
	s13 =	sor.u32 $0x1C01, s13  }
0xb: {  	s7 =	sor.u32 s8, s7;
	s10 =	sshrl.u32 s9, $0x1;
	s6 =	smul.u32 $0xA00, s6  }
0xc: {  	s31 =	sshrl.u32 s30, $0x2;
	s8 =	simm.s32 $0x5300;
	s7 =	sshrl.u32 s7, $0x3  }
0xd: {  	s9 =	ssub.s32 s9, s10;
	s10 =	simm.s32 $0x280;
	s7 =	sadd.s32 s7, s4  }
0xe: {  	s4 =	sadd.s32 s31, s2;
	s5 =	sadd.s32 s5, s6;
	s6 =	sadd.s32 $0xC00, s7  }
0xf: {  	v0 =	vimm.f32 $1.000000000e+00;
	v1 =	vimm.f32 $0.0e+00;
	s7 =	smax.u32 s9, $0x1;
	s9 =	simm.s32 $0x1;
	s14 =	sshrl.u32 s4, $0x3  }
.LBB2_1:
0x10: {  	[tilespmem:$0x5280] =	vst v0  }
0x11: {  	[tilespmem:$0x5290] =	vst v0  }
0x12: {  	[tilespmem:$0x52A0] =	vst v0  }
0x13: {  	[tilespmem:$0x52B0] =	vst v0  }
0x14: {  	[tilespmem:$0x5300] =	vst v1  }
0x15: {  	[tilespmem:$0x5310] =	vst v1  }
0x16: {  	[tilespmem:$0x5320] =	vst v1  }
0x17: {  	[tilespmem:$0x5330] =	vst v1  }
0x18: {  	[tilespmem:$0x5340] =	vst v1  }
0x19: {  	[tilespmem:$0x5350] =	vst v1  }
0x1a: {  	[tilespmem:$0x5360] =	vst v1  }
0x1b: {  	[tilespmem:$0x5370] =	vst v1  }
0x1c: {  	[tilespmem:$0x5380] =	vst v1  }
0x1d: {  	[tilespmem:$0x5390] =	vst v1  }
0x1e: {  	[tilespmem:$0x53A0] =	vst v1  }
0x1f: {  	[tilespmem:$0x53B0] =	vst v1  }
0x20: {  	[tilespmem:$0x53C0] =	vst v1  }
0x21: {  	[tilespmem:$0x53D0] =	vst v1  }
0x22: {  	[tilespmem:$0x53E0] =	vst v1  }
0x23: {  	[tilespmem:$0x53F0] =	vst v1  }
0x24: {  	[tilespmem:$0x5400] =	vst v1  }
0x25: {  	[tilespmem:$0x5410] =	vst v1  }
0x26: {  	[tilespmem:$0x5420] =	vst v1  }
0x27: {  	[tilespmem:$0x5430] =	vst v1  }
0x28: {  	[tilespmem:$0x5440] =	vst v1  }
0x29: {  	[tilespmem:$0x5450] =	vst v1  }
0x2a: {  	[tilespmem:$0x5460] =	vst v1  }
0x2b: {  	[tilespmem:$0x5470] =	vst v1  }
0x2c: {  	[tilespmem:$0x5480] =	vst v1  }
0x2d: {  	[tilespmem:$0x5490] =	vst v1  }
0x2e: {  	[tilespmem:$0x54A0] =	vst v1  }
0x2f: {  	[tilespmem:$0x54B0] =	vst v1  }
0x30: {  	[tilespmem:$0x54C0] =	vst v1  }
0x31: {  	[tilespmem:$0x54D0] =	vst v1  }
0x32: {  	[tilespmem:$0x54E0] =	vst v1  }
0x33: {  	[tilespmem:$0x54F0] =	vst v1  }
0x34: {  	[tilespmem:$0x5500] =	vst v1  }
0x35: {  	[tilespmem:$0x5510] =	vst v1  }
0x36: {  	[tilespmem:$0x5520] =	vst v1  }
0x37: {  	[tilespmem:$0x5530] =	vst v1  }
0x38: {  	[tilespmem:$0x5540] =	vst v1  }
0x39: {  	[tilespmem:$0x5550] =	vst v1  }
0x3a: {  	[tilespmem:$0x5560] =	vst v1  }
0x3b: {  	[tilespmem:$0x5570] =	vst v1  }
0x3c: {  	[spmem:s4] =	stream.linear.scatter [tilespmem:s8], [sflag:$0x1], $0x280, $0x38;
	[tilespmem:$0x5580] =	vst v63  }
0x3d: {  	_ =	swait.ge [sflag:s9], $0x280  }
0x3e: {  	[sflag:s9] =	ssyncset.done $0x0  }
0x3f: {  	[sflag:s9] =	ssyncadd.s32 $0xFFFFFD80  }
0x40: {  	[bflag:$0x0] =	sbarrier.arrive $0xFFFF  }
0x41: {  	[tilespmem:s10], [sflag:$0x1] =	stream.linear.gather [hbm4b:s5+s3], $0x5000, $0x38;
	[tilespmem:$0x5580] =	vst v63  }
0x42: {  	_ =	swait.ge [sflag:s9], $0x5000  }
0x43: {  	[sflag:s9] =	ssyncset.done $0x0  }
0x44: {  	s18 =	simm.s32 $0x280;
	[sflag:s9] =	ssyncadd.s32 $0xFFFFB000  }
0x45: {  	[spmem:s2] =	stream.indirect.scatter.add.f32 [tilespmem:s12], [sflag:$0x1], $0x1, s18, s11, $0xb8;
	[tilespmem:$0x5580] =	vst v63  }
0x46: {  	s18 =	simm.s32 $0x200;
	_ =	swait.ge [sflag:s9], $0x40  }
.LBB2_2:
0x47: {  	s19 =	sshra.s32 s18, $0x2;
	[sflag:s9] =	ssyncset.done $0x0;
	p0 =	sne.s32 s18, $0x13E00  }
.Ltmp0:
0x48: {  	s19 =	sadd.s32 $0x280, s19;
	[sflag:s9] =	ssyncadd.s32 $0xFFFFFFC0;
	(pc) =	sbr.rel @p0 .LBB2_2-.Ltmp0, $3  }
0x49: {  	[spmem:s2] =	stream.indirect.scatter.add.f32 [tilespmem:s12], [sflag:$0x1], $0x1, s19, s11, $0xb8;
	[tilespmem:$0x5580] =	vst v63  }
0x4a: {  	s18 =	sadd.s32 $0x200, s18;
	_ =	sdelay $0x1  }
0x4b: {  	_ =	swait.ge [sflag:s9], $0x40  }
0x4c: {  	[sflag:s9] =	ssyncset.done $0x0;
	s17 =	sadd.s32 $0x1, s17  }
0x4d: {  	[sflag:s9] =	ssyncadd.s32 $0xFFFFFFC0;
	p0 =	sne.s32 s17, s7  }
.Ltmp1:
0x4e: {  	[bflag:$0x0] =	sbarrier.arrive $0xFFFF;
	(pc) =	sbr.rel @p0 .LBB2_1-.Ltmp1, $4  }
0x4f: {  	[hbm:s6@s15], [sflag:s13] =	dma.strided [spmem:s14@s16], $0x50, s9, $0x10   }
0x50: {  	_ =	swait.ge [sflag:s9], $0x50  }
0x51: {  	[sflag:s9] =	ssyncset.done $0x0  }
0x52: {  	[sflag:s9] =	ssyncadd.s32 $0xFFFFFFB0  }
0x53: {  	_ =	sfence.sel $0x180000  }
0x54: {  	[bflag:$0x0] =	sbarrier.arrive $0xFFFF  }
0x55: {  	p0 =	sne.s32 s1, $0x0;
	_ =	strace $0x90000047  }
0x56: {  	s0 =	sadd.s32 @!p0 $0x100000, s0;
	[bflag:$0x2] =	sbarrier.arrive $0xFFFF  }
0x57: {  	[sflag:s0] =	ssyncadd.tile.s32 @!p0 $0x1;
	_ =	shalt  }
.Lfunc_end2:
_tile_overlayer_lowered:
.L_overlay_start_2:
0x58: {  	(tag) =	ssettag $0x2  }
0x59: {  	s0 =	rddreg [dreg:$0x0];
	s2 =	stileid.u32  }
0x5a: {  	s1 =	rddreg [dreg:$0x1];
	p0 =	sne.s32 s2, $0x0  }
0x5b: {  	s3 =	rddreg [dreg:$0x2];
	[bflag:$0x3] =	sbarrier.arrive $0xFFFF;
	s2 =	simm.s32 @!p0 $0x1C01  }
0x5c: {  	[timem:s3], [sflag:s2] =	dma.local @!p0 [hbm:s0], s1  }
0x5d: {  	s0 =	simm.s32 @!p0 $0x1  }
0x5e: {  	_ =	swait.ge @!p0 [sflag:s0], s1  }
0x5f: {  	s1 =	ssub.s32 @!p0 $0x0, s1;
	[sflag:s0] =	ssyncset.done @!p0 $0x0  }
0x60: {  	[sflag:s0] =	ssyncadd.s32 @!p0 s1  }
0x61: {  	[bflag:$0x3] =	sbarrier.arrive $0xFFFF  }
0x62: {  	_ =	shalt  }

// kernel: kernel.9.cloned.1.call-start
scs
__scs_entry_jumppad:
0x0: {  	(pc) =	sbr.rel $0x88, $3  }
0x1: {  	(tag) =	ssettag $0x0;
	lr =	simm.s32 $0x1  }
0x2: {  	[smem:$0x3F9F] =	sst lr;
	_ =	strace $0xD0000000  }
0x3: {  	_ = 	snop  }
0x4: {  	_ = 	snop  }
0x5: {  	_ = 	snop  }
0x6: {  	_ = 	snop  }
0x7: {  	_ = 	snop  }
__scs_overlays_trampoline_lowered:
0x8: {  	[smem:$0x3FAE] =	sst s0  }
0x9: {  	[smem:$0x3FAF] =	sst s1  }
0xa: {  	[smem:$0x3FB0] =	sst s2  }
0xb: {  	[smem:$0x3FB1] =	sst s3  }
0xc: {  	[smem:$0x3FB2] =	sst s4  }
0xd: {  	[smem:$0x3FB3] =	sst s5  }
0xe: {  	[smem:$0x3FB4] =	sst s6  }
0xf: {  	[smem:$0x3FB5] =	sst s7  }
0x10: {  	[smem:$0x3FB6] =	sst s8  }
0x11: {  	[smem:$0x3FB7] =	sst s9;
	s0 =	simm.s32 @!p0 $0x0  }
0x12: {  	s1 =	sld [smem:$0x3F9D];
	s0 =	simm.s32 @p0 $0x1  }
0x13: {  	[smem:$0x3FB8] =	sst s0;
	s0 =	simm.s32 @!p1 $0x0  }
0x14: {  	s2 =	sld [smem:$0x3F9C];
	s0 =	simm.s32 @p1 $0x1  }
0x15: {  	[smem:$0x3FB9] =	sst s0;
	s0 =	simm.s32 @!p2 $0x0  }
0x16: {  	s3 =	sld [smem:$0x3FDB];
	s0 =	simm.s32 @p2 $0x1  }
0x17: {  	s4 =	simm.s32 $0x1BF5;
	[smem:$0x3FBB] =	sst s0  }
0x18: {  	s0 =	sld [smem:$0x3F9E];
	_ =	swait.ge [sflag:s4], $0x0  }
0x19: {  	s7 =	sld [smem:$0x3F9F]  }
0x1a: {  	s8 =	sadd.s32 $0xFFFFE003, lr  }
0x1b: {  	s9 =	sadd.s32 $0xFFFFFEF7, lr;
	s5 =	simm.s32 $0xFFFFFFFF;
	p2 =	slt.u32 s8, $0xFFFFF086  }
0x1c: {  	p1 =	slt.u32 s9, $0xF7A;
	s5 =	simm.s32 @!p2 $0x0  }
0x1d: {  	s5 =	simm.s32 @p1 $0x1;
	p0 =	seq.s32 s7, s2  }
0x1e: {  	s7 =	smul.u32 @!p0 $0xF7A, s2;
	p2 =	seq.s32 @!p0 s5, $0x0  }
0x1f: {  	s9 =	smul.u32 $0xF7A, s1;
	s8 =	simm.s32 @!p0 $0x1BF5;
	p2 =	por !p2, p0  }
0x20: {  	[sflag:s8] =	ssyncset.s32 @!p0 $0xFFFFF086;
	s6 =	sadd.s32 @!p0 s3, s7;
	s7 =	simm.s32 @!p0 $0x108  }
0x21: {  	s3 =	sadd.s32 s3, s9;
	s6 =	sadd.s32 @!p0 $0x88, s6;
	s7 =	simm.s32 @p2 $0x1082  }
0x22: {  	[simem:s7], [sflag:s8] =	dma.local @!p0 [hbm:s6], $0xF7A  }
0x23: {  	s9 =	sor.u32 $0xD0000000, s2;
	s6 =	simm.s32 $0x108;
	_ =	swait.ge @!p0 [sflag:s8], $0x0  }
0x24: {  	s3 =	sadd.s32 $0x88, s3;
	s6 =	simm.s32 @!p1 $0x1082;
	[sflag:s4] =	ssyncset.s32 $0xFFFFF086  }
0x25: {  	[simem:s6], [sflag:s4] =	dma.local [hbm:s3], $0xF7A  }
0x26: {  	[smem:$0x3F9F] =	sst s1;
	(tag) =	ssettag s2;
	_ =	strace s9  }
0x27: {  	s1 =	sld [smem:$0x3FAF]  }
0x28: {  	s2 =	sld [smem:$0x3FB0]  }
0x29: {  	s4 =	sld [smem:$0x3FB2]  }
0x2a: {  	p0 =	seq.s32 s5, $0x0;
	s5 =	sld [smem:$0x3FB3]  }
0x2b: {  	s6 =	sld [smem:$0x3FB4]  }
0x2c: {  	s7 =	sld [smem:$0x3FB5]  }
0x2d: {  	s3 =	simm.s32 $0x108;
	s8 =	sld [smem:$0x3FB6]  }
0x2e: {  	s3 =	simm.s32 @!p0 $0x1082;
	s9 =	sld [smem:$0x3FB7]  }
0x2f: {  	lr =	sadd.s32 s0, s3;
	s0 =	sld [smem:$0x3FAE]  }
0x30: {  	s3 =	sld [smem:$0x3FB1]  }
0x31: {  	[smem:$0x3FBA] =	sst s10  }
0x32: {  	s10 =	sld [smem:$0x3FB8];
	_ =	sdelay $0x3  }
0x33: {  	p0 =	seq.s32 s10, $0x1;
	s10 =	sld [smem:$0x3FBA];
	_ =	sdelay $0x3  }
0x34: {  	[smem:$0x3FBA] =	sst s10  }
0x35: {  	s10 =	sld [smem:$0x3FB9];
	_ =	sdelay $0x3  }
0x36: {  	p1 =	seq.s32 s10, $0x1;
	s10 =	sld [smem:$0x3FBA];
	_ =	sdelay $0x3  }
0x37: {  	[smem:$0x3FBA] =	sst s10  }
0x38: {  	s10 =	sld [smem:$0x3FBB]  }
0x39: {  	_ = 	snop;
	(pc) =	sbr.ind lr, $3  }
0x3a: {  	_ = 	snop  }
0x3b: {  	_ = 	snop  }
0x3c: {  	p2 =	seq.s32 s10, $0x1;
	s10 =	sld [smem:$0x3FBA]  }
0x3d: {  	_ =	shalt  }
0x3e: {  	_ =	shalt  }
0x3f: {  	_ =	shalt  }
0x40: {  	_ =	shalt  }
0x41: {  	_ =	shalt  }
0x42: {  	_ =	shalt  }
0x43: {  	_ =	shalt  }
0x44: {  	_ =	shalt  }
0x45: {  	_ =	shalt  }
0x46: {  	_ =	shalt  }
0x47: {  	_ =	shalt  }
0x48: {  	_ =	shalt  }
0x49: {  	_ =	shalt  }
0x4a: {  	_ =	shalt  }
0x4b: {  	_ =	shalt  }
0x4c: {  	_ =	shalt  }
0x4d: {  	_ =	shalt  }
0x4e: {  	_ =	shalt  }
0x4f: {  	_ =	shalt  }
0x50: {  	_ =	shalt  }
0x51: {  	_ =	shalt  }
0x52: {  	_ =	shalt  }
0x53: {  	_ =	shalt  }
0x54: {  	_ =	shalt  }
0x55: {  	_ =	shalt  }
0x56: {  	_ =	shalt  }
0x57: {  	_ =	shalt  }
0x58: {  	_ =	shalt  }
0x59: {  	_ =	shalt  }
0x5a: {  	_ =	shalt  }
0x5b: {  	_ =	shalt  }
0x5c: {  	_ =	shalt  }
0x5d: {  	_ =	shalt  }
0x5e: {  	_ =	shalt  }
0x5f: {  	_ =	shalt  }
0x60: {  	_ =	shalt  }
0x61: {  	_ =	shalt  }
0x62: {  	_ =	shalt  }
0x63: {  	_ =	shalt  }
0x64: {  	_ =	shalt  }
0x65: {  	_ =	shalt  }
0x66: {  	_ =	shalt  }
0x67: {  	_ =	shalt  }
0x68: {  	_ =	shalt  }
0x69: {  	_ =	shalt  }
0x6a: {  	_ =	shalt  }
0x6b: {  	_ =	shalt  }
0x6c: {  	_ =	shalt  }
0x6d: {  	_ =	shalt  }
0x6e: {  	_ =	shalt  }
0x6f: {  	_ =	shalt  }
0x70: {  	_ =	shalt  }
0x71: {  	_ =	shalt  }
0x72: {  	_ =	shalt  }
0x73: {  	_ =	shalt  }
0x74: {  	_ =	shalt  }
0x75: {  	_ =	shalt  }
0x76: {  	_ =	shalt  }
0x77: {  	_ =	shalt  }
0x78: {  	_ =	shalt  }
0x79: {  	_ =	shalt  }
0x7a: {  	_ =	shalt  }
0x7b: {  	_ =	shalt  }
0x7c: {  	_ =	shalt  }
0x7d: {  	_ =	shalt  }
0x7e: {  	_ =	shalt  }
0x7f: {  	_ =	shalt  }
0x80: {  	_ =	shalt  }
0x81: {  	_ =	shalt  }
0x82: {  	_ =	shalt  }
0x83: {  	_ =	shalt  }
0x84: {  	_ =	shalt  }
0x85: {  	_ =	shalt  }
0x86: {  	_ =	shalt  }
0x87: {  	_ =	shalt  }
.Lfunc_end0:
.L_simem_size_0:
called_computation.1_lowered:
.L_overlay_start_0:
0x88: {  	s2 =	sld [smem:$0x3FD9]  }
0x89: {  	s3 =	sld [smem:$0x3FFE];
	_ =	sdelay $0x1  }
0x8a: {  	s1 =	srdreg.scid  }
0x8b: {  	s0 =	sand.u32 $0x1, s1  }
0x8c: {  	s17 =	sshll.u32 s0, $0xA;
	s2 =	sadd.s32 s3, s2  }
0x8d: {  	s2 =	sadd.s32 s2, s17  }
0x8e: {  	[smem:$0x3FC6] =	sst s2  }
0x8f: {  	_ = 	snop  }
0x90: {  	s2 =	sld [smem:$0x3FD0];
	(tm) =	ssettm $0x1  }
0x91: {  	s18 =	sld [smem:$0x3FFB];
	_ =	sdelay $0x3  }
0x92: {  	_ =	strace s18  }
0x93: {  	s3 =	sld [smem:$0x3FFC];
	_ =	sdelay $0x3  }
0x94: {  	_ =	strace s3  }
0x95: {  	s3 =	sld [smem:$0x3FFD];
	_ =	sdelay $0x3  }
0x96: {  	_ =	strace s3  }
0x97: {  	_ =	strace $0x8FFFFFFF  }
0x98: {  	s19 =	sld [smem:$0x3FDB];
	_ =	sdelay $0x1  }
0x99: {  	s4 =	simm.s32 $_scs_section_size  }
0x9a: {  	s5 =	simm.s32 $_size__tile_overlayer_lowered;
	s6 =	simm.s32 $_tile_overlayer_lowered  }
0x9b: {  	s22 =	simm.s32 $0x1BFF;
	s21 =	sshll.u32 s6, $0x1;
	s3 =	sadd.s32 s4, s19  }
0x9c: {  	s7 =	simm.s32 $0x0;
	s20 =	sshll.u32 s5, $0x1;
	s5 =	sadd.s32 s21, s3  }
0x9d: {  	[timem:s7], [sflag:s22] =	dma.local [hbm:s5], s20  }
0x9e: {  	_ =	swait.ge [sflag:s22], s20  }
0x9f: {  	s4 =	ssub.s32 $0x0, s20;
	[sflag:s22] =	ssyncset.done $0x0  }
0xa0: {  	[sflag:s22] =	ssyncadd.s32 s4;
	_ =	sdelay $0x1  }
0xa1: {  	s23 =	simm.s32 $0x1B8B  }
0xa2: {  	_ =	swait.ge [sflag:s23], $0x1  }
0xa3: {  	[sflag:s23] =	ssyncset.done $0x0  }
0xa4: {  	s25 =	simm.s32 $0x1B8E;
	s24 =	sld [smem:$0x3FFE];
	[sflag:s23] =	ssyncadd.s32 $0xFFFFFFFF  }
0xa5: {  	s26 =	simm.s32 $execute0_lowered;
	[smem:$0x3FD2] =	sst s25  }
0xa6: {  	s5 =	sshll.u32 s26, $0x1;
	_ =	strace $0x80000049;
	[dreg:$0x1] =	wrdreg $0xFFFFFFFF  }
0xa7: {  	s28 =	simm.s32 $_size_execute0_lowered;
	s3 =	sadd.s32 s3, s5;
	[dreg:$0x0] =	wrdreg $0x0  }
0xa8: {  	s5 =	sshll.u32 s28, $0x1;
	[dreg:$0x2] =	wrdreg s3  }
0xa9: {  	[dreg:$0x3] =	wrdreg s5  }
0xaa: {  	[dreg:$0x4] =	wrdreg $0xC0  }
0xab: {  	_ =	task [dreg:s7], $0x5FFFF  }
0xac: {  	[dreg:$0x1] =	wrdreg $0xFFFFFFFF  }
0xad: {  	[dreg:$0x0] =	wrdreg $0x60  }
0xae: {  	[dreg:$0x2] =	wrdreg s24  }
0xaf: {  	[dreg:$0x3] =	wrdreg s2  }
0xb0: {  	[dreg:$0x4] =	wrdreg $0x0  }
0xb1: {  	[dreg:$0x5] =	wrdreg $0x9  }
0xb2: {  	_ =	task.clear_ibuf [dreg:s7], $0x6FFFF;
	_ =	strace $0x90000049  }
0xb3: {  	s29 =	simm.s32 $0x9;
	_ =	strace $0x8000004B  }
0xb4: {  	_ =	swait.ge [sflag:s29], $0x1  }
0xb5: {  	[sflag:s29] =	ssyncadd.s32 $0xFFFFFFFF  }
0xb6: {  	_ =	strace $0x9000004B  }
0xb7: {  	_ =	sfence  }
0xb8: {  	s30 =	sld [smem:$0x0];
	_ =	sdelay $0x2  }
0xb9: {  	s31 =	sshll.u32 s1, $0xD;
	s1 =	sshrl.u32 s1, $0x2  }
0xba: {  	s3 =	sand.u32 $0x4000, s31;
	s1 =	sadd.s32 s1, s30  }
0xbb: {  	s0 =	sor.u32 s3, s0;
	s1 =	sshll.u32 s1, $0x11  }
0xbc: {  	s0 =	sor.u32 s1, s0  }
0xbd: {  	s0 =	sadd.s32 $0x8F2B, s0  }
0xbe: {  	[sflag:s0] =	ssyncadd.remote.s32 $0x1  }
0xbf: {  	_ =	sfence.sel $0xFFFF  }
0xc0: {  	[dreg:$0x0] =	wrdreg $0xFFFFFFFF;
	(pc) =	sbr.abs _section_cstart, $3  }
0xc1: {  	[dreg:$0x1] =	wrdreg $0xFFFFFFFF  }
0xc2: {  	_ =	task.clear_ibuf [dreg:s7], $0x2FFFF;
	_ =	strace $0x9FFFFFFF  }
0xc3: {  	(tm) =	ssettm $0x7FFFFFFF  }
tec
execute0_lowered:
.L_overlay_start_1:
0x0: {  	(tag) =	ssettag $0x1  }
0x1: {  	s0 =	rddreg [dreg:$0x0]  }
0x2: {  	s1 =	rddreg [dreg:$0x1]  }
0x3: {  	s3 =	srdreg.scid;
	s11 =	stileid.u32  }
0x4: {  	s2 =	rddreg [dreg:$0x2];
	s4 =	simm.s32 $0x0;
	s6 =	smul.u32 $0x14000, s11  }
0x5: {  	s28 =	simm.s32 $0x14000;
	s30 =	simm.s32 $0x40;
	s7 =	smul.u32 $0x50000, s11  }
0x6: {  	s31 =	simm.s32 $0x14080;
	s3 =	sand.u32 $0x1, s3;
	s15 =	smul.u32 $0xA000, s11  }
0x7: {  	[smem:$0x7FF] =	sst s4;
	s4 =	sadd.s32 $0x15600, s0;
	s18 =	smul.u32 $0x1400, s11  }
0x8: {  	s8 =	sadd.s32 $0x1600, s0;
	s5 =	smul.u32 $0x140000, s3;
	_ =	strace $0x8000004A  }
0x9: {  	s29 =	ssub.s32 $0x2, s3;
	p0 =	seq.s32 s3, $0x1;
	s7 =	sshrl.u32 s7, $0x2  }
0xa: {  	s10 =	sshrl.u32 s29, $0x1;
	s20 =	sshrl.u32 s15, $0x3;
	s21 =	sadd.s32 s8, s18  }
0xb: {  	s22 =	sadd.s32 s1, s18;
	s5 =	sadd.s32 s6, s5;
	[dreg:$0xd] =	wrdreg s21  }
0xc: {  	s6 =	ssub.s32 s29, s10;
	[dreg:$0xe] =	wrdreg s22;
	s23 =	sadd.s32 $0x500, s20  }
0xd: {  	s25 =	sadd.s32 $0xA00, s20;
	s3 =	sadd.s32 $0xF00, s20;
	s24 =	sadd.s32 s8, s23  }
0xe: {  	s9 =	sshrl.u32 s5, $0x3;
	s26 =	sadd.s32 s8, s25;
	[dreg:$0xf] =	wrdreg s24  }
0xf: {  	s5 =	sadd.s32 s7, s2;
	s29 =	sadd.s32 s8, s3;
	[dreg:$0x11] =	wrdreg s26  }
0x10: {  	s11 =	simm.s32 $0x0;
	s7 =	sadd.s32 $0x2000, s5;
	[dreg:$0x13] =	wrdreg s29  }
0x11: {  	s0 =	sadd.s32 s9, s0;
	s9 =	sadd.s32 $0x4000, s5;
	[dreg:$0x4] =	wrdreg s7  }
0x12: {  	s15 =	simm.s32 $0x14100;
	s10 =	sadd.s32 $0x6000, s5;
	[dreg:$0x5] =	wrdreg s9  }
0x13: {  	s18 =	simm.s32 $0x4;
	s12 =	sadd.s32 $0x8000, s5;
	[dreg:$0x6] =	wrdreg s10  }
0x14: {  	s20 =	simm.s32 $0x5;
	s13 =	sadd.s32 $0xA000, s5;
	[dreg:$0x7] =	wrdreg s12  }
0x15: {  	s21 =	simm.s32 $0x3;
	s14 =	sadd.s32 $0xC000, s5;
	[dreg:$0x8] =	wrdreg s13  }
0x16: {  	s22 =	simm.s32 $0x6;
	s16 =	sadd.s32 $0xE000, s5;
	[dreg:$0x9] =	wrdreg s14  }
0x17: {  	s8 =	simm.s32 $0x18E80;
	s17 =	sadd.s32 $0x10000, s5;
	[dreg:$0xa] =	wrdreg s16  }
0x18: {  	s19 =	sadd.s32 $0x12000, s5;
	s24 =	smax.u32 s6, $0x1;
	[dreg:$0xb] =	wrdreg s17  }
0x19: {  	s26 =	simm.s32 $0x7;
	s6 =	simm.s32 $0x18E00;
	[dreg:$0xc] =	wrdreg s19  }
0x1a: {  	s7 =	sadd.s32 s1, s23;
	s23 =	sadd.s32 $0x3D600, s0;
	s0 =	simm.s32 $0x1B000  }
.Ltmp0:
0x1b: {  	s16 =	simm.s32 $0x1D000;
	s17 =	simm.s32 $0x1;
	(pc) =	sbr.rel .LBB2_1-.Ltmp0, $4  }
0x1c: {  	s19 =	simm.s32 $0x2;
	s9 =	simm.s32 $0x18F00;
	s10 =	simm.s32 $0x18F80  }
0x1d: {  	[dreg:$0x10] =	wrdreg s7;
	s7 =	sadd.s32 s1, s25;
	s1 =	sadd.s32 s1, s3  }
0x1e: {  	s25 =	simm.s32 $0x19000;
	s3 =	simm.s32 $0x16700;
	[dreg:$0x12] =	wrdreg s7  }
0x1f: {  	v0 =	vimm.f32 $0.0e+00;
	[dreg:$0x14] =	wrdreg s1;
	s1 =	simm.s32 $0x18D80;
	s7 =	simm.s32 $0x16780  }
.LBB2_8:
0x20: {  	[tilespmem:s16], [sflag:$0x3] =	stream.indirect.gather [hbm4b:s4+s30], $0x80, s13, s30, $0xb8;
	[tilespmem:$0x1F000] =	vst v63  }
.LBB2_14:
0x21: {  	_ =	swait.ge [sflag:s17], $0x2000  }
0x22: {  	[sflag:s17] =	ssyncset.done $0x0  }
0x23: {  	[sflag:s17] =	ssyncadd.s32 $0xFFFFE000  }
0x24: {  	[spmem:s2] =	stream.indirect.scatter.add.f32 [tilespmem:s25], [sflag:$0x4], $0x80, s1, s30, $0xb8;
	[tilespmem:$0x1F000] =	vst v63  }
0x25: {  	_ =	swait.ge [sflag:s18], $0x2000  }
0x26: {  	[sflag:s18] =	ssyncset.done $0x0  }
0x27: {  	[sflag:s18] =	ssyncadd.s32 $0xFFFFE000  }
0x28: {  	[tilespmem:s25], [sflag:$0x1] =	stream.indirect.gather [hbm4b:s4+s30], $0x80, s3, s30, $0xb8;
	[tilespmem:$0x1F000] =	vst v63  }
0x29: {  	_ =	swait.ge [sflag:s19], $0x2000  }
0x2a: {  	[sflag:s19] =	ssyncset.done $0x0  }
0x2b: {  	[sflag:s19] =	ssyncadd.s32 $0xFFFFE000  }
0x2c: {  	[spmem:s2] =	stream.indirect.scatter.add.f32 [tilespmem:s0], [sflag:$0x5], $0x80, s6, s30, $0xb8;
	[tilespmem:$0x1F000] =	vst v63  }
0x2d: {  	_ =	swait.ge [sflag:s20], $0x2000  }
0x2e: {  	[sflag:s20] =	ssyncset.done $0x0  }
0x2f: {  	[sflag:s20] =	ssyncadd.s32 $0xFFFFE000  }
0x30: {  	[tilespmem:s0], [sflag:$0x2] =	stream.indirect.gather [hbm4b:s4+s30], $0x80, s7, s30, $0xb8;
	[tilespmem:$0x1F000] =	vst v63  }
0x31: {  	_ =	swait.ge [sflag:s21], $0x2000  }
0x32: {  	[sflag:s21] =	ssyncset.done $0x0  }
0x33: {  	[sflag:s21] =	ssyncadd.s32 $0xFFFFE000  }
0x34: {  	[spmem:s2] =	stream.indirect.scatter.add.f32 [tilespmem:s16], [sflag:$0x6], $0x80, s8, s30, $0xb8;
	[tilespmem:$0x1F000] =	vst v63  }
0x35: {  	_ =	swait.ge [sflag:s22], $0x2000  }
0x36: {  	[sflag:s22] =	ssyncset.done $0x0  }
0x37: {  	[sflag:s22] =	ssyncadd.s32 $0xFFFFE000  }
0x38: {  	_ =	swait.ge [sflag:s17], $0x2000  }
0x39: {  	[sflag:s17] =	ssyncset.done $0x0  }
0x3a: {  	[sflag:s17] =	ssyncadd.s32 $0xFFFFE000  }
0x3b: {  	[spmem:s2] =	stream.indirect.scatter.add.f32 [tilespmem:s25], [sflag:$0x4], $0x80, s9, s30, $0xb8;
	[tilespmem:$0x1F000] =	vst v63  }
0x3c: {  	_ =	swait.ge [sflag:s18], $0x2000  }
0x3d: {  	[sflag:s18] =	ssyncset.done $0x0  }
0x3e: {  	[sflag:s18] =	ssyncadd.s32 $0xFFFFE000  }
0x3f: {  	_ =	swait.ge [sflag:s19], $0x2000  }
0x40: {  	[sflag:s19] =	ssyncset.done $0x0  }
0x41: {  	[sflag:s19] =	ssyncadd.s32 $0xFFFFE000  }
0x42: {  	[spmem:s2] =	stream.indirect.scatter.add.f32 [tilespmem:s0], [sflag:$0x5], $0x80, s10, s30, $0xb8;
	[tilespmem:$0x1F000] =	vst v63  }
0x43: {  	s12 =	stileid.u32;
	_ =	swait.ge [sflag:s20], $0x2000  }
0x44: {  	s13 =	sshrl.u32 s5, $0x3;
	s11 =	sadd.s32 $0x1, s11;
	[sflag:s20] =	ssyncset.done $0x0  }
0x45: {  	s12 =	sshll.u32 s12, $0x6;
	p1 =	sne.s32 s11, s24;
	[sflag:s20] =	ssyncadd.s32 $0xFFFFE000  }
.Ltmp1:
0x46: {  	s12 =	sor.u32 $0x1C07, s12;
	[bflag:$0x0] =	sbarrier.arrive $0xFFFF;
	(pc) =	sbr.rel @!p1 .LBB2_15-.Ltmp1, $4  }
0x47: {  	[hbm:s23], [sflag:s12] =	dma.local [spmem:s13], $0x2800  }
0x48: {  	_ =	swait.ge [sflag:s26], $0x2800  }
0x49: {  	[sflag:s26] =	ssyncset.done $0x0  }
0x4a: {  	[sflag:s26] =	ssyncadd.s32 $0xFFFFD800  }
.LBB2_1:
0x4b: {  	s13 =	simm.s32 $0x0  }
0x4c: {  	s12 =	sand.u32 $0x7E00, s13  }
0x4d: {  	s13 =	sand.u32 $0x70, s13;
	s14 =	sshrl.u32 s12, $0x2  }
0x4e: {  	s12 =	simm.s32 $0x40;
	s14 =	sor.u32 s13, s14;
	s13 =	simm.s32 $0x0  }
.LBB2_2:
0x4f: {  	p1 =	sne.s32 s12, $0x7FC0  }
0x50: {  	[tilespmem:s14+$0x19000] =	vst v0;
	s13 =	sadd.s32 $0x10, s13;
	s14 =	smov.u32 s12;
	s12 =	sadd.s32 $0x40, s12  }
.Ltmp2:
0x51: {  	(pc) =	sbr.rel @p1 .LBB2_2-.Ltmp2, $4  }
0x52: {  	_ = 	snop  }
0x53: {  	s14 =	sand.u32 $0x7E00, s14  }
0x54: {  	s29 =	sand.u32 $0x70, s13;
	s14 =	sshrl.u32 s14, $0x2  }
0x55: {  	s14 =	sor.u32 s29, s14  }
0x56: {  	[tilespmem:s14+$0x19000] =	vst v0  }
0x57: {  	[spmem:s5] =	stream.linear.scatter [tilespmem:s25], [sflag:$0x7], $0x2000, $0x38;
	[tilespmem:$0x1F000] =	vst v63  }
0x58: {  	_ =	swait.ge [sflag:s26], $0x2000  }
0x59: {  	[sflag:s26] =	ssyncset.done $0x0  }
0x5a: {  	s12 =	rddreg [dreg:$0x4];
	[sflag:s26] =	ssyncadd.s32 $0xFFFFE000  }
0x5b: {  	[spmem:s12] =	stream.linear.scatter [tilespmem:s25], [sflag:$0x7], $0x2000, $0x38;
	[tilespmem:$0x1F000] =	vst v63  }
0x5c: {  	_ =	swait.ge [sflag:s26], $0x2000  }
0x5d: {  	[sflag:s26] =	ssyncset.done $0x0  }
0x5e: {  	s14 =	rddreg [dreg:$0x5];
	[sflag:s26] =	ssyncadd.s32 $0xFFFFE000  }
0x5f: {  	[spmem:s14] =	stream.linear.scatter [tilespmem:s25], [sflag:$0x7], $0x2000, $0x38;
	[tilespmem:$0x1F000] =	vst v63  }
0x60: {  	_ =	swait.ge [sflag:s26], $0x2000  }
0x61: {  	[sflag:s26] =	ssyncset.done $0x0  }
0x62: {  	s29 =	rddreg [dreg:$0x6];
	[sflag:s26] =	ssyncadd.s32 $0xFFFFE000  }
0x63: {  	[spmem:s29] =	stream.linear.scatter [tilespmem:s25], [sflag:$0x7], $0x2000, $0x38;
	[tilespmem:$0x1F000] =	vst v63  }
0x64: {  	_ =	swait.ge [sflag:s26], $0x2000  }
0x65: {  	[sflag:s26] =	ssyncset.done $0x0  }
0x66: {  	s13 =	rddreg [dreg:$0x7];
	[sflag:s26] =	ssyncadd.s32 $0xFFFFE000  }
0x67: {  	[spmem:s13] =	stream.linear.scatter [tilespmem:s25], [sflag:$0x7], $0x2000, $0x38;
	[tilespmem:$0x1F000] =	vst v63  }
0x68: {  	_ =	swait.ge [sflag:s26], $0x2000  }
0x69: {  	[sflag:s26] =	ssyncset.done $0x0  }
0x6a: {  	s14 =	rddreg [dreg:$0x8];
	[sflag:s26] =	ssyncadd.s32 $0xFFFFE000  }
0x6b: {  	[spmem:s14] =	stream.linear.scatter [tilespmem:s25], [sflag:$0x7], $0x2000, $0x38;
	[tilespmem:$0x1F000] =	vst v63  }
0x6c: {  	_ =	swait.ge [sflag:s26], $0x2000  }
0x6d: {  	[sflag:s26] =	ssyncset.done $0x0  }
0x6e: {  	s29 =	rddreg [dreg:$0x9];
	[sflag:s26] =	ssyncadd.s32 $0xFFFFE000  }
0x6f: {  	[spmem:s29] =	stream.linear.scatter [tilespmem:s25], [sflag:$0x7], $0x2000, $0x38;
	[tilespmem:$0x1F000] =	vst v63  }
0x70: {  	_ =	swait.ge [sflag:s26], $0x2000  }
0x71: {  	[sflag:s26] =	ssyncset.done $0x0  }
0x72: {  	s13 =	rddreg [dreg:$0xa];
	[sflag:s26] =	ssyncadd.s32 $0xFFFFE000  }
0x73: {  	[spmem:s13] =	stream.linear.scatter [tilespmem:s25], [sflag:$0x7], $0x2000, $0x38;
	[tilespmem:$0x1F000] =	vst v63  }
0x74: {  	_ =	swait.ge [sflag:s26], $0x2000  }
0x75: {  	[sflag:s26] =	ssyncset.done $0x0  }
0x76: {  	s14 =	rddreg [dreg:$0xb];
	[sflag:s26] =	ssyncadd.s32 $0xFFFFE000  }
0x77: {  	[spmem:s14] =	stream.linear.scatter [tilespmem:s25], [sflag:$0x7], $0x2000, $0x38;
	[tilespmem:$0x1F000] =	vst v63  }
0x78: {  	_ =	swait.ge [sflag:s26], $0x2000  }
0x79: {  	[sflag:s26] =	ssyncset.done $0x0  }
0x7a: {  	s29 =	rddreg [dreg:$0xc];
	[sflag:s26] =	ssyncadd.s32 $0xFFFFE000  }
0x7b: {  	[spmem:s29] =	stream.linear.scatter [tilespmem:s25], [sflag:$0x7], $0x2000, $0x38;
	[tilespmem:$0x1F000] =	vst v63  }
.Ltmp3:
0x7c: {  	_ =	swait.ge [sflag:s26], $0x2000;
	(pc) =	sbr.rel @!p0 .LBB2_4-.Ltmp3, $4  }
0x7d: {  	[sflag:s26] =	ssyncset.done $0x0  }
0x7e: {  	[sflag:s26] =	ssyncadd.s32 $0xFFFFE000  }
0x7f: {  	[bflag:$0x0] =	sbarrier.arrive $0xFFFF  }
0x80: {  	s12 =	simm.s32 $0x0  }
0x81: {  	s13 =	rddreg [dreg:$0x11]  }
0x82: {  	[tilespmem:s28], [sflag:$0x7] =	stream.linear.gather [hbm4b:s13+s12], $0x2800, $0x38;
	[tilespmem:$0x1F000] =	vst v63  }
0x83: {  	_ =	swait.ge [sflag:s26], $0x2800  }
0x84: {  	[sflag:s26] =	ssyncset.done $0x0  }
0x85: {  	s29 =	simm.s32 $0x16800;
	s14 =	rddreg [dreg:$0x12];
	[sflag:s26] =	ssyncadd.s32 $0xFFFFD800  }
0x86: {  	[tilespmem:s29], [sflag:$0x7] =	stream.linear.gather [hbm4b:s14+s12], $0x2800, $0x38;
	[tilespmem:$0x1F000] =	vst v63  }
0x87: {  	_ =	swait.ge [sflag:s26], $0x2800  }
0x88: {  	[sflag:s26] =	ssyncset.done $0x0  }
0x89: {  	[sflag:s26] =	ssyncadd.s32 $0xFFFFD800  }
0x8a: {  	[tilespmem:s25], [sflag:$0x1] =	stream.indirect.gather [hbm4b:s4+s30], $0x80, s28, s30, $0xb8;
	[tilespmem:$0x1F000] =	vst v63  }
0x8b: {  	_ = 	snop  }
0x8c: {  	[tilespmem:s0], [sflag:$0x2] =	stream.indirect.gather [hbm4b:s4+s30], $0x80, s31, s30, $0xb8;
	[tilespmem:$0x1F000] =	vst v63  }
0x8d: {  	_ = 	snop  }
0x8e: {  	[tilespmem:s16], [sflag:$0x3] =	stream.indirect.gather [hbm4b:s4+s30], $0x80, s15, s30, $0xb8;
	[tilespmem:$0x1F000] =	vst v63  }
0x8f: {  	_ =	swait.ge [sflag:s17], $0x2000  }
0x90: {  	[sflag:s17] =	ssyncset.done $0x0  }
0x91: {  	s14 =	simm.s32 $0x16800;
	[sflag:s17] =	ssyncadd.s32 $0xFFFFE000  }
0x92: {  	[spmem:s2] =	stream.indirect.scatter.add.f32 [tilespmem:s25], [sflag:$0x4], $0x80, s14, s30, $0xb8;
	[tilespmem:$0x1F000] =	vst v63  }
0x93: {  	_ =	swait.ge [sflag:s18], $0x2000  }
0x94: {  	[sflag:s18] =	ssyncset.done $0x0  }
0x95: {  	s13 =	simm.s32 $0x14180;
	[sflag:s18] =	ssyncadd.s32 $0xFFFFE000  }
0x96: {  	[tilespmem:s25], [sflag:$0x1] =	stream.indirect.gather [hbm4b:s4+s30], $0x80, s13, s30, $0xb8;
	[tilespmem:$0x1F000] =	vst v63  }
0x97: {  	_ =	swait.ge [sflag:s19], $0x2000  }
0x98: {  	[sflag:s19] =	ssyncset.done $0x0  }
0x99: {  	s14 =	simm.s32 $0x16880;
	[sflag:s19] =	ssyncadd.s32 $0xFFFFE000  }
0x9a: {  	[spmem:s2] =	stream.indirect.scatter.add.f32 [tilespmem:s0], [sflag:$0x5], $0x80, s14, s30, $0xb8;
	[tilespmem:$0x1F000] =	vst v63  }
0x9b: {  	_ =	swait.ge [sflag:s20], $0x2000  }
0x9c: {  	[sflag:s20] =	ssyncset.done $0x0  }
0x9d: {  	s13 =	simm.s32 $0x14200;
	[sflag:s20] =	ssyncadd.s32 $0xFFFFE000  }
0x9e: {  	[tilespmem:s0], [sflag:$0x2] =	stream.indirect.gather [hbm4b:s4+s30], $0x80, s13, s30, $0xb8;
	[tilespmem:$0x1F000] =	vst v63  }
0x9f: {  	_ =	swait.ge [sflag:s21], $0x2000  }
0xa0: {  	[sflag:s21] =	ssyncset.done $0x0  }
0xa1: {  	s14 =	simm.s32 $0x16900;
	[sflag:s21] =	ssyncadd.s32 $0xFFFFE000  }
0xa2: {  	[spmem:s2] =	stream.indirect.scatter.add.f32 [tilespmem:s16], [sflag:$0x6], $0x80, s14, s30, $0xb8;
	[tilespmem:$0x1F000] =	vst v63  }
0xa3: {  	_ =	swait.ge [sflag:s22], $0x2000  }
0xa4: {  	[sflag:s22] =	ssyncset.done $0x0  }
0xa5: {  	s12 =	simm.s32 $0x600;
	s13 =	simm.s32 $0x14280;
	[sflag:s22] =	ssyncadd.s32 $0xFFFFE000  }
.LBB2_10:
0xa6: {  	[tilespmem:s16], [sflag:$0x3] =	stream.indirect.gather [hbm4b:s4+s30], $0x80, s13, s30, $0xb8;
	[tilespmem:$0x1F000] =	vst v63  }
0xa7: {  	s13 =	smov.u32 s12  }
0xa8: {  	p1 =	sne.s32 s12, $0x9000;
	s12 =	sadd.s32 $0x600, s12;
	_ =	swait.ge [sflag:s17], $0x2000  }
0xa9: {  	s13 =	sshra.s32 s13, $0x2;
	[sflag:s17] =	ssyncset.done $0x0  }
0xaa: {  	s14 =	sadd.s32 $0x16800, s13;
	[sflag:s17] =	ssyncadd.s32 $0xFFFFE000  }
0xab: {  	[spmem:s2] =	stream.indirect.scatter.add.f32 [tilespmem:s25], [sflag:$0x4], $0x80, s14, s30, $0xb8;
	[tilespmem:$0x1F000] =	vst v63  }
0xac: {  	_ =	swait.ge [sflag:s18], $0x2000  }
0xad: {  	[sflag:s18] =	ssyncset.done $0x0  }
0xae: {  	s14 =	sadd.s32 $0x14180, s13;
	[sflag:s18] =	ssyncadd.s32 $0xFFFFE000  }
0xaf: {  	[tilespmem:s25], [sflag:$0x1] =	stream.indirect.gather [hbm4b:s4+s30], $0x80, s14, s30, $0xb8;
	[tilespmem:$0x1F000] =	vst v63  }
0xb0: {  	_ =	swait.ge [sflag:s19], $0x2000  }
0xb1: {  	[sflag:s19] =	ssyncset.done $0x0  }
0xb2: {  	s14 =	sadd.s32 $0x16880, s13;
	[sflag:s19] =	ssyncadd.s32 $0xFFFFE000  }
0xb3: {  	[spmem:s2] =	stream.indirect.scatter.add.f32 [tilespmem:s0], [sflag:$0x5], $0x80, s14, s30, $0xb8;
	[tilespmem:$0x1F000] =	vst v63  }
0xb4: {  	_ =	swait.ge [sflag:s20], $0x2000  }
0xb5: {  	[sflag:s20] =	ssyncset.done $0x0  }
0xb6: {  	s14 =	sadd.s32 $0x14200, s13;
	[sflag:s20] =	ssyncadd.s32 $0xFFFFE000  }
0xb7: {  	[tilespmem:s0], [sflag:$0x2] =	stream.indirect.gather [hbm4b:s4+s30], $0x80, s14, s30, $0xb8;
	[tilespmem:$0x1F000] =	vst v63  }
0xb8: {  	_ =	swait.ge [sflag:s21], $0x2000  }
0xb9: {  	[sflag:s21] =	ssyncset.done $0x0  }
.Ltmp4:
0xba: {  	s14 =	sadd.s32 $0x16900, s13;
	[sflag:s21] =	ssyncadd.s32 $0xFFFFE000;
	(pc) =	sbr.rel @p1 .LBB2_10-.Ltmp4, $4  }
0xbb: {  	[spmem:s2] =	stream.indirect.scatter.add.f32 [tilespmem:s16], [sflag:$0x6], $0x80, s14, s30, $0xb8;
	[tilespmem:$0x1F000] =	vst v63  }
0xbc: {  	_ =	swait.ge [sflag:s22], $0x2000  }
0xbd: {  	[sflag:s22] =	ssyncset.done $0x0  }
0xbe: {  	s13 =	sadd.s32 $0x14280, s13;
	[sflag:s22] =	ssyncadd.s32 $0xFFFFE000  }
0xbf: {  	[tilespmem:s16], [sflag:$0x3] =	stream.indirect.gather [hbm4b:s4+s30], $0x80, s13, s30, $0xb8;
	[tilespmem:$0x1F000] =	vst v63  }
0xc0: {  	_ =	swait.ge [sflag:s17], $0x2000  }
0xc1: {  	[sflag:s17] =	ssyncset.done $0x0  }
0xc2: {  	[sflag:s17] =	ssyncadd.s32 $0xFFFFE000  }
0xc3: {  	[spmem:s2] =	stream.indirect.scatter.add.f32 [tilespmem:s25], [sflag:$0x4], $0x80, s1, s30, $0xb8;
	[tilespmem:$0x1F000] =	vst v63  }
0xc4: {  	_ =	swait.ge [sflag:s18], $0x2000  }
0xc5: {  	[sflag:s18] =	ssyncset.done $0x0  }
0xc6: {  	[sflag:s18] =	ssyncadd.s32 $0xFFFFE000  }
0xc7: {  	[tilespmem:s25], [sflag:$0x1] =	stream.indirect.gather [hbm4b:s4+s30], $0x80, s3, s30, $0xb8;
	[tilespmem:$0x1F000] =	vst v63  }
0xc8: {  	_ =	swait.ge [sflag:s19], $0x2000  }
0xc9: {  	[sflag:s19] =	ssyncset.done $0x0  }
0xca: {  	[sflag:s19] =	ssyncadd.s32 $0xFFFFE000  }
0xcb: {  	[spmem:s2] =	stream.indirect.scatter.add.f32 [tilespmem:s0], [sflag:$0x5], $0x80, s6, s30, $0xb8;
	[tilespmem:$0x1F000] =	vst v63  }
0xcc: {  	_ =	swait.ge [sflag:s20], $0x2000  }
0xcd: {  	[sflag:s20] =	ssyncset.done $0x0  }
0xce: {  	[sflag:s20] =	ssyncadd.s32 $0xFFFFE000  }
0xcf: {  	[tilespmem:s0], [sflag:$0x2] =	stream.indirect.gather [hbm4b:s4+s30], $0x80, s7, s30, $0xb8;
	[tilespmem:$0x1F000] =	vst v63  }
0xd0: {  	_ =	swait.ge [sflag:s21], $0x2000  }
0xd1: {  	[sflag:s21] =	ssyncset.done $0x0  }
0xd2: {  	[sflag:s21] =	ssyncadd.s32 $0xFFFFE000  }
0xd3: {  	[spmem:s2] =	stream.indirect.scatter.add.f32 [tilespmem:s16], [sflag:$0x6], $0x80, s8, s30, $0xb8;
	[tilespmem:$0x1F000] =	vst v63  }
0xd4: {  	_ =	swait.ge [sflag:s22], $0x2000  }
0xd5: {  	[sflag:s22] =	ssyncset.done $0x0  }
0xd6: {  	[sflag:s22] =	ssyncadd.s32 $0xFFFFE000  }
0xd7: {  	_ =	swait.ge [sflag:s17], $0x2000  }
0xd8: {  	[sflag:s17] =	ssyncset.done $0x0  }
0xd9: {  	[sflag:s17] =	ssyncadd.s32 $0xFFFFE000  }
0xda: {  	[spmem:s2] =	stream.indirect.scatter.add.f32 [tilespmem:s25], [sflag:$0x4], $0x80, s9, s30, $0xb8;
	[tilespmem:$0x1F000] =	vst v63  }
0xdb: {  	_ =	swait.ge [sflag:s18], $0x2000  }
0xdc: {  	[sflag:s18] =	ssyncset.done $0x0  }
0xdd: {  	[sflag:s18] =	ssyncadd.s32 $0xFFFFE000  }
0xde: {  	_ =	swait.ge [sflag:s19], $0x2000  }
0xdf: {  	[sflag:s19] =	ssyncset.done $0x0  }
0xe0: {  	[sflag:s19] =	ssyncadd.s32 $0xFFFFE000  }
0xe1: {  	[spmem:s2] =	stream.indirect.scatter.add.f32 [tilespmem:s0], [sflag:$0x5], $0x80, s10, s30, $0xb8;
	[tilespmem:$0x1F000] =	vst v63  }
0xe2: {  	_ =	swait.ge [sflag:s20], $0x2000  }
0xe3: {  	[sflag:s20] =	ssyncset.done $0x0  }
0xe4: {  	s12 =	simm.s32 $0x0;
	s14 =	rddreg [dreg:$0x13];
	[sflag:s20] =	ssyncadd.s32 $0xFFFFE000  }
0xe5: {  	[tilespmem:s28], [sflag:$0x7] =	stream.linear.gather [hbm4b:s14+s12], $0x2800, $0x38;
	[tilespmem:$0x1F000] =	vst v63  }
0xe6: {  	_ =	swait.ge [sflag:s26], $0x2800  }
0xe7: {  	[sflag:s26] =	ssyncset.done $0x0  }
0xe8: {  	s14 =	rddreg [dreg:$0x14];
	[sflag:s26] =	ssyncadd.s32 $0xFFFFD800  }
0xe9: {  	[tilespmem:s29], [sflag:$0x7] =	stream.linear.gather [hbm4b:s14+s12], $0x2800, $0x38;
	[tilespmem:$0x1F000] =	vst v63  }
0xea: {  	_ =	swait.ge [sflag:s26], $0x2800  }
0xeb: {  	[sflag:s26] =	ssyncset.done $0x0  }
0xec: {  	[sflag:s26] =	ssyncadd.s32 $0xFFFFD800  }
0xed: {  	[tilespmem:s25], [sflag:$0x1] =	stream.indirect.gather [hbm4b:s4+s30], $0x80, s28, s30, $0xb8;
	[tilespmem:$0x1F000] =	vst v63  }
0xee: {  	_ = 	snop  }
0xef: {  	[tilespmem:s0], [sflag:$0x2] =	stream.indirect.gather [hbm4b:s4+s30], $0x80, s31, s30, $0xb8;
	[tilespmem:$0x1F000] =	vst v63  }
0xf0: {  	_ = 	snop  }
0xf1: {  	[tilespmem:s16], [sflag:$0x3] =	stream.indirect.gather [hbm4b:s4+s30], $0x80, s15, s30, $0xb8;
	[tilespmem:$0x1F000] =	vst v63  }
0xf2: {  	_ =	swait.ge [sflag:s17], $0x2000  }
0xf3: {  	[sflag:s17] =	ssyncset.done $0x0  }
0xf4: {  	s14 =	simm.s32 $0x16800;
	[sflag:s17] =	ssyncadd.s32 $0xFFFFE000  }
0xf5: {  	[spmem:s2] =	stream.indirect.scatter.add.f32 [tilespmem:s25], [sflag:$0x4], $0x80, s14, s30, $0xb8;
	[tilespmem:$0x1F000] =	vst v63  }
0xf6: {  	_ =	swait.ge [sflag:s18], $0x2000  }
0xf7: {  	[sflag:s18] =	ssyncset.done $0x0  }
0xf8: {  	s29 =	simm.s32 $0x14180;
	[sflag:s18] =	ssyncadd.s32 $0xFFFFE000  }
0xf9: {  	[tilespmem:s25], [sflag:$0x1] =	stream.indirect.gather [hbm4b:s4+s30], $0x80, s29, s30, $0xb8;
	[tilespmem:$0x1F000] =	vst v63  }
0xfa: {  	_ =	swait.ge [sflag:s19], $0x2000  }
0xfb: {  	[sflag:s19] =	ssyncset.done $0x0  }
0xfc: {  	s13 =	simm.s32 $0x16880;
	[sflag:s19] =	ssyncadd.s32 $0xFFFFE000  }
0xfd: {  	[spmem:s2] =	stream.indirect.scatter.add.f32 [tilespmem:s0], [sflag:$0x5], $0x80, s13, s30, $0xb8;
	[tilespmem:$0x1F000] =	vst v63  }
0xfe: {  	_ =	swait.ge [sflag:s20], $0x2000  }
0xff: {  	[sflag:s20] =	ssyncset.done $0x0  }
0x100: {  	s14 =	simm.s32 $0x14200;
	[sflag:s20] =	ssyncadd.s32 $0xFFFFE000  }
0x101: {  	[tilespmem:s0], [sflag:$0x2] =	stream.indirect.gather [hbm4b:s4+s30], $0x80, s14, s30, $0xb8;
	[tilespmem:$0x1F000] =	vst v63  }
0x102: {  	_ =	swait.ge [sflag:s21], $0x2000  }
0x103: {  	[sflag:s21] =	ssyncset.done $0x0  }
0x104: {  	s29 =	simm.s32 $0x16900;
	[sflag:s21] =	ssyncadd.s32 $0xFFFFE000  }
0x105: {  	[spmem:s2] =	stream.indirect.scatter.add.f32 [tilespmem:s16], [sflag:$0x6], $0x80, s29, s30, $0xb8;
	[tilespmem:$0x1F000] =	vst v63  }
0x106: {  	_ =	swait.ge [sflag:s22], $0x2000  }
0x107: {  	[sflag:s22] =	ssyncset.done $0x0  }
0x108: {  	s12 =	simm.s32 $0x600;
	s13 =	simm.s32 $0x14280;
	[sflag:s22] =	ssyncadd.s32 $0xFFFFE000  }
.LBB2_12:
0x109: {  	[tilespmem:s16], [sflag:$0x3] =	stream.indirect.gather [hbm4b:s4+s30], $0x80, s13, s30, $0xb8;
	[tilespmem:$0x1F000] =	vst v63  }
0x10a: {  	s13 =	smov.u32 s12  }
0x10b: {  	p1 =	sne.s32 s12, $0x9000;
	s12 =	sadd.s32 $0x600, s12;
	_ =	swait.ge [sflag:s17], $0x2000  }
0x10c: {  	s13 =	sshra.s32 s13, $0x2;
	[sflag:s17] =	ssyncset.done $0x0  }
0x10d: {  	s14 =	sadd.s32 $0x16800, s13;
	[sflag:s17] =	ssyncadd.s32 $0xFFFFE000  }
0x10e: {  	[spmem:s2] =	stream.indirect.scatter.add.f32 [tilespmem:s25], [sflag:$0x4], $0x80, s14, s30, $0xb8;
	[tilespmem:$0x1F000] =	vst v63  }
0x10f: {  	_ =	swait.ge [sflag:s18], $0x2000  }
0x110: {  	[sflag:s18] =	ssyncset.done $0x0  }
0x111: {  	s14 =	sadd.s32 $0x14180, s13;
	[sflag:s18] =	ssyncadd.s32 $0xFFFFE000  }
0x112: {  	[tilespmem:s25], [sflag:$0x1] =	stream.indirect.gather [hbm4b:s4+s30], $0x80, s14, s30, $0xb8;
	[tilespmem:$0x1F000] =	vst v63  }
0x113: {  	_ =	swait.ge [sflag:s19], $0x2000  }
0x114: {  	[sflag:s19] =	ssyncset.done $0x0  }
0x115: {  	s14 =	sadd.s32 $0x16880, s13;
	[sflag:s19] =	ssyncadd.s32 $0xFFFFE000  }
0x116: {  	[spmem:s2] =	stream.indirect.scatter.add.f32 [tilespmem:s0], [sflag:$0x5], $0x80, s14, s30, $0xb8;
	[tilespmem:$0x1F000] =	vst v63  }
0x117: {  	_ =	swait.ge [sflag:s20], $0x2000  }
0x118: {  	[sflag:s20] =	ssyncset.done $0x0  }
0x119: {  	s14 =	sadd.s32 $0x14200, s13;
	[sflag:s20] =	ssyncadd.s32 $0xFFFFE000  }
0x11a: {  	[tilespmem:s0], [sflag:$0x2] =	stream.indirect.gather [hbm4b:s4+s30], $0x80, s14, s30, $0xb8;
	[tilespmem:$0x1F000] =	vst v63  }
0x11b: {  	_ =	swait.ge [sflag:s21], $0x2000  }
0x11c: {  	[sflag:s21] =	ssyncset.done $0x0  }
.Ltmp5:
0x11d: {  	s14 =	sadd.s32 $0x16900, s13;
	[sflag:s21] =	ssyncadd.s32 $0xFFFFE000;
	(pc) =	sbr.rel @p1 .LBB2_12-.Ltmp5, $4  }
0x11e: {  	[spmem:s2] =	stream.indirect.scatter.add.f32 [tilespmem:s16], [sflag:$0x6], $0x80, s14, s30, $0xb8;
	[tilespmem:$0x1F000] =	vst v63  }
0x11f: {  	_ =	swait.ge [sflag:s22], $0x2000  }
0x120: {  	[sflag:s22] =	ssyncset.done $0x0  }
0x121: {  	s13 =	sadd.s32 $0x14280, s13;
	[sflag:s22] =	ssyncadd.s32 $0xFFFFE000  }
.Ltmp6:
0x122: {  	(pc) =	sbr.rel .LBB2_14-.Ltmp6, $2  }
0x123: {  	_ =	sdelay $0x2  }
0x124: {  	[tilespmem:s16], [sflag:$0x3] =	stream.indirect.gather [hbm4b:s4+s30], $0x80, s13, s30, $0xb8;
	[tilespmem:$0x1F000] =	vst v63  }
.LBB2_4:
0x125: {  	s13 =	rddreg [dreg:$0xd]  }
0x126: {  	[tilespmem:s28], [sflag:$0x7] =	stream.linear.gather [hbm4b:s13+s12], $0x2800, $0x38;
	[tilespmem:$0x1F000] =	vst v63  }
0x127: {  	_ =	swait.ge [sflag:s26], $0x2800  }
0x128: {  	[sflag:s26] =	ssyncset.done $0x0  }
0x129: {  	s29 =	simm.s32 $0x16800;
	s14 =	rddreg [dreg:$0xe];
	[sflag:s26] =	ssyncadd.s32 $0xFFFFD800  }
0x12a: {  	[tilespmem:s29], [sflag:$0x7] =	stream.linear.gather [hbm4b:s14+s12], $0x2800, $0x38;
	[tilespmem:$0x1F000] =	vst v63  }
0x12b: {  	_ =	swait.ge [sflag:s26], $0x2800  }
0x12c: {  	[sflag:s26] =	ssyncset.done $0x0  }
0x12d: {  	[sflag:s26] =	ssyncadd.s32 $0xFFFFD800  }
0x12e: {  	[tilespmem:s25], [sflag:$0x1] =	stream.indirect.gather [hbm4b:s4+s30], $0x80, s28, s30, $0xb8;
	[tilespmem:$0x1F000] =	vst v63  }
0x12f: {  	_ = 	snop  }
0x130: {  	[tilespmem:s0], [sflag:$0x2] =	stream.indirect.gather [hbm4b:s4+s30], $0x80, s31, s30, $0xb8;
	[tilespmem:$0x1F000] =	vst v63  }
0x131: {  	_ = 	snop  }
0x132: {  	[tilespmem:s16], [sflag:$0x3] =	stream.indirect.gather [hbm4b:s4+s30], $0x80, s15, s30, $0xb8;
	[tilespmem:$0x1F000] =	vst v63  }
0x133: {  	_ =	swait.ge [sflag:s17], $0x2000  }
0x134: {  	[sflag:s17] =	ssyncset.done $0x0  }
0x135: {  	s14 =	simm.s32 $0x16800;
	[sflag:s17] =	ssyncadd.s32 $0xFFFFE000  }
0x136: {  	[spmem:s2] =	stream.indirect.scatter.add.f32 [tilespmem:s25], [sflag:$0x4], $0x80, s14, s30, $0xb8;
	[tilespmem:$0x1F000] =	vst v63  }
0x137: {  	_ =	swait.ge [sflag:s18], $0x2000  }
0x138: {  	[sflag:s18] =	ssyncset.done $0x0  }
0x139: {  	s13 =	simm.s32 $0x14180;
	[sflag:s18] =	ssyncadd.s32 $0xFFFFE000  }
0x13a: {  	[tilespmem:s25], [sflag:$0x1] =	stream.indirect.gather [hbm4b:s4+s30], $0x80, s13, s30, $0xb8;
	[tilespmem:$0x1F000] =	vst v63  }
0x13b: {  	_ =	swait.ge [sflag:s19], $0x2000  }
0x13c: {  	[sflag:s19] =	ssyncset.done $0x0  }
0x13d: {  	s14 =	simm.s32 $0x16880;
	[sflag:s19] =	ssyncadd.s32 $0xFFFFE000  }
0x13e: {  	[spmem:s2] =	stream.indirect.scatter.add.f32 [tilespmem:s0], [sflag:$0x5], $0x80, s14, s30, $0xb8;
	[tilespmem:$0x1F000] =	vst v63  }
0x13f: {  	_ =	swait.ge [sflag:s20], $0x2000  }
0x140: {  	[sflag:s20] =	ssyncset.done $0x0  }
0x141: {  	s13 =	simm.s32 $0x14200;
	[sflag:s20] =	ssyncadd.s32 $0xFFFFE000  }
0x142: {  	[tilespmem:s0], [sflag:$0x2] =	stream.indirect.gather [hbm4b:s4+s30], $0x80, s13, s30, $0xb8;
	[tilespmem:$0x1F000] =	vst v63  }
0x143: {  	_ =	swait.ge [sflag:s21], $0x2000  }
0x144: {  	[sflag:s21] =	ssyncset.done $0x0  }
0x145: {  	s14 =	simm.s32 $0x16900;
	[sflag:s21] =	ssyncadd.s32 $0xFFFFE000  }
0x146: {  	[spmem:s2] =	stream.indirect.scatter.add.f32 [tilespmem:s16], [sflag:$0x6], $0x80, s14, s30, $0xb8;
	[tilespmem:$0x1F000] =	vst v63  }
0x147: {  	_ =	swait.ge [sflag:s22], $0x2000  }
0x148: {  	[sflag:s22] =	ssyncset.done $0x0  }
0x149: {  	s12 =	simm.s32 $0x600;
	s13 =	simm.s32 $0x14280;
	[sflag:s22] =	ssyncadd.s32 $0xFFFFE000  }
.LBB2_5:
0x14a: {  	[tilespmem:s16], [sflag:$0x3] =	stream.indirect.gather [hbm4b:s4+s30], $0x80, s13, s30, $0xb8;
	[tilespmem:$0x1F000] =	vst v63  }
0x14b: {  	s13 =	smov.u32 s12  }
0x14c: {  	p1 =	sne.s32 s12, $0x9000;
	s12 =	sadd.s32 $0x600, s12;
	_ =	swait.ge [sflag:s17], $0x2000  }
0x14d: {  	s13 =	sshra.s32 s13, $0x2;
	[sflag:s17] =	ssyncset.done $0x0  }
0x14e: {  	s14 =	sadd.s32 $0x16800, s13;
	[sflag:s17] =	ssyncadd.s32 $0xFFFFE000  }
0x14f: {  	[spmem:s2] =	stream.indirect.scatter.add.f32 [tilespmem:s25], [sflag:$0x4], $0x80, s14, s30, $0xb8;
	[tilespmem:$0x1F000] =	vst v63  }
0x150: {  	_ =	swait.ge [sflag:s18], $0x2000  }
0x151: {  	[sflag:s18] =	ssyncset.done $0x0  }
0x152: {  	s14 =	sadd.s32 $0x14180, s13;
	[sflag:s18] =	ssyncadd.s32 $0xFFFFE000  }
0x153: {  	[tilespmem:s25], [sflag:$0x1] =	stream.indirect.gather [hbm4b:s4+s30], $0x80, s14, s30, $0xb8;
	[tilespmem:$0x1F000] =	vst v63  }
0x154: {  	_ =	swait.ge [sflag:s19], $0x2000  }
0x155: {  	[sflag:s19] =	ssyncset.done $0x0  }
0x156: {  	s14 =	sadd.s32 $0x16880, s13;
	[sflag:s19] =	ssyncadd.s32 $0xFFFFE000  }
0x157: {  	[spmem:s2] =	stream.indirect.scatter.add.f32 [tilespmem:s0], [sflag:$0x5], $0x80, s14, s30, $0xb8;
	[tilespmem:$0x1F000] =	vst v63  }
0x158: {  	_ =	swait.ge [sflag:s20], $0x2000  }
0x159: {  	[sflag:s20] =	ssyncset.done $0x0  }
0x15a: {  	s14 =	sadd.s32 $0x14200, s13;
	[sflag:s20] =	ssyncadd.s32 $0xFFFFE000  }
0x15b: {  	[tilespmem:s0], [sflag:$0x2] =	stream.indirect.gather [hbm4b:s4+s30], $0x80, s14, s30, $0xb8;
	[tilespmem:$0x1F000] =	vst v63  }
0x15c: {  	_ =	swait.ge [sflag:s21], $0x2000  }
0x15d: {  	[sflag:s21] =	ssyncset.done $0x0  }
.Ltmp7:
0x15e: {  	s14 =	sadd.s32 $0x16900, s13;
	[sflag:s21] =	ssyncadd.s32 $0xFFFFE000;
	(pc) =	sbr.rel @p1 .LBB2_5-.Ltmp7, $4  }
0x15f: {  	[spmem:s2] =	stream.indirect.scatter.add.f32 [tilespmem:s16], [sflag:$0x6], $0x80, s14, s30, $0xb8;
	[tilespmem:$0x1F000] =	vst v63  }
0x160: {  	_ =	swait.ge [sflag:s22], $0x2000  }
0x161: {  	[sflag:s22] =	ssyncset.done $0x0  }
0x162: {  	s13 =	sadd.s32 $0x14280, s13;
	[sflag:s22] =	ssyncadd.s32 $0xFFFFE000  }
0x163: {  	[tilespmem:s16], [sflag:$0x3] =	stream.indirect.gather [hbm4b:s4+s30], $0x80, s13, s30, $0xb8;
	[tilespmem:$0x1F000] =	vst v63  }
0x164: {  	_ =	swait.ge [sflag:s17], $0x2000  }
0x165: {  	[sflag:s17] =	ssyncset.done $0x0  }
0x166: {  	[sflag:s17] =	ssyncadd.s32 $0xFFFFE000  }
0x167: {  	[spmem:s2] =	stream.indirect.scatter.add.f32 [tilespmem:s25], [sflag:$0x4], $0x80, s1, s30, $0xb8;
	[tilespmem:$0x1F000] =	vst v63  }
0x168: {  	_ =	swait.ge [sflag:s18], $0x2000  }
0x169: {  	[sflag:s18] =	ssyncset.done $0x0  }
0x16a: {  	[sflag:s18] =	ssyncadd.s32 $0xFFFFE000  }
0x16b: {  	[tilespmem:s25], [sflag:$0x1] =	stream.indirect.gather [hbm4b:s4+s30], $0x80, s3, s30, $0xb8;
	[tilespmem:$0x1F000] =	vst v63  }
0x16c: {  	_ =	swait.ge [sflag:s19], $0x2000  }
0x16d: {  	[sflag:s19] =	ssyncset.done $0x0  }
0x16e: {  	[sflag:s19] =	ssyncadd.s32 $0xFFFFE000  }
0x16f: {  	[spmem:s2] =	stream.indirect.scatter.add.f32 [tilespmem:s0], [sflag:$0x5], $0x80, s6, s30, $0xb8;
	[tilespmem:$0x1F000] =	vst v63  }
0x170: {  	_ =	swait.ge [sflag:s20], $0x2000  }
0x171: {  	[sflag:s20] =	ssyncset.done $0x0  }
0x172: {  	[sflag:s20] =	ssyncadd.s32 $0xFFFFE000  }
0x173: {  	[tilespmem:s0], [sflag:$0x2] =	stream.indirect.gather [hbm4b:s4+s30], $0x80, s7, s30, $0xb8;
	[tilespmem:$0x1F000] =	vst v63  }
0x174: {  	_ =	swait.ge [sflag:s21], $0x2000  }
0x175: {  	[sflag:s21] =	ssyncset.done $0x0  }
0x176: {  	[sflag:s21] =	ssyncadd.s32 $0xFFFFE000  }
0x177: {  	[spmem:s2] =	stream.indirect.scatter.add.f32 [tilespmem:s16], [sflag:$0x6], $0x80, s8, s30, $0xb8;
	[tilespmem:$0x1F000] =	vst v63  }
0x178: {  	_ =	swait.ge [sflag:s22], $0x2000  }
0x179: {  	[sflag:s22] =	ssyncset.done $0x0  }
0x17a: {  	[sflag:s22] =	ssyncadd.s32 $0xFFFFE000  }
0x17b: {  	_ =	swait.ge [sflag:s17], $0x2000  }
0x17c: {  	[sflag:s17] =	ssyncset.done $0x0  }
0x17d: {  	[sflag:s17] =	ssyncadd.s32 $0xFFFFE000  }
0x17e: {  	[spmem:s2] =	stream.indirect.scatter.add.f32 [tilespmem:s25], [sflag:$0x4], $0x80, s9, s30, $0xb8;
	[tilespmem:$0x1F000] =	vst v63  }
0x17f: {  	_ =	swait.ge [sflag:s18], $0x2000  }
0x180: {  	[sflag:s18] =	ssyncset.done $0x0  }
0x181: {  	[sflag:s18] =	ssyncadd.s32 $0xFFFFE000  }
0x182: {  	_ =	swait.ge [sflag:s19], $0x2000  }
0x183: {  	[sflag:s19] =	ssyncset.done $0x0  }
0x184: {  	[sflag:s19] =	ssyncadd.s32 $0xFFFFE000  }
0x185: {  	[spmem:s2] =	stream.indirect.scatter.add.f32 [tilespmem:s0], [sflag:$0x5], $0x80, s10, s30, $0xb8;
	[tilespmem:$0x1F000] =	vst v63  }
0x186: {  	_ =	swait.ge [sflag:s20], $0x2000  }
0x187: {  	[sflag:s20] =	ssyncset.done $0x0  }
0x188: {  	s12 =	simm.s32 $0x0;
	s14 =	rddreg [dreg:$0xf];
	[sflag:s20] =	ssyncadd.s32 $0xFFFFE000  }
0x189: {  	[tilespmem:s28], [sflag:$0x7] =	stream.linear.gather [hbm4b:s14+s12], $0x2800, $0x38;
	[tilespmem:$0x1F000] =	vst v63  }
0x18a: {  	_ =	swait.ge [sflag:s26], $0x2800  }
0x18b: {  	[sflag:s26] =	ssyncset.done $0x0  }
0x18c: {  	s14 =	rddreg [dreg:$0x10];
	[sflag:s26] =	ssyncadd.s32 $0xFFFFD800  }
0x18d: {  	[tilespmem:s29], [sflag:$0x7] =	stream.linear.gather [hbm4b:s14+s12], $0x2800, $0x38;
	[tilespmem:$0x1F000] =	vst v63  }
0x18e: {  	_ =	swait.ge [sflag:s26], $0x2800  }
0x18f: {  	[sflag:s26] =	ssyncset.done $0x0  }
0x190: {  	[sflag:s26] =	ssyncadd.s32 $0xFFFFD800  }
0x191: {  	[tilespmem:s25], [sflag:$0x1] =	stream.indirect.gather [hbm4b:s4+s30], $0x80, s28, s30, $0xb8;
	[tilespmem:$0x1F000] =	vst v63  }
0x192: {  	_ = 	snop  }
0x193: {  	[tilespmem:s0], [sflag:$0x2] =	stream.indirect.gather [hbm4b:s4+s30], $0x80, s31, s30, $0xb8;
	[tilespmem:$0x1F000] =	vst v63  }
0x194: {  	_ = 	snop  }
0x195: {  	[tilespmem:s16], [sflag:$0x3] =	stream.indirect.gather [hbm4b:s4+s30], $0x80, s15, s30, $0xb8;
	[tilespmem:$0x1F000] =	vst v63  }
0x196: {  	_ =	swait.ge [sflag:s17], $0x2000  }
0x197: {  	[sflag:s17] =	ssyncset.done $0x0  }
0x198: {  	s14 =	simm.s32 $0x16800;
	[sflag:s17] =	ssyncadd.s32 $0xFFFFE000  }
0x199: {  	[spmem:s2] =	stream.indirect.scatter.add.f32 [tilespmem:s25], [sflag:$0x4], $0x80, s14, s30, $0xb8;
	[tilespmem:$0x1F000] =	vst v63  }
0x19a: {  	_ =	swait.ge [sflag:s18], $0x2000  }
0x19b: {  	[sflag:s18] =	ssyncset.done $0x0  }
0x19c: {  	s29 =	simm.s32 $0x14180;
	[sflag:s18] =	ssyncadd.s32 $0xFFFFE000  }
0x19d: {  	[tilespmem:s25], [sflag:$0x1] =	stream.indirect.gather [hbm4b:s4+s30], $0x80, s29, s30, $0xb8;
	[tilespmem:$0x1F000] =	vst v63  }
0x19e: {  	_ =	swait.ge [sflag:s19], $0x2000  }
0x19f: {  	[sflag:s19] =	ssyncset.done $0x0  }
0x1a0: {  	s13 =	simm.s32 $0x16880;
	[sflag:s19] =	ssyncadd.s32 $0xFFFFE000  }
0x1a1: {  	[spmem:s2] =	stream.indirect.scatter.add.f32 [tilespmem:s0], [sflag:$0x5], $0x80, s13, s30, $0xb8;
	[tilespmem:$0x1F000] =	vst v63  }
0x1a2: {  	_ =	swait.ge [sflag:s20], $0x2000  }
0x1a3: {  	[sflag:s20] =	ssyncset.done $0x0  }
0x1a4: {  	s14 =	simm.s32 $0x14200;
	[sflag:s20] =	ssyncadd.s32 $0xFFFFE000  }
0x1a5: {  	[tilespmem:s0], [sflag:$0x2] =	stream.indirect.gather [hbm4b:s4+s30], $0x80, s14, s30, $0xb8;
	[tilespmem:$0x1F000] =	vst v63  }
0x1a6: {  	_ =	swait.ge [sflag:s21], $0x2000  }
0x1a7: {  	[sflag:s21] =	ssyncset.done $0x0  }
0x1a8: {  	s29 =	simm.s32 $0x16900;
	[sflag:s21] =	ssyncadd.s32 $0xFFFFE000  }
0x1a9: {  	[spmem:s2] =	stream.indirect.scatter.add.f32 [tilespmem:s16], [sflag:$0x6], $0x80, s29, s30, $0xb8;
	[tilespmem:$0x1F000] =	vst v63  }
0x1aa: {  	_ =	swait.ge [sflag:s22], $0x2000  }
0x1ab: {  	[sflag:s22] =	ssyncset.done $0x0  }
0x1ac: {  	s12 =	simm.s32 $0x600;
	s13 =	simm.s32 $0x14280;
	[sflag:s22] =	ssyncadd.s32 $0xFFFFE000  }
.LBB2_7:
0x1ad: {  	[tilespmem:s16], [sflag:$0x3] =	stream.indirect.gather [hbm4b:s4+s30], $0x80, s13, s30, $0xb8;
	[tilespmem:$0x1F000] =	vst v63  }
0x1ae: {  	s13 =	smov.u32 s12  }
0x1af: {  	p1 =	seq.s32 s12, $0x9000;
	s12 =	sadd.s32 $0x600, s12;
	_ =	swait.ge [sflag:s17], $0x2000  }
0x1b0: {  	s13 =	sshra.s32 s13, $0x2;
	[sflag:s17] =	ssyncset.done $0x0  }
0x1b1: {  	s14 =	sadd.s32 $0x16800, s13;
	[sflag:s17] =	ssyncadd.s32 $0xFFFFE000  }
0x1b2: {  	[spmem:s2] =	stream.indirect.scatter.add.f32 [tilespmem:s25], [sflag:$0x4], $0x80, s14, s30, $0xb8;
	[tilespmem:$0x1F000] =	vst v63  }
0x1b3: {  	_ =	swait.ge [sflag:s18], $0x2000  }
0x1b4: {  	[sflag:s18] =	ssyncset.done $0x0  }
0x1b5: {  	s14 =	sadd.s32 $0x14180, s13;
	[sflag:s18] =	ssyncadd.s32 $0xFFFFE000  }
0x1b6: {  	[tilespmem:s25], [sflag:$0x1] =	stream.indirect.gather [hbm4b:s4+s30], $0x80, s14, s30, $0xb8;
	[tilespmem:$0x1F000] =	vst v63  }
0x1b7: {  	_ =	swait.ge [sflag:s19], $0x2000  }
0x1b8: {  	[sflag:s19] =	ssyncset.done $0x0  }
0x1b9: {  	s14 =	sadd.s32 $0x16880, s13;
	[sflag:s19] =	ssyncadd.s32 $0xFFFFE000  }
0x1ba: {  	[spmem:s2] =	stream.indirect.scatter.add.f32 [tilespmem:s0], [sflag:$0x5], $0x80, s14, s30, $0xb8;
	[tilespmem:$0x1F000] =	vst v63  }
0x1bb: {  	_ =	swait.ge [sflag:s20], $0x2000  }
0x1bc: {  	[sflag:s20] =	ssyncset.done $0x0  }
0x1bd: {  	s14 =	sadd.s32 $0x14200, s13;
	[sflag:s20] =	ssyncadd.s32 $0xFFFFE000  }
0x1be: {  	[tilespmem:s0], [sflag:$0x2] =	stream.indirect.gather [hbm4b:s4+s30], $0x80, s14, s30, $0xb8;
	[tilespmem:$0x1F000] =	vst v63  }
0x1bf: {  	_ =	swait.ge [sflag:s21], $0x2000  }
0x1c0: {  	[sflag:s21] =	ssyncset.done $0x0  }
.Ltmp8:
0x1c1: {  	s14 =	sadd.s32 $0x16900, s13;
	[sflag:s21] =	ssyncadd.s32 $0xFFFFE000;
	(pc) =	sbr.rel @!p1 .LBB2_7-.Ltmp8, $4  }
0x1c2: {  	[spmem:s2] =	stream.indirect.scatter.add.f32 [tilespmem:s16], [sflag:$0x6], $0x80, s14, s30, $0xb8;
	[tilespmem:$0x1F000] =	vst v63  }
0x1c3: {  	_ =	swait.ge [sflag:s22], $0x2000  }
0x1c4: {  	[sflag:s22] =	ssyncset.done $0x0  }
0x1c5: {  	s13 =	sadd.s32 $0x14280, s13;
	[sflag:s22] =	ssyncadd.s32 $0xFFFFE000  }
.Ltmp9:
0x1c6: {  	_ = 	snop;
	(pc) =	sbr.rel .LBB2_8-.Ltmp9, $1  }
0x1c7: {  	_ =	sdelay $0x3  }
.LBB2_15:
0x1c8: {  	_ =	sfence.sel $0x180000  }
0x1c9: {  	[bflag:$0x0] =	sbarrier.arrive $0xFFFF  }
0x1ca: {  	_ =	strace $0x9000004A  }
0x1cb: {  	s0 =	stileid.u32;
	[bflag:$0x2] =	sbarrier.arrive $0xFFFF  }
0x1cc: {  	p0 =	sne.s32 s0, $0x0;
	s0 =	rddreg [dreg:$0x3]  }
0x1cd: {  	s0 =	sadd.s32 @!p0 $0x100000, s0  }
0x1ce: {  	[sflag:s0] =	ssyncadd.tile.s32 @!p0 $0x1;
	_ =	shalt  }
.Lfunc_end2:
_tile_overlayer_lowered:
.L_overlay_start_2:
0x1cf: {  	(tag) =	ssettag $0x2  }
0x1d0: {  	s0 =	rddreg [dreg:$0x0];
	s2 =	stileid.u32  }
0x1d1: {  	s1 =	rddreg [dreg:$0x1];
	p0 =	sne.s32 s2, $0x0  }
0x1d2: {  	s3 =	rddreg [dreg:$0x2];
	[bflag:$0x3] =	sbarrier.arrive $0xFFFF;
	s2 =	simm.s32 @!p0 $0x1C07  }
0x1d3: {  	[timem:s3], [sflag:s2] =	dma.local @!p0 [hbm:s0], s1  }
0x1d4: {  	s0 =	simm.s32 @!p0 $0x7  }
0x1d5: {  	_ =	swait.ge @!p0 [sflag:s0], s1  }
0x1d6: {  	s1 =	ssub.s32 @!p0 $0x0, s1;
	[sflag:s0] =	ssyncset.done @!p0 $0x0  }
0x1d7: {  	[sflag:s0] =	ssyncadd.s32 @!p0 s1  }
0x1d8: {  	[bflag:$0x3] =	sbarrier.arrive $0xFFFF  }
0x1d9: {  	_ =	shalt  }

</sc_bundles>
